<compile_context>
chip_gen: v7x
topology: tpu7x:2x2x1
jax: 0.10.2.dev20260603
libtpu: 0.0.44.dev20260713+nightly
codegen_flags: <defaults>
</compile_context>

<pallas_src>
import functools

import jax
import jax.numpy as jnp
from jax import lax
from jax.experimental import pallas as pl
from jax.experimental.pallas import tpu as pltpu
from jax.experimental.pallas import tpu_sc as plsc

N = 10000
E = 320000
D = 128
H = 128
G = 64
NC_OUT = 10

NCORES = 2
NSUB = 16
NW = NCORES * NSUB
CHUNK = 128
NSTEPS = 79
EPW = NSTEPS * CHUNK
EPAD = EPW * NW
ACC_ROWS = 10240
ZROWS = ACC_ROWS // NSUB


@functools.partial(
    pl.kernel,
    out_type=jax.ShapeDtypeStruct((NCORES, ACC_ROWS, D), jnp.float32),
    mesh=plsc.VectorSubcoreMesh(core_axis_name="c", subcore_axis_name="s"),
    scratch_types=[
        pltpu.VMEM((CHUNK,), jnp.int32),
        pltpu.VMEM((CHUNK,), jnp.int32),
        pltpu.VMEM((CHUNK, D), jnp.float32),
        pltpu.VMEM_SHARED((ACC_ROWS, D), jnp.float32),
        pltpu.SemaphoreType.DMA,
    ],
)
def _sc_agg(x_hbm, src_hbm, dst_hbm, zeros_hbm, out_hbm,
            srcbuf, dstbuf, rows, acc, sem):
    c = lax.axis_index("c")
    s = lax.axis_index("s")

    pltpu.sync_copy(zeros_hbm, acc.at[pl.ds(s * ZROWS, ZROWS)])
    plsc.subcore_barrier()

    base = (c * NSUB + s) * EPW

    def step(i, _):
        off = base + i * CHUNK
        pltpu.sync_copy(src_hbm.at[pl.ds(off, CHUNK)], srcbuf)
        pltpu.sync_copy(dst_hbm.at[pl.ds(off, CHUNK)], dstbuf)
        pltpu.async_copy(x_hbm.at[srcbuf], rows, sem).wait()
        pltpu.sync_copy(rows, acc.at[dstbuf], add=True)
        return 0

    lax.fori_loop(0, NSTEPS, step, 0)
    plsc.subcore_barrier()

    for b in range(ZROWS // CHUNK):
        r0 = s * ZROWS + b * CHUNK
        pltpu.sync_copy(acc.at[pl.ds(r0, CHUNK)], rows)
        pltpu.sync_copy(rows, out_hbm.at[c, pl.ds(r0, CHUNK)])


BN = 2000


def _tc_layer_body(x_ref, p0_ref, p1_ref, w1_ref, b1_ref, w2_ref, b2_ref,
                   o_ref):
    h = x_ref[...] + p0_ref[0] + p1_ref[0]
    h = jnp.dot(h, w1_ref[...], preferred_element_type=jnp.float32,
                precision=lax.Precision.HIGHEST) + b1_ref[...]
    h = jnp.maximum(h, 0.0)
    h = jnp.dot(h, w2_ref[...], preferred_element_type=jnp.float32,
                precision=lax.Precision.HIGHEST) + b2_ref[...]
    o_ref[...] = jnp.maximum(h, 0.0)


def _tc_layer(x, parts, w1, b1, w2, b2):
    grid = (N // BN,)
    return pl.pallas_call(
        _tc_layer_body,
        grid=grid,
        in_specs=[
            pl.BlockSpec((BN, D), lambda i: (i, 0)),
            pl.BlockSpec((1, BN, D), lambda i: (0, i, 0)),
            pl.BlockSpec((1, BN, D), lambda i: (1, i, 0)),
            pl.BlockSpec((D, H), lambda i: (0, 0)),
            pl.BlockSpec((1, H), lambda i: (0, 0)),
            pl.BlockSpec((H, H), lambda i: (0, 0)),
            pl.BlockSpec((1, H), lambda i: (0, 0)),
        ],
        out_specs=pl.BlockSpec((BN, H), lambda i: (i, 0)),
        out_shape=jax.ShapeDtypeStruct((N, H), jnp.float32),
    )(x, parts, parts, w1, b1, w2, b2)


def _tc_layer_pool_body(x_ref, p0_ref, p1_ref, w1_ref, b1_ref, w2_ref,
                        b2_ref, batch_ref, s_ref, c_ref):
    h = x_ref[...] + p0_ref[0] + p1_ref[0]
    h = jnp.dot(h, w1_ref[...], preferred_element_type=jnp.float32,
                precision=lax.Precision.HIGHEST) + b1_ref[...]
    h = jnp.maximum(h, 0.0)
    h = jnp.dot(h, w2_ref[...], preferred_element_type=jnp.float32,
                precision=lax.Precision.HIGHEST) + b2_ref[...]
    h = jnp.maximum(h, 0.0)

    gids = lax.broadcasted_iota(jnp.int32, (BN, G), 1)
    onehot_t = (gids == batch_ref[...]).astype(jnp.float32)

    @pl.when(pl.program_id(0) == 0)
    def _():
        s_ref[...] = jnp.zeros_like(s_ref)
        c_ref[...] = jnp.zeros_like(c_ref)

    s_ref[...] += lax.dot_general(
        onehot_t, h, (((0,), (0,)), ((), ())),
        preferred_element_type=jnp.float32,
        precision=lax.Precision.HIGHEST)
    c_ref[...] += jnp.sum(onehot_t, axis=0)[None, :]


def _tc_layer_pool(x, parts, w1, b1, w2, b2, batch2):
    grid = (N // BN,)
    return pl.pallas_call(
        _tc_layer_pool_body,
        grid=grid,
        in_specs=[
            pl.BlockSpec((BN, D), lambda i: (i, 0)),
            pl.BlockSpec((1, BN, D), lambda i: (0, i, 0)),
            pl.BlockSpec((1, BN, D), lambda i: (1, i, 0)),
            pl.BlockSpec((D, H), lambda i: (0, 0)),
            pl.BlockSpec((1, H), lambda i: (0, 0)),
            pl.BlockSpec((H, H), lambda i: (0, 0)),
            pl.BlockSpec((1, H), lambda i: (0, 0)),
            pl.BlockSpec((BN, 1), lambda i: (i, 0)),
        ],
        out_specs=[
            pl.BlockSpec((G, H), lambda i: (0, 0)),
            pl.BlockSpec((1, G), lambda i: (0, 0)),
        ],
        out_shape=[
            jax.ShapeDtypeStruct((G, H), jnp.float32),
            jax.ShapeDtypeStruct((1, G), jnp.float32),
        ],
    )(x, parts, parts, w1, b1, w2, b2, batch2)


def _tc_head_body(s0_ref, c0_ref, s1_ref, c1_ref, s2_ref, c2_ref,
                  mw_ref, mb_ref, fw1_ref, fb1_ref, fw2_ref, fb2_ref,
                  o_ref):
    def hg(s_ref, c_ref):
        cnt = jnp.maximum(c_ref[...], 1.0)
        pooled = s_ref[...] / cnt.reshape(G, 1)
        return jnp.dot(pooled, mw_ref[...],
                       preferred_element_type=jnp.float32,
                       precision=lax.Precision.HIGHEST) + mb_ref[...]

    h0 = hg(s0_ref, c0_ref)
    h1 = hg(s1_ref, c1_ref)
    h2 = hg(s2_ref, c2_ref)
    acc = (jnp.dot(h0, fw1_ref[0:H, :], preferred_element_type=jnp.float32,
                   precision=lax.Precision.HIGHEST)
           + jnp.dot(h1, fw1_ref[H:2 * H, :],
                     preferred_element_type=jnp.float32,
                     precision=lax.Precision.HIGHEST)
           + jnp.dot(h2, fw1_ref[2 * H:3 * H, :],
                     preferred_element_type=jnp.float32,
                     precision=lax.Precision.HIGHEST))
    acc = jnp.maximum(acc + fb1_ref[...], 0.0)
    o_ref[...] = jnp.dot(acc, fw2_ref[...], preferred_element_type=jnp.float32,
                         precision=lax.Precision.HIGHEST) + fb2_ref[...]


def _tc_head(s0, c0, s1, c1, s2, c2, mlp_W, mlp_b2, fW1, fb1_2, fW2, fb2_2):
    return pl.pallas_call(
        _tc_head_body,
        out_shape=jax.ShapeDtypeStruct((G, NC_OUT), jnp.float32),
    )(s0, c0, s1, c1, s2, c2, mlp_W, mlp_b2, fW1, fb1_2, fW2, fb2_2)


def kernel(x_org, edge_index_org, batch_org, x_c1, edge_index_c1, batch_c1,
           x_c2, edge_index_c2, batch_c2, conv_W1, conv_b1, conv_W2, conv_b2,
           mlp_W, mlp_b, final_W1, final_b1, final_W2, final_b2):
    zeros = jnp.zeros((ZROWS, D), jnp.float32)
    pad_src = jnp.zeros((EPAD - E,), jnp.int32)
    pad_dst = jnp.full((EPAD - E,), N, jnp.int32)

    b1r = conv_b1.reshape(3, 1, H)
    b2r = conv_b2.reshape(3, 1, H)

    def branch(x, ei, batch):
        src = jnp.concatenate([ei[0], pad_src])
        dst = jnp.concatenate([ei[1], pad_dst])
        batch2 = batch.reshape(N, 1)
        for l in range(2):
            parts = _sc_agg(x, src, dst, zeros)
            x = _tc_layer(x, parts, conv_W1[l], b1r[l], conv_W2[l], b2r[l])
        parts = _sc_agg(x, src, dst, zeros)
        return _tc_layer_pool(x, parts, conv_W1[2], b1r[2], conv_W2[2],
                              b2r[2], batch2)

    s0, c0 = branch(x_org, edge_index_org, batch_org)
    s1, c1 = branch(x_c1, edge_index_c1, batch_c1)
    s2, c2 = branch(x_c2, edge_index_c2, batch_c2)

    return _tc_head(s0, c0, s1, c1, s2, c2,
                    mlp_W, mlp_b.reshape(1, H),
                    final_W1, final_b1.reshape(1, H),
                    final_W2, final_b2.reshape(1, NC_OUT))

# --- scband reference (transcript-rebuilt; emitter-appended) ---
"""Pipeline reference for scband-gnn-duo-30227979829831 (READ-ONLY COPY).

The authoritative reference and input builder live on the scoring server;
editing this copy changes nothing except your own understanding.
"""

import jax, jax.numpy as jnp
import numpy as np

N = 10000; E = 320000; D = 128; H = 128; G = 64; L = 3; NC = 10

def setup_inputs(seed: int = 0):
    key = jax.random.key(seed)
    ks = jax.random.split(key, 20)
    inp = {}
    inp['x_org'] = jax.random.normal(ks[0], (N, D), dtype=jnp.float32)
    inp['edge_index_org'] = jax.random.randint(ks[1], (2, E), 0, N, dtype=jnp.int32)
    inp['batch_org'] = jnp.sort(jax.random.randint(ks[2], (N,), 0, G, dtype=jnp.int32))
    inp['x_c1'] = jax.random.normal(ks[3], (N, D), dtype=jnp.float32)
    inp['edge_index_c1'] = jax.random.randint(ks[4], (2, E), 0, N, dtype=jnp.int32)
    inp['batch_c1'] = jnp.sort(jax.random.randint(ks[5], (N,), 0, G, dtype=jnp.int32))
    inp['x_c2'] = jax.random.normal(ks[6], (N, D), dtype=jnp.float32)
    inp['edge_index_c2'] = jax.random.randint(ks[7], (2, E), 0, N, dtype=jnp.int32)
    inp['batch_c2'] = jnp.sort(jax.random.randint(ks[8], (N,), 0, G, dtype=jnp.int32))
    s = 1.0 / np.sqrt(H)
    inp['conv_W1'] = jax.random.normal(ks[9], (L, D, H), dtype=jnp.float32) * s
    inp['conv_b1'] = jnp.zeros((L, H), dtype=jnp.float32)
    inp['conv_W2'] = jax.random.normal(ks[10], (L, H, H), dtype=jnp.float32) * s
    inp['conv_b2'] = jnp.zeros((L, H), dtype=jnp.float32)
    inp['mlp_W'] = jax.random.normal(ks[11], (H, H), dtype=jnp.float32) * s
    inp['mlp_b'] = jnp.zeros((H,), dtype=jnp.float32)
    inp['final_W1'] = jax.random.normal(ks[12], (3 * H, H), dtype=jnp.float32) * (1.0 / np.sqrt(3 * H))
    inp['final_b1'] = jnp.zeros((H,), dtype=jnp.float32)
    inp['final_W2'] = jax.random.normal(ks[13], (H, NC), dtype=jnp.float32) * s
    inp['final_b2'] = jnp.zeros((NC,), dtype=jnp.float32)
    return inp

def _gin(x, src, dst, W1, b1, W2, b2):
    # BaseGIN with num_layers GINConv layers (eps=0): h = MLP(x + sum_{j->i} x_j), ReLU between
    for l in range(W1.shape[0]):
        agg = jnp.zeros_like(x).at[dst].add(x[src])
        h = (x + agg) @ W1[l] + b1[l]
        h = jax.nn.relu(h)
        h = h @ W2[l] + b2[l]
        x = jax.nn.relu(h)
    return x

def _mean_pool(h, batch):
    s = jax.ops.segment_sum(h, batch, num_segments=G)
    c = jax.ops.segment_sum(jnp.ones((h.shape[0],), h.dtype), batch, num_segments=G)
    return s / jnp.maximum(c, 1.0)[:, None]

def reference(x_org, edge_index_org, batch_org, x_c1, edge_index_c1, batch_c1, x_c2, edge_index_c2, batch_c2, conv_W1, conv_b1, conv_W2, conv_b2, mlp_W, mlp_b, final_W1, final_b1, final_W2, final_b2):
    def branch(x, ei, b):
        h = _gin(x, ei[0], ei[1], conv_W1, conv_b1, conv_W2, conv_b2)
        hg = _mean_pool(h, b)
        return hg @ mlp_W + mlp_b  # intragraph MLP (1 layer, plain last)
    h_org = branch(x_org, edge_index_org, batch_org)
    h1 = branch(x_c1, edge_index_c1, batch_c1)
    h2 = branch(x_c2, edge_index_c2, batch_c2)
    # include_org=True, same graph count -> repeat factor 1; inter_graph_pooling='cat'
    hcat = jnp.concatenate([h_org, h1, h2], axis=1)
    out = jax.nn.relu(hcat @ final_W1 + final_b1) @ final_W2 + final_b2
    return out

if __name__ == "__main__":
    import jax
    _d = setup_inputs()
    print(jax.jit(kernel)(*tuple(_d.values())))

</pallas_src>

<mosaic_0001>
#map = affine_map<(d0, d1) -> (0, 0)>
#map1 = affine_map<(d0, d1) -> (0)>
#map2 = affine_map<(d0, d1) -> (0, 0, 0)>
module attributes {stable_mosaic.version = 14 : i64} {
  func.func @_sc_agg(%arg0: i32, %arg1: i32, %arg2: memref<10000x128xf32, #tpu.memory_space<hbm>>, %arg3: memref<323584xi32, #tpu.memory_space<hbm>>, %arg4: memref<323584xi32, #tpu.memory_space<hbm>>, %arg5: memref<640x128xf32, #tpu.memory_space<hbm>>, %arg6: memref<2x10240x128xf32, #tpu.memory_space<hbm>>, %arg7: memref<128xi32, #tpu.memory_space<vmem>>, %arg8: memref<128xi32, #tpu.memory_space<vmem>>, %arg9: memref<128x128xf32, #tpu.memory_space<vmem>>, %arg10: memref<10240x128xf32, #tpu.memory_space<vmem_shared>>, %arg11: memref<!tpu.dma_semaphore, #tpu.memory_space<semaphore_mem>>) attributes {dimension_semantics = [#tpu.dimension_semantics<core_parallel>, #tpu.dimension_semantics<subcore_parallel>], iteration_bounds = array<i64: 2, 16>, scalar_prefetch = 0 : i64, scratch_operands = 5 : i64, tpu.core_type = #tpu.core_type<sc_vector_subcore>, window_params = [{transform_indices = #map}, {transform_indices = #map1}, {transform_indices = #map1}, {transform_indices = #map}, {transform_indices = #map2}]} {
    %mul3A = arith.constant 640 : i32
    %mul3A_0 = arith.muli %arg1, %mul3A : i32
    "tpu.region"() ({
      %run_scoped3A = tpu.sem_alloc : memref<!tpu.dma_semaphore, #tpu.memory_space<semaphore_mem>>
      %dma_start3A = arith.constant 0 : i32
      %dma_start3A_32 = tpu.memref_slice %arg10[%mul3A_0, %dma_start3A] : memref<10240x128xf32, #tpu.memory_space<vmem_shared>> -> memref<640x128xf32, #tpu.memory_space<vmem_shared>>
      tpu.enqueue_dma source(%arg5 : memref<640x128xf32, #tpu.memory_space<hbm>>) target(%dma_start3A_32 : memref<640x128xf32, #tpu.memory_space<vmem_shared>>) target_semaphore(%run_scoped3A : memref<!tpu.dma_semaphore, #tpu.memory_space<semaphore_mem>>)
      %dma_wait3A = arith.constant 0 : i32
      %dma_wait3A_33 = tpu.memref_slice %arg10[%mul3A_0, %dma_wait3A] : memref<10240x128xf32, #tpu.memory_space<vmem_shared>> -> memref<640x128xf32, #tpu.memory_space<vmem_shared>>
      tpu.wait_dma2 semaphore(%run_scoped3A : memref<!tpu.dma_semaphore, #tpu.memory_space<semaphore_mem>>) src(%arg5 : memref<640x128xf32, #tpu.memory_space<hbm>>) dst(%dma_wait3A_33 : memref<640x128xf32, #tpu.memory_space<vmem_shared>>)
      tpu.yield
    }) : () -> ()
    %barrier3A = arith.constant 0 : index
    tpu.barrier barrier_id(%barrier3A)
    %mul3A_1 = arith.constant 16 : i32
    %mul3A_2 = arith.muli %arg0, %mul3A_1 : i32
    %add3A = arith.addi %mul3A_2, %arg1 : i32
    %mul3A_3 = arith.constant 10112 : i32
    %mul3A_4 = arith.muli %add3A, %mul3A_3 : i32
    %scan3A = arith.constant 0 : i32
    %scan3A_5 = arith.constant 0 : i32
    %scan3A_6 = arith.constant 79 : i32
    %scan3A_7 = arith.addi %scan3A_5, %scan3A_6 : i32
    %scan3A_8 = arith.constant 1 : i32
    %scan3A_9 = scf.for %scan3A_32 = %scan3A_5 to %scan3A_7 step %scan3A_8 iter_args(%scan3A_33 = %scan3A) -> (i32)  : i32 {
      %mul3A_34 = arith.constant 128 : i32
      %mul3A_35 = arith.muli %scan3A_32, %mul3A_34 : i32
      %add3A_36 = arith.addi %mul3A_4, %mul3A_35 : i32
      "tpu.region"() ({
        %run_scoped3A = tpu.sem_alloc : memref<!tpu.dma_semaphore, #tpu.memory_space<semaphore_mem>>
        %dma_start3A_42 = tpu.memref_slice %arg3[%add3A_36] : memref<323584xi32, #tpu.memory_space<hbm>> -> memref<128xi32, #tpu.memory_space<hbm>>
        %dma_start3A_43 = tpu.memref_slice %arg3[%add3A_36] : memref<323584xi32, #tpu.memory_space<hbm>> -> memref<128xi32, #tpu.memory_space<hbm>>
        tpu.enqueue_dma source(%dma_start3A_43 : memref<128xi32, #tpu.memory_space<hbm>>) target(%arg7 : memref<128xi32, #tpu.memory_space<vmem>>) target_semaphore(%run_scoped3A : memref<!tpu.dma_semaphore, #tpu.memory_space<semaphore_mem>>)
        %dma_wait3A_44 = tpu.memref_slice %arg3[%add3A_36] : memref<323584xi32, #tpu.memory_space<hbm>> -> memref<128xi32, #tpu.memory_space<hbm>>
        %dma_wait3A_45 = tpu.memref_slice %arg3[%add3A_36] : memref<323584xi32, #tpu.memory_space<hbm>> -> memref<128xi32, #tpu.memory_space<hbm>>
        tpu.wait_dma2 semaphore(%run_scoped3A : memref<!tpu.dma_semaphore, #tpu.memory_space<semaphore_mem>>) src(%dma_wait3A_45 : memref<128xi32, #tpu.memory_space<hbm>>) dst(%arg7 : memref<128xi32, #tpu.memory_space<vmem>>)
        tpu.yield
      }) : () -> ()
      "tpu.region"() ({
        %run_scoped3A = tpu.sem_alloc : memref<!tpu.dma_semaphore, #tpu.memory_space<semaphore_mem>>
        %dma_start3A_42 = tpu.memref_slice %arg4[%add3A_36] : memref<323584xi32, #tpu.memory_space<hbm>> -> memref<128xi32, #tpu.memory_space<hbm>>
        %dma_start3A_43 = tpu.memref_slice %arg4[%add3A_36] : memref<323584xi32, #tpu.memory_space<hbm>> -> memref<128xi32, #tpu.memory_space<hbm>>
        tpu.enqueue_dma source(%dma_start3A_43 : memref<128xi32, #tpu.memory_space<hbm>>) target(%arg8 : memref<128xi32, #tpu.memory_space<vmem>>) target_semaphore(%run_scoped3A : memref<!tpu.dma_semaphore, #tpu.memory_space<semaphore_mem>>)
        %dma_wait3A_44 = tpu.memref_slice %arg4[%add3A_36] : memref<323584xi32, #tpu.memory_space<hbm>> -> memref<128xi32, #tpu.memory_space<hbm>>
        %dma_wait3A_45 = tpu.memref_slice %arg4[%add3A_36] : memref<323584xi32, #tpu.memory_space<hbm>> -> memref<128xi32, #tpu.memory_space<hbm>>
        tpu.wait_dma2 semaphore(%run_scoped3A : memref<!tpu.dma_semaphore, #tpu.memory_space<semaphore_mem>>) src(%dma_wait3A_45 : memref<128xi32, #tpu.memory_space<hbm>>) dst(%arg8 : memref<128xi32, #tpu.memory_space<vmem>>)
        tpu.yield
      }) : () -> ()
      %dma_start3A = arith.constant 0 : i32
      %dma_start3A_37 = arith.constant 0 : i32
      %dma_start3A_38 = tpu.memref_slice %arg2[%dma_start3A, %dma_start3A_37] : memref<10000x128xf32, #tpu.memory_space<hbm>> -> memref<10000x128xf32, #tpu.memory_space<hbm>>
      tpu.enqueue_indirect_dma source(%dma_start3A_38 : memref<10000x128xf32, #tpu.memory_space<hbm>>) target(%arg9 : memref<128x128xf32, #tpu.memory_space<vmem>>) offsets(%arg7 : memref<128xi32, #tpu.memory_space<vmem>>) semaphore(%arg11 : memref<!tpu.dma_semaphore, #tpu.memory_space<semaphore_mem>>)
      %dma_wait3A = arith.constant 0 : i32
      %dma_wait3A_39 = arith.constant 0 : i32
      %dma_wait3A_40 = tpu.memref_slice %arg2[%dma_wait3A, %dma_wait3A_39] : memref<10000x128xf32, #tpu.memory_space<hbm>> -> memref<10000x128xf32, #tpu.memory_space<hbm>>
      tpu.wait_indirect_dma semaphore(%arg11 : memref<!tpu.dma_semaphore, #tpu.memory_space<semaphore_mem>>) src(%dma_wait3A_40 : memref<10000x128xf32, #tpu.memory_space<hbm>>) dst(%arg9 : memref<128x128xf32, #tpu.memory_space<vmem>>)
      "tpu.region"() ({
        %run_scoped3A = tpu.sem_alloc : memref<!tpu.dma_semaphore, #tpu.memory_space<semaphore_mem>>
        %dma_start3A_42 = arith.constant 0 : i32
        %dma_start3A_43 = arith.constant 0 : i32
        %dma_start3A_44 = tpu.memref_slice %arg10[%dma_start3A_42, %dma_start3A_43] : memref<10240x128xf32, #tpu.memory_space<vmem_shared>> -> memref<10240x128xf32, #tpu.memory_space<vmem_shared>>
        tpu.enqueue_indirect_dma source(%arg9 : memref<128x128xf32, #tpu.memory_space<vmem>>) target(%dma_start3A_44 : memref<10240x128xf32, #tpu.memory_space<vmem_shared>>) offsets(%arg8 : memref<128xi32, #tpu.memory_space<vmem>>) semaphore(%run_scoped3A : memref<!tpu.dma_semaphore, #tpu.memory_space<semaphore_mem>>) {add = true}
        %dma_wait3A_45 = arith.constant 0 : i32
        %dma_wait3A_46 = arith.constant 0 : i32
        %dma_wait3A_47 = tpu.memref_slice %arg10[%dma_wait3A_45, %dma_wait3A_46] : memref<10240x128xf32, #tpu.memory_space<vmem_shared>> -> memref<10240x128xf32, #tpu.memory_space<vmem_shared>>
        tpu.wait_indirect_dma semaphore(%run_scoped3A : memref<!tpu.dma_semaphore, #tpu.memory_space<semaphore_mem>>) src(%arg9 : memref<128x128xf32, #tpu.memory_space<vmem>>) dst(%dma_wait3A_47 : memref<10240x128xf32, #tpu.memory_space<vmem_shared>>)
        tpu.yield
      }) : () -> ()
      %scan3A_41 = arith.constant 0 : i32
      scf.yield %scan3A_41 : i32
    }
    %scan3A_10 = arith.constant 79 : i32
    %barrier3A_11 = arith.constant 0 : index
    tpu.barrier barrier_id(%barrier3A_11)
    %mul3A_12 = arith.constant 640 : i32
    %mul3A_13 = arith.muli %arg1, %mul3A_12 : i32
    %add3A_14 = arith.constant 0 : i32
    %add3A_15 = arith.addi %mul3A_13, %add3A_14 : i32
    "tpu.region"() ({
      %run_scoped3A = tpu.sem_alloc : memref<!tpu.dma_semaphore, #tpu.memory_space<semaphore_mem>>
      %dma_start3A = arith.constant 0 : i32
      %dma_start3A_32 = tpu.memref_slice %arg10[%add3A_15, %dma_start3A] : memref<10240x128xf32, #tpu.memory_space<vmem_shared>> -> memref<128x128xf32, #tpu.memory_space<vmem_shared>>
      %dma_start3A_33 = arith.constant 0 : i32
      %dma_start3A_34 = tpu.memref_slice %arg10[%add3A_15, %dma_start3A_33] : memref<10240x128xf32, #tpu.memory_space<vmem_shared>> -> memref<128x128xf32, #tpu.memory_space<vmem_shared>>
      tpu.enqueue_dma source(%dma_start3A_34 : memref<128x128xf32, #tpu.memory_space<vmem_shared>>) target(%arg9 : memref<128x128xf32, #tpu.memory_space<vmem>>) target_semaphore(%run_scoped3A : memref<!tpu.dma_semaphore, #tpu.memory_space<semaphore_mem>>)
      %dma_wait3A = arith.constant 0 : i32
      %dma_wait3A_35 = tpu.memref_slice %arg10[%add3A_15, %dma_wait3A] : memref<10240x128xf32, #tpu.memory_space<vmem_shared>> -> memref<128x128xf32, #tpu.memory_space<vmem_shared>>
      %dma_wait3A_36 = arith.constant 0 : i32
      %dma_wait3A_37 = tpu.memref_slice %arg10[%add3A_15, %dma_wait3A_36] : memref<10240x128xf32, #tpu.memory_space<vmem_shared>> -> memref<128x128xf32, #tpu.memory_space<vmem_shared>>
      tpu.wait_dma2 semaphore(%run_scoped3A : memref<!tpu.dma_semaphore, #tpu.memory_space<semaphore_mem>>) src(%dma_wait3A_37 : memref<128x128xf32, #tpu.memory_space<vmem_shared>>) dst(%arg9 : memref<128x128xf32, #tpu.memory_space<vmem>>)
      tpu.yield
    }) : () -> ()
    "tpu.region"() ({
      %run_scoped3A = tpu.sem_alloc : memref<!tpu.dma_semaphore, #tpu.memory_space<semaphore_mem>>
      %dma_start3A = arith.constant 0 : i32
      %dma_start3A_32 = tpu.memref_slice %arg6[%arg0, %add3A_15, %dma_start3A] : memref<2x10240x128xf32, #tpu.memory_space<hbm>> -> memref<1x128x128xf32, #tpu.memory_space<hbm>>
      %dma_start3A_33 = tpu.memref_squeeze %dma_start3A_32 : memref<1x128x128xf32, #tpu.memory_space<hbm>> -> memref<128x128xf32, #tpu.memory_space<hbm>>
      %dma_start3A_34 = arith.constant 0 : i32
      %dma_start3A_35 = tpu.memref_slice %arg6[%arg0, %add3A_15, %dma_start3A_34] : memref<2x10240x128xf32, #tpu.memory_space<hbm>> -> memref<1x128x128xf32, #tpu.memory_space<hbm>>
      %dma_start3A_36 = tpu.memref_squeeze %dma_start3A_35 : memref<1x128x128xf32, #tpu.memory_space<hbm>> -> memref<128x128xf32, #tpu.memory_space<hbm>>
      tpu.enqueue_dma source(%arg9 : memref<128x128xf32, #tpu.memory_space<vmem>>) target(%dma_start3A_36 : memref<128x128xf32, #tpu.memory_space<hbm>>) target_semaphore(%run_scoped3A : memref<!tpu.dma_semaphore, #tpu.memory_space<semaphore_mem>>)
      %dma_wait3A = arith.constant 0 : i32
      %dma_wait3A_37 = tpu.memref_slice %arg6[%arg0, %add3A_15, %dma_wait3A] : memref<2x10240x128xf32, #tpu.memory_space<hbm>> -> memref<1x128x128xf32, #tpu.memory_space<hbm>>
      %dma_wait3A_38 = tpu.memref_squeeze %dma_wait3A_37 : memref<1x128x128xf32, #tpu.memory_space<hbm>> -> memref<128x128xf32, #tpu.memory_space<hbm>>
      %dma_wait3A_39 = arith.constant 0 : i32
      %dma_wait3A_40 = tpu.memref_slice %arg6[%arg0, %add3A_15, %dma_wait3A_39] : memref<2x10240x128xf32, #tpu.memory_space<hbm>> -> memref<1x128x128xf32, #tpu.memory_space<hbm>>
      %dma_wait3A_41 = tpu.memref_squeeze %dma_wait3A_40 : memref<1x128x128xf32, #tpu.memory_space<hbm>> -> memref<128x128xf32, #tpu.memory_space<hbm>>
      tpu.wait_dma2 semaphore(%run_scoped3A : memref<!tpu.dma_semaphore, #tpu.memory_space<semaphore_mem>>) src(%arg9 : memref<128x128xf32, #tpu.memory_space<vmem>>) dst(%dma_wait3A_41 : memref<128x128xf32, #tpu.memory_space<hbm>>)
      tpu.yield
    }) : () -> ()
    %mul3A_16 = arith.constant 640 : i32
    %mul3A_17 = arith.muli %arg1, %mul3A_16 : i32
    %add3A_18 = arith.constant 128 : i32
    %add3A_19 = arith.addi %mul3A_17, %add3A_18 : i32
    "tpu.region"() ({
      %run_scoped3A = tpu.sem_alloc : memref<!tpu.dma_semaphore, #tpu.memory_space<semaphore_mem>>
      %dma_start3A = arith.constant 0 : i32
      %dma_start3A_32 = tpu.memref_slice %arg10[%add3A_19, %dma_start3A] : memref<10240x128xf32, #tpu.memory_space<vmem_shared>> -> memref<128x128xf32, #tpu.memory_space<vmem_shared>>
      %dma_start3A_33 = arith.constant 0 : i32
      %dma_start3A_34 = tpu.memref_slice %arg10[%add3A_19, %dma_start3A_33] : memref<10240x128xf32, #tpu.memory_space<vmem_shared>> -> memref<128x128xf32, #tpu.memory_space<vmem_shared>>
      tpu.enqueue_dma source(%dma_start3A_34 : memref<128x128xf32, #tpu.memory_space<vmem_shared>>) target(%arg9 : memref<128x128xf32, #tpu.memory_space<vmem>>) target_semaphore(%run_scoped3A : memref<!tpu.dma_semaphore, #tpu.memory_space<semaphore_mem>>)
      %dma_wait3A = arith.constant 0 : i32
      %dma_wait3A_35 = tpu.memref_slice %arg10[%add3A_19, %dma_wait3A] : memref<10240x128xf32, #tpu.memory_space<vmem_shared>> -> memref<128x128xf32, #tpu.memory_space<vmem_shared>>
      %dma_wait3A_36 = arith.constant 0 : i32
      %dma_wait3A_37 = tpu.memref_slice %arg10[%add3A_19, %dma_wait3A_36] : memref<10240x128xf32, #tpu.memory_space<vmem_shared>> -> memref<128x128xf32, #tpu.memory_space<vmem_shared>>
      tpu.wait_dma2 semaphore(%run_scoped3A : memref<!tpu.dma_semaphore, #tpu.memory_space<semaphore_mem>>) src(%dma_wait3A_37 : memref<128x128xf32, #tpu.memory_space<vmem_shared>>) dst(%arg9 : memref<128x128xf32, #tpu.memory_space<vmem>>)
      tpu.yield
    }) : () -> ()
    "tpu.region"() ({
      %run_scoped3A = tpu.sem_alloc : memref<!tpu.dma_semaphore, #tpu.memory_space<semaphore_mem>>
      %dma_start3A = arith.constant 0 : i32
      %dma_start3A_32 = tpu.memref_slice %arg6[%arg0, %add3A_19, %dma_start3A] : memref<2x10240x128xf32, #tpu.memory_space<hbm>> -> memref<1x128x128xf32, #tpu.memory_space<hbm>>
      %dma_start3A_33 = tpu.memref_squeeze %dma_start3A_32 : memref<1x128x128xf32, #tpu.memory_space<hbm>> -> memref<128x128xf32, #tpu.memory_space<hbm>>
      %dma_start3A_34 = arith.constant 0 : i32
      %dma_start3A_35 = tpu.memref_slice %arg6[%arg0, %add3A_19, %dma_start3A_34] : memref<2x10240x128xf32, #tpu.memory_space<hbm>> -> memref<1x128x128xf32, #tpu.memory_space<hbm>>
      %dma_start3A_36 = tpu.memref_squeeze %dma_start3A_35 : memref<1x128x128xf32, #tpu.memory_space<hbm>> -> memref<128x128xf32, #tpu.memory_space<hbm>>
      tpu.enqueue_dma source(%arg9 : memref<128x128xf32, #tpu.memory_space<vmem>>) target(%dma_start3A_36 : memref<128x128xf32, #tpu.memory_space<hbm>>) target_semaphore(%run_scoped3A : memref<!tpu.dma_semaphore, #tpu.memory_space<semaphore_mem>>)
      %dma_wait3A = arith.constant 0 : i32
      %dma_wait3A_37 = tpu.memref_slice %arg6[%arg0, %add3A_19, %dma_wait3A] : memref<2x10240x128xf32, #tpu.memory_space<hbm>> -> memref<1x128x128xf32, #tpu.memory_space<hbm>>
      %dma_wait3A_38 = tpu.memref_squeeze %dma_wait3A_37 : memref<1x128x128xf32, #tpu.memory_space<hbm>> -> memref<128x128xf32, #tpu.memory_space<hbm>>
      %dma_wait3A_39 = arith.constant 0 : i32
      %dma_wait3A_40 = tpu.memref_slice %arg6[%arg0, %add3A_19, %dma_wait3A_39] : memref<2x10240x128xf32, #tpu.memory_space<hbm>> -> memref<1x128x128xf32, #tpu.memory_space<hbm>>
      %dma_wait3A_41 = tpu.memref_squeeze %dma_wait3A_40 : memref<1x128x128xf32, #tpu.memory_space<hbm>> -> memref<128x128xf32, #tpu.memory_space<hbm>>
      tpu.wait_dma2 semaphore(%run_scoped3A : memref<!tpu.dma_semaphore, #tpu.memory_space<semaphore_mem>>) src(%arg9 : memref<128x128xf32, #tpu.memory_space<vmem>>) dst(%dma_wait3A_41 : memref<128x128xf32, #tpu.memory_space<hbm>>)
      tpu.yield
    }) : () -> ()
    %mul3A_20 = arith.constant 640 : i32
    %mul3A_21 = arith.muli %arg1, %mul3A_20 : i32
    %add3A_22 = arith.constant 256 : i32
    %add3A_23 = arith.addi %mul3A_21, %add3A_22 : i32
    "tpu.region"() ({
      %run_scoped3A = tpu.sem_alloc : memref<!tpu.dma_semaphore, #tpu.memory_space<semaphore_mem>>
      %dma_start3A = arith.constant 0 : i32
      %dma_start3A_32 = tpu.memref_slice %arg10[%add3A_23, %dma_start3A] : memref<10240x128xf32, #tpu.memory_space<vmem_shared>> -> memref<128x128xf32, #tpu.memory_space<vmem_shared>>
      %dma_start3A_33 = arith.constant 0 : i32
      %dma_start3A_34 = tpu.memref_slice %arg10[%add3A_23, %dma_start3A_33] : memref<10240x128xf32, #tpu.memory_space<vmem_shared>> -> memref<128x128xf32, #tpu.memory_space<vmem_shared>>
      tpu.enqueue_dma source(%dma_start3A_34 : memref<128x128xf32, #tpu.memory_space<vmem_shared>>) target(%arg9 : memref<128x128xf32, #tpu.memory_space<vmem>>) target_semaphore(%run_scoped3A : memref<!tpu.dma_semaphore, #tpu.memory_space<semaphore_mem>>)
      %dma_wait3A = arith.constant 0 : i32
      %dma_wait3A_35 = tpu.memref_slice %arg10[%add3A_23, %dma_wait3A] : memref<10240x128xf32, #tpu.memory_space<vmem_shared>> -> memref<128x128xf32, #tpu.memory_space<vmem_shared>>
      %dma_wait3A_36 = arith.constant 0 : i32
      %dma_wait3A_37 = tpu.memref_slice %arg10[%add3A_23, %dma_wait3A_36] : memref<10240x128xf32, #tpu.memory_space<vmem_shared>> -> memref<128x128xf32, #tpu.memory_space<vmem_shared>>
      tpu.wait_dma2 semaphore(%run_scoped3A : memref<!tpu.dma_semaphore, #tpu.memory_space<semaphore_mem>>) src(%dma_wait3A_37 : memref<128x128xf32, #tpu.memory_space<vmem_shared>>) dst(%arg9 : memref<128x128xf32, #tpu.memory_space<vmem>>)
      tpu.yield
    }) : () -> ()
    "tpu.region"() ({
      %run_scoped3A = tpu.sem_alloc : memref<!tpu.dma_semaphore, #tpu.memory_space<semaphore_mem>>
      %dma_start3A = arith.constant 0 : i32
      %dma_start3A_32 = tpu.memref_slice %arg6[%arg0, %add3A_23, %dma_start3A] : memref<2x10240x128xf32, #tpu.memory_space<hbm>> -> memref<1x128x128xf32, #tpu.memory_space<hbm>>
      %dma_start3A_33 = tpu.memref_squeeze %dma_start3A_32 : memref<1x128x128xf32, #tpu.memory_space<hbm>> -> memref<128x128xf32, #tpu.memory_space<hbm>>
      %dma_start3A_34 = arith.constant 0 : i32
      %dma_start3A_35 = tpu.memref_slice %arg6[%arg0, %add3A_23, %dma_start3A_34] : memref<2x10240x128xf32, #tpu.memory_space<hbm>> -> memref<1x128x128xf32, #tpu.memory_space<hbm>>
      %dma_start3A_36 = tpu.memref_squeeze %dma_start3A_35 : memref<1x128x128xf32, #tpu.memory_space<hbm>> -> memref<128x128xf32, #tpu.memory_space<hbm>>
      tpu.enqueue_dma source(%arg9 : memref<128x128xf32, #tpu.memory_space<vmem>>) target(%dma_start3A_36 : memref<128x128xf32, #tpu.memory_space<hbm>>) target_semaphore(%run_scoped3A : memref<!tpu.dma_semaphore, #tpu.memory_space<semaphore_mem>>)
      %dma_wait3A = arith.constant 0 : i32
      %dma_wait3A_37 = tpu.memref_slice %arg6[%arg0, %add3A_23, %dma_wait3A] : memref<2x10240x128xf32, #tpu.memory_space<hbm>> -> memref<1x128x128xf32, #tpu.memory_space<hbm>>
      %dma_wait3A_38 = tpu.memref_squeeze %dma_wait3A_37 : memref<1x128x128xf32, #tpu.memory_space<hbm>> -> memref<128x128xf32, #tpu.memory_space<hbm>>
      %dma_wait3A_39 = arith.constant 0 : i32
      %dma_wait3A_40 = tpu.memref_slice %arg6[%arg0, %add3A_23, %dma_wait3A_39] : memref<2x10240x128xf32, #tpu.memory_space<hbm>> -> memref<1x128x128xf32, #tpu.memory_space<hbm>>
      %dma_wait3A_41 = tpu.memref_squeeze %dma_wait3A_40 : memref<1x128x128xf32, #tpu.memory_space<hbm>> -> memref<128x128xf32, #tpu.memory_space<hbm>>
      tpu.wait_dma2 semaphore(%run_scoped3A : memref<!tpu.dma_semaphore, #tpu.memory_space<semaphore_mem>>) src(%arg9 : memref<128x128xf32, #tpu.memory_space<vmem>>) dst(%dma_wait3A_41 : memref<128x128xf32, #tpu.memory_space<hbm>>)
      tpu.yield
    }) : () -> ()
    %mul3A_24 = arith.constant 640 : i32
    %mul3A_25 = arith.muli %arg1, %mul3A_24 : i32
    %add3A_26 = arith.constant 384 : i32
    %add3A_27 = arith.addi %mul3A_25, %add3A_26 : i32
    "tpu.region"() ({
      %run_scoped3A = tpu.sem_alloc : memref<!tpu.dma_semaphore, #tpu.memory_space<semaphore_mem>>
      %dma_start3A = arith.constant 0 : i32
      %dma_start3A_32 = tpu.memref_slice %arg10[%add3A_27, %dma_start3A] : memref<10240x128xf32, #tpu.memory_space<vmem_shared>> -> memref<128x128xf32, #tpu.memory_space<vmem_shared>>
      %dma_start3A_33 = arith.constant 0 : i32
      %dma_start3A_34 = tpu.memref_slice %arg10[%add3A_27, %dma_start3A_33] : memref<10240x128xf32, #tpu.memory_space<vmem_shared>> -> memref<128x128xf32, #tpu.memory_space<vmem_shared>>
      tpu.enqueue_dma source(%dma_start3A_34 : memref<128x128xf32, #tpu.memory_space<vmem_shared>>) target(%arg9 : memref<128x128xf32, #tpu.memory_space<vmem>>) target_semaphore(%run_scoped3A : memref<!tpu.dma_semaphore, #tpu.memory_space<semaphore_mem>>)
      %dma_wait3A = arith.constant 0 : i32
      %dma_wait3A_35 = tpu.memref_slice %arg10[%add3A_27, %dma_wait3A] : memref<10240x128xf32, #tpu.memory_space<vmem_shared>> -> memref<128x128xf32, #tpu.memory_space<vmem_shared>>
      %dma_wait3A_36 = arith.constant 0 : i32
      %dma_wait3A_37 = tpu.memref_slice %arg10[%add3A_27, %dma_wait3A_36] : memref<10240x128xf32, #tpu.memory_space<vmem_shared>> -> memref<128x128xf32, #tpu.memory_space<vmem_shared>>
      tpu.wait_dma2 semaphore(%run_scoped3A : memref<!tpu.dma_semaphore, #tpu.memory_space<semaphore_mem>>) src(%dma_wait3A_37 : memref<128x128xf32, #tpu.memory_space<vmem_shared>>) dst(%arg9 : memref<128x128xf32, #tpu.memory_space<vmem>>)
      tpu.yield
    }) : () -> ()
    "tpu.region"() ({
      %run_scoped3A = tpu.sem_alloc : memref<!tpu.dma_semaphore, #tpu.memory_space<semaphore_mem>>
      %dma_start3A = arith.constant 0 : i32
      %dma_start3A_32 = tpu.memref_slice %arg6[%arg0, %add3A_27, %dma_start3A] : memref<2x10240x128xf32, #tpu.memory_space<hbm>> -> memref<1x128x128xf32, #tpu.memory_space<hbm>>
      %dma_start3A_33 = tpu.memref_squeeze %dma_start3A_32 : memref<1x128x128xf32, #tpu.memory_space<hbm>> -> memref<128x128xf32, #tpu.memory_space<hbm>>
      %dma_start3A_34 = arith.constant 0 : i32
      %dma_start3A_35 = tpu.memref_slice %arg6[%arg0, %add3A_27, %dma_start3A_34] : memref<2x10240x128xf32, #tpu.memory_space<hbm>> -> memref<1x128x128xf32, #tpu.memory_space<hbm>>
      %dma_start3A_36 = tpu.memref_squeeze %dma_start3A_35 : memref<1x128x128xf32, #tpu.memory_space<hbm>> -> memref<128x128xf32, #tpu.memory_space<hbm>>
      tpu.enqueue_dma source(%arg9 : memref<128x128xf32, #tpu.memory_space<vmem>>) target(%dma_start3A_36 : memref<128x128xf32, #tpu.memory_space<hbm>>) target_semaphore(%run_scoped3A : memref<!tpu.dma_semaphore, #tpu.memory_space<semaphore_mem>>)
      %dma_wait3A = arith.constant 0 : i32
      %dma_wait3A_37 = tpu.memref_slice %arg6[%arg0, %add3A_27, %dma_wait3A] : memref<2x10240x128xf32, #tpu.memory_space<hbm>> -> memref<1x128x128xf32, #tpu.memory_space<hbm>>
      %dma_wait3A_38 = tpu.memref_squeeze %dma_wait3A_37 : memref<1x128x128xf32, #tpu.memory_space<hbm>> -> memref<128x128xf32, #tpu.memory_space<hbm>>
      %dma_wait3A_39 = arith.constant 0 : i32
      %dma_wait3A_40 = tpu.memref_slice %arg6[%arg0, %add3A_27, %dma_wait3A_39] : memref<2x10240x128xf32, #tpu.memory_space<hbm>> -> memref<1x128x128xf32, #tpu.memory_space<hbm>>
      %dma_wait3A_41 = tpu.memref_squeeze %dma_wait3A_40 : memref<1x128x128xf32, #tpu.memory_space<hbm>> -> memref<128x128xf32, #tpu.memory_space<hbm>>
      tpu.wait_dma2 semaphore(%run_scoped3A : memref<!tpu.dma_semaphore, #tpu.memory_space<semaphore_mem>>) src(%arg9 : memref<128x128xf32, #tpu.memory_space<vmem>>) dst(%dma_wait3A_41 : memref<128x128xf32, #tpu.memory_space<hbm>>)
      tpu.yield
    }) : () -> ()
    %mul3A_28 = arith.constant 640 : i32
    %mul3A_29 = arith.muli %arg1, %mul3A_28 : i32
    %add3A_30 = arith.constant 512 : i32
    %add3A_31 = arith.addi %mul3A_29, %add3A_30 : i32
    "tpu.region"() ({
      %run_scoped3A = tpu.sem_alloc : memref<!tpu.dma_semaphore, #tpu.memory_space<semaphore_mem>>
      %dma_start3A = arith.constant 0 : i32
      %dma_start3A_32 = tpu.memref_slice %arg10[%add3A_31, %dma_start3A] : memref<10240x128xf32, #tpu.memory_space<vmem_shared>> -> memref<128x128xf32, #tpu.memory_space<vmem_shared>>
      %dma_start3A_33 = arith.constant 0 : i32
      %dma_start3A_34 = tpu.memref_slice %arg10[%add3A_31, %dma_start3A_33] : memref<10240x128xf32, #tpu.memory_space<vmem_shared>> -> memref<128x128xf32, #tpu.memory_space<vmem_shared>>
      tpu.enqueue_dma source(%dma_start3A_34 : memref<128x128xf32, #tpu.memory_space<vmem_shared>>) target(%arg9 : memref<128x128xf32, #tpu.memory_space<vmem>>) target_semaphore(%run_scoped3A : memref<!tpu.dma_semaphore, #tpu.memory_space<semaphore_mem>>)
      %dma_wait3A = arith.constant 0 : i32
      %dma_wait3A_35 = tpu.memref_slice %arg10[%add3A_31, %dma_wait3A] : memref<10240x128xf32, #tpu.memory_space<vmem_shared>> -> memref<128x128xf32, #tpu.memory_space<vmem_shared>>
      %dma_wait3A_36 = arith.constant 0 : i32
      %dma_wait3A_37 = tpu.memref_slice %arg10[%add3A_31, %dma_wait3A_36] : memref<10240x128xf32, #tpu.memory_space<vmem_shared>> -> memref<128x128xf32, #tpu.memory_space<vmem_shared>>
      tpu.wait_dma2 semaphore(%run_scoped3A : memref<!tpu.dma_semaphore, #tpu.memory_space<semaphore_mem>>) src(%dma_wait3A_37 : memref<128x128xf32, #tpu.memory_space<vmem_shared>>) dst(%arg9 : memref<128x128xf32, #tpu.memory_space<vmem>>)
      tpu.yield
    }) : () -> ()
    "tpu.region"() ({
      %run_scoped3A = tpu.sem_alloc : memref<!tpu.dma_semaphore, #tpu.memory_space<semaphore_mem>>
      %dma_start3A = arith.constant 0 : i32
      %dma_start3A_32 = tpu.memref_slice %arg6[%arg0, %add3A_31, %dma_start3A] : memref<2x10240x128xf32, #tpu.memory_space<hbm>> -> memref<1x128x128xf32, #tpu.memory_space<hbm>>
      %dma_start3A_33 = tpu.memref_squeeze %dma_start3A_32 : memref<1x128x128xf32, #tpu.memory_space<hbm>> -> memref<128x128xf32, #tpu.memory_space<hbm>>
      %dma_start3A_34 = arith.constant 0 : i32
      %dma_start3A_35 = tpu.memref_slice %arg6[%arg0, %add3A_31, %dma_start3A_34] : memref<2x10240x128xf32, #tpu.memory_space<hbm>> -> memref<1x128x128xf32, #tpu.memory_space<hbm>>
      %dma_start3A_36 = tpu.memref_squeeze %dma_start3A_35 : memref<1x128x128xf32, #tpu.memory_space<hbm>> -> memref<128x128xf32, #tpu.memory_space<hbm>>
      tpu.enqueue_dma source(%arg9 : memref<128x128xf32, #tpu.memory_space<vmem>>) target(%dma_start3A_36 : memref<128x128xf32, #tpu.memory_space<hbm>>) target_semaphore(%run_scoped3A : memref<!tpu.dma_semaphore, #tpu.memory_space<semaphore_mem>>)
      %dma_wait3A = arith.constant 0 : i32
      %dma_wait3A_37 = tpu.memref_slice %arg6[%arg0, %add3A_31, %dma_wait3A] : memref<2x10240x128xf32, #tpu.memory_space<hbm>> -> memref<1x128x128xf32, #tpu.memory_space<hbm>>
      %dma_wait3A_38 = tpu.memref_squeeze %dma_wait3A_37 : memref<1x128x128xf32, #tpu.memory_space<hbm>> -> memref<128x128xf32, #tpu.memory_space<hbm>>
      %dma_wait3A_39 = arith.constant 0 : i32
      %dma_wait3A_40 = tpu.memref_slice %arg6[%arg0, %add3A_31, %dma_wait3A_39] : memref<2x10240x128xf32, #tpu.memory_space<hbm>> -> memref<1x128x128xf32, #tpu.memory_space<hbm>>
      %dma_wait3A_41 = tpu.memref_squeeze %dma_wait3A_40 : memref<1x128x128xf32, #tpu.memory_space<hbm>> -> memref<128x128xf32, #tpu.memory_space<hbm>>
      tpu.wait_dma2 semaphore(%run_scoped3A : memref<!tpu.dma_semaphore, #tpu.memory_space<semaphore_mem>>) src(%arg9 : memref<128x128xf32, #tpu.memory_space<vmem>>) dst(%dma_wait3A_41 : memref<128x128xf32, #tpu.memory_space<hbm>>)
      tpu.yield
    }) : () -> ()
    return
  }
}

#map = affine_map<(d0, d1) -> (0, 0)>
#map1 = affine_map<(d0, d1) -> (0)>
#map2 = affine_map<(d0, d1) -> (0, 0, 0)>
module attributes {stable_mosaic.version = 14 : i64} {
  func.func @_sc_agg(%arg0: i32, %arg1: i32, %arg2: memref<10000x128xf32, #tpu.memory_space<hbm>>, %arg3: memref<323584xi32, #tpu.memory_space<hbm>>, %arg4: memref<323584xi32, #tpu.memory_space<hbm>>, %arg5: memref<640x128xf32, #tpu.memory_space<hbm>>, %arg6: memref<2x10240x128xf32, #tpu.memory_space<hbm>>, %arg7: memref<128xi32, #tpu.memory_space<vmem>>, %arg8: memref<128xi32, #tpu.memory_space<vmem>>, %arg9: memref<128x128xf32, #tpu.memory_space<vmem>>, %arg10: memref<10240x128xf32, #tpu.memory_space<vmem_shared>>, %arg11: memref<!tpu.dma_semaphore, #tpu.memory_space<semaphore_mem>>) attributes {dimension_semantics = [#tpu.dimension_semantics<core_parallel>, #tpu.dimension_semantics<subcore_parallel>], iteration_bounds = array<i64: 2, 16>, scalar_prefetch = 0 : i64, scratch_operands = 5 : i64, tpu.core_type = #tpu.core_type<sc_vector_subcore>, window_params = [{transform_indices = #map}, {transform_indices = #map1}, {transform_indices = #map1}, {transform_indices = #map}, {transform_indices = #map2}]} {
    %mul3A = arith.constant 640 : i32
    %mul3A_0 = arith.muli %arg1, %mul3A : i32
    "tpu.region"() ({
      %run_scoped3A = tpu.sem_alloc : memref<!tpu.dma_semaphore, #tpu.memory_space<semaphore_mem>>
      %dma_start3A = arith.constant 0 : i32
      %dma_start3A_32 = tpu.memref_slice %arg10[%mul3A_0, %dma_start3A] : memref<10240x128xf32, #tpu.memory_space<vmem_shared>> -> memref<640x128xf32, #tpu.memory_space<vmem_shared>>
      tpu.enqueue_dma source(%arg5 : memref<640x128xf32, #tpu.memory_space<hbm>>) target(%dma_start3A_32 : memref<640x128xf32, #tpu.memory_space<vmem_shared>>) target_semaphore(%run_scoped3A : memref<!tpu.dma_semaphore, #tpu.memory_space<semaphore_mem>>)
      %dma_wait3A = arith.constant 0 : i32
      %dma_wait3A_33 = tpu.memref_slice %arg10[%mul3A_0, %dma_wait3A] : memref<10240x128xf32, #tpu.memory_space<vmem_shared>> -> memref<640x128xf32, #tpu.memory_space<vmem_shared>>
      tpu.wait_dma2 semaphore(%run_scoped3A : memref<!tpu.dma_semaphore, #tpu.memory_space<semaphore_mem>>) src(%arg5 : memref<640x128xf32, #tpu.memory_space<hbm>>) dst(%dma_wait3A_33 : memref<640x128xf32, #tpu.memory_space<vmem_shared>>)
      tpu.yield
    }) : () -> ()
    %barrier3A = arith.constant 0 : index
    tpu.barrier barrier_id(%barrier3A)
    %mul3A_1 = arith.constant 16 : i32
    %mul3A_2 = arith.muli %arg0, %mul3A_1 : i32
    %add3A = arith.addi %mul3A_2, %arg1 : i32
    %mul3A_3 = arith.constant 10112 : i32
    %mul3A_4 = arith.muli %add3A, %mul3A_3 : i32
    %scan3A = arith.constant 0 : i32
    %scan3A_5 = arith.constant 0 : i32
    %scan3A_6 = arith.constant 79 : i32
    %scan3A_7 = arith.addi %scan3A_5, %scan3A_6 : i32
    %scan3A_8 = arith.constant 1 : i32
    %scan3A_9 = scf.for %scan3A_32 = %scan3A_5 to %scan3A_7 step %scan3A_8 iter_args(%scan3A_33 = %scan3A) -> (i32)  : i32 {
      %mul3A_34 = arith.constant 128 : i32
      %mul3A_35 = arith.muli %scan3A_32, %mul3A_34 : i32
      %add3A_36 = arith.addi %mul3A_4, %mul3A_35 : i32
      "tpu.region"() ({
        %run_scoped3A = tpu.sem_alloc : memref<!tpu.dma_semaphore, #tpu.memory_space<semaphore_mem>>
        %dma_start3A_42 = tpu.memref_slice %arg3[%add3A_36] : memref<323584xi32, #tpu.memory_space<hbm>> -> memref<128xi32, #tpu.memory_space<hbm>>
        %dma_start3A_43 = tpu.memref_slice %arg3[%add3A_36] : memref<323584xi32, #tpu.memory_space<hbm>> -> memref<128xi32, #tpu.memory_space<hbm>>
        tpu.enqueue_dma source(%dma_start3A_43 : memref<128xi32, #tpu.memory_space<hbm>>) target(%arg7 : memref<128xi32, #tpu.memory_space<vmem>>) target_semaphore(%run_scoped3A : memref<!tpu.dma_semaphore, #tpu.memory_space<semaphore_mem>>)
        %dma_wait3A_44 = tpu.memref_slice %arg3[%add3A_36] : memref<323584xi32, #tpu.memory_space<hbm>> -> memref<128xi32, #tpu.memory_space<hbm>>
        %dma_wait3A_45 = tpu.memref_slice %arg3[%add3A_36] : memref<323584xi32, #tpu.memory_space<hbm>> -> memref<128xi32, #tpu.memory_space<hbm>>
        tpu.wait_dma2 semaphore(%run_scoped3A : memref<!tpu.dma_semaphore, #tpu.memory_space<semaphore_mem>>) src(%dma_wait3A_45 : memref<128xi32, #tpu.memory_space<hbm>>) dst(%arg7 : memref<128xi32, #tpu.memory_space<vmem>>)
        tpu.yield
      }) : () -> ()
      "tpu.region"() ({
        %run_scoped3A = tpu.sem_alloc : memref<!tpu.dma_semaphore, #tpu.memory_space<semaphore_mem>>
        %dma_start3A_42 = tpu.memref_slice %arg4[%add3A_36] : memref<323584xi32, #tpu.memory_space<hbm>> -> memref<128xi32, #tpu.memory_space<hbm>>
        %dma_start3A_43 = tpu.memref_slice %arg4[%add3A_36] : memref<323584xi32, #tpu.memory_space<hbm>> -> memref<128xi32, #tpu.memory_space<hbm>>
        tpu.enqueue_dma source(%dma_start3A_43 : memref<128xi32, #tpu.memory_space<hbm>>) target(%arg8 : memref<128xi32, #tpu.memory_space<vmem>>) target_semaphore(%run_scoped3A : memref<!tpu.dma_semaphore, #tpu.memory_space<semaphore_mem>>)
        %dma_wait3A_44 = tpu.memref_slice %arg4[%add3A_36] : memref<323584xi32, #tpu.memory_space<hbm>> -> memref<128xi32, #tpu.memory_space<hbm>>
        %dma_wait3A_45 = tpu.memref_slice %arg4[%add3A_36] : memref<323584xi32, #tpu.memory_space<hbm>> -> memref<128xi32, #tpu.memory_space<hbm>>
        tpu.wait_dma2 semaphore(%run_scoped3A : memref<!tpu.dma_semaphore, #tpu.memory_space<semaphore_mem>>) src(%dma_wait3A_45 : memref<128xi32, #tpu.memory_space<hbm>>) dst(%arg8 : memref<128xi32, #tpu.memory_space<vmem>>)
        tpu.yield
      }) : () -> ()
      %dma_start3A = arith.constant 0 : i32
      %dma_start3A_37 = arith.constant 0 : i32
      %dma_start3A_38 = tpu.memref_slice %arg2[%dma_start3A, %dma_start3A_37] : memref<10000x128xf32, #tpu.memory_space<hbm>> -> memref<10000x128xf32, #tpu.memory_space<hbm>>
      tpu.enqueue_indirect_dma source(%dma_start3A_38 : memref<10000x128xf32, #tpu.memory_space<hbm>>) target(%arg9 : memref<128x128xf32, #tpu.memory_space<vmem>>) offsets(%arg7 : memref<128xi32, #tpu.memory_space<vmem>>) semaphore(%arg11 : memref<!tpu.dma_semaphore, #tpu.memory_space<semaphore_mem>>)
      %dma_wait3A = arith.constant 0 : i32
      %dma_wait3A_39 = arith.constant 0 : i32
      %dma_wait3A_40 = tpu.memref_slice %arg2[%dma_wait3A, %dma_wait3A_39] : memref<10000x128xf32, #tpu.memory_space<hbm>> -> memref<10000x128xf32, #tpu.memory_space<hbm>>
      tpu.wait_indirect_dma semaphore(%arg11 : memref<!tpu.dma_semaphore, #tpu.memory_space<semaphore_mem>>) src(%dma_wait3A_40 : memref<10000x128xf32, #tpu.memory_space<hbm>>) dst(%arg9 : memref<128x128xf32, #tpu.memory_space<vmem>>)
      "tpu.region"() ({
        %run_scoped3A = tpu.sem_alloc : memref<!tpu.dma_semaphore, #tpu.memory_space<semaphore_mem>>
        %dma_start3A_42 = arith.constant 0 : i32
        %dma_start3A_43 = arith.constant 0 : i32
        %dma_start3A_44 = tpu.memref_slice %arg10[%dma_start3A_42, %dma_start3A_43] : memref<10240x128xf32, #tpu.memory_space<vmem_shared>> -> memref<10240x128xf32, #tpu.memory_space<vmem_shared>>
        tpu.enqueue_indirect_dma source(%arg9 : memref<128x128xf32, #tpu.memory_space<vmem>>) target(%dma_start3A_44 : memref<10240x128xf32, #tpu.memory_space<vmem_shared>>) offsets(%arg8 : memref<128xi32, #tpu.memory_space<vmem>>) semaphore(%run_scoped3A : memref<!tpu.dma_semaphore, #tpu.memory_space<semaphore_mem>>) {add = true}
        %dma_wait3A_45 = arith.constant 0 : i32
        %dma_wait3A_46 = arith.constant 0 : i32
        %dma_wait3A_47 = tpu.memref_slice %arg10[%dma_wait3A_45, %dma_wait3A_46] : memref<10240x128xf32, #tpu.memory_space<vmem_shared>> -> memref<10240x128xf32, #tpu.memory_space<vmem_shared>>
        tpu.wait_indirect_dma semaphore(%run_scoped3A : memref<!tpu.dma_semaphore, #tpu.memory_space<semaphore_mem>>) src(%arg9 : memref<128x128xf32, #tpu.memory_space<vmem>>) dst(%dma_wait3A_47 : memref<10240x128xf32, #tpu.memory_space<vmem_shared>>)
        tpu.yield
      }) : () -> ()
      %scan3A_41 = arith.constant 0 : i32
      scf.yield %scan3A_41 : i32
    }
    %scan3A_10 = arith.constant 79 : i32
    %barrier3A_11 = arith.constant 0 : index
    tpu.barrier barrier_id(%barrier3A_11)
    %mul3A_12 = arith.constant 640 : i32
    %mul3A_13 = arith.muli %arg1, %mul3A_12 : i32
    %add3A_14 = arith.constant 0 : i32
    %add3A_15 = arith.addi %mul3A_13, %add3A_14 : i32
    "tpu.region"() ({
      %run_scoped3A = tpu.sem_alloc : memref<!tpu.dma_semaphore, #tpu.memory_space<semaphore_mem>>
      %dma_start3A = arith.constant 0 : i32
      %dma_start3A_32 = tpu.memref_slice %arg10[%add3A_15, %dma_start3A] : memref<10240x128xf32, #tpu.memory_space<vmem_shared>> -> memref<128x128xf32, #tpu.memory_space<vmem_shared>>
      %dma_start3A_33 = arith.constant 0 : i32
      %dma_start3A_34 = tpu.memref_slice %arg10[%add3A_15, %dma_start3A_33] : memref<10240x128xf32, #tpu.memory_space<vmem_shared>> -> memref<128x128xf32, #tpu.memory_space<vmem_shared>>
      tpu.enqueue_dma source(%dma_start3A_34 : memref<128x128xf32, #tpu.memory_space<vmem_shared>>) target(%arg9 : memref<128x128xf32, #tpu.memory_space<vmem>>) target_semaphore(%run_scoped3A : memref<!tpu.dma_semaphore, #tpu.memory_space<semaphore_mem>>)
      %dma_wait3A = arith.constant 0 : i32
      %dma_wait3A_35 = tpu.memref_slice %arg10[%add3A_15, %dma_wait3A] : memref<10240x128xf32, #tpu.memory_space<vmem_shared>> -> memref<128x128xf32, #tpu.memory_space<vmem_shared>>
      %dma_wait3A_36 = arith.constant 0 : i32
      %dma_wait3A_37 = tpu.memref_slice %arg10[%add3A_15, %dma_wait3A_36] : memref<10240x128xf32, #tpu.memory_space<vmem_shared>> -> memref<128x128xf32, #tpu.memory_space<vmem_shared>>
      tpu.wait_dma2 semaphore(%run_scoped3A : memref<!tpu.dma_semaphore, #tpu.memory_space<semaphore_mem>>) src(%dma_wait3A_37 : memref<128x128xf32, #tpu.memory_space<vmem_shared>>) dst(%arg9 : memref<128x128xf32, #tpu.memory_space<vmem>>)
      tpu.yield
    }) : () -> ()
    "tpu.region"() ({
      %run_scoped3A = tpu.sem_alloc : memref<!tpu.dma_semaphore, #tpu.memory_space<semaphore_mem>>
      %dma_start3A = arith.constant 0 : i32
      %dma_start3A_32 = tpu.memref_slice %arg6[%arg0, %add3A_15, %dma_start3A] : memref<2x10240x128xf32, #tpu.memory_space<hbm>> -> memref<1x128x128xf32, #tpu.memory_space<hbm>>
      %dma_start3A_33 = tpu.memref_squeeze %dma_start3A_32 : memref<1x128x128xf32, #tpu.memory_space<hbm>> -> memref<128x128xf32, #tpu.memory_space<hbm>>
      %dma_start3A_34 = arith.constant 0 : i32
      %dma_start3A_35 = tpu.memref_slice %arg6[%arg0, %add3A_15, %dma_start3A_34] : memref<2x10240x128xf32, #tpu.memory_space<hbm>> -> memref<1x128x128xf32, #tpu.memory_space<hbm>>
      %dma_start3A_36 = tpu.memref_squeeze %dma_start3A_35 : memref<1x128x128xf32, #tpu.memory_space<hbm>> -> memref<128x128xf32, #tpu.memory_space<hbm>>
      tpu.enqueue_dma source(%arg9 : memref<128x128xf32, #tpu.memory_space<vmem>>) target(%dma_start3A_36 : memref<128x128xf32, #tpu.memory_space<hbm>>) target_semaphore(%run_scoped3A : memref<!tpu.dma_semaphore, #tpu.memory_space<semaphore_mem>>)
      %dma_wait3A = arith.constant 0 : i32
      %dma_wait3A_37 = tpu.memref_slice %arg6[%arg0, %add3A_15, %dma_wait3A] : memref<2x10240x128xf32, #tpu.memory_space<hbm>> -> memref<1x128x128xf32, #tpu.memory_space<hbm>>
      %dma_wait3A_38 = tpu.memref_squeeze %dma_wait3A_37 : memref<1x128x128xf32, #tpu.memory_space<hbm>> -> memref<128x128xf32, #tpu.memory_space<hbm>>
      %dma_wait3A_39 = arith.constant 0 : i32
      %dma_wait3A_40 = tpu.memref_slice %arg6[%arg0, %add3A_15, %dma_wait3A_39] : memref<2x10240x128xf32, #tpu.memory_space<hbm>> -> memref<1x128x128xf32, #tpu.memory_space<hbm>>
      %dma_wait3A_41 = tpu.memref_squeeze %dma_wait3A_40 : memref<1x128x128xf32, #tpu.memory_space<hbm>> -> memref<128x128xf32, #tpu.memory_space<hbm>>
      tpu.wait_dma2 semaphore(%run_scoped3A : memref<!tpu.dma_semaphore, #tpu.memory_space<semaphore_mem>>) src(%arg9 : memref<128x128xf32, #tpu.memory_space<vmem>>) dst(%dma_wait3A_41 : memref<128x128xf32, #tpu.memory_space<hbm>>)
      tpu.yield
    }) : () -> ()
    %mul3A_16 = arith.constant 640 : i32
    %mul3A_17 = arith.muli %arg1, %mul3A_16 : i32
    %add3A_18 = arith.constant 128 : i32
    %add3A_19 = arith.addi %mul3A_17, %add3A_18 : i32
    "tpu.region"() ({
      %run_scoped3A = tpu.sem_alloc : memref<!tpu.dma_semaphore, #tpu.memory_space<semaphore_mem>>
      %dma_start3A = arith.constant 0 : i32
      %dma_start3A_32 = tpu.memref_slice %arg10[%add3A_19, %dma_start3A] : memref<10240x128xf32, #tpu.memory_space<vmem_shared>> -> memref<128x128xf32, #tpu.memory_space<vmem_shared>>
      %dma_start3A_33 = arith.constant 0 : i32
      %dma_start3A_34 = tpu.memref_slice %arg10[%add3A_19, %dma_start3A_33] : memref<10240x128xf32, #tpu.memory_space<vmem_shared>> -> memref<128x128xf32, #tpu.memory_space<vmem_shared>>
      tpu.enqueue_dma source(%dma_start3A_34 : memref<128x128xf32, #tpu.memory_space<vmem_shared>>) target(%arg9 : memref<128x128xf32, #tpu.memory_space<vmem>>) target_semaphore(%run_scoped3A : memref<!tpu.dma_semaphore, #tpu.memory_space<semaphore_mem>>)
      %dma_wait3A = arith.constant 0 : i32
      %dma_wait3A_35 = tpu.memref_slice %arg10[%add3A_19, %dma_wait3A] : memref<10240x128xf32, #tpu.memory_space<vmem_shared>> -> memref<128x128xf32, #tpu.memory_space<vmem_shared>>
      %dma_wait3A_36 = arith.constant 0 : i32
      %dma_wait3A_37 = tpu.memref_slice %arg10[%add3A_19, %dma_wait3A_36] : memref<10240x128xf32, #tpu.memory_space<vmem_shared>> -> memref<128x128xf32, #tpu.memory_space<vmem_shared>>
      tpu.wait_dma2 semaphore(%run_scoped3A : memref<!tpu.dma_semaphore, #tpu.memory_space<semaphore_mem>>) src(%dma_wait3A_37 : memref<128x128xf32, #tpu.memory_space<vmem_shared>>) dst(%arg9 : memref<128x128xf32, #tpu.memory_space<vmem>>)
      tpu.yield
    }) : () -> ()
    "tpu.region"() ({
      %run_scoped3A = tpu.sem_alloc : memref<!tpu.dma_semaphore, #tpu.memory_space<semaphore_mem>>
      %dma_start3A = arith.constant 0 : i32
      %dma_start3A_32 = tpu.memref_slice %arg6[%arg0, %add3A_19, %dma_start3A] : memref<2x10240x128xf32, #tpu.memory_space<hbm>> -> memref<1x128x128xf32, #tpu.memory_space<hbm>>
      %dma_start3A_33 = tpu.memref_squeeze %dma_start3A_32 : memref<1x128x128xf32, #tpu.memory_space<hbm>> -> memref<128x128xf32, #tpu.memory_space<hbm>>
      %dma_start3A_34 = arith.constant 0 : i32
      %dma_start3A_35 = tpu.memref_slice %arg6[%arg0, %add3A_19, %dma_start3A_34] : memref<2x10240x128xf32, #tpu.memory_space<hbm>> -> memref<1x128x128xf32, #tpu.memory_space<hbm>>
      %dma_start3A_36 = tpu.memref_squeeze %dma_start3A_35 : memref<1x128x128xf32, #tpu.memory_space<hbm>> -> memref<128x128xf32, #tpu.memory_space<hbm>>
      tpu.enqueue_dma source(%arg9 : memref<128x128xf32, #tpu.memory_space<vmem>>) target(%dma_start3A_36 : memref<128x128xf32, #tpu.memory_space<hbm>>) target_semaphore(%run_scoped3A : memref<!tpu.dma_semaphore, #tpu.memory_space<semaphore_mem>>)
      %dma_wait3A = arith.constant 0 : i32
      %dma_wait3A_37 = tpu.memref_slice %arg6[%arg0, %add3A_19, %dma_wait3A] : memref<2x10240x128xf32, #tpu.memory_space<hbm>> -> memref<1x128x128xf32, #tpu.memory_space<hbm>>
      %dma_wait3A_38 = tpu.memref_squeeze %dma_wait3A_37 : memref<1x128x128xf32, #tpu.memory_space<hbm>> -> memref<128x128xf32, #tpu.memory_space<hbm>>
      %dma_wait3A_39 = arith.constant 0 : i32
      %dma_wait3A_40 = tpu.memref_slice %arg6[%arg0, %add3A_19, %dma_wait3A_39] : memref<2x10240x128xf32, #tpu.memory_space<hbm>> -> memref<1x128x128xf32, #tpu.memory_space<hbm>>
      %dma_wait3A_41 = tpu.memref_squeeze %dma_wait3A_40 : memref<1x128x128xf32, #tpu.memory_space<hbm>> -> memref<128x128xf32, #tpu.memory_space<hbm>>
      tpu.wait_dma2 semaphore(%run_scoped3A : memref<!tpu.dma_semaphore, #tpu.memory_space<semaphore_mem>>) src(%arg9 : memref<128x128xf32, #tpu.memory_space<vmem>>) dst(%dma_wait3A_41 : memref<128x128xf32, #tpu.memory_space<hbm>>)
      tpu.yield
    }) : () -> ()
    %mul3A_20 = arith.constant 640 : i32
    %mul3A_21 = arith.muli %arg1, %mul3A_20 : i32
    %add3A_22 = arith.constant 256 : i32
    %add3A_23 = arith.addi %mul3A_21, %add3A_22 : i32
    "tpu.region"() ({
      %run_scoped3A = tpu.sem_alloc : memref<!tpu.dma_semaphore, #tpu.memory_space<semaphore_mem>>
      %dma_start3A = arith.constant 0 : i32
      %dma_start3A_32 = tpu.memref_slice %arg10[%add3A_23, %dma_start3A] : memref<10240x128xf32, #tpu.memory_space<vmem_shared>> -> memref<128x128xf32, #tpu.memory_space<vmem_shared>>
      %dma_start3A_33 = arith.constant 0 : i32
      %dma_start3A_34 = tpu.memref_slice %arg10[%add3A_23, %dma_start3A_33] : memref<10240x128xf32, #tpu.memory_space<vmem_shared>> -> memref<128x128xf32, #tpu.memory_space<vmem_shared>>
      tpu.enqueue_dma source(%dma_start3A_34 : memref<128x128xf32, #tpu.memory_space<vmem_shared>>) target(%arg9 : memref<128x128xf32, #tpu.memory_space<vmem>>) target_semaphore(%run_scoped3A : memref<!tpu.dma_semaphore, #tpu.memory_space<semaphore_mem>>)
      %dma_wait3A = arith.constant 0 : i32
      %dma_wait3A_35 = tpu.memref_slice %arg10[%add3A_23, %dma_wait3A] : memref<10240x128xf32, #tpu.memory_space<vmem_shared>> -> memref<128x128xf32, #tpu.memory_space<vmem_shared>>
      %dma_wait3A_36 = arith.constant 0 : i32
      %dma_wait3A_37 = tpu.memref_slice %arg10[%add3A_23, %dma_wait3A_36] : memref<10240x128xf32, #tpu.memory_space<vmem_shared>> -> memref<128x128xf32, #tpu.memory_space<vmem_shared>>
      tpu.wait_dma2 semaphore(%run_scoped3A : memref<!tpu.dma_semaphore, #tpu.memory_space<semaphore_mem>>) src(%dma_wait3A_37 : memref<128x128xf32, #tpu.memory_space<vmem_shared>>) dst(%arg9 : memref<128x128xf32, #tpu.memory_space<vmem>>)
      tpu.yield
    }) : () -> ()
    "tpu.region"() ({
      %run_scoped3A = tpu.sem_alloc : memref<!tpu.dma_semaphore, #tpu.memory_space<semaphore_mem>>
      %dma_start3A = arith.constant 0 : i32
      %dma_start3A_32 = tpu.memref_slice %arg6[%arg0, %add3A_23, %dma_start3A] : memref<2x10240x128xf32, #tpu.memory_space<hbm>> -> memref<1x128x128xf32, #tpu.memory_space<hbm>>
      %dma_start3A_33 = tpu.memref_squeeze %dma_start3A_32 : memref<1x128x128xf32, #tpu.memory_space<hbm>> -> memref<128x128xf32, #tpu.memory_space<hbm>>
      %dma_start3A_34 = arith.constant 0 : i32
      %dma_start3A_35 = tpu.memref_slice %arg6[%arg0, %add3A_23, %dma_start3A_34] : memref<2x10240x128xf32, #tpu.memory_space<hbm>> -> memref<1x128x128xf32, #tpu.memory_space<hbm>>
      %dma_start3A_36 = tpu.memref_squeeze %dma_start3A_35 : memref<1x128x128xf32, #tpu.memory_space<hbm>> -> memref<128x128xf32, #tpu.memory_space<hbm>>
      tpu.enqueue_dma source(%arg9 : memref<128x128xf32, #tpu.memory_space<vmem>>) target(%dma_start3A_36 : memref<128x128xf32, #tpu.memory_space<hbm>>) target_semaphore(%run_scoped3A : memref<!tpu.dma_semaphore, #tpu.memory_space<semaphore_mem>>)
      %dma_wait3A = arith.constant 0 : i32
      %dma_wait3A_37 = tpu.memref_slice %arg6[%arg0, %add3A_23, %dma_wait3A] : memref<2x10240x128xf32, #tpu.memory_space<hbm>> -> memref<1x128x128xf32, #tpu.memory_space<hbm>>
      %dma_wait3A_38 = tpu.memref_squeeze %dma_wait3A_37 : memref<1x128x128xf32, #tpu.memory_space<hbm>> -> memref<128x128xf32, #tpu.memory_space<hbm>>
      %dma_wait3A_39 = arith.constant 0 : i32
      %dma_wait3A_40 = tpu.memref_slice %arg6[%arg0, %add3A_23, %dma_wait3A_39] : memref<2x10240x128xf32, #tpu.memory_space<hbm>> -> memref<1x128x128xf32, #tpu.memory_space<hbm>>
      %dma_wait3A_41 = tpu.memref_squeeze %dma_wait3A_40 : memref<1x128x128xf32, #tpu.memory_space<hbm>> -> memref<128x128xf32, #tpu.memory_space<hbm>>
      tpu.wait_dma2 semaphore(%run_scoped3A : memref<!tpu.dma_semaphore, #tpu.memory_space<semaphore_mem>>) src(%arg9 : memref<128x128xf32, #tpu.memory_space<vmem>>) dst(%dma_wait3A_41 : memref<128x128xf32, #tpu.memory_space<hbm>>)
      tpu.yield
    }) : () -> ()
    %mul3A_24 = arith.constant 640 : i32
    %mul3A_25 = arith.muli %arg1, %mul3A_24 : i32
    %add3A_26 = arith.constant 384 : i32
    %add3A_27 = arith.addi %mul3A_25, %add3A_26 : i32
    "tpu.region"() ({
      %run_scoped3A = tpu.sem_alloc : memref<!tpu.dma_semaphore, #tpu.memory_space<semaphore_mem>>
      %dma_start3A = arith.constant 0 : i32
      %dma_start3A_32 = tpu.memref_slice %arg10[%add3A_27, %dma_start3A] : memref<10240x128xf32, #tpu.memory_space<vmem_shared>> -> memref<128x128xf32, #tpu.memory_space<vmem_shared>>
      %dma_start3A_33 = arith.constant 0 : i32
      %dma_start3A_34 = tpu.memref_slice %arg10[%add3A_27, %dma_start3A_33] : memref<10240x128xf32, #tpu.memory_space<vmem_shared>> -> memref<128x128xf32, #tpu.memory_space<vmem_shared>>
      tpu.enqueue_dma source(%dma_start3A_34 : memref<128x128xf32, #tpu.memory_space<vmem_shared>>) target(%arg9 : memref<128x128xf32, #tpu.memory_space<vmem>>) target_semaphore(%run_scoped3A : memref<!tpu.dma_semaphore, #tpu.memory_space<semaphore_mem>>)
      %dma_wait3A = arith.constant 0 : i32
      %dma_wait3A_35 = tpu.memref_slice %arg10[%add3A_27, %dma_wait3A] : memref<10240x128xf32, #tpu.memory_space<vmem_shared>> -> memref<128x128xf32, #tpu.memory_space<vmem_shared>>
      %dma_wait3A_36 = arith.constant 0 : i32
      %dma_wait3A_37 = tpu.memref_slice %arg10[%add3A_27, %dma_wait3A_36] : memref<10240x128xf32, #tpu.memory_space<vmem_shared>> -> memref<128x128xf32, #tpu.memory_space<vmem_shared>>
      tpu.wait_dma2 semaphore(%run_scoped3A : memref<!tpu.dma_semaphore, #tpu.memory_space<semaphore_mem>>) src(%dma_wait3A_37 : memref<128x128xf32, #tpu.memory_space<vmem_shared>>) dst(%arg9 : memref<128x128xf32, #tpu.memory_space<vmem>>)
      tpu.yield
    }) : () -> ()
    "tpu.region"() ({
      %run_scoped3A = tpu.sem_alloc : memref<!tpu.dma_semaphore, #tpu.memory_space<semaphore_mem>>
      %dma_start3A = arith.constant 0 : i32
      %dma_start3A_32 = tpu.memref_slice %arg6[%arg0, %add3A_27, %dma_start3A] : memref<2x10240x128xf32, #tpu.memory_space<hbm>> -> memref<1x128x128xf32, #tpu.memory_space<hbm>>
      %dma_start3A_33 = tpu.memref_squeeze %dma_start3A_32 : memref<1x128x128xf32, #tpu.memory_space<hbm>> -> memref<128x128xf32, #tpu.memory_space<hbm>>
      %dma_start3A_34 = arith.constant 0 : i32
      %dma_start3A_35 = tpu.memref_slice %arg6[%arg0, %add3A_27, %dma_start3A_34] : memref<2x10240x128xf32, #tpu.memory_space<hbm>> -> memref<1x128x128xf32, #tpu.memory_space<hbm>>
      %dma_start3A_36 = tpu.memref_squeeze %dma_start3A_35 : memref<1x128x128xf32, #tpu.memory_space<hbm>> -> memref<128x128xf32, #tpu.memory_space<hbm>>
      tpu.enqueue_dma source(%arg9 : memref<128x128xf32, #tpu.memory_space<vmem>>) target(%dma_start3A_36 : memref<128x128xf32, #tpu.memory_space<hbm>>) target_semaphore(%run_scoped3A : memref<!tpu.dma_semaphore, #tpu.memory_space<semaphore_mem>>)
      %dma_wait3A = arith.constant 0 : i32
      %dma_wait3A_37 = tpu.memref_slice %arg6[%arg0, %add3A_27, %dma_wait3A] : memref<2x10240x128xf32, #tpu.memory_space<hbm>> -> memref<1x128x128xf32, #tpu.memory_space<hbm>>
      %dma_wait3A_38 = tpu.memref_squeeze %dma_wait3A_37 : memref<1x128x128xf32, #tpu.memory_space<hbm>> -> memref<128x128xf32, #tpu.memory_space<hbm>>
      %dma_wait3A_39 = arith.constant 0 : i32
      %dma_wait3A_40 = tpu.memref_slice %arg6[%arg0, %add3A_27, %dma_wait3A_39] : memref<2x10240x128xf32, #tpu.memory_space<hbm>> -> memref<1x128x128xf32, #tpu.memory_space<hbm>>
      %dma_wait3A_41 = tpu.memref_squeeze %dma_wait3A_40 : memref<1x128x128xf32, #tpu.memory_space<hbm>> -> memref<128x128xf32, #tpu.memory_space<hbm>>
      tpu.wait_dma2 semaphore(%run_scoped3A : memref<!tpu.dma_semaphore, #tpu.memory_space<semaphore_mem>>) src(%arg9 : memref<128x128xf32, #tpu.memory_space<vmem>>) dst(%dma_wait3A_41 : memref<128x128xf32, #tpu.memory_space<hbm>>)
      tpu.yield
    }) : () -> ()
    %mul3A_28 = arith.constant 640 : i32
    %mul3A_29 = arith.muli %arg1, %mul3A_28 : i32
    %add3A_30 = arith.constant 512 : i32
    %add3A_31 = arith.addi %mul3A_29, %add3A_30 : i32
    "tpu.region"() ({
      %run_scoped3A = tpu.sem_alloc : memref<!tpu.dma_semaphore, #tpu.memory_space<semaphore_mem>>
      %dma_start3A = arith.constant 0 : i32
      %dma_start3A_32 = tpu.memref_slice %arg10[%add3A_31, %dma_start3A] : memref<10240x128xf32, #tpu.memory_space<vmem_shared>> -> memref<128x128xf32, #tpu.memory_space<vmem_shared>>
      %dma_start3A_33 = arith.constant 0 : i32
      %dma_start3A_34 = tpu.memref_slice %arg10[%add3A_31, %dma_start3A_33] : memref<10240x128xf32, #tpu.memory_space<vmem_shared>> -> memref<128x128xf32, #tpu.memory_space<vmem_shared>>
      tpu.enqueue_dma source(%dma_start3A_34 : memref<128x128xf32, #tpu.memory_space<vmem_shared>>) target(%arg9 : memref<128x128xf32, #tpu.memory_space<vmem>>) target_semaphore(%run_scoped3A : memref<!tpu.dma_semaphore, #tpu.memory_space<semaphore_mem>>)
      %dma_wait3A = arith.constant 0 : i32
      %dma_wait3A_35 = tpu.memref_slice %arg10[%add3A_31, %dma_wait3A] : memref<10240x128xf32, #tpu.memory_space<vmem_shared>> -> memref<128x128xf32, #tpu.memory_space<vmem_shared>>
      %dma_wait3A_36 = arith.constant 0 : i32
      %dma_wait3A_37 = tpu.memref_slice %arg10[%add3A_31, %dma_wait3A_36] : memref<10240x128xf32, #tpu.memory_space<vmem_shared>> -> memref<128x128xf32, #tpu.memory_space<vmem_shared>>
      tpu.wait_dma2 semaphore(%run_scoped3A : memref<!tpu.dma_semaphore, #tpu.memory_space<semaphore_mem>>) src(%dma_wait3A_37 : memref<128x128xf32, #tpu.memory_space<vmem_shared>>) dst(%arg9 : memref<128x128xf32, #tpu.memory_space<vmem>>)
      tpu.yield
    }) : () -> ()
    "tpu.region"() ({
      %run_scoped3A = tpu.sem_alloc : memref<!tpu.dma_semaphore, #tpu.memory_space<semaphore_mem>>
      %dma_start3A = arith.constant 0 : i32
      %dma_start3A_32 = tpu.memref_slice %arg6[%arg0, %add3A_31, %dma_start3A] : memref<2x10240x128xf32, #tpu.memory_space<hbm>> -> memref<1x128x128xf32, #tpu.memory_space<hbm>>
      %dma_start3A_33 = tpu.memref_squeeze %dma_start3A_32 : memref<1x128x128xf32, #tpu.memory_space<hbm>> -> memref<128x128xf32, #tpu.memory_space<hbm>>
      %dma_start3A_34 = arith.constant 0 : i32
      %dma_start3A_35 = tpu.memref_slice %arg6[%arg0, %add3A_31, %dma_start3A_34] : memref<2x10240x128xf32, #tpu.memory_space<hbm>> -> memref<1x128x128xf32, #tpu.memory_space<hbm>>
      %dma_start3A_36 = tpu.memref_squeeze %dma_start3A_35 : memref<1x128x128xf32, #tpu.memory_space<hbm>> -> memref<128x128xf32, #tpu.memory_space<hbm>>
      tpu.enqueue_dma source(%arg9 : memref<128x128xf32, #tpu.memory_space<vmem>>) target(%dma_start3A_36 : memref<128x128xf32, #tpu.memory_space<hbm>>) target_semaphore(%run_scoped3A : memref<!tpu.dma_semaphore, #tpu.memory_space<semaphore_mem>>)
      %dma_wait3A = arith.constant 0 : i32
      %dma_wait3A_37 = tpu.memref_slice %arg6[%arg0, %add3A_31, %dma_wait3A] : memref<2x10240x128xf32, #tpu.memory_space<hbm>> -> memref<1x128x128xf32, #tpu.memory_space<hbm>>
      %dma_wait3A_38 = tpu.memref_squeeze %dma_wait3A_37 : memref<1x128x128xf32, #tpu.memory_space<hbm>> -> memref<128x128xf32, #tpu.memory_space<hbm>>
      %dma_wait3A_39 = arith.constant 0 : i32
      %dma_wait3A_40 = tpu.memref_slice %arg6[%arg0, %add3A_31, %dma_wait3A_39] : memref<2x10240x128xf32, #tpu.memory_space<hbm>> -> memref<1x128x128xf32, #tpu.memory_space<hbm>>
      %dma_wait3A_41 = tpu.memref_squeeze %dma_wait3A_40 : memref<1x128x128xf32, #tpu.memory_space<hbm>> -> memref<128x128xf32, #tpu.memory_space<hbm>>
      tpu.wait_dma2 semaphore(%run_scoped3A : memref<!tpu.dma_semaphore, #tpu.memory_space<semaphore_mem>>) src(%arg9 : memref<128x128xf32, #tpu.memory_space<vmem>>) dst(%dma_wait3A_41 : memref<128x128xf32, #tpu.memory_space<hbm>>)
      tpu.yield
    }) : () -> ()
    return
  }
}

#map = affine_map<(d0, d1) -> (0, 0)>
#map1 = affine_map<(d0, d1) -> (0)>
#map2 = affine_map<(d0, d1) -> (0, 0, 0)>
module attributes {stable_mosaic.version = 14 : i64} {
  func.func @_sc_agg(%arg0: i32, %arg1: i32, %arg2: memref<10000x128xf32, #tpu.memory_space<hbm>>, %arg3: memref<323584xi32, #tpu.memory_space<hbm>>, %arg4: memref<323584xi32, #tpu.memory_space<hbm>>, %arg5: memref<640x128xf32, #tpu.memory_space<hbm>>, %arg6: memref<2x10240x128xf32, #tpu.memory_space<hbm>>, %arg7: memref<128xi32, #tpu.memory_space<vmem>>, %arg8: memref<128xi32, #tpu.memory_space<vmem>>, %arg9: memref<128x128xf32, #tpu.memory_space<vmem>>, %arg10: memref<10240x128xf32, #tpu.memory_space<vmem_shared>>, %arg11: memref<!tpu.dma_semaphore, #tpu.memory_space<semaphore_mem>>) attributes {dimension_semantics = [#tpu.dimension_semantics<core_parallel>, #tpu.dimension_semantics<subcore_parallel>], iteration_bounds = array<i64: 2, 16>, scalar_prefetch = 0 : i64, scratch_operands = 5 : i64, tpu.core_type = #tpu.core_type<sc_vector_subcore>, window_params = [{transform_indices = #map}, {transform_indices = #map1}, {transform_indices = #map1}, {transform_indices = #map}, {transform_indices = #map2}]} {
    %mul3A = arith.constant 640 : i32
    %mul3A_0 = arith.muli %arg1, %mul3A : i32
    "tpu.region"() ({
      %run_scoped3A = tpu.sem_alloc : memref<!tpu.dma_semaphore, #tpu.memory_space<semaphore_mem>>
      %dma_start3A = arith.constant 0 : i32
      %dma_start3A_32 = tpu.memref_slice %arg10[%mul3A_0, %dma_start3A] : memref<10240x128xf32, #tpu.memory_space<vmem_shared>> -> memref<640x128xf32, #tpu.memory_space<vmem_shared>>
      tpu.enqueue_dma source(%arg5 : memref<640x128xf32, #tpu.memory_space<hbm>>) target(%dma_start3A_32 : memref<640x128xf32, #tpu.memory_space<vmem_shared>>) target_semaphore(%run_scoped3A : memref<!tpu.dma_semaphore, #tpu.memory_space<semaphore_mem>>)
      %dma_wait3A = arith.constant 0 : i32
      %dma_wait3A_33 = tpu.memref_slice %arg10[%mul3A_0, %dma_wait3A] : memref<10240x128xf32, #tpu.memory_space<vmem_shared>> -> memref<640x128xf32, #tpu.memory_space<vmem_shared>>
      tpu.wait_dma2 semaphore(%run_scoped3A : memref<!tpu.dma_semaphore, #tpu.memory_space<semaphore_mem>>) src(%arg5 : memref<640x128xf32, #tpu.memory_space<hbm>>) dst(%dma_wait3A_33 : memref<640x128xf32, #tpu.memory_space<vmem_shared>>)
      tpu.yield
    }) : () -> ()
    %barrier3A = arith.constant 0 : index
    tpu.barrier barrier_id(%barrier3A)
    %mul3A_1 = arith.constant 16 : i32
    %mul3A_2 = arith.muli %arg0, %mul3A_1 : i32
    %add3A = arith.addi %mul3A_2, %arg1 : i32
    %mul3A_3 = arith.constant 10112 : i32
    %mul3A_4 = arith.muli %add3A, %mul3A_3 : i32
    %scan3A = arith.constant 0 : i32
    %scan3A_5 = arith.constant 0 : i32
    %scan3A_6 = arith.constant 79 : i32
    %scan3A_7 = arith.addi %scan3A_5, %scan3A_6 : i32
    %scan3A_8 = arith.constant 1 : i32
    %scan3A_9 = scf.for %scan3A_32 = %scan3A_5 to %scan3A_7 step %scan3A_8 iter_args(%scan3A_33 = %scan3A) -> (i32)  : i32 {
      %mul3A_34 = arith.constant 128 : i32
      %mul3A_35 = arith.muli %scan3A_32, %mul3A_34 : i32
      %add3A_36 = arith.addi %mul3A_4, %mul3A_35 : i32
      "tpu.region"() ({
        %run_scoped3A = tpu.sem_alloc : memref<!tpu.dma_semaphore, #tpu.memory_space<semaphore_mem>>
        %dma_start3A_42 = tpu.memref_slice %arg3[%add3A_36] : memref<323584xi32, #tpu.memory_space<hbm>> -> memref<128xi32, #tpu.memory_space<hbm>>
        %dma_start3A_43 = tpu.memref_slice %arg3[%add3A_36] : memref<323584xi32, #tpu.memory_space<hbm>> -> memref<128xi32, #tpu.memory_space<hbm>>
        tpu.enqueue_dma source(%dma_start3A_43 : memref<128xi32, #tpu.memory_space<hbm>>) target(%arg7 : memref<128xi32, #tpu.memory_space<vmem>>) target_semaphore(%run_scoped3A : memref<!tpu.dma_semaphore, #tpu.memory_space<semaphore_mem>>)
        %dma_wait3A_44 = tpu.memref_slice %arg3[%add3A_36] : memref<323584xi32, #tpu.memory_space<hbm>> -> memref<128xi32, #tpu.memory_space<hbm>>
        %dma_wait3A_45 = tpu.memref_slice %arg3[%add3A_36] : memref<323584xi32, #tpu.memory_space<hbm>> -> memref<128xi32, #tpu.memory_space<hbm>>
        tpu.wait_dma2 semaphore(%run_scoped3A : memref<!tpu.dma_semaphore, #tpu.memory_space<semaphore_mem>>) src(%dma_wait3A_45 : memref<128xi32, #tpu.memory_space<hbm>>) dst(%arg7 : memref<128xi32, #tpu.memory_space<vmem>>)
        tpu.yield
      }) : () -> ()
      "tpu.region"() ({
        %run_scoped3A = tpu.sem_alloc : memref<!tpu.dma_semaphore, #tpu.memory_space<semaphore_mem>>
        %dma_start3A_42 = tpu.memref_slice %arg4[%add3A_36] : memref<323584xi32, #tpu.memory_space<hbm>> -> memref<128xi32, #tpu.memory_space<hbm>>
        %dma_start3A_43 = tpu.memref_slice %arg4[%add3A_36] : memref<323584xi32, #tpu.memory_space<hbm>> -> memref<128xi32, #tpu.memory_space<hbm>>
        tpu.enqueue_dma source(%dma_start3A_43 : memref<128xi32, #tpu.memory_space<hbm>>) target(%arg8 : memref<128xi32, #tpu.memory_space<vmem>>) target_semaphore(%run_scoped3A : memref<!tpu.dma_semaphore, #tpu.memory_space<semaphore_mem>>)
        %dma_wait3A_44 = tpu.memref_slice %arg4[%add3A_36] : memref<323584xi32, #tpu.memory_space<hbm>> -> memref<128xi32, #tpu.memory_space<hbm>>
        %dma_wait3A_45 = tpu.memref_slice %arg4[%add3A_36] : memref<323584xi32, #tpu.memory_space<hbm>> -> memref<128xi32, #tpu.memory_space<hbm>>
        tpu.wait_dma2 semaphore(%run_scoped3A : memref<!tpu.dma_semaphore, #tpu.memory_space<semaphore_mem>>) src(%dma_wait3A_45 : memref<128xi32, #tpu.memory_space<hbm>>) dst(%arg8 : memref<128xi32, #tpu.memory_space<vmem>>)
        tpu.yield
      }) : () -> ()
      %dma_start3A = arith.constant 0 : i32
      %dma_start3A_37 = arith.constant 0 : i32
      %dma_start3A_38 = tpu.memref_slice %arg2[%dma_start3A, %dma_start3A_37] : memref<10000x128xf32, #tpu.memory_space<hbm>> -> memref<10000x128xf32, #tpu.memory_space<hbm>>
      tpu.enqueue_indirect_dma source(%dma_start3A_38 : memref<10000x128xf32, #tpu.memory_space<hbm>>) target(%arg9 : memref<128x128xf32, #tpu.memory_space<vmem>>) offsets(%arg7 : memref<128xi32, #tpu.memory_space<vmem>>) semaphore(%arg11 : memref<!tpu.dma_semaphore, #tpu.memory_space<semaphore_mem>>)
      %dma_wait3A = arith.constant 0 : i32
      %dma_wait3A_39 = arith.constant 0 : i32
      %dma_wait3A_40 = tpu.memref_slice %arg2[%dma_wait3A, %dma_wait3A_39] : memref<10000x128xf32, #tpu.memory_space<hbm>> -> memref<10000x128xf32, #tpu.memory_space<hbm>>
      tpu.wait_indirect_dma semaphore(%arg11 : memref<!tpu.dma_semaphore, #tpu.memory_space<semaphore_mem>>) src(%dma_wait3A_40 : memref<10000x128xf32, #tpu.memory_space<hbm>>) dst(%arg9 : memref<128x128xf32, #tpu.memory_space<vmem>>)
      "tpu.region"() ({
        %run_scoped3A = tpu.sem_alloc : memref<!tpu.dma_semaphore, #tpu.memory_space<semaphore_mem>>
        %dma_start3A_42 = arith.constant 0 : i32
        %dma_start3A_43 = arith.constant 0 : i32
        %dma_start3A_44 = tpu.memref_slice %arg10[%dma_start3A_42, %dma_start3A_43] : memref<10240x128xf32, #tpu.memory_space<vmem_shared>> -> memref<10240x128xf32, #tpu.memory_space<vmem_shared>>
        tpu.enqueue_indirect_dma source(%arg9 : memref<128x128xf32, #tpu.memory_space<vmem>>) target(%dma_start3A_44 : memref<10240x128xf32, #tpu.memory_space<vmem_shared>>) offsets(%arg8 : memref<128xi32, #tpu.memory_space<vmem>>) semaphore(%run_scoped3A : memref<!tpu.dma_semaphore, #tpu.memory_space<semaphore_mem>>) {add = true}
        %dma_wait3A_45 = arith.constant 0 : i32
        %dma_wait3A_46 = arith.constant 0 : i32
        %dma_wait3A_47 = tpu.memref_slice %arg10[%dma_wait3A_45, %dma_wait3A_46] : memref<10240x128xf32, #tpu.memory_space<vmem_shared>> -> memref<10240x128xf32, #tpu.memory_space<vmem_shared>>
        tpu.wait_indirect_dma semaphore(%run_scoped3A : memref<!tpu.dma_semaphore, #tpu.memory_space<semaphore_mem>>) src(%arg9 : memref<128x128xf32, #tpu.memory_space<vmem>>) dst(%dma_wait3A_47 : memref<10240x128xf32, #tpu.memory_space<vmem_shared>>)
        tpu.yield
      }) : () -> ()
      %scan3A_41 = arith.constant 0 : i32
      scf.yield %scan3A_41 : i32
    }
    %scan3A_10 = arith.constant 79 : i32
    %barrier3A_11 = arith.constant 0 : index
    tpu.barrier barrier_id(%barrier3A_11)
    %mul3A_12 = arith.constant 640 : i32
    %mul3A_13 = arith.muli %arg1, %mul3A_12 : i32
    %add3A_14 = arith.constant 0 : i32
    %add3A_15 = arith.addi %mul3A_13, %add3A_14 : i32
    "tpu.region"() ({
      %run_scoped3A = tpu.sem_alloc : memref<!tpu.dma_semaphore, #tpu.memory_space<semaphore_mem>>
      %dma_start3A = arith.constant 0 : i32
      %dma_start3A_32 = tpu.memref_slice %arg10[%add3A_15, %dma_start3A] : memref<10240x128xf32, #tpu.memory_space<vmem_shared>> -> memref<128x128xf32, #tpu.memory_space<vmem_shared>>
      %dma_start3A_33 = arith.constant 0 : i32
      %dma_start3A_34 = tpu.memref_slice %arg10[%add3A_15, %dma_start3A_33] : memref<10240x128xf32, #tpu.memory_space<vmem_shared>> -> memref<128x128xf32, #tpu.memory_space<vmem_shared>>
      tpu.enqueue_dma source(%dma_start3A_34 : memref<128x128xf32, #tpu.memory_space<vmem_shared>>) target(%arg9 : memref<128x128xf32, #tpu.memory_space<vmem>>) target_semaphore(%run_scoped3A : memref<!tpu.dma_semaphore, #tpu.memory_space<semaphore_mem>>)
      %dma_wait3A = arith.constant 0 : i32
      %dma_wait3A_35 = tpu.memref_slice %arg10[%add3A_15, %dma_wait3A] : memref<10240x128xf32, #tpu.memory_space<vmem_shared>> -> memref<128x128xf32, #tpu.memory_space<vmem_shared>>
      %dma_wait3A_36 = arith.constant 0 : i32
      %dma_wait3A_37 = tpu.memref_slice %arg10[%add3A_15, %dma_wait3A_36] : memref<10240x128xf32, #tpu.memory_space<vmem_shared>> -> memref<128x128xf32, #tpu.memory_space<vmem_shared>>
      tpu.wait_dma2 semaphore(%run_scoped3A : memref<!tpu.dma_semaphore, #tpu.memory_space<semaphore_mem>>) src(%dma_wait3A_37 : memref<128x128xf32, #tpu.memory_space<vmem_shared>>) dst(%arg9 : memref<128x128xf32, #tpu.memory_space<vmem>>)
      tpu.yield
    }) : () -> ()
    "tpu.region"() ({
      %run_scoped3A = tpu.sem_alloc : memref<!tpu.dma_semaphore, #tpu.memory_space<semaphore_mem>>
      %dma_start3A = arith.constant 0 : i32
      %dma_start3A_32 = tpu.memref_slice %arg6[%arg0, %add3A_15, %dma_start3A] : memref<2x10240x128xf32, #tpu.memory_space<hbm>> -> memref<1x128x128xf32, #tpu.memory_space<hbm>>
      %dma_start3A_33 = tpu.memref_squeeze %dma_start3A_32 : memref<1x128x128xf32, #tpu.memory_space<hbm>> -> memref<128x128xf32, #tpu.memory_space<hbm>>
      %dma_start3A_34 = arith.constant 0 : i32
      %dma_start3A_35 = tpu.memref_slice %arg6[%arg0, %add3A_15, %dma_start3A_34] : memref<2x10240x128xf32, #tpu.memory_space<hbm>> -> memref<1x128x128xf32, #tpu.memory_space<hbm>>
      %dma_start3A_36 = tpu.memref_squeeze %dma_start3A_35 : memref<1x128x128xf32, #tpu.memory_space<hbm>> -> memref<128x128xf32, #tpu.memory_space<hbm>>
      tpu.enqueue_dma source(%arg9 : memref<128x128xf32, #tpu.memory_space<vmem>>) target(%dma_start3A_36 : memref<128x128xf32, #tpu.memory_space<hbm>>) target_semaphore(%run_scoped3A : memref<!tpu.dma_semaphore, #tpu.memory_space<semaphore_mem>>)
      %dma_wait3A = arith.constant 0 : i32
      %dma_wait3A_37 = tpu.memref_slice %arg6[%arg0, %add3A_15, %dma_wait3A] : memref<2x10240x128xf32, #tpu.memory_space<hbm>> -> memref<1x128x128xf32, #tpu.memory_space<hbm>>
      %dma_wait3A_38 = tpu.memref_squeeze %dma_wait3A_37 : memref<1x128x128xf32, #tpu.memory_space<hbm>> -> memref<128x128xf32, #tpu.memory_space<hbm>>
      %dma_wait3A_39 = arith.constant 0 : i32
      %dma_wait3A_40 = tpu.memref_slice %arg6[%arg0, %add3A_15, %dma_wait3A_39] : memref<2x10240x128xf32, #tpu.memory_space<hbm>> -> memref<1x128x128xf32, #tpu.memory_space<hbm>>
      %dma_wait3A_41 = tpu.memref_squeeze %dma_wait3A_40 : memref<1x128x128xf32, #tpu.memory_space<hbm>> -> memref<128x128xf32, #tpu.memory_space<hbm>>
      tpu.wait_dma2 semaphore(%run_scoped3A : memref<!tpu.dma_semaphore, #tpu.memory_space<semaphore_mem>>) src(%arg9 : memref<128x128xf32, #tpu.memory_space<vmem>>) dst(%dma_wait3A_41 : memref<128x128xf32, #tpu.memory_space<hbm>>)
      tpu.yield
    }) : () -> ()
    %mul3A_16 = arith.constant 640 : i32
    %mul3A_17 = arith.muli %arg1, %mul3A_16 : i32
    %add3A_18 = arith.constant 128 : i32
    %add3A_19 = arith.addi %mul3A_17, %add3A_18 : i32
    "tpu.region"() ({
      %run_scoped3A = tpu.sem_alloc : memref<!tpu.dma_semaphore, #tpu.memory_space<semaphore_mem>>
      %dma_start3A = arith.constant 0 : i32
      %dma_start3A_32 = tpu.memref_slice %arg10[%add3A_19, %dma_start3A] : memref<10240x128xf32, #tpu.memory_space<vmem_shared>> -> memref<128x128xf32, #tpu.memory_space<vmem_shared>>
      %dma_start3A_33 = arith.constant 0 : i32
      %dma_start3A_34 = tpu.memref_slice %arg10[%add3A_19, %dma_start3A_33] : memref<10240x128xf32, #tpu.memory_space<vmem_shared>> -> memref<128x128xf32, #tpu.memory_space<vmem_shared>>
      tpu.enqueue_dma source(%dma_start3A_34 : memref<128x128xf32, #tpu.memory_space<vmem_shared>>) target(%arg9 : memref<128x128xf32, #tpu.memory_space<vmem>>) target_semaphore(%run_scoped3A : memref<!tpu.dma_semaphore, #tpu.memory_space<semaphore_mem>>)
      %dma_wait3A = arith.constant 0 : i32
      %dma_wait3A_35 = tpu.memref_slice %arg10[%add3A_19, %dma_wait3A] : memref<10240x128xf32, #tpu.memory_space<vmem_shared>> -> memref<128x128xf32, #tpu.memory_space<vmem_shared>>
      %dma_wait3A_36 = arith.constant 0 : i32
      %dma_wait3A_37 = tpu.memref_slice %arg10[%add3A_19, %dma_wait3A_36] : memref<10240x128xf32, #tpu.memory_space<vmem_shared>> -> memref<128x128xf32, #tpu.memory_space<vmem_shared>>
      tpu.wait_dma2 semaphore(%run_scoped3A : memref<!tpu.dma_semaphore, #tpu.memory_space<semaphore_mem>>) src(%dma_wait3A_37 : memref<128x128xf32, #tpu.memory_space<vmem_shared>>) dst(%arg9 : memref<128x128xf32, #tpu.memory_space<vmem>>)
      tpu.yield
    }) : () -> ()
    "tpu.region"() ({
      %run_scoped3A = tpu.sem_alloc : memref<!tpu.dma_semaphore, #tpu.memory_space<semaphore_mem>>
      %dma_start3A = arith.constant 0 : i32
      %dma_start3A_32 = tpu.memref_slice %arg6[%arg0, %add3A_19, %dma_start3A] : memref<2x10240x128xf32, #tpu.memory_space<hbm>> -> memref<1x128x128xf32, #tpu.memory_space<hbm>>
      %dma_start3A_33 = tpu.memref_squeeze %dma_start3A_32 : memref<1x128x128xf32, #tpu.memory_space<hbm>> -> memref<128x128xf32, #tpu.memory_space<hbm>>
      %dma_start3A_34 = arith.constant 0 : i32
      %dma_start3A_35 = tpu.memref_slice %arg6[%arg0, %add3A_19, %dma_start3A_34] : memref<2x10240x128xf32, #tpu.memory_space<hbm>> -> memref<1x128x128xf32, #tpu.memory_space<hbm>>
      %dma_start3A_36 = tpu.memref_squeeze %dma_start3A_35 : memref<1x128x128xf32, #tpu.memory_space<hbm>> -> memref<128x128xf32, #tpu.memory_space<hbm>>
      tpu.enqueue_dma source(%arg9 : memref<128x128xf32, #tpu.memory_space<vmem>>) target(%dma_start3A_36 : memref<128x128xf32, #tpu.memory_space<hbm>>) target_semaphore(%run_scoped3A : memref<!tpu.dma_semaphore, #tpu.memory_space<semaphore_mem>>)
      %dma_wait3A = arith.constant 0 : i32
      %dma_wait3A_37 = tpu.memref_slice %arg6[%arg0, %add3A_19, %dma_wait3A] : memref<2x10240x128xf32, #tpu.memory_space<hbm>> -> memref<1x128x128xf32, #tpu.memory_space<hbm>>
      %dma_wait3A_38 = tpu.memref_squeeze %dma_wait3A_37 : memref<1x128x128xf32, #tpu.memory_space<hbm>> -> memref<128x128xf32, #tpu.memory_space<hbm>>
      %dma_wait3A_39 = arith.constant 0 : i32
      %dma_wait3A_40 = tpu.memref_slice %arg6[%arg0, %add3A_19, %dma_wait3A_39] : memref<2x10240x128xf32, #tpu.memory_space<hbm>> -> memref<1x128x128xf32, #tpu.memory_space<hbm>>
      %dma_wait3A_41 = tpu.memref_squeeze %dma_wait3A_40 : memref<1x128x128xf32, #tpu.memory_space<hbm>> -> memref<128x128xf32, #tpu.memory_space<hbm>>
      tpu.wait_dma2 semaphore(%run_scoped3A : memref<!tpu.dma_semaphore, #tpu.memory_space<semaphore_mem>>) src(%arg9 : memref<128x128xf32, #tpu.memory_space<vmem>>) dst(%dma_wait3A_41 : memref<128x128xf32, #tpu.memory_space<hbm>>)
      tpu.yield
    }) : () -> ()
    %mul3A_20 = arith.constant 640 : i32
    %mul3A_21 = arith.muli %arg1, %mul3A_20 : i32
    %add3A_22 = arith.constant 256 : i32
    %add3A_23 = arith.addi %mul3A_21, %add3A_22 : i32
    "tpu.region"() ({
      %run_scoped3A = tpu.sem_alloc : memref<!tpu.dma_semaphore, #tpu.memory_space<semaphore_mem>>
      %dma_start3A = arith.constant 0 : i32
      %dma_start3A_32 = tpu.memref_slice %arg10[%add3A_23, %dma_start3A] : memref<10240x128xf32, #tpu.memory_space<vmem_shared>> -> memref<128x128xf32, #tpu.memory_space<vmem_shared>>
      %dma_start3A_33 = arith.constant 0 : i32
      %dma_start3A_34 = tpu.memref_slice %arg10[%add3A_23, %dma_start3A_33] : memref<10240x128xf32, #tpu.memory_space<vmem_shared>> -> memref<128x128xf32, #tpu.memory_space<vmem_shared>>
      tpu.enqueue_dma source(%dma_start3A_34 : memref<128x128xf32, #tpu.memory_space<vmem_shared>>) target(%arg9 : memref<128x128xf32, #tpu.memory_space<vmem>>) target_semaphore(%run_scoped3A : memref<!tpu.dma_semaphore, #tpu.memory_space<semaphore_mem>>)
      %dma_wait3A = arith.constant 0 : i32
      %dma_wait3A_35 = tpu.memref_slice %arg10[%add3A_23, %dma_wait3A] : memref<10240x128xf32, #tpu.memory_space<vmem_shared>> -> memref<128x128xf32, #tpu.memory_space<vmem_shared>>
      %dma_wait3A_36 = arith.constant 0 : i32
      %dma_wait3A_37 = tpu.memref_slice %arg10[%add3A_23, %dma_wait3A_36] : memref<10240x128xf32, #tpu.memory_space<vmem_shared>> -> memref<128x128xf32, #tpu.memory_space<vmem_shared>>
      tpu.wait_dma2 semaphore(%run_scoped3A : memref<!tpu.dma_semaphore, #tpu.memory_space<semaphore_mem>>) src(%dma_wait3A_37 : memref<128x128xf32, #tpu.memory_space<vmem_shared>>) dst(%arg9 : memref<128x128xf32, #tpu.memory_space<vmem>>)
      tpu.yield
    }) : () -> ()
    "tpu.region"() ({
      %run_scoped3A = tpu.sem_alloc : memref<!tpu.dma_semaphore, #tpu.memory_space<semaphore_mem>>
      %dma_start3A = arith.constant 0 : i32
      %dma_start3A_32 = tpu.memref_slice %arg6[%arg0, %add3A_23, %dma_start3A] : memref<2x10240x128xf32, #tpu.memory_space<hbm>> -> memref<1x128x128xf32, #tpu.memory_space<hbm>>
      %dma_start3A_33 = tpu.memref_squeeze %dma_start3A_32 : memref<1x128x128xf32, #tpu.memory_space<hbm>> -> memref<128x128xf32, #tpu.memory_space<hbm>>
      %dma_start3A_34 = arith.constant 0 : i32
      %dma_start3A_35 = tpu.memref_slice %arg6[%arg0, %add3A_23, %dma_start3A_34] : memref<2x10240x128xf32, #tpu.memory_space<hbm>> -> memref<1x128x128xf32, #tpu.memory_space<hbm>>
      %dma_start3A_36 = tpu.memref_squeeze %dma_start3A_35 : memref<1x128x128xf32, #tpu.memory_space<hbm>> -> memref<128x128xf32, #tpu.memory_space<hbm>>
      tpu.enqueue_dma source(%arg9 : memref<128x128xf32, #tpu.memory_space<vmem>>) target(%dma_start3A_36 : memref<128x128xf32, #tpu.memory_space<hbm>>) target_semaphore(%run_scoped3A : memref<!tpu.dma_semaphore, #tpu.memory_space<semaphore_mem>>)
      %dma_wait3A = arith.constant 0 : i32
      %dma_wait3A_37 = tpu.memref_slice %arg6[%arg0, %add3A_23, %dma_wait3A] : memref<2x10240x128xf32, #tpu.memory_space<hbm>> -> memref<1x128x128xf32, #tpu.memory_space<hbm>>
      %dma_wait3A_38 = tpu.memref_squeeze %dma_wait3A_37 : memref<1x128x128xf32, #tpu.memory_space<hbm>> -> memref<128x128xf32, #tpu.memory_space<hbm>>
      %dma_wait3A_39 = arith.constant 0 : i32
      %dma_wait3A_40 = tpu.memref_slice %arg6[%arg0, %add3A_23, %dma_wait3A_39] : memref<2x10240x128xf32, #tpu.memory_space<hbm>> -> memref<1x128x128xf32, #tpu.memory_space<hbm>>
      %dma_wait3A_41 = tpu.memref_squeeze %dma_wait3A_40 : memref<1x128x128xf32, #tpu.memory_space<hbm>> -> memref<128x128xf32, #tpu.memory_space<hbm>>
      tpu.wait_dma2 semaphore(%run_scoped3A : memref<!tpu.dma_semaphore, #tpu.memory_space<semaphore_mem>>) src(%arg9 : memref<128x128xf32, #tpu.memory_space<vmem>>) dst(%dma_wait3A_41 : memref<128x128xf32, #tpu.memory_space<hbm>>)
      tpu.yield
    }) : () -> ()
    %mul3A_24 = arith.constant 640 : i32
    %mul3A_25 = arith.muli %arg1, %mul3A_24 : i32
    %add3A_26 = arith.constant 384 : i32
    %add3A_27 = arith.addi %mul3A_25, %add3A_26 : i32
    "tpu.region"() ({
      %run_scoped3A = tpu.sem_alloc : memref<!tpu.dma_semaphore, #tpu.memory_space<semaphore_mem>>
      %dma_start3A = arith.constant 0 : i32
      %dma_start3A_32 = tpu.memref_slice %arg10[%add3A_27, %dma_start3A] : memref<10240x128xf32, #tpu.memory_space<vmem_shared>> -> memref<128x128xf32, #tpu.memory_space<vmem_shared>>
      %dma_start3A_33 = arith.constant 0 : i32
      %dma_start3A_34 = tpu.memref_slice %arg10[%add3A_27, %dma_start3A_33] : memref<10240x128xf32, #tpu.memory_space<vmem_shared>> -> memref<128x128xf32, #tpu.memory_space<vmem_shared>>
      tpu.enqueue_dma source(%dma_start3A_34 : memref<128x128xf32, #tpu.memory_space<vmem_shared>>) target(%arg9 : memref<128x128xf32, #tpu.memory_space<vmem>>) target_semaphore(%run_scoped3A : memref<!tpu.dma_semaphore, #tpu.memory_space<semaphore_mem>>)
      %dma_wait3A = arith.constant 0 : i32
      %dma_wait3A_35 = tpu.memref_slice %arg10[%add3A_27, %dma_wait3A] : memref<10240x128xf32, #tpu.memory_space<vmem_shared>> -> memref<128x128xf32, #tpu.memory_space<vmem_shared>>
      %dma_wait3A_36 = arith.constant 0 : i32
      %dma_wait3A_37 = tpu.memref_slice %arg10[%add3A_27, %dma_wait3A_36] : memref<10240x128xf32, #tpu.memory_space<vmem_shared>> -> memref<128x128xf32, #tpu.memory_space<vmem_shared>>
      tpu.wait_dma2 semaphore(%run_scoped3A : memref<!tpu.dma_semaphore, #tpu.memory_space<semaphore_mem>>) src(%dma_wait3A_37 : memref<128x128xf32, #tpu.memory_space<vmem_shared>>) dst(%arg9 : memref<128x128xf32, #tpu.memory_space<vmem>>)
      tpu.yield
    }) : () -> ()
    "tpu.region"() ({
      %run_scoped3A = tpu.sem_alloc : memref<!tpu.dma_semaphore, #tpu.memory_space<semaphore_mem>>
      %dma_start3A = arith.constant 0 : i32
      %dma_start3A_32 = tpu.memref_slice %arg6[%arg0, %add3A_27, %dma_start3A] : memref<2x10240x128xf32, #tpu.memory_space<hbm>> -> memref<1x128x128xf32, #tpu.memory_space<hbm>>
      %dma_start3A_33 = tpu.memref_squeeze %dma_start3A_32 : memref<1x128x128xf32, #tpu.memory_space<hbm>> -> memref<128x128xf32, #tpu.memory_space<hbm>>
      %dma_start3A_34 = arith.constant 0 : i32
      %dma_start3A_35 = tpu.memref_slice %arg6[%arg0, %add3A_27, %dma_start3A_34] : memref<2x10240x128xf32, #tpu.memory_space<hbm>> -> memref<1x128x128xf32, #tpu.memory_space<hbm>>
      %dma_start3A_36 = tpu.memref_squeeze %dma_start3A_35 : memref<1x128x128xf32, #tpu.memory_space<hbm>> -> memref<128x128xf32, #tpu.memory_space<hbm>>
      tpu.enqueue_dma source(%arg9 : memref<128x128xf32, #tpu.memory_space<vmem>>) target(%dma_start3A_36 : memref<128x128xf32, #tpu.memory_space<hbm>>) target_semaphore(%run_scoped3A : memref<!tpu.dma_semaphore, #tpu.memory_space<semaphore_mem>>)
      %dma_wait3A = arith.constant 0 : i32
      %dma_wait3A_37 = tpu.memref_slice %arg6[%arg0, %add3A_27, %dma_wait3A] : memref<2x10240x128xf32, #tpu.memory_space<hbm>> -> memref<1x128x128xf32, #tpu.memory_space<hbm>>
      %dma_wait3A_38 = tpu.memref_squeeze %dma_wait3A_37 : memref<1x128x128xf32, #tpu.memory_space<hbm>> -> memref<128x128xf32, #tpu.memory_space<hbm>>
      %dma_wait3A_39 = arith.constant 0 : i32
      %dma_wait3A_40 = tpu.memref_slice %arg6[%arg0, %add3A_27, %dma_wait3A_39] : memref<2x10240x128xf32, #tpu.memory_space<hbm>> -> memref<1x128x128xf32, #tpu.memory_space<hbm>>
      %dma_wait3A_41 = tpu.memref_squeeze %dma_wait3A_40 : memref<1x128x128xf32, #tpu.memory_space<hbm>> -> memref<128x128xf32, #tpu.memory_space<hbm>>
      tpu.wait_dma2 semaphore(%run_scoped3A : memref<!tpu.dma_semaphore, #tpu.memory_space<semaphore_mem>>) src(%arg9 : memref<128x128xf32, #tpu.memory_space<vmem>>) dst(%dma_wait3A_41 : memref<128x128xf32, #tpu.memory_space<hbm>>)
      tpu.yield
    }) : () -> ()
    %mul3A_28 = arith.constant 640 : i32
    %mul3A_29 = arith.muli %arg1, %mul3A_28 : i32
    %add3A_30 = arith.constant 512 : i32
    %add3A_31 = arith.addi %mul3A_29, %add3A_30 : i32
    "tpu.region"() ({
      %run_scoped3A = tpu.sem_alloc : memref<!tpu.dma_semaphore, #tpu.memory_space<semaphore_mem>>
      %dma_start3A = arith.constant 0 : i32
      %dma_start3A_32 = tpu.memref_slice %arg10[%add3A_31, %dma_start3A] : memref<10240x128xf32, #tpu.memory_space<vmem_shared>> -> memref<128x128xf32, #tpu.memory_space<vmem_shared>>
      %dma_start3A_33 = arith.constant 0 : i32
      %dma_start3A_34 = tpu.memref_slice %arg10[%add3A_31, %dma_start3A_33] : memref<10240x128xf32, #tpu.memory_space<vmem_shared>> -> memref<128x128xf32, #tpu.memory_space<vmem_shared>>
      tpu.enqueue_dma source(%dma_start3A_34 : memref<128x128xf32, #tpu.memory_space<vmem_shared>>) target(%arg9 : memref<128x128xf32, #tpu.memory_space<vmem>>) target_semaphore(%run_scoped3A : memref<!tpu.dma_semaphore, #tpu.memory_space<semaphore_mem>>)
      %dma_wait3A = arith.constant 0 : i32
      %dma_wait3A_35 = tpu.memref_slice %arg10[%add3A_31, %dma_wait3A] : memref<10240x128xf32, #tpu.memory_space<vmem_shared>> -> memref<128x128xf32, #tpu.memory_space<vmem_shared>>
      %dma_wait3A_36 = arith.constant 0 : i32
      %dma_wait3A_37 = tpu.memref_slice %arg10[%add3A_31, %dma_wait3A_36] : memref<10240x128xf32, #tpu.memory_space<vmem_shared>> -> memref<128x128xf32, #tpu.memory_space<vmem_shared>>
      tpu.wait_dma2 semaphore(%run_scoped3A : memref<!tpu.dma_semaphore, #tpu.memory_space<semaphore_mem>>) src(%dma_wait3A_37 : memref<128x128xf32, #tpu.memory_space<vmem_shared>>) dst(%arg9 : memref<128x128xf32, #tpu.memory_space<vmem>>)
      tpu.yield
    }) : () -> ()
    "tpu.region"() ({
      %run_scoped3A = tpu.sem_alloc : memref<!tpu.dma_semaphore, #tpu.memory_space<semaphore_mem>>
      %dma_start3A = arith.constant 0 : i32
      %dma_start3A_32 = tpu.memref_slice %arg6[%arg0, %add3A_31, %dma_start3A] : memref<2x10240x128xf32, #tpu.memory_space<hbm>> -> memref<1x128x128xf32, #tpu.memory_space<hbm>>
      %dma_start3A_33 = tpu.memref_squeeze %dma_start3A_32 : memref<1x128x128xf32, #tpu.memory_space<hbm>> -> memref<128x128xf32, #tpu.memory_space<hbm>>
      %dma_start3A_34 = arith.constant 0 : i32
      %dma_start3A_35 = tpu.memref_slice %arg6[%arg0, %add3A_31, %dma_start3A_34] : memref<2x10240x128xf32, #tpu.memory_space<hbm>> -> memref<1x128x128xf32, #tpu.memory_space<hbm>>
      %dma_start3A_36 = tpu.memref_squeeze %dma_start3A_35 : memref<1x128x128xf32, #tpu.memory_space<hbm>> -> memref<128x128xf32, #tpu.memory_space<hbm>>
      tpu.enqueue_dma source(%arg9 : memref<128x128xf32, #tpu.memory_space<vmem>>) target(%dma_start3A_36 : memref<128x128xf32, #tpu.memory_space<hbm>>) target_semaphore(%run_scoped3A : memref<!tpu.dma_semaphore, #tpu.memory_space<semaphore_mem>>)
      %dma_wait3A = arith.constant 0 : i32
      %dma_wait3A_37 = tpu.memref_slice %arg6[%arg0, %add3A_31, %dma_wait3A] : memref<2x10240x128xf32, #tpu.memory_space<hbm>> -> memref<1x128x128xf32, #tpu.memory_space<hbm>>
      %dma_wait3A_38 = tpu.memref_squeeze %dma_wait3A_37 : memref<1x128x128xf32, #tpu.memory_space<hbm>> -> memref<128x128xf32, #tpu.memory_space<hbm>>
      %dma_wait3A_39 = arith.constant 0 : i32
      %dma_wait3A_40 = tpu.memref_slice %arg6[%arg0, %add3A_31, %dma_wait3A_39] : memref<2x10240x128xf32, #tpu.memory_space<hbm>> -> memref<1x128x128xf32, #tpu.memory_space<hbm>>
      %dma_wait3A_41 = tpu.memref_squeeze %dma_wait3A_40 : memref<1x128x128xf32, #tpu.memory_space<hbm>> -> memref<128x128xf32, #tpu.memory_space<hbm>>
      tpu.wait_dma2 semaphore(%run_scoped3A : memref<!tpu.dma_semaphore, #tpu.memory_space<semaphore_mem>>) src(%arg9 : memref<128x128xf32, #tpu.memory_space<vmem>>) dst(%dma_wait3A_41 : memref<128x128xf32, #tpu.memory_space<hbm>>)
      tpu.yield
    }) : () -> ()
    return
  }
}

#map = affine_map<(d0, d1) -> (0, 0)>
#map1 = affine_map<(d0, d1) -> (0)>
#map2 = affine_map<(d0, d1) -> (0, 0, 0)>
module attributes {stable_mosaic.version = 14 : i64} {
  func.func @_sc_agg(%arg0: i32, %arg1: i32, %arg2: memref<10000x128xf32, #tpu.memory_space<hbm>>, %arg3: memref<323584xi32, #tpu.memory_space<hbm>>, %arg4: memref<323584xi32, #tpu.memory_space<hbm>>, %arg5: memref<640x128xf32, #tpu.memory_space<hbm>>, %arg6: memref<2x10240x128xf32, #tpu.memory_space<hbm>>, %arg7: memref<128xi32, #tpu.memory_space<vmem>>, %arg8: memref<128xi32, #tpu.memory_space<vmem>>, %arg9: memref<128x128xf32, #tpu.memory_space<vmem>>, %arg10: memref<10240x128xf32, #tpu.memory_space<vmem_shared>>, %arg11: memref<!tpu.dma_semaphore, #tpu.memory_space<semaphore_mem>>) attributes {dimension_semantics = [#tpu.dimension_semantics<core_parallel>, #tpu.dimension_semantics<subcore_parallel>], iteration_bounds = array<i64: 2, 16>, scalar_prefetch = 0 : i64, scratch_operands = 5 : i64, tpu.core_type = #tpu.core_type<sc_vector_subcore>, window_params = [{transform_indices = #map}, {transform_indices = #map1}, {transform_indices = #map1}, {transform_indices = #map}, {transform_indices = #map2}]} {
    %mul3A = arith.constant 640 : i32
    %mul3A_0 = arith.muli %arg1, %mul3A : i32
    "tpu.region"() ({
      %run_scoped3A = tpu.sem_alloc : memref<!tpu.dma_semaphore, #tpu.memory_space<semaphore_mem>>
      %dma_start3A = arith.constant 0 : i32
      %dma_start3A_32 = tpu.memref_slice %arg10[%mul3A_0, %dma_start3A] : memref<10240x128xf32, #tpu.memory_space<vmem_shared>> -> memref<640x128xf32, #tpu.memory_space<vmem_shared>>
      tpu.enqueue_dma source(%arg5 : memref<640x128xf32, #tpu.memory_space<hbm>>) target(%dma_start3A_32 : memref<640x128xf32, #tpu.memory_space<vmem_shared>>) target_semaphore(%run_scoped3A : memref<!tpu.dma_semaphore, #tpu.memory_space<semaphore_mem>>)
      %dma_wait3A = arith.constant 0 : i32
      %dma_wait3A_33 = tpu.memref_slice %arg10[%mul3A_0, %dma_wait3A] : memref<10240x128xf32, #tpu.memory_space<vmem_shared>> -> memref<640x128xf32, #tpu.memory_space<vmem_shared>>
      tpu.wait_dma2 semaphore(%run_scoped3A : memref<!tpu.dma_semaphore, #tpu.memory_space<semaphore_mem>>) src(%arg5 : memref<640x128xf32, #tpu.memory_space<hbm>>) dst(%dma_wait3A_33 : memref<640x128xf32, #tpu.memory_space<vmem_shared>>)
      tpu.yield
    }) : () -> ()
    %barrier3A = arith.constant 0 : index
    tpu.barrier barrier_id(%barrier3A)
    %mul3A_1 = arith.constant 16 : i32
    %mul3A_2 = arith.muli %arg0, %mul3A_1 : i32
    %add3A = arith.addi %mul3A_2, %arg1 : i32
    %mul3A_3 = arith.constant 10112 : i32
    %mul3A_4 = arith.muli %add3A, %mul3A_3 : i32
    %scan3A = arith.constant 0 : i32
    %scan3A_5 = arith.constant 0 : i32
    %scan3A_6 = arith.constant 79 : i32
    %scan3A_7 = arith.addi %scan3A_5, %scan3A_6 : i32
    %scan3A_8 = arith.constant 1 : i32
    %scan3A_9 = scf.for %scan3A_32 = %scan3A_5 to %scan3A_7 step %scan3A_8 iter_args(%scan3A_33 = %scan3A) -> (i32)  : i32 {
      %mul3A_34 = arith.constant 128 : i32
      %mul3A_35 = arith.muli %scan3A_32, %mul3A_34 : i32
      %add3A_36 = arith.addi %mul3A_4, %mul3A_35 : i32
      "tpu.region"() ({
        %run_scoped3A = tpu.sem_alloc : memref<!tpu.dma_semaphore, #tpu.memory_space<semaphore_mem>>
        %dma_start3A_42 = tpu.memref_slice %arg3[%add3A_36] : memref<323584xi32, #tpu.memory_space<hbm>> -> memref<128xi32, #tpu.memory_space<hbm>>
        %dma_start3A_43 = tpu.memref_slice %arg3[%add3A_36] : memref<323584xi32, #tpu.memory_space<hbm>> -> memref<128xi32, #tpu.memory_space<hbm>>
        tpu.enqueue_dma source(%dma_start3A_43 : memref<128xi32, #tpu.memory_space<hbm>>) target(%arg7 : memref<128xi32, #tpu.memory_space<vmem>>) target_semaphore(%run_scoped3A : memref<!tpu.dma_semaphore, #tpu.memory_space<semaphore_mem>>)
        %dma_wait3A_44 = tpu.memref_slice %arg3[%add3A_36] : memref<323584xi32, #tpu.memory_space<hbm>> -> memref<128xi32, #tpu.memory_space<hbm>>
        %dma_wait3A_45 = tpu.memref_slice %arg3[%add3A_36] : memref<323584xi32, #tpu.memory_space<hbm>> -> memref<128xi32, #tpu.memory_space<hbm>>
        tpu.wait_dma2 semaphore(%run_scoped3A : memref<!tpu.dma_semaphore, #tpu.memory_space<semaphore_mem>>) src(%dma_wait3A_45 : memref<128xi32, #tpu.memory_space<hbm>>) dst(%arg7 : memref<128xi32, #tpu.memory_space<vmem>>)
        tpu.yield
      }) : () -> ()
      "tpu.region"() ({
        %run_scoped3A = tpu.sem_alloc : memref<!tpu.dma_semaphore, #tpu.memory_space<semaphore_mem>>
        %dma_start3A_42 = tpu.memref_slice %arg4[%add3A_36] : memref<323584xi32, #tpu.memory_space<hbm>> -> memref<128xi32, #tpu.memory_space<hbm>>
        %dma_start3A_43 = tpu.memref_slice %arg4[%add3A_36] : memref<323584xi32, #tpu.memory_space<hbm>> -> memref<128xi32, #tpu.memory_space<hbm>>
        tpu.enqueue_dma source(%dma_start3A_43 : memref<128xi32, #tpu.memory_space<hbm>>) target(%arg8 : memref<128xi32, #tpu.memory_space<vmem>>) target_semaphore(%run_scoped3A : memref<!tpu.dma_semaphore, #tpu.memory_space<semaphore_mem>>)
        %dma_wait3A_44 = tpu.memref_slice %arg4[%add3A_36] : memref<323584xi32, #tpu.memory_space<hbm>> -> memref<128xi32, #tpu.memory_space<hbm>>
        %dma_wait3A_45 = tpu.memref_slice %arg4[%add3A_36] : memref<323584xi32, #tpu.memory_space<hbm>> -> memref<128xi32, #tpu.memory_space<hbm>>
        tpu.wait_dma2 semaphore(%run_scoped3A : memref<!tpu.dma_semaphore, #tpu.memory_space<semaphore_mem>>) src(%dma_wait3A_45 : memref<128xi32, #tpu.memory_space<hbm>>) dst(%arg8 : memref<128xi32, #tpu.memory_space<vmem>>)
        tpu.yield
      }) : () -> ()
      %dma_start3A = arith.constant 0 : i32
      %dma_start3A_37 = arith.constant 0 : i32
      %dma_start3A_38 = tpu.memref_slice %arg2[%dma_start3A, %dma_start3A_37] : memref<10000x128xf32, #tpu.memory_space<hbm>> -> memref<10000x128xf32, #tpu.memory_space<hbm>>
      tpu.enqueue_indirect_dma source(%dma_start3A_38 : memref<10000x128xf32, #tpu.memory_space<hbm>>) target(%arg9 : memref<128x128xf32, #tpu.memory_space<vmem>>) offsets(%arg7 : memref<128xi32, #tpu.memory_space<vmem>>) semaphore(%arg11 : memref<!tpu.dma_semaphore, #tpu.memory_space<semaphore_mem>>)
      %dma_wait3A = arith.constant 0 : i32
      %dma_wait3A_39 = arith.constant 0 : i32
      %dma_wait3A_40 = tpu.memref_slice %arg2[%dma_wait3A, %dma_wait3A_39] : memref<10000x128xf32, #tpu.memory_space<hbm>> -> memref<10000x128xf32, #tpu.memory_space<hbm>>
      tpu.wait_indirect_dma semaphore(%arg11 : memref<!tpu.dma_semaphore, #tpu.memory_space<semaphore_mem>>) src(%dma_wait3A_40 : memref<10000x128xf32, #tpu.memory_space<hbm>>) dst(%arg9 : memref<128x128xf32, #tpu.memory_space<vmem>>)
      "tpu.region"() ({
        %run_scoped3A = tpu.sem_alloc : memref<!tpu.dma_semaphore, #tpu.memory_space<semaphore_mem>>
        %dma_start3A_42 = arith.constant 0 : i32
        %dma_start3A_43 = arith.constant 0 : i32
        %dma_start3A_44 = tpu.memref_slice %arg10[%dma_start3A_42, %dma_start3A_43] : memref<10240x128xf32, #tpu.memory_space<vmem_shared>> -> memref<10240x128xf32, #tpu.memory_space<vmem_shared>>
        tpu.enqueue_indirect_dma source(%arg9 : memref<128x128xf32, #tpu.memory_space<vmem>>) target(%dma_start3A_44 : memref<10240x128xf32, #tpu.memory_space<vmem_shared>>) offsets(%arg8 : memref<128xi32, #tpu.memory_space<vmem>>) semaphore(%run_scoped3A : memref<!tpu.dma_semaphore, #tpu.memory_space<semaphore_mem>>) {add = true}
        %dma_wait3A_45 = arith.constant 0 : i32
        %dma_wait3A_46 = arith.constant 0 : i32
        %dma_wait3A_47 = tpu.memref_slice %arg10[%dma_wait3A_45, %dma_wait3A_46] : memref<10240x128xf32, #tpu.memory_space<vmem_shared>> -> memref<10240x128xf32, #tpu.memory_space<vmem_shared>>
        tpu.wait_indirect_dma semaphore(%run_scoped3A : memref<!tpu.dma_semaphore, #tpu.memory_space<semaphore_mem>>) src(%arg9 : memref<128x128xf32, #tpu.memory_space<vmem>>) dst(%dma_wait3A_47 : memref<10240x128xf32, #tpu.memory_space<vmem_shared>>)
        tpu.yield
      }) : () -> ()
      %scan3A_41 = arith.constant 0 : i32
      scf.yield %scan3A_41 : i32
    }
    %scan3A_10 = arith.constant 79 : i32
    %barrier3A_11 = arith.constant 0 : index
    tpu.barrier barrier_id(%barrier3A_11)
    %mul3A_12 = arith.constant 640 : i32
    %mul3A_13 = arith.muli %arg1, %mul3A_12 : i32
    %add3A_14 = arith.constant 0 : i32
    %add3A_15 = arith.addi %mul3A_13, %add3A_14 : i32
    "tpu.region"() ({
      %run_scoped3A = tpu.sem_alloc : memref<!tpu.dma_semaphore, #tpu.memory_space<semaphore_mem>>
      %dma_start3A = arith.constant 0 : i32
      %dma_start3A_32 = tpu.memref_slice %arg10[%add3A_15, %dma_start3A] : memref<10240x128xf32, #tpu.memory_space<vmem_shared>> -> memref<128x128xf32, #tpu.memory_space<vmem_shared>>
      %dma_start3A_33 = arith.constant 0 : i32
      %dma_start3A_34 = tpu.memref_slice %arg10[%add3A_15, %dma_start3A_33] : memref<10240x128xf32, #tpu.memory_space<vmem_shared>> -> memref<128x128xf32, #tpu.memory_space<vmem_shared>>
      tpu.enqueue_dma source(%dma_start3A_34 : memref<128x128xf32, #tpu.memory_space<vmem_shared>>) target(%arg9 : memref<128x128xf32, #tpu.memory_space<vmem>>) target_semaphore(%run_scoped3A : memref<!tpu.dma_semaphore, #tpu.memory_space<semaphore_mem>>)
      %dma_wait3A = arith.constant 0 : i32
      %dma_wait3A_35 = tpu.memref_slice %arg10[%add3A_15, %dma_wait3A] : memref<10240x128xf32, #tpu.memory_space<vmem_shared>> -> memref<128x128xf32, #tpu.memory_space<vmem_shared>>
      %dma_wait3A_36 = arith.constant 0 : i32
      %dma_wait3A_37 = tpu.memref_slice %arg10[%add3A_15, %dma_wait3A_36] : memref<10240x128xf32, #tpu.memory_space<vmem_shared>> -> memref<128x128xf32, #tpu.memory_space<vmem_shared>>
      tpu.wait_dma2 semaphore(%run_scoped3A : memref<!tpu.dma_semaphore, #tpu.memory_space<semaphore_mem>>) src(%dma_wait3A_37 : memref<128x128xf32, #tpu.memory_space<vmem_shared>>) dst(%arg9 : memref<128x128xf32, #tpu.memory_space<vmem>>)
      tpu.yield
    }) : () -> ()
    "tpu.region"() ({
      %run_scoped3A = tpu.sem_alloc : memref<!tpu.dma_semaphore, #tpu.memory_space<semaphore_mem>>
      %dma_start3A = arith.constant 0 : i32
      %dma_start3A_32 = tpu.memref_slice %arg6[%arg0, %add3A_15, %dma_start3A] : memref<2x10240x128xf32, #tpu.memory_space<hbm>> -> memref<1x128x128xf32, #tpu.memory_space<hbm>>
      %dma_start3A_33 = tpu.memref_squeeze %dma_start3A_32 : memref<1x128x128xf32, #tpu.memory_space<hbm>> -> memref<128x128xf32, #tpu.memory_space<hbm>>
      %dma_start3A_34 = arith.constant 0 : i32
      %dma_start3A_35 = tpu.memref_slice %arg6[%arg0, %add3A_15, %dma_start3A_34] : memref<2x10240x128xf32, #tpu.memory_space<hbm>> -> memref<1x128x128xf32, #tpu.memory_space<hbm>>
      %dma_start3A_36 = tpu.memref_squeeze %dma_start3A_35 : memref<1x128x128xf32, #tpu.memory_space<hbm>> -> memref<128x128xf32, #tpu.memory_space<hbm>>
      tpu.enqueue_dma source(%arg9 : memref<128x128xf32, #tpu.memory_space<vmem>>) target(%dma_start3A_36 : memref<128x128xf32, #tpu.memory_space<hbm>>) target_semaphore(%run_scoped3A : memref<!tpu.dma_semaphore, #tpu.memory_space<semaphore_mem>>)
      %dma_wait3A = arith.constant 0 : i32
      %dma_wait3A_37 = tpu.memref_slice %arg6[%arg0, %add3A_15, %dma_wait3A] : memref<2x10240x128xf32, #tpu.memory_space<hbm>> -> memref<1x128x128xf32, #tpu.memory_space<hbm>>
      %dma_wait3A_38 = tpu.memref_squeeze %dma_wait3A_37 : memref<1x128x128xf32, #tpu.memory_space<hbm>> -> memref<128x128xf32, #tpu.memory_space<hbm>>
      %dma_wait3A_39 = arith.constant 0 : i32
      %dma_wait3A_40 = tpu.memref_slice %arg6[%arg0, %add3A_15, %dma_wait3A_39] : memref<2x10240x128xf32, #tpu.memory_space<hbm>> -> memref<1x128x128xf32, #tpu.memory_space<hbm>>
      %dma_wait3A_41 = tpu.memref_squeeze %dma_wait3A_40 : memref<1x128x128xf32, #tpu.memory_space<hbm>> -> memref<128x128xf32, #tpu.memory_space<hbm>>
      tpu.wait_dma2 semaphore(%run_scoped3A : memref<!tpu.dma_semaphore, #tpu.memory_space<semaphore_mem>>) src(%arg9 : memref<128x128xf32, #tpu.memory_space<vmem>>) dst(%dma_wait3A_41 : memref<128x128xf32, #tpu.memory_space<hbm>>)
      tpu.yield
    }) : () -> ()
    %mul3A_16 = arith.constant 640 : i32
    %mul3A_17 = arith.muli %arg1, %mul3A_16 : i32
    %add3A_18 = arith.constant 128 : i32
    %add3A_19 = arith.addi %mul3A_17, %add3A_18 : i32
    "tpu.region"() ({
      %run_scoped3A = tpu.sem_alloc : memref<!tpu.dma_semaphore, #tpu.memory_space<semaphore_mem>>
      %dma_start3A = arith.constant 0 : i32
      %dma_start3A_32 = tpu.memref_slice %arg10[%add3A_19, %dma_start3A] : memref<10240x128xf32, #tpu.memory_space<vmem_shared>> -> memref<128x128xf32, #tpu.memory_space<vmem_shared>>
      %dma_start3A_33 = arith.constant 0 : i32
      %dma_start3A_34 = tpu.memref_slice %arg10[%add3A_19, %dma_start3A_33] : memref<10240x128xf32, #tpu.memory_space<vmem_shared>> -> memref<128x128xf32, #tpu.memory_space<vmem_shared>>
      tpu.enqueue_dma source(%dma_start3A_34 : memref<128x128xf32, #tpu.memory_space<vmem_shared>>) target(%arg9 : memref<128x128xf32, #tpu.memory_space<vmem>>) target_semaphore(%run_scoped3A : memref<!tpu.dma_semaphore, #tpu.memory_space<semaphore_mem>>)
      %dma_wait3A = arith.constant 0 : i32
      %dma_wait3A_35 = tpu.memref_slice %arg10[%add3A_19, %dma_wait3A] : memref<10240x128xf32, #tpu.memory_space<vmem_shared>> -> memref<128x128xf32, #tpu.memory_space<vmem_shared>>
      %dma_wait3A_36 = arith.constant 0 : i32
      %dma_wait3A_37 = tpu.memref_slice %arg10[%add3A_19, %dma_wait3A_36] : memref<10240x128xf32, #tpu.memory_space<vmem_shared>> -> memref<128x128xf32, #tpu.memory_space<vmem_shared>>
      tpu.wait_dma2 semaphore(%run_scoped3A : memref<!tpu.dma_semaphore, #tpu.memory_space<semaphore_mem>>) src(%dma_wait3A_37 : memref<128x128xf32, #tpu.memory_space<vmem_shared>>) dst(%arg9 : memref<128x128xf32, #tpu.memory_space<vmem>>)
      tpu.yield
    }) : () -> ()
    "tpu.region"() ({
      %run_scoped3A = tpu.sem_alloc : memref<!tpu.dma_semaphore, #tpu.memory_space<semaphore_mem>>
      %dma_start3A = arith.constant 0 : i32
      %dma_start3A_32 = tpu.memref_slice %arg6[%arg0, %add3A_19, %dma_start3A] : memref<2x10240x128xf32, #tpu.memory_space<hbm>> -> memref<1x128x128xf32, #tpu.memory_space<hbm>>
      %dma_start3A_33 = tpu.memref_squeeze %dma_start3A_32 : memref<1x128x128xf32, #tpu.memory_space<hbm>> -> memref<128x128xf32, #tpu.memory_space<hbm>>
      %dma_start3A_34 = arith.constant 0 : i32
      %dma_start3A_35 = tpu.memref_slice %arg6[%arg0, %add3A_19, %dma_start3A_34] : memref<2x10240x128xf32, #tpu.memory_space<hbm>> -> memref<1x128x128xf32, #tpu.memory_space<hbm>>
      %dma_start3A_36 = tpu.memref_squeeze %dma_start3A_35 : memref<1x128x128xf32, #tpu.memory_space<hbm>> -> memref<128x128xf32, #tpu.memory_space<hbm>>
      tpu.enqueue_dma source(%arg9 : memref<128x128xf32, #tpu.memory_space<vmem>>) target(%dma_start3A_36 : memref<128x128xf32, #tpu.memory_space<hbm>>) target_semaphore(%run_scoped3A : memref<!tpu.dma_semaphore, #tpu.memory_space<semaphore_mem>>)
      %dma_wait3A = arith.constant 0 : i32
      %dma_wait3A_37 = tpu.memref_slice %arg6[%arg0, %add3A_19, %dma_wait3A] : memref<2x10240x128xf32, #tpu.memory_space<hbm>> -> memref<1x128x128xf32, #tpu.memory_space<hbm>>
      %dma_wait3A_38 = tpu.memref_squeeze %dma_wait3A_37 : memref<1x128x128xf32, #tpu.memory_space<hbm>> -> memref<128x128xf32, #tpu.memory_space<hbm>>
      %dma_wait3A_39 = arith.constant 0 : i32
      %dma_wait3A_40 = tpu.memref_slice %arg6[%arg0, %add3A_19, %dma_wait3A_39] : memref<2x10240x128xf32, #tpu.memory_space<hbm>> -> memref<1x128x128xf32, #tpu.memory_space<hbm>>
      %dma_wait3A_41 = tpu.memref_squeeze %dma_wait3A_40 : memref<1x128x128xf32, #tpu.memory_space<hbm>> -> memref<128x128xf32, #tpu.memory_space<hbm>>
      tpu.wait_dma2 semaphore(%run_scoped3A : memref<!tpu.dma_semaphore, #tpu.memory_space<semaphore_mem>>) src(%arg9 : memref<128x128xf32, #tpu.memory_space<vmem>>) dst(%dma_wait3A_41 : memref<128x128xf32, #tpu.memory_space<hbm>>)
      tpu.yield
    }) : () -> ()
    %mul3A_20 = arith.constant 640 : i32
    %mul3A_21 = arith.muli %arg1, %mul3A_20 : i32
    %add3A_22 = arith.constant 256 : i32
    %add3A_23 = arith.addi %mul3A_21, %add3A_22 : i32
    "tpu.region"() ({
      %run_scoped3A = tpu.sem_alloc : memref<!tpu.dma_semaphore, #tpu.memory_space<semaphore_mem>>
      %dma_start3A = arith.constant 0 : i32
      %dma_start3A_32 = tpu.memref_slice %arg10[%add3A_23, %dma_start3A] : memref<10240x128xf32, #tpu.memory_space<vmem_shared>> -> memref<128x128xf32, #tpu.memory_space<vmem_shared>>
      %dma_start3A_33 = arith.constant 0 : i32
      %dma_start3A_34 = tpu.memref_slice %arg10[%add3A_23, %dma_start3A_33] : memref<10240x128xf32, #tpu.memory_space<vmem_shared>> -> memref<128x128xf32, #tpu.memory_space<vmem_shared>>
      tpu.enqueue_dma source(%dma_start3A_34 : memref<128x128xf32, #tpu.memory_space<vmem_shared>>) target(%arg9 : memref<128x128xf32, #tpu.memory_space<vmem>>) target_semaphore(%run_scoped3A : memref<!tpu.dma_semaphore, #tpu.memory_space<semaphore_mem>>)
      %dma_wait3A = arith.constant 0 : i32
      %dma_wait3A_35 = tpu.memref_slice %arg10[%add3A_23, %dma_wait3A] : memref<10240x128xf32, #tpu.memory_space<vmem_shared>> -> memref<128x128xf32, #tpu.memory_space<vmem_shared>>
      %dma_wait3A_36 = arith.constant 0 : i32
      %dma_wait3A_37 = tpu.memref_slice %arg10[%add3A_23, %dma_wait3A_36] : memref<10240x128xf32, #tpu.memory_space<vmem_shared>> -> memref<128x128xf32, #tpu.memory_space<vmem_shared>>
      tpu.wait_dma2 semaphore(%run_scoped3A : memref<!tpu.dma_semaphore, #tpu.memory_space<semaphore_mem>>) src(%dma_wait3A_37 : memref<128x128xf32, #tpu.memory_space<vmem_shared>>) dst(%arg9 : memref<128x128xf32, #tpu.memory_space<vmem>>)
      tpu.yield
    }) : () -> ()
    "tpu.region"() ({
      %run_scoped3A = tpu.sem_alloc : memref<!tpu.dma_semaphore, #tpu.memory_space<semaphore_mem>>
      %dma_start3A = arith.constant 0 : i32
      %dma_start3A_32 = tpu.memref_slice %arg6[%arg0, %add3A_23, %dma_start3A] : memref<2x10240x128xf32, #tpu.memory_space<hbm>> -> memref<1x128x128xf32, #tpu.memory_space<hbm>>
      %dma_start3A_33 = tpu.memref_squeeze %dma_start3A_32 : memref<1x128x128xf32, #tpu.memory_space<hbm>> -> memref<128x128xf32, #tpu.memory_space<hbm>>
      %dma_start3A_34 = arith.constant 0 : i32
      %dma_start3A_35 = tpu.memref_slice %arg6[%arg0, %add3A_23, %dma_start3A_34] : memref<2x10240x128xf32, #tpu.memory_space<hbm>> -> memref<1x128x128xf32, #tpu.memory_space<hbm>>
      %dma_start3A_36 = tpu.memref_squeeze %dma_start3A_35 : memref<1x128x128xf32, #tpu.memory_space<hbm>> -> memref<128x128xf32, #tpu.memory_space<hbm>>
      tpu.enqueue_dma source(%arg9 : memref<128x128xf32, #tpu.memory_space<vmem>>) target(%dma_start3A_36 : memref<128x128xf32, #tpu.memory_space<hbm>>) target_semaphore(%run_scoped3A : memref<!tpu.dma_semaphore, #tpu.memory_space<semaphore_mem>>)
      %dma_wait3A = arith.constant 0 : i32
      %dma_wait3A_37 = tpu.memref_slice %arg6[%arg0, %add3A_23, %dma_wait3A] : memref<2x10240x128xf32, #tpu.memory_space<hbm>> -> memref<1x128x128xf32, #tpu.memory_space<hbm>>
      %dma_wait3A_38 = tpu.memref_squeeze %dma_wait3A_37 : memref<1x128x128xf32, #tpu.memory_space<hbm>> -> memref<128x128xf32, #tpu.memory_space<hbm>>
      %dma_wait3A_39 = arith.constant 0 : i32
      %dma_wait3A_40 = tpu.memref_slice %arg6[%arg0, %add3A_23, %dma_wait3A_39] : memref<2x10240x128xf32, #tpu.memory_space<hbm>> -> memref<1x128x128xf32, #tpu.memory_space<hbm>>
      %dma_wait3A_41 = tpu.memref_squeeze %dma_wait3A_40 : memref<1x128x128xf32, #tpu.memory_space<hbm>> -> memref<128x128xf32, #tpu.memory_space<hbm>>
      tpu.wait_dma2 semaphore(%run_scoped3A : memref<!tpu.dma_semaphore, #tpu.memory_space<semaphore_mem>>) src(%arg9 : memref<128x128xf32, #tpu.memory_space<vmem>>) dst(%dma_wait3A_41 : memref<128x128xf32, #tpu.memory_space<hbm>>)
      tpu.yield
    }) : () -> ()
    %mul3A_24 = arith.constant 640 : i32
    %mul3A_25 = arith.muli %arg1, %mul3A_24 : i32
    %add3A_26 = arith.constant 384 : i32
    %add3A_27 = arith.addi %mul3A_25, %add3A_26 : i32
    "tpu.region"() ({
      %run_scoped3A = tpu.sem_alloc : memref<!tpu.dma_semaphore, #tpu.memory_space<semaphore_mem>>
      %dma_start3A = arith.constant 0 : i32
      %dma_start3A_32 = tpu.memref_slice %arg10[%add3A_27, %dma_start3A] : memref<10240x128xf32, #tpu.memory_space<vmem_shared>> -> memref<128x128xf32, #tpu.memory_space<vmem_shared>>
      %dma_start3A_33 = arith.constant 0 : i32
      %dma_start3A_34 = tpu.memref_slice %arg10[%add3A_27, %dma_start3A_33] : memref<10240x128xf32, #tpu.memory_space<vmem_shared>> -> memref<128x128xf32, #tpu.memory_space<vmem_shared>>
      tpu.enqueue_dma source(%dma_start3A_34 : memref<128x128xf32, #tpu.memory_space<vmem_shared>>) target(%arg9 : memref<128x128xf32, #tpu.memory_space<vmem>>) target_semaphore(%run_scoped3A : memref<!tpu.dma_semaphore, #tpu.memory_space<semaphore_mem>>)
      %dma_wait3A = arith.constant 0 : i32
      %dma_wait3A_35 = tpu.memref_slice %arg10[%add3A_27, %dma_wait3A] : memref<10240x128xf32, #tpu.memory_space<vmem_shared>> -> memref<128x128xf32, #tpu.memory_space<vmem_shared>>
      %dma_wait3A_36 = arith.constant 0 : i32
      %dma_wait3A_37 = tpu.memref_slice %arg10[%add3A_27, %dma_wait3A_36] : memref<10240x128xf32, #tpu.memory_space<vmem_shared>> -> memref<128x128xf32, #tpu.memory_space<vmem_shared>>
      tpu.wait_dma2 semaphore(%run_scoped3A : memref<!tpu.dma_semaphore, #tpu.memory_space<semaphore_mem>>) src(%dma_wait3A_37 : memref<128x128xf32, #tpu.memory_space<vmem_shared>>) dst(%arg9 : memref<128x128xf32, #tpu.memory_space<vmem>>)
      tpu.yield
    }) : () -> ()
    "tpu.region"() ({
      %run_scoped3A = tpu.sem_alloc : memref<!tpu.dma_semaphore, #tpu.memory_space<semaphore_mem>>
      %dma_start3A = arith.constant 0 : i32
      %dma_start3A_32 = tpu.memref_slice %arg6[%arg0, %add3A_27, %dma_start3A] : memref<2x10240x128xf32, #tpu.memory_space<hbm>> -> memref<1x128x128xf32, #tpu.memory_space<hbm>>
      %dma_start3A_33 = tpu.memref_squeeze %dma_start3A_32 : memref<1x128x128xf32, #tpu.memory_space<hbm>> -> memref<128x128xf32, #tpu.memory_space<hbm>>
      %dma_start3A_34 = arith.constant 0 : i32
      %dma_start3A_35 = tpu.memref_slice %arg6[%arg0, %add3A_27, %dma_start3A_34] : memref<2x10240x128xf32, #tpu.memory_space<hbm>> -> memref<1x128x128xf32, #tpu.memory_space<hbm>>
      %dma_start3A_36 = tpu.memref_squeeze %dma_start3A_35 : memref<1x128x128xf32, #tpu.memory_space<hbm>> -> memref<128x128xf32, #tpu.memory_space<hbm>>
      tpu.enqueue_dma source(%arg9 : memref<128x128xf32, #tpu.memory_space<vmem>>) target(%dma_start3A_36 : memref<128x128xf32, #tpu.memory_space<hbm>>) target_semaphore(%run_scoped3A : memref<!tpu.dma_semaphore, #tpu.memory_space<semaphore_mem>>)
      %dma_wait3A = arith.constant 0 : i32
      %dma_wait3A_37 = tpu.memref_slice %arg6[%arg0, %add3A_27, %dma_wait3A] : memref<2x10240x128xf32, #tpu.memory_space<hbm>> -> memref<1x128x128xf32, #tpu.memory_space<hbm>>
      %dma_wait3A_38 = tpu.memref_squeeze %dma_wait3A_37 : memref<1x128x128xf32, #tpu.memory_space<hbm>> -> memref<128x128xf32, #tpu.memory_space<hbm>>
      %dma_wait3A_39 = arith.constant 0 : i32
      %dma_wait3A_40 = tpu.memref_slice %arg6[%arg0, %add3A_27, %dma_wait3A_39] : memref<2x10240x128xf32, #tpu.memory_space<hbm>> -> memref<1x128x128xf32, #tpu.memory_space<hbm>>
      %dma_wait3A_41 = tpu.memref_squeeze %dma_wait3A_40 : memref<1x128x128xf32, #tpu.memory_space<hbm>> -> memref<128x128xf32, #tpu.memory_space<hbm>>
      tpu.wait_dma2 semaphore(%run_scoped3A : memref<!tpu.dma_semaphore, #tpu.memory_space<semaphore_mem>>) src(%arg9 : memref<128x128xf32, #tpu.memory_space<vmem>>) dst(%dma_wait3A_41 : memref<128x128xf32, #tpu.memory_space<hbm>>)
      tpu.yield
    }) : () -> ()
    %mul3A_28 = arith.constant 640 : i32
    %mul3A_29 = arith.muli %arg1, %mul3A_28 : i32
    %add3A_30 = arith.constant 512 : i32
    %add3A_31 = arith.addi %mul3A_29, %add3A_30 : i32
    "tpu.region"() ({
      %run_scoped3A = tpu.sem_alloc : memref<!tpu.dma_semaphore, #tpu.memory_space<semaphore_mem>>
      %dma_start3A = arith.constant 0 : i32
      %dma_start3A_32 = tpu.memref_slice %arg10[%add3A_31, %dma_start3A] : memref<10240x128xf32, #tpu.memory_space<vmem_shared>> -> memref<128x128xf32, #tpu.memory_space<vmem_shared>>
      %dma_start3A_33 = arith.constant 0 : i32
      %dma_start3A_34 = tpu.memref_slice %arg10[%add3A_31, %dma_start3A_33] : memref<10240x128xf32, #tpu.memory_space<vmem_shared>> -> memref<128x128xf32, #tpu.memory_space<vmem_shared>>
      tpu.enqueue_dma source(%dma_start3A_34 : memref<128x128xf32, #tpu.memory_space<vmem_shared>>) target(%arg9 : memref<128x128xf32, #tpu.memory_space<vmem>>) target_semaphore(%run_scoped3A : memref<!tpu.dma_semaphore, #tpu.memory_space<semaphore_mem>>)
      %dma_wait3A = arith.constant 0 : i32
      %dma_wait3A_35 = tpu.memref_slice %arg10[%add3A_31, %dma_wait3A] : memref<10240x128xf32, #tpu.memory_space<vmem_shared>> -> memref<128x128xf32, #tpu.memory_space<vmem_shared>>
      %dma_wait3A_36 = arith.constant 0 : i32
      %dma_wait3A_37 = tpu.memref_slice %arg10[%add3A_31, %dma_wait3A_36] : memref<10240x128xf32, #tpu.memory_space<vmem_shared>> -> memref<128x128xf32, #tpu.memory_space<vmem_shared>>
      tpu.wait_dma2 semaphore(%run_scoped3A : memref<!tpu.dma_semaphore, #tpu.memory_space<semaphore_mem>>) src(%dma_wait3A_37 : memref<128x128xf32, #tpu.memory_space<vmem_shared>>) dst(%arg9 : memref<128x128xf32, #tpu.memory_space<vmem>>)
      tpu.yield
    }) : () -> ()
    "tpu.region"() ({
      %run_scoped3A = tpu.sem_alloc : memref<!tpu.dma_semaphore, #tpu.memory_space<semaphore_mem>>
      %dma_start3A = arith.constant 0 : i32
      %dma_start3A_32 = tpu.memref_slice %arg6[%arg0, %add3A_31, %dma_start3A] : memref<2x10240x128xf32, #tpu.memory_space<hbm>> -> memref<1x128x128xf32, #tpu.memory_space<hbm>>
      %dma_start3A_33 = tpu.memref_squeeze %dma_start3A_32 : memref<1x128x128xf32, #tpu.memory_space<hbm>> -> memref<128x128xf32, #tpu.memory_space<hbm>>
      %dma_start3A_34 = arith.constant 0 : i32
      %dma_start3A_35 = tpu.memref_slice %arg6[%arg0, %add3A_31, %dma_start3A_34] : memref<2x10240x128xf32, #tpu.memory_space<hbm>> -> memref<1x128x128xf32, #tpu.memory_space<hbm>>
      %dma_start3A_36 = tpu.memref_squeeze %dma_start3A_35 : memref<1x128x128xf32, #tpu.memory_space<hbm>> -> memref<128x128xf32, #tpu.memory_space<hbm>>
      tpu.enqueue_dma source(%arg9 : memref<128x128xf32, #tpu.memory_space<vmem>>) target(%dma_start3A_36 : memref<128x128xf32, #tpu.memory_space<hbm>>) target_semaphore(%run_scoped3A : memref<!tpu.dma_semaphore, #tpu.memory_space<semaphore_mem>>)
      %dma_wait3A = arith.constant 0 : i32
      %dma_wait3A_37 = tpu.memref_slice %arg6[%arg0, %add3A_31, %dma_wait3A] : memref<2x10240x128xf32, #tpu.memory_space<hbm>> -> memref<1x128x128xf32, #tpu.memory_space<hbm>>
      %dma_wait3A_38 = tpu.memref_squeeze %dma_wait3A_37 : memref<1x128x128xf32, #tpu.memory_space<hbm>> -> memref<128x128xf32, #tpu.memory_space<hbm>>
      %dma_wait3A_39 = arith.constant 0 : i32
      %dma_wait3A_40 = tpu.memref_slice %arg6[%arg0, %add3A_31, %dma_wait3A_39] : memref<2x10240x128xf32, #tpu.memory_space<hbm>> -> memref<1x128x128xf32, #tpu.memory_space<hbm>>
      %dma_wait3A_41 = tpu.memref_squeeze %dma_wait3A_40 : memref<1x128x128xf32, #tpu.memory_space<hbm>> -> memref<128x128xf32, #tpu.memory_space<hbm>>
      tpu.wait_dma2 semaphore(%run_scoped3A : memref<!tpu.dma_semaphore, #tpu.memory_space<semaphore_mem>>) src(%arg9 : memref<128x128xf32, #tpu.memory_space<vmem>>) dst(%dma_wait3A_41 : memref<128x128xf32, #tpu.memory_space<hbm>>)
      tpu.yield
    }) : () -> ()
    return
  }
}

#map = affine_map<(d0, d1) -> (0, 0)>
#map1 = affine_map<(d0, d1) -> (0)>
#map2 = affine_map<(d0, d1) -> (0, 0, 0)>
module attributes {stable_mosaic.version = 14 : i64} {
  func.func @_sc_agg(%arg0: i32, %arg1: i32, %arg2: memref<10000x128xf32, #tpu.memory_space<hbm>>, %arg3: memref<323584xi32, #tpu.memory_space<hbm>>, %arg4: memref<323584xi32, #tpu.memory_space<hbm>>, %arg5: memref<640x128xf32, #tpu.memory_space<hbm>>, %arg6: memref<2x10240x128xf32, #tpu.memory_space<hbm>>, %arg7: memref<128xi32, #tpu.memory_space<vmem>>, %arg8: memref<128xi32, #tpu.memory_space<vmem>>, %arg9: memref<128x128xf32, #tpu.memory_space<vmem>>, %arg10: memref<10240x128xf32, #tpu.memory_space<vmem_shared>>, %arg11: memref<!tpu.dma_semaphore, #tpu.memory_space<semaphore_mem>>) attributes {dimension_semantics = [#tpu.dimension_semantics<core_parallel>, #tpu.dimension_semantics<subcore_parallel>], iteration_bounds = array<i64: 2, 16>, scalar_prefetch = 0 : i64, scratch_operands = 5 : i64, tpu.core_type = #tpu.core_type<sc_vector_subcore>, window_params = [{transform_indices = #map}, {transform_indices = #map1}, {transform_indices = #map1}, {transform_indices = #map}, {transform_indices = #map2}]} {
    %mul3A = arith.constant 640 : i32
    %mul3A_0 = arith.muli %arg1, %mul3A : i32
    "tpu.region"() ({
      %run_scoped3A = tpu.sem_alloc : memref<!tpu.dma_semaphore, #tpu.memory_space<semaphore_mem>>
      %dma_start3A = arith.constant 0 : i32
      %dma_start3A_32 = tpu.memref_slice %arg10[%mul3A_0, %dma_start3A] : memref<10240x128xf32, #tpu.memory_space<vmem_shared>> -> memref<640x128xf32, #tpu.memory_space<vmem_shared>>
      tpu.enqueue_dma source(%arg5 : memref<640x128xf32, #tpu.memory_space<hbm>>) target(%dma_start3A_32 : memref<640x128xf32, #tpu.memory_space<vmem_shared>>) target_semaphore(%run_scoped3A : memref<!tpu.dma_semaphore, #tpu.memory_space<semaphore_mem>>)
      %dma_wait3A = arith.constant 0 : i32
      %dma_wait3A_33 = tpu.memref_slice %arg10[%mul3A_0, %dma_wait3A] : memref<10240x128xf32, #tpu.memory_space<vmem_shared>> -> memref<640x128xf32, #tpu.memory_space<vmem_shared>>
      tpu.wait_dma2 semaphore(%run_scoped3A : memref<!tpu.dma_semaphore, #tpu.memory_space<semaphore_mem>>) src(%arg5 : memref<640x128xf32, #tpu.memory_space<hbm>>) dst(%dma_wait3A_33 : memref<640x128xf32, #tpu.memory_space<vmem_shared>>)
      tpu.yield
    }) : () -> ()
    %barrier3A = arith.constant 0 : index
    tpu.barrier barrier_id(%barrier3A)
    %mul3A_1 = arith.constant 16 : i32
    %mul3A_2 = arith.muli %arg0, %mul3A_1 : i32
    %add3A = arith.addi %mul3A_2, %arg1 : i32
    %mul3A_3 = arith.constant 10112 : i32
    %mul3A_4 = arith.muli %add3A, %mul3A_3 : i32
    %scan3A = arith.constant 0 : i32
    %scan3A_5 = arith.constant 0 : i32
    %scan3A_6 = arith.constant 79 : i32
    %scan3A_7 = arith.addi %scan3A_5, %scan3A_6 : i32
    %scan3A_8 = arith.constant 1 : i32
    %scan3A_9 = scf.for %scan3A_32 = %scan3A_5 to %scan3A_7 step %scan3A_8 iter_args(%scan3A_33 = %scan3A) -> (i32)  : i32 {
      %mul3A_34 = arith.constant 128 : i32
      %mul3A_35 = arith.muli %scan3A_32, %mul3A_34 : i32
      %add3A_36 = arith.addi %mul3A_4, %mul3A_35 : i32
      "tpu.region"() ({
        %run_scoped3A = tpu.sem_alloc : memref<!tpu.dma_semaphore, #tpu.memory_space<semaphore_mem>>
        %dma_start3A_42 = tpu.memref_slice %arg3[%add3A_36] : memref<323584xi32, #tpu.memory_space<hbm>> -> memref<128xi32, #tpu.memory_space<hbm>>
        %dma_start3A_43 = tpu.memref_slice %arg3[%add3A_36] : memref<323584xi32, #tpu.memory_space<hbm>> -> memref<128xi32, #tpu.memory_space<hbm>>
        tpu.enqueue_dma source(%dma_start3A_43 : memref<128xi32, #tpu.memory_space<hbm>>) target(%arg7 : memref<128xi32, #tpu.memory_space<vmem>>) target_semaphore(%run_scoped3A : memref<!tpu.dma_semaphore, #tpu.memory_space<semaphore_mem>>)
        %dma_wait3A_44 = tpu.memref_slice %arg3[%add3A_36] : memref<323584xi32, #tpu.memory_space<hbm>> -> memref<128xi32, #tpu.memory_space<hbm>>
        %dma_wait3A_45 = tpu.memref_slice %arg3[%add3A_36] : memref<323584xi32, #tpu.memory_space<hbm>> -> memref<128xi32, #tpu.memory_space<hbm>>
        tpu.wait_dma2 semaphore(%run_scoped3A : memref<!tpu.dma_semaphore, #tpu.memory_space<semaphore_mem>>) src(%dma_wait3A_45 : memref<128xi32, #tpu.memory_space<hbm>>) dst(%arg7 : memref<128xi32, #tpu.memory_space<vmem>>)
        tpu.yield
      }) : () -> ()
      "tpu.region"() ({
        %run_scoped3A = tpu.sem_alloc : memref<!tpu.dma_semaphore, #tpu.memory_space<semaphore_mem>>
        %dma_start3A_42 = tpu.memref_slice %arg4[%add3A_36] : memref<323584xi32, #tpu.memory_space<hbm>> -> memref<128xi32, #tpu.memory_space<hbm>>
        %dma_start3A_43 = tpu.memref_slice %arg4[%add3A_36] : memref<323584xi32, #tpu.memory_space<hbm>> -> memref<128xi32, #tpu.memory_space<hbm>>
        tpu.enqueue_dma source(%dma_start3A_43 : memref<128xi32, #tpu.memory_space<hbm>>) target(%arg8 : memref<128xi32, #tpu.memory_space<vmem>>) target_semaphore(%run_scoped3A : memref<!tpu.dma_semaphore, #tpu.memory_space<semaphore_mem>>)
        %dma_wait3A_44 = tpu.memref_slice %arg4[%add3A_36] : memref<323584xi32, #tpu.memory_space<hbm>> -> memref<128xi32, #tpu.memory_space<hbm>>
        %dma_wait3A_45 = tpu.memref_slice %arg4[%add3A_36] : memref<323584xi32, #tpu.memory_space<hbm>> -> memref<128xi32, #tpu.memory_space<hbm>>
        tpu.wait_dma2 semaphore(%run_scoped3A : memref<!tpu.dma_semaphore, #tpu.memory_space<semaphore_mem>>) src(%dma_wait3A_45 : memref<128xi32, #tpu.memory_space<hbm>>) dst(%arg8 : memref<128xi32, #tpu.memory_space<vmem>>)
        tpu.yield
      }) : () -> ()
      %dma_start3A = arith.constant 0 : i32
      %dma_start3A_37 = arith.constant 0 : i32
      %dma_start3A_38 = tpu.memref_slice %arg2[%dma_start3A, %dma_start3A_37] : memref<10000x128xf32, #tpu.memory_space<hbm>> -> memref<10000x128xf32, #tpu.memory_space<hbm>>
      tpu.enqueue_indirect_dma source(%dma_start3A_38 : memref<10000x128xf32, #tpu.memory_space<hbm>>) target(%arg9 : memref<128x128xf32, #tpu.memory_space<vmem>>) offsets(%arg7 : memref<128xi32, #tpu.memory_space<vmem>>) semaphore(%arg11 : memref<!tpu.dma_semaphore, #tpu.memory_space<semaphore_mem>>)
      %dma_wait3A = arith.constant 0 : i32
      %dma_wait3A_39 = arith.constant 0 : i32
      %dma_wait3A_40 = tpu.memref_slice %arg2[%dma_wait3A, %dma_wait3A_39] : memref<10000x128xf32, #tpu.memory_space<hbm>> -> memref<10000x128xf32, #tpu.memory_space<hbm>>
      tpu.wait_indirect_dma semaphore(%arg11 : memref<!tpu.dma_semaphore, #tpu.memory_space<semaphore_mem>>) src(%dma_wait3A_40 : memref<10000x128xf32, #tpu.memory_space<hbm>>) dst(%arg9 : memref<128x128xf32, #tpu.memory_space<vmem>>)
      "tpu.region"() ({
        %run_scoped3A = tpu.sem_alloc : memref<!tpu.dma_semaphore, #tpu.memory_space<semaphore_mem>>
        %dma_start3A_42 = arith.constant 0 : i32
        %dma_start3A_43 = arith.constant 0 : i32
        %dma_start3A_44 = tpu.memref_slice %arg10[%dma_start3A_42, %dma_start3A_43] : memref<10240x128xf32, #tpu.memory_space<vmem_shared>> -> memref<10240x128xf32, #tpu.memory_space<vmem_shared>>
        tpu.enqueue_indirect_dma source(%arg9 : memref<128x128xf32, #tpu.memory_space<vmem>>) target(%dma_start3A_44 : memref<10240x128xf32, #tpu.memory_space<vmem_shared>>) offsets(%arg8 : memref<128xi32, #tpu.memory_space<vmem>>) semaphore(%run_scoped3A : memref<!tpu.dma_semaphore, #tpu.memory_space<semaphore_mem>>) {add = true}
        %dma_wait3A_45 = arith.constant 0 : i32
        %dma_wait3A_46 = arith.constant 0 : i32
        %dma_wait3A_47 = tpu.memref_slice %arg10[%dma_wait3A_45, %dma_wait3A_46] : memref<10240x128xf32, #tpu.memory_space<vmem_shared>> -> memref<10240x128xf32, #tpu.memory_space<vmem_shared>>
        tpu.wait_indirect_dma semaphore(%run_scoped3A : memref<!tpu.dma_semaphore, #tpu.memory_space<semaphore_mem>>) src(%arg9 : memref<128x128xf32, #tpu.memory_space<vmem>>) dst(%dma_wait3A_47 : memref<10240x128xf32, #tpu.memory_space<vmem_shared>>)
        tpu.yield
      }) : () -> ()
      %scan3A_41 = arith.constant 0 : i32
      scf.yield %scan3A_41 : i32
    }
    %scan3A_10 = arith.constant 79 : i32
    %barrier3A_11 = arith.constant 0 : index
    tpu.barrier barrier_id(%barrier3A_11)
    %mul3A_12 = arith.constant 640 : i32
    %mul3A_13 = arith.muli %arg1, %mul3A_12 : i32
    %add3A_14 = arith.constant 0 : i32
    %add3A_15 = arith.addi %mul3A_13, %add3A_14 : i32
    "tpu.region"() ({
      %run_scoped3A = tpu.sem_alloc : memref<!tpu.dma_semaphore, #tpu.memory_space<semaphore_mem>>
      %dma_start3A = arith.constant 0 : i32
      %dma_start3A_32 = tpu.memref_slice %arg10[%add3A_15, %dma_start3A] : memref<10240x128xf32, #tpu.memory_space<vmem_shared>> -> memref<128x128xf32, #tpu.memory_space<vmem_shared>>
      %dma_start3A_33 = arith.constant 0 : i32
      %dma_start3A_34 = tpu.memref_slice %arg10[%add3A_15, %dma_start3A_33] : memref<10240x128xf32, #tpu.memory_space<vmem_shared>> -> memref<128x128xf32, #tpu.memory_space<vmem_shared>>
      tpu.enqueue_dma source(%dma_start3A_34 : memref<128x128xf32, #tpu.memory_space<vmem_shared>>) target(%arg9 : memref<128x128xf32, #tpu.memory_space<vmem>>) target_semaphore(%run_scoped3A : memref<!tpu.dma_semaphore, #tpu.memory_space<semaphore_mem>>)
      %dma_wait3A = arith.constant 0 : i32
      %dma_wait3A_35 = tpu.memref_slice %arg10[%add3A_15, %dma_wait3A] : memref<10240x128xf32, #tpu.memory_space<vmem_shared>> -> memref<128x128xf32, #tpu.memory_space<vmem_shared>>
      %dma_wait3A_36 = arith.constant 0 : i32
      %dma_wait3A_37 = tpu.memref_slice %arg10[%add3A_15, %dma_wait3A_36] : memref<10240x128xf32, #tpu.memory_space<vmem_shared>> -> memref<128x128xf32, #tpu.memory_space<vmem_shared>>
      tpu.wait_dma2 semaphore(%run_scoped3A : memref<!tpu.dma_semaphore, #tpu.memory_space<semaphore_mem>>) src(%dma_wait3A_37 : memref<128x128xf32, #tpu.memory_space<vmem_shared>>) dst(%arg9 : memref<128x128xf32, #tpu.memory_space<vmem>>)
      tpu.yield
    }) : () -> ()
    "tpu.region"() ({
      %run_scoped3A = tpu.sem_alloc : memref<!tpu.dma_semaphore, #tpu.memory_space<semaphore_mem>>
      %dma_start3A = arith.constant 0 : i32
      %dma_start3A_32 = tpu.memref_slice %arg6[%arg0, %add3A_15, %dma_start3A] : memref<2x10240x128xf32, #tpu.memory_space<hbm>> -> memref<1x128x128xf32, #tpu.memory_space<hbm>>
      %dma_start3A_33 = tpu.memref_squeeze %dma_start3A_32 : memref<1x128x128xf32, #tpu.memory_space<hbm>> -> memref<128x128xf32, #tpu.memory_space<hbm>>
      %dma_start3A_34 = arith.constant 0 : i32
      %dma_start3A_35 = tpu.memref_slice %arg6[%arg0, %add3A_15, %dma_start3A_34] : memref<2x10240x128xf32, #tpu.memory_space<hbm>> -> memref<1x128x128xf32, #tpu.memory_space<hbm>>
      %dma_start3A_36 = tpu.memref_squeeze %dma_start3A_35 : memref<1x128x128xf32, #tpu.memory_space<hbm>> -> memref<128x128xf32, #tpu.memory_space<hbm>>
      tpu.enqueue_dma source(%arg9 : memref<128x128xf32, #tpu.memory_space<vmem>>) target(%dma_start3A_36 : memref<128x128xf32, #tpu.memory_space<hbm>>) target_semaphore(%run_scoped3A : memref<!tpu.dma_semaphore, #tpu.memory_space<semaphore_mem>>)
      %dma_wait3A = arith.constant 0 : i32
      %dma_wait3A_37 = tpu.memref_slice %arg6[%arg0, %add3A_15, %dma_wait3A] : memref<2x10240x128xf32, #tpu.memory_space<hbm>> -> memref<1x128x128xf32, #tpu.memory_space<hbm>>
      %dma_wait3A_38 = tpu.memref_squeeze %dma_wait3A_37 : memref<1x128x128xf32, #tpu.memory_space<hbm>> -> memref<128x128xf32, #tpu.memory_space<hbm>>
      %dma_wait3A_39 = arith.constant 0 : i32
      %dma_wait3A_40 = tpu.memref_slice %arg6[%arg0, %add3A_15, %dma_wait3A_39] : memref<2x10240x128xf32, #tpu.memory_space<hbm>> -> memref<1x128x128xf32, #tpu.memory_space<hbm>>
      %dma_wait3A_41 = tpu.memref_squeeze %dma_wait3A_40 : memref<1x128x128xf32, #tpu.memory_space<hbm>> -> memref<128x128xf32, #tpu.memory_space<hbm>>
      tpu.wait_dma2 semaphore(%run_scoped3A : memref<!tpu.dma_semaphore, #tpu.memory_space<semaphore_mem>>) src(%arg9 : memref<128x128xf32, #tpu.memory_space<vmem>>) dst(%dma_wait3A_41 : memref<128x128xf32, #tpu.memory_space<hbm>>)
      tpu.yield
    }) : () -> ()
    %mul3A_16 = arith.constant 640 : i32
    %mul3A_17 = arith.muli %arg1, %mul3A_16 : i32
    %add3A_18 = arith.constant 128 : i32
    %add3A_19 = arith.addi %mul3A_17, %add3A_18 : i32
    "tpu.region"() ({
      %run_scoped3A = tpu.sem_alloc : memref<!tpu.dma_semaphore, #tpu.memory_space<semaphore_mem>>
      %dma_start3A = arith.constant 0 : i32
      %dma_start3A_32 = tpu.memref_slice %arg10[%add3A_19, %dma_start3A] : memref<10240x128xf32, #tpu.memory_space<vmem_shared>> -> memref<128x128xf32, #tpu.memory_space<vmem_shared>>
      %dma_start3A_33 = arith.constant 0 : i32
      %dma_start3A_34 = tpu.memref_slice %arg10[%add3A_19, %dma_start3A_33] : memref<10240x128xf32, #tpu.memory_space<vmem_shared>> -> memref<128x128xf32, #tpu.memory_space<vmem_shared>>
      tpu.enqueue_dma source(%dma_start3A_34 : memref<128x128xf32, #tpu.memory_space<vmem_shared>>) target(%arg9 : memref<128x128xf32, #tpu.memory_space<vmem>>) target_semaphore(%run_scoped3A : memref<!tpu.dma_semaphore, #tpu.memory_space<semaphore_mem>>)
      %dma_wait3A = arith.constant 0 : i32
      %dma_wait3A_35 = tpu.memref_slice %arg10[%add3A_19, %dma_wait3A] : memref<10240x128xf32, #tpu.memory_space<vmem_shared>> -> memref<128x128xf32, #tpu.memory_space<vmem_shared>>
      %dma_wait3A_36 = arith.constant 0 : i32
      %dma_wait3A_37 = tpu.memref_slice %arg10[%add3A_19, %dma_wait3A_36] : memref<10240x128xf32, #tpu.memory_space<vmem_shared>> -> memref<128x128xf32, #tpu.memory_space<vmem_shared>>
      tpu.wait_dma2 semaphore(%run_scoped3A : memref<!tpu.dma_semaphore, #tpu.memory_space<semaphore_mem>>) src(%dma_wait3A_37 : memref<128x128xf32, #tpu.memory_space<vmem_shared>>) dst(%arg9 : memref<128x128xf32, #tpu.memory_space<vmem>>)
      tpu.yield
    }) : () -> ()
    "tpu.region"() ({
      %run_scoped3A = tpu.sem_alloc : memref<!tpu.dma_semaphore, #tpu.memory_space<semaphore_mem>>
      %dma_start3A = arith.constant 0 : i32
      %dma_start3A_32 = tpu.memref_slice %arg6[%arg0, %add3A_19, %dma_start3A] : memref<2x10240x128xf32, #tpu.memory_space<hbm>> -> memref<1x128x128xf32, #tpu.memory_space<hbm>>
      %dma_start3A_33 = tpu.memref_squeeze %dma_start3A_32 : memref<1x128x128xf32, #tpu.memory_space<hbm>> -> memref<128x128xf32, #tpu.memory_space<hbm>>
      %dma_start3A_34 = arith.constant 0 : i32
      %dma_start3A_35 = tpu.memref_slice %arg6[%arg0, %add3A_19, %dma_start3A_34] : memref<2x10240x128xf32, #tpu.memory_space<hbm>> -> memref<1x128x128xf32, #tpu.memory_space<hbm>>
      %dma_start3A_36 = tpu.memref_squeeze %dma_start3A_35 : memref<1x128x128xf32, #tpu.memory_space<hbm>> -> memref<128x128xf32, #tpu.memory_space<hbm>>
      tpu.enqueue_dma source(%arg9 : memref<128x128xf32, #tpu.memory_space<vmem>>) target(%dma_start3A_36 : memref<128x128xf32, #tpu.memory_space<hbm>>) target_semaphore(%run_scoped3A : memref<!tpu.dma_semaphore, #tpu.memory_space<semaphore_mem>>)
      %dma_wait3A = arith.constant 0 : i32
      %dma_wait3A_37 = tpu.memref_slice %arg6[%arg0, %add3A_19, %dma_wait3A] : memref<2x10240x128xf32, #tpu.memory_space<hbm>> -> memref<1x128x128xf32, #tpu.memory_space<hbm>>
      %dma_wait3A_38 = tpu.memref_squeeze %dma_wait3A_37 : memref<1x128x128xf32, #tpu.memory_space<hbm>> -> memref<128x128xf32, #tpu.memory_space<hbm>>
      %dma_wait3A_39 = arith.constant 0 : i32
      %dma_wait3A_40 = tpu.memref_slice %arg6[%arg0, %add3A_19, %dma_wait3A_39] : memref<2x10240x128xf32, #tpu.memory_space<hbm>> -> memref<1x128x128xf32, #tpu.memory_space<hbm>>
      %dma_wait3A_41 = tpu.memref_squeeze %dma_wait3A_40 : memref<1x128x128xf32, #tpu.memory_space<hbm>> -> memref<128x128xf32, #tpu.memory_space<hbm>>
      tpu.wait_dma2 semaphore(%run_scoped3A : memref<!tpu.dma_semaphore, #tpu.memory_space<semaphore_mem>>) src(%arg9 : memref<128x128xf32, #tpu.memory_space<vmem>>) dst(%dma_wait3A_41 : memref<128x128xf32, #tpu.memory_space<hbm>>)
      tpu.yield
    }) : () -> ()
    %mul3A_20 = arith.constant 640 : i32
    %mul3A_21 = arith.muli %arg1, %mul3A_20 : i32
    %add3A_22 = arith.constant 256 : i32
    %add3A_23 = arith.addi %mul3A_21, %add3A_22 : i32
    "tpu.region"() ({
      %run_scoped3A = tpu.sem_alloc : memref<!tpu.dma_semaphore, #tpu.memory_space<semaphore_mem>>
      %dma_start3A = arith.constant 0 : i32
      %dma_start3A_32 = tpu.memref_slice %arg10[%add3A_23, %dma_start3A] : memref<10240x128xf32, #tpu.memory_space<vmem_shared>> -> memref<128x128xf32, #tpu.memory_space<vmem_shared>>
      %dma_start3A_33 = arith.constant 0 : i32
      %dma_start3A_34 = tpu.memref_slice %arg10[%add3A_23, %dma_start3A_33] : memref<10240x128xf32, #tpu.memory_space<vmem_shared>> -> memref<128x128xf32, #tpu.memory_space<vmem_shared>>
      tpu.enqueue_dma source(%dma_start3A_34 : memref<128x128xf32, #tpu.memory_space<vmem_shared>>) target(%arg9 : memref<128x128xf32, #tpu.memory_space<vmem>>) target_semaphore(%run_scoped3A : memref<!tpu.dma_semaphore, #tpu.memory_space<semaphore_mem>>)
      %dma_wait3A = arith.constant 0 : i32
      %dma_wait3A_35 = tpu.memref_slice %arg10[%add3A_23, %dma_wait3A] : memref<10240x128xf32, #tpu.memory_space<vmem_shared>> -> memref<128x128xf32, #tpu.memory_space<vmem_shared>>
      %dma_wait3A_36 = arith.constant 0 : i32
      %dma_wait3A_37 = tpu.memref_slice %arg10[%add3A_23, %dma_wait3A_36] : memref<10240x128xf32, #tpu.memory_space<vmem_shared>> -> memref<128x128xf32, #tpu.memory_space<vmem_shared>>
      tpu.wait_dma2 semaphore(%run_scoped3A : memref<!tpu.dma_semaphore, #tpu.memory_space<semaphore_mem>>) src(%dma_wait3A_37 : memref<128x128xf32, #tpu.memory_space<vmem_shared>>) dst(%arg9 : memref<128x128xf32, #tpu.memory_space<vmem>>)
      tpu.yield
    }) : () -> ()
    "tpu.region"() ({
      %run_scoped3A = tpu.sem_alloc : memref<!tpu.dma_semaphore, #tpu.memory_space<semaphore_mem>>
      %dma_start3A = arith.constant 0 : i32
      %dma_start3A_32 = tpu.memref_slice %arg6[%arg0, %add3A_23, %dma_start3A] : memref<2x10240x128xf32, #tpu.memory_space<hbm>> -> memref<1x128x128xf32, #tpu.memory_space<hbm>>
      %dma_start3A_33 = tpu.memref_squeeze %dma_start3A_32 : memref<1x128x128xf32, #tpu.memory_space<hbm>> -> memref<128x128xf32, #tpu.memory_space<hbm>>
      %dma_start3A_34 = arith.constant 0 : i32
      %dma_start3A_35 = tpu.memref_slice %arg6[%arg0, %add3A_23, %dma_start3A_34] : memref<2x10240x128xf32, #tpu.memory_space<hbm>> -> memref<1x128x128xf32, #tpu.memory_space<hbm>>
      %dma_start3A_36 = tpu.memref_squeeze %dma_start3A_35 : memref<1x128x128xf32, #tpu.memory_space<hbm>> -> memref<128x128xf32, #tpu.memory_space<hbm>>
      tpu.enqueue_dma source(%arg9 : memref<128x128xf32, #tpu.memory_space<vmem>>) target(%dma_start3A_36 : memref<128x128xf32, #tpu.memory_space<hbm>>) target_semaphore(%run_scoped3A : memref<!tpu.dma_semaphore, #tpu.memory_space<semaphore_mem>>)
      %dma_wait3A = arith.constant 0 : i32
      %dma_wait3A_37 = tpu.memref_slice %arg6[%arg0, %add3A_23, %dma_wait3A] : memref<2x10240x128xf32, #tpu.memory_space<hbm>> -> memref<1x128x128xf32, #tpu.memory_space<hbm>>
      %dma_wait3A_38 = tpu.memref_squeeze %dma_wait3A_37 : memref<1x128x128xf32, #tpu.memory_space<hbm>> -> memref<128x128xf32, #tpu.memory_space<hbm>>
      %dma_wait3A_39 = arith.constant 0 : i32
      %dma_wait3A_40 = tpu.memref_slice %arg6[%arg0, %add3A_23, %dma_wait3A_39] : memref<2x10240x128xf32, #tpu.memory_space<hbm>> -> memref<1x128x128xf32, #tpu.memory_space<hbm>>
      %dma_wait3A_41 = tpu.memref_squeeze %dma_wait3A_40 : memref<1x128x128xf32, #tpu.memory_space<hbm>> -> memref<128x128xf32, #tpu.memory_space<hbm>>
      tpu.wait_dma2 semaphore(%run_scoped3A : memref<!tpu.dma_semaphore, #tpu.memory_space<semaphore_mem>>) src(%arg9 : memref<128x128xf32, #tpu.memory_space<vmem>>) dst(%dma_wait3A_41 : memref<128x128xf32, #tpu.memory_space<hbm>>)
      tpu.yield
    }) : () -> ()
    %mul3A_24 = arith.constant 640 : i32
    %mul3A_25 = arith.muli %arg1, %mul3A_24 : i32
    %add3A_26 = arith.constant 384 : i32
    %add3A_27 = arith.addi %mul3A_25, %add3A_26 : i32
    "tpu.region"() ({
      %run_scoped3A = tpu.sem_alloc : memref<!tpu.dma_semaphore, #tpu.memory_space<semaphore_mem>>
      %dma_start3A = arith.constant 0 : i32
      %dma_start3A_32 = tpu.memref_slice %arg10[%add3A_27, %dma_start3A] : memref<10240x128xf32, #tpu.memory_space<vmem_shared>> -> memref<128x128xf32, #tpu.memory_space<vmem_shared>>
      %dma_start3A_33 = arith.constant 0 : i32
      %dma_start3A_34 = tpu.memref_slice %arg10[%add3A_27, %dma_start3A_33] : memref<10240x128xf32, #tpu.memory_space<vmem_shared>> -> memref<128x128xf32, #tpu.memory_space<vmem_shared>>
      tpu.enqueue_dma source(%dma_start3A_34 : memref<128x128xf32, #tpu.memory_space<vmem_shared>>) target(%arg9 : memref<128x128xf32, #tpu.memory_space<vmem>>) target_semaphore(%run_scoped3A : memref<!tpu.dma_semaphore, #tpu.memory_space<semaphore_mem>>)
      %dma_wait3A = arith.constant 0 : i32
      %dma_wait3A_35 = tpu.memref_slice %arg10[%add3A_27, %dma_wait3A] : memref<10240x128xf32, #tpu.memory_space<vmem_shared>> -> memref<128x128xf32, #tpu.memory_space<vmem_shared>>
      %dma_wait3A_36 = arith.constant 0 : i32
      %dma_wait3A_37 = tpu.memref_slice %arg10[%add3A_27, %dma_wait3A_36] : memref<10240x128xf32, #tpu.memory_space<vmem_shared>> -> memref<128x128xf32, #tpu.memory_space<vmem_shared>>
      tpu.wait_dma2 semaphore(%run_scoped3A : memref<!tpu.dma_semaphore, #tpu.memory_space<semaphore_mem>>) src(%dma_wait3A_37 : memref<128x128xf32, #tpu.memory_space<vmem_shared>>) dst(%arg9 : memref<128x128xf32, #tpu.memory_space<vmem>>)
      tpu.yield
    }) : () -> ()
    "tpu.region"() ({
      %run_scoped3A = tpu.sem_alloc : memref<!tpu.dma_semaphore, #tpu.memory_space<semaphore_mem>>
      %dma_start3A = arith.constant 0 : i32
      %dma_start3A_32 = tpu.memref_slice %arg6[%arg0, %add3A_27, %dma_start3A] : memref<2x10240x128xf32, #tpu.memory_space<hbm>> -> memref<1x128x128xf32, #tpu.memory_space<hbm>>
      %dma_start3A_33 = tpu.memref_squeeze %dma_start3A_32 : memref<1x128x128xf32, #tpu.memory_space<hbm>> -> memref<128x128xf32, #tpu.memory_space<hbm>>
      %dma_start3A_34 = arith.constant 0 : i32
      %dma_start3A_35 = tpu.memref_slice %arg6[%arg0, %add3A_27, %dma_start3A_34] : memref<2x10240x128xf32, #tpu.memory_space<hbm>> -> memref<1x128x128xf32, #tpu.memory_space<hbm>>
      %dma_start3A_36 = tpu.memref_squeeze %dma_start3A_35 : memref<1x128x128xf32, #tpu.memory_space<hbm>> -> memref<128x128xf32, #tpu.memory_space<hbm>>
      tpu.enqueue_dma source(%arg9 : memref<128x128xf32, #tpu.memory_space<vmem>>) target(%dma_start3A_36 : memref<128x128xf32, #tpu.memory_space<hbm>>) target_semaphore(%run_scoped3A : memref<!tpu.dma_semaphore, #tpu.memory_space<semaphore_mem>>)
      %dma_wait3A = arith.constant 0 : i32
      %dma_wait3A_37 = tpu.memref_slice %arg6[%arg0, %add3A_27, %dma_wait3A] : memref<2x10240x128xf32, #tpu.memory_space<hbm>> -> memref<1x128x128xf32, #tpu.memory_space<hbm>>
      %dma_wait3A_38 = tpu.memref_squeeze %dma_wait3A_37 : memref<1x128x128xf32, #tpu.memory_space<hbm>> -> memref<128x128xf32, #tpu.memory_space<hbm>>
      %dma_wait3A_39 = arith.constant 0 : i32
      %dma_wait3A_40 = tpu.memref_slice %arg6[%arg0, %add3A_27, %dma_wait3A_39] : memref<2x10240x128xf32, #tpu.memory_space<hbm>> -> memref<1x128x128xf32, #tpu.memory_space<hbm>>
      %dma_wait3A_41 = tpu.memref_squeeze %dma_wait3A_40 : memref<1x128x128xf32, #tpu.memory_space<hbm>> -> memref<128x128xf32, #tpu.memory_space<hbm>>
      tpu.wait_dma2 semaphore(%run_scoped3A : memref<!tpu.dma_semaphore, #tpu.memory_space<semaphore_mem>>) src(%arg9 : memref<128x128xf32, #tpu.memory_space<vmem>>) dst(%dma_wait3A_41 : memref<128x128xf32, #tpu.memory_space<hbm>>)
      tpu.yield
    }) : () -> ()
    %mul3A_28 = arith.constant 640 : i32
    %mul3A_29 = arith.muli %arg1, %mul3A_28 : i32
    %add3A_30 = arith.constant 512 : i32
    %add3A_31 = arith.addi %mul3A_29, %add3A_30 : i32
    "tpu.region"() ({
      %run_scoped3A = tpu.sem_alloc : memref<!tpu.dma_semaphore, #tpu.memory_space<semaphore_mem>>
      %dma_start3A = arith.constant 0 : i32
      %dma_start3A_32 = tpu.memref_slice %arg10[%add3A_31, %dma_start3A] : memref<10240x128xf32, #tpu.memory_space<vmem_shared>> -> memref<128x128xf32, #tpu.memory_space<vmem_shared>>
      %dma_start3A_33 = arith.constant 0 : i32
      %dma_start3A_34 = tpu.memref_slice %arg10[%add3A_31, %dma_start3A_33] : memref<10240x128xf32, #tpu.memory_space<vmem_shared>> -> memref<128x128xf32, #tpu.memory_space<vmem_shared>>
      tpu.enqueue_dma source(%dma_start3A_34 : memref<128x128xf32, #tpu.memory_space<vmem_shared>>) target(%arg9 : memref<128x128xf32, #tpu.memory_space<vmem>>) target_semaphore(%run_scoped3A : memref<!tpu.dma_semaphore, #tpu.memory_space<semaphore_mem>>)
      %dma_wait3A = arith.constant 0 : i32
      %dma_wait3A_35 = tpu.memref_slice %arg10[%add3A_31, %dma_wait3A] : memref<10240x128xf32, #tpu.memory_space<vmem_shared>> -> memref<128x128xf32, #tpu.memory_space<vmem_shared>>
      %dma_wait3A_36 = arith.constant 0 : i32
      %dma_wait3A_37 = tpu.memref_slice %arg10[%add3A_31, %dma_wait3A_36] : memref<10240x128xf32, #tpu.memory_space<vmem_shared>> -> memref<128x128xf32, #tpu.memory_space<vmem_shared>>
      tpu.wait_dma2 semaphore(%run_scoped3A : memref<!tpu.dma_semaphore, #tpu.memory_space<semaphore_mem>>) src(%dma_wait3A_37 : memref<128x128xf32, #tpu.memory_space<vmem_shared>>) dst(%arg9 : memref<128x128xf32, #tpu.memory_space<vmem>>)
      tpu.yield
    }) : () -> ()
    "tpu.region"() ({
      %run_scoped3A = tpu.sem_alloc : memref<!tpu.dma_semaphore, #tpu.memory_space<semaphore_mem>>
      %dma_start3A = arith.constant 0 : i32
      %dma_start3A_32 = tpu.memref_slice %arg6[%arg0, %add3A_31, %dma_start3A] : memref<2x10240x128xf32, #tpu.memory_space<hbm>> -> memref<1x128x128xf32, #tpu.memory_space<hbm>>
      %dma_start3A_33 = tpu.memref_squeeze %dma_start3A_32 : memref<1x128x128xf32, #tpu.memory_space<hbm>> -> memref<128x128xf32, #tpu.memory_space<hbm>>
      %dma_start3A_34 = arith.constant 0 : i32
      %dma_start3A_35 = tpu.memref_slice %arg6[%arg0, %add3A_31, %dma_start3A_34] : memref<2x10240x128xf32, #tpu.memory_space<hbm>> -> memref<1x128x128xf32, #tpu.memory_space<hbm>>
      %dma_start3A_36 = tpu.memref_squeeze %dma_start3A_35 : memref<1x128x128xf32, #tpu.memory_space<hbm>> -> memref<128x128xf32, #tpu.memory_space<hbm>>
      tpu.enqueue_dma source(%arg9 : memref<128x128xf32, #tpu.memory_space<vmem>>) target(%dma_start3A_36 : memref<128x128xf32, #tpu.memory_space<hbm>>) target_semaphore(%run_scoped3A : memref<!tpu.dma_semaphore, #tpu.memory_space<semaphore_mem>>)
      %dma_wait3A = arith.constant 0 : i32
      %dma_wait3A_37 = tpu.memref_slice %arg6[%arg0, %add3A_31, %dma_wait3A] : memref<2x10240x128xf32, #tpu.memory_space<hbm>> -> memref<1x128x128xf32, #tpu.memory_space<hbm>>
      %dma_wait3A_38 = tpu.memref_squeeze %dma_wait3A_37 : memref<1x128x128xf32, #tpu.memory_space<hbm>> -> memref<128x128xf32, #tpu.memory_space<hbm>>
      %dma_wait3A_39 = arith.constant 0 : i32
      %dma_wait3A_40 = tpu.memref_slice %arg6[%arg0, %add3A_31, %dma_wait3A_39] : memref<2x10240x128xf32, #tpu.memory_space<hbm>> -> memref<1x128x128xf32, #tpu.memory_space<hbm>>
      %dma_wait3A_41 = tpu.memref_squeeze %dma_wait3A_40 : memref<1x128x128xf32, #tpu.memory_space<hbm>> -> memref<128x128xf32, #tpu.memory_space<hbm>>
      tpu.wait_dma2 semaphore(%run_scoped3A : memref<!tpu.dma_semaphore, #tpu.memory_space<semaphore_mem>>) src(%arg9 : memref<128x128xf32, #tpu.memory_space<vmem>>) dst(%dma_wait3A_41 : memref<128x128xf32, #tpu.memory_space<hbm>>)
      tpu.yield
    }) : () -> ()
    return
  }
}

#map = affine_map<(d0, d1) -> (0, 0)>
#map1 = affine_map<(d0, d1) -> (0)>
#map2 = affine_map<(d0, d1) -> (0, 0, 0)>
module attributes {stable_mosaic.version = 14 : i64} {
  func.func @_sc_agg(%arg0: i32, %arg1: i32, %arg2: memref<10000x128xf32, #tpu.memory_space<hbm>>, %arg3: memref<323584xi32, #tpu.memory_space<hbm>>, %arg4: memref<323584xi32, #tpu.memory_space<hbm>>, %arg5: memref<640x128xf32, #tpu.memory_space<hbm>>, %arg6: memref<2x10240x128xf32, #tpu.memory_space<hbm>>, %arg7: memref<128xi32, #tpu.memory_space<vmem>>, %arg8: memref<128xi32, #tpu.memory_space<vmem>>, %arg9: memref<128x128xf32, #tpu.memory_space<vmem>>, %arg10: memref<10240x128xf32, #tpu.memory_space<vmem_shared>>, %arg11: memref<!tpu.dma_semaphore, #tpu.memory_space<semaphore_mem>>) attributes {dimension_semantics = [#tpu.dimension_semantics<core_parallel>, #tpu.dimension_semantics<subcore_parallel>], iteration_bounds = array<i64: 2, 16>, scalar_prefetch = 0 : i64, scratch_operands = 5 : i64, tpu.core_type = #tpu.core_type<sc_vector_subcore>, window_params = [{transform_indices = #map}, {transform_indices = #map1}, {transform_indices = #map1}, {transform_indices = #map}, {transform_indices = #map2}]} {
    %mul3A = arith.constant 640 : i32
    %mul3A_0 = arith.muli %arg1, %mul3A : i32
    "tpu.region"() ({
      %run_scoped3A = tpu.sem_alloc : memref<!tpu.dma_semaphore, #tpu.memory_space<semaphore_mem>>
      %dma_start3A = arith.constant 0 : i32
      %dma_start3A_32 = tpu.memref_slice %arg10[%mul3A_0, %dma_start3A] : memref<10240x128xf32, #tpu.memory_space<vmem_shared>> -> memref<640x128xf32, #tpu.memory_space<vmem_shared>>
      tpu.enqueue_dma source(%arg5 : memref<640x128xf32, #tpu.memory_space<hbm>>) target(%dma_start3A_32 : memref<640x128xf32, #tpu.memory_space<vmem_shared>>) target_semaphore(%run_scoped3A : memref<!tpu.dma_semaphore, #tpu.memory_space<semaphore_mem>>)
      %dma_wait3A = arith.constant 0 : i32
      %dma_wait3A_33 = tpu.memref_slice %arg10[%mul3A_0, %dma_wait3A] : memref<10240x128xf32, #tpu.memory_space<vmem_shared>> -> memref<640x128xf32, #tpu.memory_space<vmem_shared>>
      tpu.wait_dma2 semaphore(%run_scoped3A : memref<!tpu.dma_semaphore, #tpu.memory_space<semaphore_mem>>) src(%arg5 : memref<640x128xf32, #tpu.memory_space<hbm>>) dst(%dma_wait3A_33 : memref<640x128xf32, #tpu.memory_space<vmem_shared>>)
      tpu.yield
    }) : () -> ()
    %barrier3A = arith.constant 0 : index
    tpu.barrier barrier_id(%barrier3A)
    %mul3A_1 = arith.constant 16 : i32
    %mul3A_2 = arith.muli %arg0, %mul3A_1 : i32
    %add3A = arith.addi %mul3A_2, %arg1 : i32
    %mul3A_3 = arith.constant 10112 : i32
    %mul3A_4 = arith.muli %add3A, %mul3A_3 : i32
    %scan3A = arith.constant 0 : i32
    %scan3A_5 = arith.constant 0 : i32
    %scan3A_6 = arith.constant 79 : i32
    %scan3A_7 = arith.addi %scan3A_5, %scan3A_6 : i32
    %scan3A_8 = arith.constant 1 : i32
    %scan3A_9 = scf.for %scan3A_32 = %scan3A_5 to %scan3A_7 step %scan3A_8 iter_args(%scan3A_33 = %scan3A) -> (i32)  : i32 {
      %mul3A_34 = arith.constant 128 : i32
      %mul3A_35 = arith.muli %scan3A_32, %mul3A_34 : i32
      %add3A_36 = arith.addi %mul3A_4, %mul3A_35 : i32
      "tpu.region"() ({
        %run_scoped3A = tpu.sem_alloc : memref<!tpu.dma_semaphore, #tpu.memory_space<semaphore_mem>>
        %dma_start3A_42 = tpu.memref_slice %arg3[%add3A_36] : memref<323584xi32, #tpu.memory_space<hbm>> -> memref<128xi32, #tpu.memory_space<hbm>>
        %dma_start3A_43 = tpu.memref_slice %arg3[%add3A_36] : memref<323584xi32, #tpu.memory_space<hbm>> -> memref<128xi32, #tpu.memory_space<hbm>>
        tpu.enqueue_dma source(%dma_start3A_43 : memref<128xi32, #tpu.memory_space<hbm>>) target(%arg7 : memref<128xi32, #tpu.memory_space<vmem>>) target_semaphore(%run_scoped3A : memref<!tpu.dma_semaphore, #tpu.memory_space<semaphore_mem>>)
        %dma_wait3A_44 = tpu.memref_slice %arg3[%add3A_36] : memref<323584xi32, #tpu.memory_space<hbm>> -> memref<128xi32, #tpu.memory_space<hbm>>
        %dma_wait3A_45 = tpu.memref_slice %arg3[%add3A_36] : memref<323584xi32, #tpu.memory_space<hbm>> -> memref<128xi32, #tpu.memory_space<hbm>>
        tpu.wait_dma2 semaphore(%run_scoped3A : memref<!tpu.dma_semaphore, #tpu.memory_space<semaphore_mem>>) src(%dma_wait3A_45 : memref<128xi32, #tpu.memory_space<hbm>>) dst(%arg7 : memref<128xi32, #tpu.memory_space<vmem>>)
        tpu.yield
      }) : () -> ()
      "tpu.region"() ({
        %run_scoped3A = tpu.sem_alloc : memref<!tpu.dma_semaphore, #tpu.memory_space<semaphore_mem>>
        %dma_start3A_42 = tpu.memref_slice %arg4[%add3A_36] : memref<323584xi32, #tpu.memory_space<hbm>> -> memref<128xi32, #tpu.memory_space<hbm>>
        %dma_start3A_43 = tpu.memref_slice %arg4[%add3A_36] : memref<323584xi32, #tpu.memory_space<hbm>> -> memref<128xi32, #tpu.memory_space<hbm>>
        tpu.enqueue_dma source(%dma_start3A_43 : memref<128xi32, #tpu.memory_space<hbm>>) target(%arg8 : memref<128xi32, #tpu.memory_space<vmem>>) target_semaphore(%run_scoped3A : memref<!tpu.dma_semaphore, #tpu.memory_space<semaphore_mem>>)
        %dma_wait3A_44 = tpu.memref_slice %arg4[%add3A_36] : memref<323584xi32, #tpu.memory_space<hbm>> -> memref<128xi32, #tpu.memory_space<hbm>>
        %dma_wait3A_45 = tpu.memref_slice %arg4[%add3A_36] : memref<323584xi32, #tpu.memory_space<hbm>> -> memref<128xi32, #tpu.memory_space<hbm>>
        tpu.wait_dma2 semaphore(%run_scoped3A : memref<!tpu.dma_semaphore, #tpu.memory_space<semaphore_mem>>) src(%dma_wait3A_45 : memref<128xi32, #tpu.memory_space<hbm>>) dst(%arg8 : memref<128xi32, #tpu.memory_space<vmem>>)
        tpu.yield
      }) : () -> ()
      %dma_start3A = arith.constant 0 : i32
      %dma_start3A_37 = arith.constant 0 : i32
      %dma_start3A_38 = tpu.memref_slice %arg2[%dma_start3A, %dma_start3A_37] : memref<10000x128xf32, #tpu.memory_space<hbm>> -> memref<10000x128xf32, #tpu.memory_space<hbm>>
      tpu.enqueue_indirect_dma source(%dma_start3A_38 : memref<10000x128xf32, #tpu.memory_space<hbm>>) target(%arg9 : memref<128x128xf32, #tpu.memory_space<vmem>>) offsets(%arg7 : memref<128xi32, #tpu.memory_space<vmem>>) semaphore(%arg11 : memref<!tpu.dma_semaphore, #tpu.memory_space<semaphore_mem>>)
      %dma_wait3A = arith.constant 0 : i32
      %dma_wait3A_39 = arith.constant 0 : i32
      %dma_wait3A_40 = tpu.memref_slice %arg2[%dma_wait3A, %dma_wait3A_39] : memref<10000x128xf32, #tpu.memory_space<hbm>> -> memref<10000x128xf32, #tpu.memory_space<hbm>>
      tpu.wait_indirect_dma semaphore(%arg11 : memref<!tpu.dma_semaphore, #tpu.memory_space<semaphore_mem>>) src(%dma_wait3A_40 : memref<10000x128xf32, #tpu.memory_space<hbm>>) dst(%arg9 : memref<128x128xf32, #tpu.memory_space<vmem>>)
      "tpu.region"() ({
        %run_scoped3A = tpu.sem_alloc : memref<!tpu.dma_semaphore, #tpu.memory_space<semaphore_mem>>
        %dma_start3A_42 = arith.constant 0 : i32
        %dma_start3A_43 = arith.constant 0 : i32
        %dma_start3A_44 = tpu.memref_slice %arg10[%dma_start3A_42, %dma_start3A_43] : memref<10240x128xf32, #tpu.memory_space<vmem_shared>> -> memref<10240x128xf32, #tpu.memory_space<vmem_shared>>
        tpu.enqueue_indirect_dma source(%arg9 : memref<128x128xf32, #tpu.memory_space<vmem>>) target(%dma_start3A_44 : memref<10240x128xf32, #tpu.memory_space<vmem_shared>>) offsets(%arg8 : memref<128xi32, #tpu.memory_space<vmem>>) semaphore(%run_scoped3A : memref<!tpu.dma_semaphore, #tpu.memory_space<semaphore_mem>>) {add = true}
        %dma_wait3A_45 = arith.constant 0 : i32
        %dma_wait3A_46 = arith.constant 0 : i32
        %dma_wait3A_47 = tpu.memref_slice %arg10[%dma_wait3A_45, %dma_wait3A_46] : memref<10240x128xf32, #tpu.memory_space<vmem_shared>> -> memref<10240x128xf32, #tpu.memory_space<vmem_shared>>
        tpu.wait_indirect_dma semaphore(%run_scoped3A : memref<!tpu.dma_semaphore, #tpu.memory_space<semaphore_mem>>) src(%arg9 : memref<128x128xf32, #tpu.memory_space<vmem>>) dst(%dma_wait3A_47 : memref<10240x128xf32, #tpu.memory_space<vmem_shared>>)
        tpu.yield
      }) : () -> ()
      %scan3A_41 = arith.constant 0 : i32
      scf.yield %scan3A_41 : i32
    }
    %scan3A_10 = arith.constant 79 : i32
    %barrier3A_11 = arith.constant 0 : index
    tpu.barrier barrier_id(%barrier3A_11)
    %mul3A_12 = arith.constant 640 : i32
    %mul3A_13 = arith.muli %arg1, %mul3A_12 : i32
    %add3A_14 = arith.constant 0 : i32
    %add3A_15 = arith.addi %mul3A_13, %add3A_14 : i32
    "tpu.region"() ({
      %run_scoped3A = tpu.sem_alloc : memref<!tpu.dma_semaphore, #tpu.memory_space<semaphore_mem>>
      %dma_start3A = arith.constant 0 : i32
      %dma_start3A_32 = tpu.memref_slice %arg10[%add3A_15, %dma_start3A] : memref<10240x128xf32, #tpu.memory_space<vmem_shared>> -> memref<128x128xf32, #tpu.memory_space<vmem_shared>>
      %dma_start3A_33 = arith.constant 0 : i32
      %dma_start3A_34 = tpu.memref_slice %arg10[%add3A_15, %dma_start3A_33] : memref<10240x128xf32, #tpu.memory_space<vmem_shared>> -> memref<128x128xf32, #tpu.memory_space<vmem_shared>>
      tpu.enqueue_dma source(%dma_start3A_34 : memref<128x128xf32, #tpu.memory_space<vmem_shared>>) target(%arg9 : memref<128x128xf32, #tpu.memory_space<vmem>>) target_semaphore(%run_scoped3A : memref<!tpu.dma_semaphore, #tpu.memory_space<semaphore_mem>>)
      %dma_wait3A = arith.constant 0 : i32
      %dma_wait3A_35 = tpu.memref_slice %arg10[%add3A_15, %dma_wait3A] : memref<10240x128xf32, #tpu.memory_space<vmem_shared>> -> memref<128x128xf32, #tpu.memory_space<vmem_shared>>
      %dma_wait3A_36 = arith.constant 0 : i32
      %dma_wait3A_37 = tpu.memref_slice %arg10[%add3A_15, %dma_wait3A_36] : memref<10240x128xf32, #tpu.memory_space<vmem_shared>> -> memref<128x128xf32, #tpu.memory_space<vmem_shared>>
      tpu.wait_dma2 semaphore(%run_scoped3A : memref<!tpu.dma_semaphore, #tpu.memory_space<semaphore_mem>>) src(%dma_wait3A_37 : memref<128x128xf32, #tpu.memory_space<vmem_shared>>) dst(%arg9 : memref<128x128xf32, #tpu.memory_space<vmem>>)
      tpu.yield
    }) : () -> ()
    "tpu.region"() ({
      %run_scoped3A = tpu.sem_alloc : memref<!tpu.dma_semaphore, #tpu.memory_space<semaphore_mem>>
      %dma_start3A = arith.constant 0 : i32
      %dma_start3A_32 = tpu.memref_slice %arg6[%arg0, %add3A_15, %dma_start3A] : memref<2x10240x128xf32, #tpu.memory_space<hbm>> -> memref<1x128x128xf32, #tpu.memory_space<hbm>>
      %dma_start3A_33 = tpu.memref_squeeze %dma_start3A_32 : memref<1x128x128xf32, #tpu.memory_space<hbm>> -> memref<128x128xf32, #tpu.memory_space<hbm>>
      %dma_start3A_34 = arith.constant 0 : i32
      %dma_start3A_35 = tpu.memref_slice %arg6[%arg0, %add3A_15, %dma_start3A_34] : memref<2x10240x128xf32, #tpu.memory_space<hbm>> -> memref<1x128x128xf32, #tpu.memory_space<hbm>>
      %dma_start3A_36 = tpu.memref_squeeze %dma_start3A_35 : memref<1x128x128xf32, #tpu.memory_space<hbm>> -> memref<128x128xf32, #tpu.memory_space<hbm>>
      tpu.enqueue_dma source(%arg9 : memref<128x128xf32, #tpu.memory_space<vmem>>) target(%dma_start3A_36 : memref<128x128xf32, #tpu.memory_space<hbm>>) target_semaphore(%run_scoped3A : memref<!tpu.dma_semaphore, #tpu.memory_space<semaphore_mem>>)
      %dma_wait3A = arith.constant 0 : i32
      %dma_wait3A_37 = tpu.memref_slice %arg6[%arg0, %add3A_15, %dma_wait3A] : memref<2x10240x128xf32, #tpu.memory_space<hbm>> -> memref<1x128x128xf32, #tpu.memory_space<hbm>>
      %dma_wait3A_38 = tpu.memref_squeeze %dma_wait3A_37 : memref<1x128x128xf32, #tpu.memory_space<hbm>> -> memref<128x128xf32, #tpu.memory_space<hbm>>
      %dma_wait3A_39 = arith.constant 0 : i32
      %dma_wait3A_40 = tpu.memref_slice %arg6[%arg0, %add3A_15, %dma_wait3A_39] : memref<2x10240x128xf32, #tpu.memory_space<hbm>> -> memref<1x128x128xf32, #tpu.memory_space<hbm>>
      %dma_wait3A_41 = tpu.memref_squeeze %dma_wait3A_40 : memref<1x128x128xf32, #tpu.memory_space<hbm>> -> memref<128x128xf32, #tpu.memory_space<hbm>>
      tpu.wait_dma2 semaphore(%run_scoped3A : memref<!tpu.dma_semaphore, #tpu.memory_space<semaphore_mem>>) src(%arg9 : memref<128x128xf32, #tpu.memory_space<vmem>>) dst(%dma_wait3A_41 : memref<128x128xf32, #tpu.memory_space<hbm>>)
      tpu.yield
    }) : () -> ()
    %mul3A_16 = arith.constant 640 : i32
    %mul3A_17 = arith.muli %arg1, %mul3A_16 : i32
    %add3A_18 = arith.constant 128 : i32
    %add3A_19 = arith.addi %mul3A_17, %add3A_18 : i32
    "tpu.region"() ({
      %run_scoped3A = tpu.sem_alloc : memref<!tpu.dma_semaphore, #tpu.memory_space<semaphore_mem>>
      %dma_start3A = arith.constant 0 : i32
      %dma_start3A_32 = tpu.memref_slice %arg10[%add3A_19, %dma_start3A] : memref<10240x128xf32, #tpu.memory_space<vmem_shared>> -> memref<128x128xf32, #tpu.memory_space<vmem_shared>>
      %dma_start3A_33 = arith.constant 0 : i32
      %dma_start3A_34 = tpu.memref_slice %arg10[%add3A_19, %dma_start3A_33] : memref<10240x128xf32, #tpu.memory_space<vmem_shared>> -> memref<128x128xf32, #tpu.memory_space<vmem_shared>>
      tpu.enqueue_dma source(%dma_start3A_34 : memref<128x128xf32, #tpu.memory_space<vmem_shared>>) target(%arg9 : memref<128x128xf32, #tpu.memory_space<vmem>>) target_semaphore(%run_scoped3A : memref<!tpu.dma_semaphore, #tpu.memory_space<semaphore_mem>>)
      %dma_wait3A = arith.constant 0 : i32
      %dma_wait3A_35 = tpu.memref_slice %arg10[%add3A_19, %dma_wait3A] : memref<10240x128xf32, #tpu.memory_space<vmem_shared>> -> memref<128x128xf32, #tpu.memory_space<vmem_shared>>
      %dma_wait3A_36 = arith.constant 0 : i32
      %dma_wait3A_37 = tpu.memref_slice %arg10[%add3A_19, %dma_wait3A_36] : memref<10240x128xf32, #tpu.memory_space<vmem_shared>> -> memref<128x128xf32, #tpu.memory_space<vmem_shared>>
      tpu.wait_dma2 semaphore(%run_scoped3A : memref<!tpu.dma_semaphore, #tpu.memory_space<semaphore_mem>>) src(%dma_wait3A_37 : memref<128x128xf32, #tpu.memory_space<vmem_shared>>) dst(%arg9 : memref<128x128xf32, #tpu.memory_space<vmem>>)
      tpu.yield
    }) : () -> ()
    "tpu.region"() ({
      %run_scoped3A = tpu.sem_alloc : memref<!tpu.dma_semaphore, #tpu.memory_space<semaphore_mem>>
      %dma_start3A = arith.constant 0 : i32
      %dma_start3A_32 = tpu.memref_slice %arg6[%arg0, %add3A_19, %dma_start3A] : memref<2x10240x128xf32, #tpu.memory_space<hbm>> -> memref<1x128x128xf32, #tpu.memory_space<hbm>>
      %dma_start3A_33 = tpu.memref_squeeze %dma_start3A_32 : memref<1x128x128xf32, #tpu.memory_space<hbm>> -> memref<128x128xf32, #tpu.memory_space<hbm>>
      %dma_start3A_34 = arith.constant 0 : i32
      %dma_start3A_35 = tpu.memref_slice %arg6[%arg0, %add3A_19, %dma_start3A_34] : memref<2x10240x128xf32, #tpu.memory_space<hbm>> -> memref<1x128x128xf32, #tpu.memory_space<hbm>>
      %dma_start3A_36 = tpu.memref_squeeze %dma_start3A_35 : memref<1x128x128xf32, #tpu.memory_space<hbm>> -> memref<128x128xf32, #tpu.memory_space<hbm>>
      tpu.enqueue_dma source(%arg9 : memref<128x128xf32, #tpu.memory_space<vmem>>) target(%dma_start3A_36 : memref<128x128xf32, #tpu.memory_space<hbm>>) target_semaphore(%run_scoped3A : memref<!tpu.dma_semaphore, #tpu.memory_space<semaphore_mem>>)
      %dma_wait3A = arith.constant 0 : i32
      %dma_wait3A_37 = tpu.memref_slice %arg6[%arg0, %add3A_19, %dma_wait3A] : memref<2x10240x128xf32, #tpu.memory_space<hbm>> -> memref<1x128x128xf32, #tpu.memory_space<hbm>>
      %dma_wait3A_38 = tpu.memref_squeeze %dma_wait3A_37 : memref<1x128x128xf32, #tpu.memory_space<hbm>> -> memref<128x128xf32, #tpu.memory_space<hbm>>
      %dma_wait3A_39 = arith.constant 0 : i32
      %dma_wait3A_40 = tpu.memref_slice %arg6[%arg0, %add3A_19, %dma_wait3A_39] : memref<2x10240x128xf32, #tpu.memory_space<hbm>> -> memref<1x128x128xf32, #tpu.memory_space<hbm>>
      %dma_wait3A_41 = tpu.memref_squeeze %dma_wait3A_40 : memref<1x128x128xf32, #tpu.memory_space<hbm>> -> memref<128x128xf32, #tpu.memory_space<hbm>>
      tpu.wait_dma2 semaphore(%run_scoped3A : memref<!tpu.dma_semaphore, #tpu.memory_space<semaphore_mem>>) src(%arg9 : memref<128x128xf32, #tpu.memory_space<vmem>>) dst(%dma_wait3A_41 : memref<128x128xf32, #tpu.memory_space<hbm>>)
      tpu.yield
    }) : () -> ()
    %mul3A_20 = arith.constant 640 : i32
    %mul3A_21 = arith.muli %arg1, %mul3A_20 : i32
    %add3A_22 = arith.constant 256 : i32
    %add3A_23 = arith.addi %mul3A_21, %add3A_22 : i32
    "tpu.region"() ({
      %run_scoped3A = tpu.sem_alloc : memref<!tpu.dma_semaphore, #tpu.memory_space<semaphore_mem>>
      %dma_start3A = arith.constant 0 : i32
      %dma_start3A_32 = tpu.memref_slice %arg10[%add3A_23, %dma_start3A] : memref<10240x128xf32, #tpu.memory_space<vmem_shared>> -> memref<128x128xf32, #tpu.memory_space<vmem_shared>>
      %dma_start3A_33 = arith.constant 0 : i32
      %dma_start3A_34 = tpu.memref_slice %arg10[%add3A_23, %dma_start3A_33] : memref<10240x128xf32, #tpu.memory_space<vmem_shared>> -> memref<128x128xf32, #tpu.memory_space<vmem_shared>>
      tpu.enqueue_dma source(%dma_start3A_34 : memref<128x128xf32, #tpu.memory_space<vmem_shared>>) target(%arg9 : memref<128x128xf32, #tpu.memory_space<vmem>>) target_semaphore(%run_scoped3A : memref<!tpu.dma_semaphore, #tpu.memory_space<semaphore_mem>>)
      %dma_wait3A = arith.constant 0 : i32
      %dma_wait3A_35 = tpu.memref_slice %arg10[%add3A_23, %dma_wait3A] : memref<10240x128xf32, #tpu.memory_space<vmem_shared>> -> memref<128x128xf32, #tpu.memory_space<vmem_shared>>
      %dma_wait3A_36 = arith.constant 0 : i32
      %dma_wait3A_37 = tpu.memref_slice %arg10[%add3A_23, %dma_wait3A_36] : memref<10240x128xf32, #tpu.memory_space<vmem_shared>> -> memref<128x128xf32, #tpu.memory_space<vmem_shared>>
      tpu.wait_dma2 semaphore(%run_scoped3A : memref<!tpu.dma_semaphore, #tpu.memory_space<semaphore_mem>>) src(%dma_wait3A_37 : memref<128x128xf32, #tpu.memory_space<vmem_shared>>) dst(%arg9 : memref<128x128xf32, #tpu.memory_space<vmem>>)
      tpu.yield
    }) : () -> ()
    "tpu.region"() ({
      %run_scoped3A = tpu.sem_alloc : memref<!tpu.dma_semaphore, #tpu.memory_space<semaphore_mem>>
      %dma_start3A = arith.constant 0 : i32
      %dma_start3A_32 = tpu.memref_slice %arg6[%arg0, %add3A_23, %dma_start3A] : memref<2x10240x128xf32, #tpu.memory_space<hbm>> -> memref<1x128x128xf32, #tpu.memory_space<hbm>>
      %dma_start3A_33 = tpu.memref_squeeze %dma_start3A_32 : memref<1x128x128xf32, #tpu.memory_space<hbm>> -> memref<128x128xf32, #tpu.memory_space<hbm>>
      %dma_start3A_34 = arith.constant 0 : i32
      %dma_start3A_35 = tpu.memref_slice %arg6[%arg0, %add3A_23, %dma_start3A_34] : memref<2x10240x128xf32, #tpu.memory_space<hbm>> -> memref<1x128x128xf32, #tpu.memory_space<hbm>>
      %dma_start3A_36 = tpu.memref_squeeze %dma_start3A_35 : memref<1x128x128xf32, #tpu.memory_space<hbm>> -> memref<128x128xf32, #tpu.memory_space<hbm>>
      tpu.enqueue_dma source(%arg9 : memref<128x128xf32, #tpu.memory_space<vmem>>) target(%dma_start3A_36 : memref<128x128xf32, #tpu.memory_space<hbm>>) target_semaphore(%run_scoped3A : memref<!tpu.dma_semaphore, #tpu.memory_space<semaphore_mem>>)
      %dma_wait3A = arith.constant 0 : i32
      %dma_wait3A_37 = tpu.memref_slice %arg6[%arg0, %add3A_23, %dma_wait3A] : memref<2x10240x128xf32, #tpu.memory_space<hbm>> -> memref<1x128x128xf32, #tpu.memory_space<hbm>>
      %dma_wait3A_38 = tpu.memref_squeeze %dma_wait3A_37 : memref<1x128x128xf32, #tpu.memory_space<hbm>> -> memref<128x128xf32, #tpu.memory_space<hbm>>
      %dma_wait3A_39 = arith.constant 0 : i32
      %dma_wait3A_40 = tpu.memref_slice %arg6[%arg0, %add3A_23, %dma_wait3A_39] : memref<2x10240x128xf32, #tpu.memory_space<hbm>> -> memref<1x128x128xf32, #tpu.memory_space<hbm>>
      %dma_wait3A_41 = tpu.memref_squeeze %dma_wait3A_40 : memref<1x128x128xf32, #tpu.memory_space<hbm>> -> memref<128x128xf32, #tpu.memory_space<hbm>>
      tpu.wait_dma2 semaphore(%run_scoped3A : memref<!tpu.dma_semaphore, #tpu.memory_space<semaphore_mem>>) src(%arg9 : memref<128x128xf32, #tpu.memory_space<vmem>>) dst(%dma_wait3A_41 : memref<128x128xf32, #tpu.memory_space<hbm>>)
      tpu.yield
    }) : () -> ()
    %mul3A_24 = arith.constant 640 : i32
    %mul3A_25 = arith.muli %arg1, %mul3A_24 : i32
    %add3A_26 = arith.constant 384 : i32
    %add3A_27 = arith.addi %mul3A_25, %add3A_26 : i32
    "tpu.region"() ({
      %run_scoped3A = tpu.sem_alloc : memref<!tpu.dma_semaphore, #tpu.memory_space<semaphore_mem>>
      %dma_start3A = arith.constant 0 : i32
      %dma_start3A_32 = tpu.memref_slice %arg10[%add3A_27, %dma_start3A] : memref<10240x128xf32, #tpu.memory_space<vmem_shared>> -> memref<128x128xf32, #tpu.memory_space<vmem_shared>>
      %dma_start3A_33 = arith.constant 0 : i32
      %dma_start3A_34 = tpu.memref_slice %arg10[%add3A_27, %dma_start3A_33] : memref<10240x128xf32, #tpu.memory_space<vmem_shared>> -> memref<128x128xf32, #tpu.memory_space<vmem_shared>>
      tpu.enqueue_dma source(%dma_start3A_34 : memref<128x128xf32, #tpu.memory_space<vmem_shared>>) target(%arg9 : memref<128x128xf32, #tpu.memory_space<vmem>>) target_semaphore(%run_scoped3A : memref<!tpu.dma_semaphore, #tpu.memory_space<semaphore_mem>>)
      %dma_wait3A = arith.constant 0 : i32
      %dma_wait3A_35 = tpu.memref_slice %arg10[%add3A_27, %dma_wait3A] : memref<10240x128xf32, #tpu.memory_space<vmem_shared>> -> memref<128x128xf32, #tpu.memory_space<vmem_shared>>
      %dma_wait3A_36 = arith.constant 0 : i32
      %dma_wait3A_37 = tpu.memref_slice %arg10[%add3A_27, %dma_wait3A_36] : memref<10240x128xf32, #tpu.memory_space<vmem_shared>> -> memref<128x128xf32, #tpu.memory_space<vmem_shared>>
      tpu.wait_dma2 semaphore(%run_scoped3A : memref<!tpu.dma_semaphore, #tpu.memory_space<semaphore_mem>>) src(%dma_wait3A_37 : memref<128x128xf32, #tpu.memory_space<vmem_shared>>) dst(%arg9 : memref<128x128xf32, #tpu.memory_space<vmem>>)
      tpu.yield
    }) : () -> ()
    "tpu.region"() ({
      %run_scoped3A = tpu.sem_alloc : memref<!tpu.dma_semaphore, #tpu.memory_space<semaphore_mem>>
      %dma_start3A = arith.constant 0 : i32
      %dma_start3A_32 = tpu.memref_slice %arg6[%arg0, %add3A_27, %dma_start3A] : memref<2x10240x128xf32, #tpu.memory_space<hbm>> -> memref<1x128x128xf32, #tpu.memory_space<hbm>>
      %dma_start3A_33 = tpu.memref_squeeze %dma_start3A_32 : memref<1x128x128xf32, #tpu.memory_space<hbm>> -> memref<128x128xf32, #tpu.memory_space<hbm>>
      %dma_start3A_34 = arith.constant 0 : i32
      %dma_start3A_35 = tpu.memref_slice %arg6[%arg0, %add3A_27, %dma_start3A_34] : memref<2x10240x128xf32, #tpu.memory_space<hbm>> -> memref<1x128x128xf32, #tpu.memory_space<hbm>>
      %dma_start3A_36 = tpu.memref_squeeze %dma_start3A_35 : memref<1x128x128xf32, #tpu.memory_space<hbm>> -> memref<128x128xf32, #tpu.memory_space<hbm>>
      tpu.enqueue_dma source(%arg9 : memref<128x128xf32, #tpu.memory_space<vmem>>) target(%dma_start3A_36 : memref<128x128xf32, #tpu.memory_space<hbm>>) target_semaphore(%run_scoped3A : memref<!tpu.dma_semaphore, #tpu.memory_space<semaphore_mem>>)
      %dma_wait3A = arith.constant 0 : i32
      %dma_wait3A_37 = tpu.memref_slice %arg6[%arg0, %add3A_27, %dma_wait3A] : memref<2x10240x128xf32, #tpu.memory_space<hbm>> -> memref<1x128x128xf32, #tpu.memory_space<hbm>>
      %dma_wait3A_38 = tpu.memref_squeeze %dma_wait3A_37 : memref<1x128x128xf32, #tpu.memory_space<hbm>> -> memref<128x128xf32, #tpu.memory_space<hbm>>
      %dma_wait3A_39 = arith.constant 0 : i32
      %dma_wait3A_40 = tpu.memref_slice %arg6[%arg0, %add3A_27, %dma_wait3A_39] : memref<2x10240x128xf32, #tpu.memory_space<hbm>> -> memref<1x128x128xf32, #tpu.memory_space<hbm>>
      %dma_wait3A_41 = tpu.memref_squeeze %dma_wait3A_40 : memref<1x128x128xf32, #tpu.memory_space<hbm>> -> memref<128x128xf32, #tpu.memory_space<hbm>>
      tpu.wait_dma2 semaphore(%run_scoped3A : memref<!tpu.dma_semaphore, #tpu.memory_space<semaphore_mem>>) src(%arg9 : memref<128x128xf32, #tpu.memory_space<vmem>>) dst(%dma_wait3A_41 : memref<128x128xf32, #tpu.memory_space<hbm>>)
      tpu.yield
    }) : () -> ()
    %mul3A_28 = arith.constant 640 : i32
    %mul3A_29 = arith.muli %arg1, %mul3A_28 : i32
    %add3A_30 = arith.constant 512 : i32
    %add3A_31 = arith.addi %mul3A_29, %add3A_30 : i32
    "tpu.region"() ({
      %run_scoped3A = tpu.sem_alloc : memref<!tpu.dma_semaphore, #tpu.memory_space<semaphore_mem>>
      %dma_start3A = arith.constant 0 : i32
      %dma_start3A_32 = tpu.memref_slice %arg10[%add3A_31, %dma_start3A] : memref<10240x128xf32, #tpu.memory_space<vmem_shared>> -> memref<128x128xf32, #tpu.memory_space<vmem_shared>>
      %dma_start3A_33 = arith.constant 0 : i32
      %dma_start3A_34 = tpu.memref_slice %arg10[%add3A_31, %dma_start3A_33] : memref<10240x128xf32, #tpu.memory_space<vmem_shared>> -> memref<128x128xf32, #tpu.memory_space<vmem_shared>>
      tpu.enqueue_dma source(%dma_start3A_34 : memref<128x128xf32, #tpu.memory_space<vmem_shared>>) target(%arg9 : memref<128x128xf32, #tpu.memory_space<vmem>>) target_semaphore(%run_scoped3A : memref<!tpu.dma_semaphore, #tpu.memory_space<semaphore_mem>>)
      %dma_wait3A = arith.constant 0 : i32
      %dma_wait3A_35 = tpu.memref_slice %arg10[%add3A_31, %dma_wait3A] : memref<10240x128xf32, #tpu.memory_space<vmem_shared>> -> memref<128x128xf32, #tpu.memory_space<vmem_shared>>
      %dma_wait3A_36 = arith.constant 0 : i32
      %dma_wait3A_37 = tpu.memref_slice %arg10[%add3A_31, %dma_wait3A_36] : memref<10240x128xf32, #tpu.memory_space<vmem_shared>> -> memref<128x128xf32, #tpu.memory_space<vmem_shared>>
      tpu.wait_dma2 semaphore(%run_scoped3A : memref<!tpu.dma_semaphore, #tpu.memory_space<semaphore_mem>>) src(%dma_wait3A_37 : memref<128x128xf32, #tpu.memory_space<vmem_shared>>) dst(%arg9 : memref<128x128xf32, #tpu.memory_space<vmem>>)
      tpu.yield
    }) : () -> ()
    "tpu.region"() ({
      %run_scoped3A = tpu.sem_alloc : memref<!tpu.dma_semaphore, #tpu.memory_space<semaphore_mem>>
      %dma_start3A = arith.constant 0 : i32
      %dma_start3A_32 = tpu.memref_slice %arg6[%arg0, %add3A_31, %dma_start3A] : memref<2x10240x128xf32, #tpu.memory_space<hbm>> -> memref<1x128x128xf32, #tpu.memory_space<hbm>>
      %dma_start3A_33 = tpu.memref_squeeze %dma_start3A_32 : memref<1x128x128xf32, #tpu.memory_space<hbm>> -> memref<128x128xf32, #tpu.memory_space<hbm>>
      %dma_start3A_34 = arith.constant 0 : i32
      %dma_start3A_35 = tpu.memref_slice %arg6[%arg0, %add3A_31, %dma_start3A_34] : memref<2x10240x128xf32, #tpu.memory_space<hbm>> -> memref<1x128x128xf32, #tpu.memory_space<hbm>>
      %dma_start3A_36 = tpu.memref_squeeze %dma_start3A_35 : memref<1x128x128xf32, #tpu.memory_space<hbm>> -> memref<128x128xf32, #tpu.memory_space<hbm>>
      tpu.enqueue_dma source(%arg9 : memref<128x128xf32, #tpu.memory_space<vmem>>) target(%dma_start3A_36 : memref<128x128xf32, #tpu.memory_space<hbm>>) target_semaphore(%run_scoped3A : memref<!tpu.dma_semaphore, #tpu.memory_space<semaphore_mem>>)
      %dma_wait3A = arith.constant 0 : i32
      %dma_wait3A_37 = tpu.memref_slice %arg6[%arg0, %add3A_31, %dma_wait3A] : memref<2x10240x128xf32, #tpu.memory_space<hbm>> -> memref<1x128x128xf32, #tpu.memory_space<hbm>>
      %dma_wait3A_38 = tpu.memref_squeeze %dma_wait3A_37 : memref<1x128x128xf32, #tpu.memory_space<hbm>> -> memref<128x128xf32, #tpu.memory_space<hbm>>
      %dma_wait3A_39 = arith.constant 0 : i32
      %dma_wait3A_40 = tpu.memref_slice %arg6[%arg0, %add3A_31, %dma_wait3A_39] : memref<2x10240x128xf32, #tpu.memory_space<hbm>> -> memref<1x128x128xf32, #tpu.memory_space<hbm>>
      %dma_wait3A_41 = tpu.memref_squeeze %dma_wait3A_40 : memref<1x128x128xf32, #tpu.memory_space<hbm>> -> memref<128x128xf32, #tpu.memory_space<hbm>>
      tpu.wait_dma2 semaphore(%run_scoped3A : memref<!tpu.dma_semaphore, #tpu.memory_space<semaphore_mem>>) src(%arg9 : memref<128x128xf32, #tpu.memory_space<vmem>>) dst(%dma_wait3A_41 : memref<128x128xf32, #tpu.memory_space<hbm>>)
      tpu.yield
    }) : () -> ()
    return
  }
}

#map = affine_map<(d0, d1) -> (0, 0)>
#map1 = affine_map<(d0, d1) -> (0)>
#map2 = affine_map<(d0, d1) -> (0, 0, 0)>
module attributes {stable_mosaic.version = 14 : i64} {
  func.func @_sc_agg(%arg0: i32, %arg1: i32, %arg2: memref<10000x128xf32, #tpu.memory_space<hbm>>, %arg3: memref<323584xi32, #tpu.memory_space<hbm>>, %arg4: memref<323584xi32, #tpu.memory_space<hbm>>, %arg5: memref<640x128xf32, #tpu.memory_space<hbm>>, %arg6: memref<2x10240x128xf32, #tpu.memory_space<hbm>>, %arg7: memref<128xi32, #tpu.memory_space<vmem>>, %arg8: memref<128xi32, #tpu.memory_space<vmem>>, %arg9: memref<128x128xf32, #tpu.memory_space<vmem>>, %arg10: memref<10240x128xf32, #tpu.memory_space<vmem_shared>>, %arg11: memref<!tpu.dma_semaphore, #tpu.memory_space<semaphore_mem>>) attributes {dimension_semantics = [#tpu.dimension_semantics<core_parallel>, #tpu.dimension_semantics<subcore_parallel>], iteration_bounds = array<i64: 2, 16>, scalar_prefetch = 0 : i64, scratch_operands = 5 : i64, tpu.core_type = #tpu.core_type<sc_vector_subcore>, window_params = [{transform_indices = #map}, {transform_indices = #map1}, {transform_indices = #map1}, {transform_indices = #map}, {transform_indices = #map2}]} {
    %mul3A = arith.constant 640 : i32
    %mul3A_0 = arith.muli %arg1, %mul3A : i32
    "tpu.region"() ({
      %run_scoped3A = tpu.sem_alloc : memref<!tpu.dma_semaphore, #tpu.memory_space<semaphore_mem>>
      %dma_start3A = arith.constant 0 : i32
      %dma_start3A_32 = tpu.memref_slice %arg10[%mul3A_0, %dma_start3A] : memref<10240x128xf32, #tpu.memory_space<vmem_shared>> -> memref<640x128xf32, #tpu.memory_space<vmem_shared>>
      tpu.enqueue_dma source(%arg5 : memref<640x128xf32, #tpu.memory_space<hbm>>) target(%dma_start3A_32 : memref<640x128xf32, #tpu.memory_space<vmem_shared>>) target_semaphore(%run_scoped3A : memref<!tpu.dma_semaphore, #tpu.memory_space<semaphore_mem>>)
      %dma_wait3A = arith.constant 0 : i32
      %dma_wait3A_33 = tpu.memref_slice %arg10[%mul3A_0, %dma_wait3A] : memref<10240x128xf32, #tpu.memory_space<vmem_shared>> -> memref<640x128xf32, #tpu.memory_space<vmem_shared>>
      tpu.wait_dma2 semaphore(%run_scoped3A : memref<!tpu.dma_semaphore, #tpu.memory_space<semaphore_mem>>) src(%arg5 : memref<640x128xf32, #tpu.memory_space<hbm>>) dst(%dma_wait3A_33 : memref<640x128xf32, #tpu.memory_space<vmem_shared>>)
      tpu.yield
    }) : () -> ()
    %barrier3A = arith.constant 0 : index
    tpu.barrier barrier_id(%barrier3A)
    %mul3A_1 = arith.constant 16 : i32
    %mul3A_2 = arith.muli %arg0, %mul3A_1 : i32
    %add3A = arith.addi %mul3A_2, %arg1 : i32
    %mul3A_3 = arith.constant 10112 : i32
    %mul3A_4 = arith.muli %add3A, %mul3A_3 : i32
    %scan3A = arith.constant 0 : i32
    %scan3A_5 = arith.constant 0 : i32
    %scan3A_6 = arith.constant 79 : i32
    %scan3A_7 = arith.addi %scan3A_5, %scan3A_6 : i32
    %scan3A_8 = arith.constant 1 : i32
    %scan3A_9 = scf.for %scan3A_32 = %scan3A_5 to %scan3A_7 step %scan3A_8 iter_args(%scan3A_33 = %scan3A) -> (i32)  : i32 {
      %mul3A_34 = arith.constant 128 : i32
      %mul3A_35 = arith.muli %scan3A_32, %mul3A_34 : i32
      %add3A_36 = arith.addi %mul3A_4, %mul3A_35 : i32
      "tpu.region"() ({
        %run_scoped3A = tpu.sem_alloc : memref<!tpu.dma_semaphore, #tpu.memory_space<semaphore_mem>>
        %dma_start3A_42 = tpu.memref_slice %arg3[%add3A_36] : memref<323584xi32, #tpu.memory_space<hbm>> -> memref<128xi32, #tpu.memory_space<hbm>>
        %dma_start3A_43 = tpu.memref_slice %arg3[%add3A_36] : memref<323584xi32, #tpu.memory_space<hbm>> -> memref<128xi32, #tpu.memory_space<hbm>>
        tpu.enqueue_dma source(%dma_start3A_43 : memref<128xi32, #tpu.memory_space<hbm>>) target(%arg7 : memref<128xi32, #tpu.memory_space<vmem>>) target_semaphore(%run_scoped3A : memref<!tpu.dma_semaphore, #tpu.memory_space<semaphore_mem>>)
        %dma_wait3A_44 = tpu.memref_slice %arg3[%add3A_36] : memref<323584xi32, #tpu.memory_space<hbm>> -> memref<128xi32, #tpu.memory_space<hbm>>
        %dma_wait3A_45 = tpu.memref_slice %arg3[%add3A_36] : memref<323584xi32, #tpu.memory_space<hbm>> -> memref<128xi32, #tpu.memory_space<hbm>>
        tpu.wait_dma2 semaphore(%run_scoped3A : memref<!tpu.dma_semaphore, #tpu.memory_space<semaphore_mem>>) src(%dma_wait3A_45 : memref<128xi32, #tpu.memory_space<hbm>>) dst(%arg7 : memref<128xi32, #tpu.memory_space<vmem>>)
        tpu.yield
      }) : () -> ()
      "tpu.region"() ({
        %run_scoped3A = tpu.sem_alloc : memref<!tpu.dma_semaphore, #tpu.memory_space<semaphore_mem>>
        %dma_start3A_42 = tpu.memref_slice %arg4[%add3A_36] : memref<323584xi32, #tpu.memory_space<hbm>> -> memref<128xi32, #tpu.memory_space<hbm>>
        %dma_start3A_43 = tpu.memref_slice %arg4[%add3A_36] : memref<323584xi32, #tpu.memory_space<hbm>> -> memref<128xi32, #tpu.memory_space<hbm>>
        tpu.enqueue_dma source(%dma_start3A_43 : memref<128xi32, #tpu.memory_space<hbm>>) target(%arg8 : memref<128xi32, #tpu.memory_space<vmem>>) target_semaphore(%run_scoped3A : memref<!tpu.dma_semaphore, #tpu.memory_space<semaphore_mem>>)
        %dma_wait3A_44 = tpu.memref_slice %arg4[%add3A_36] : memref<323584xi32, #tpu.memory_space<hbm>> -> memref<128xi32, #tpu.memory_space<hbm>>
        %dma_wait3A_45 = tpu.memref_slice %arg4[%add3A_36] : memref<323584xi32, #tpu.memory_space<hbm>> -> memref<128xi32, #tpu.memory_space<hbm>>
        tpu.wait_dma2 semaphore(%run_scoped3A : memref<!tpu.dma_semaphore, #tpu.memory_space<semaphore_mem>>) src(%dma_wait3A_45 : memref<128xi32, #tpu.memory_space<hbm>>) dst(%arg8 : memref<128xi32, #tpu.memory_space<vmem>>)
        tpu.yield
      }) : () -> ()
      %dma_start3A = arith.constant 0 : i32
      %dma_start3A_37 = arith.constant 0 : i32
      %dma_start3A_38 = tpu.memref_slice %arg2[%dma_start3A, %dma_start3A_37] : memref<10000x128xf32, #tpu.memory_space<hbm>> -> memref<10000x128xf32, #tpu.memory_space<hbm>>
      tpu.enqueue_indirect_dma source(%dma_start3A_38 : memref<10000x128xf32, #tpu.memory_space<hbm>>) target(%arg9 : memref<128x128xf32, #tpu.memory_space<vmem>>) offsets(%arg7 : memref<128xi32, #tpu.memory_space<vmem>>) semaphore(%arg11 : memref<!tpu.dma_semaphore, #tpu.memory_space<semaphore_mem>>)
      %dma_wait3A = arith.constant 0 : i32
      %dma_wait3A_39 = arith.constant 0 : i32
      %dma_wait3A_40 = tpu.memref_slice %arg2[%dma_wait3A, %dma_wait3A_39] : memref<10000x128xf32, #tpu.memory_space<hbm>> -> memref<10000x128xf32, #tpu.memory_space<hbm>>
      tpu.wait_indirect_dma semaphore(%arg11 : memref<!tpu.dma_semaphore, #tpu.memory_space<semaphore_mem>>) src(%dma_wait3A_40 : memref<10000x128xf32, #tpu.memory_space<hbm>>) dst(%arg9 : memref<128x128xf32, #tpu.memory_space<vmem>>)
      "tpu.region"() ({
        %run_scoped3A = tpu.sem_alloc : memref<!tpu.dma_semaphore, #tpu.memory_space<semaphore_mem>>
        %dma_start3A_42 = arith.constant 0 : i32
        %dma_start3A_43 = arith.constant 0 : i32
        %dma_start3A_44 = tpu.memref_slice %arg10[%dma_start3A_42, %dma_start3A_43] : memref<10240x128xf32, #tpu.memory_space<vmem_shared>> -> memref<10240x128xf32, #tpu.memory_space<vmem_shared>>
        tpu.enqueue_indirect_dma source(%arg9 : memref<128x128xf32, #tpu.memory_space<vmem>>) target(%dma_start3A_44 : memref<10240x128xf32, #tpu.memory_space<vmem_shared>>) offsets(%arg8 : memref<128xi32, #tpu.memory_space<vmem>>) semaphore(%run_scoped3A : memref<!tpu.dma_semaphore, #tpu.memory_space<semaphore_mem>>) {add = true}
        %dma_wait3A_45 = arith.constant 0 : i32
        %dma_wait3A_46 = arith.constant 0 : i32
        %dma_wait3A_47 = tpu.memref_slice %arg10[%dma_wait3A_45, %dma_wait3A_46] : memref<10240x128xf32, #tpu.memory_space<vmem_shared>> -> memref<10240x128xf32, #tpu.memory_space<vmem_shared>>
        tpu.wait_indirect_dma semaphore(%run_scoped3A : memref<!tpu.dma_semaphore, #tpu.memory_space<semaphore_mem>>) src(%arg9 : memref<128x128xf32, #tpu.memory_space<vmem>>) dst(%dma_wait3A_47 : memref<10240x128xf32, #tpu.memory_space<vmem_shared>>)
        tpu.yield
      }) : () -> ()
      %scan3A_41 = arith.constant 0 : i32
      scf.yield %scan3A_41 : i32
    }
    %scan3A_10 = arith.constant 79 : i32
    %barrier3A_11 = arith.constant 0 : index
    tpu.barrier barrier_id(%barrier3A_11)
    %mul3A_12 = arith.constant 640 : i32
    %mul3A_13 = arith.muli %arg1, %mul3A_12 : i32
    %add3A_14 = arith.constant 0 : i32
    %add3A_15 = arith.addi %mul3A_13, %add3A_14 : i32
    "tpu.region"() ({
      %run_scoped3A = tpu.sem_alloc : memref<!tpu.dma_semaphore, #tpu.memory_space<semaphore_mem>>
      %dma_start3A = arith.constant 0 : i32
      %dma_start3A_32 = tpu.memref_slice %arg10[%add3A_15, %dma_start3A] : memref<10240x128xf32, #tpu.memory_space<vmem_shared>> -> memref<128x128xf32, #tpu.memory_space<vmem_shared>>
      %dma_start3A_33 = arith.constant 0 : i32
      %dma_start3A_34 = tpu.memref_slice %arg10[%add3A_15, %dma_start3A_33] : memref<10240x128xf32, #tpu.memory_space<vmem_shared>> -> memref<128x128xf32, #tpu.memory_space<vmem_shared>>
      tpu.enqueue_dma source(%dma_start3A_34 : memref<128x128xf32, #tpu.memory_space<vmem_shared>>) target(%arg9 : memref<128x128xf32, #tpu.memory_space<vmem>>) target_semaphore(%run_scoped3A : memref<!tpu.dma_semaphore, #tpu.memory_space<semaphore_mem>>)
      %dma_wait3A = arith.constant 0 : i32
      %dma_wait3A_35 = tpu.memref_slice %arg10[%add3A_15, %dma_wait3A] : memref<10240x128xf32, #tpu.memory_space<vmem_shared>> -> memref<128x128xf32, #tpu.memory_space<vmem_shared>>
      %dma_wait3A_36 = arith.constant 0 : i32
      %dma_wait3A_37 = tpu.memref_slice %arg10[%add3A_15, %dma_wait3A_36] : memref<10240x128xf32, #tpu.memory_space<vmem_shared>> -> memref<128x128xf32, #tpu.memory_space<vmem_shared>>
      tpu.wait_dma2 semaphore(%run_scoped3A : memref<!tpu.dma_semaphore, #tpu.memory_space<semaphore_mem>>) src(%dma_wait3A_37 : memref<128x128xf32, #tpu.memory_space<vmem_shared>>) dst(%arg9 : memref<128x128xf32, #tpu.memory_space<vmem>>)
      tpu.yield
    }) : () -> ()
    "tpu.region"() ({
      %run_scoped3A = tpu.sem_alloc : memref<!tpu.dma_semaphore, #tpu.memory_space<semaphore_mem>>
      %dma_start3A = arith.constant 0 : i32
      %dma_start3A_32 = tpu.memref_slice %arg6[%arg0, %add3A_15, %dma_start3A] : memref<2x10240x128xf32, #tpu.memory_space<hbm>> -> memref<1x128x128xf32, #tpu.memory_space<hbm>>
      %dma_start3A_33 = tpu.memref_squeeze %dma_start3A_32 : memref<1x128x128xf32, #tpu.memory_space<hbm>> -> memref<128x128xf32, #tpu.memory_space<hbm>>
      %dma_start3A_34 = arith.constant 0 : i32
      %dma_start3A_35 = tpu.memref_slice %arg6[%arg0, %add3A_15, %dma_start3A_34] : memref<2x10240x128xf32, #tpu.memory_space<hbm>> -> memref<1x128x128xf32, #tpu.memory_space<hbm>>
      %dma_start3A_36 = tpu.memref_squeeze %dma_start3A_35 : memref<1x128x128xf32, #tpu.memory_space<hbm>> -> memref<128x128xf32, #tpu.memory_space<hbm>>
      tpu.enqueue_dma source(%arg9 : memref<128x128xf32, #tpu.memory_space<vmem>>) target(%dma_start3A_36 : memref<128x128xf32, #tpu.memory_space<hbm>>) target_semaphore(%run_scoped3A : memref<!tpu.dma_semaphore, #tpu.memory_space<semaphore_mem>>)
      %dma_wait3A = arith.constant 0 : i32
      %dma_wait3A_37 = tpu.memref_slice %arg6[%arg0, %add3A_15, %dma_wait3A] : memref<2x10240x128xf32, #tpu.memory_space<hbm>> -> memref<1x128x128xf32, #tpu.memory_space<hbm>>
      %dma_wait3A_38 = tpu.memref_squeeze %dma_wait3A_37 : memref<1x128x128xf32, #tpu.memory_space<hbm>> -> memref<128x128xf32, #tpu.memory_space<hbm>>
      %dma_wait3A_39 = arith.constant 0 : i32
      %dma_wait3A_40 = tpu.memref_slice %arg6[%arg0, %add3A_15, %dma_wait3A_39] : memref<2x10240x128xf32, #tpu.memory_space<hbm>> -> memref<1x128x128xf32, #tpu.memory_space<hbm>>
      %dma_wait3A_41 = tpu.memref_squeeze %dma_wait3A_40 : memref<1x128x128xf32, #tpu.memory_space<hbm>> -> memref<128x128xf32, #tpu.memory_space<hbm>>
      tpu.wait_dma2 semaphore(%run_scoped3A : memref<!tpu.dma_semaphore, #tpu.memory_space<semaphore_mem>>) src(%arg9 : memref<128x128xf32, #tpu.memory_space<vmem>>) dst(%dma_wait3A_41 : memref<128x128xf32, #tpu.memory_space<hbm>>)
      tpu.yield
    }) : () -> ()
    %mul3A_16 = arith.constant 640 : i32
    %mul3A_17 = arith.muli %arg1, %mul3A_16 : i32
    %add3A_18 = arith.constant 128 : i32
    %add3A_19 = arith.addi %mul3A_17, %add3A_18 : i32
    "tpu.region"() ({
      %run_scoped3A = tpu.sem_alloc : memref<!tpu.dma_semaphore, #tpu.memory_space<semaphore_mem>>
      %dma_start3A = arith.constant 0 : i32
      %dma_start3A_32 = tpu.memref_slice %arg10[%add3A_19, %dma_start3A] : memref<10240x128xf32, #tpu.memory_space<vmem_shared>> -> memref<128x128xf32, #tpu.memory_space<vmem_shared>>
      %dma_start3A_33 = arith.constant 0 : i32
      %dma_start3A_34 = tpu.memref_slice %arg10[%add3A_19, %dma_start3A_33] : memref<10240x128xf32, #tpu.memory_space<vmem_shared>> -> memref<128x128xf32, #tpu.memory_space<vmem_shared>>
      tpu.enqueue_dma source(%dma_start3A_34 : memref<128x128xf32, #tpu.memory_space<vmem_shared>>) target(%arg9 : memref<128x128xf32, #tpu.memory_space<vmem>>) target_semaphore(%run_scoped3A : memref<!tpu.dma_semaphore, #tpu.memory_space<semaphore_mem>>)
      %dma_wait3A = arith.constant 0 : i32
      %dma_wait3A_35 = tpu.memref_slice %arg10[%add3A_19, %dma_wait3A] : memref<10240x128xf32, #tpu.memory_space<vmem_shared>> -> memref<128x128xf32, #tpu.memory_space<vmem_shared>>
      %dma_wait3A_36 = arith.constant 0 : i32
      %dma_wait3A_37 = tpu.memref_slice %arg10[%add3A_19, %dma_wait3A_36] : memref<10240x128xf32, #tpu.memory_space<vmem_shared>> -> memref<128x128xf32, #tpu.memory_space<vmem_shared>>
      tpu.wait_dma2 semaphore(%run_scoped3A : memref<!tpu.dma_semaphore, #tpu.memory_space<semaphore_mem>>) src(%dma_wait3A_37 : memref<128x128xf32, #tpu.memory_space<vmem_shared>>) dst(%arg9 : memref<128x128xf32, #tpu.memory_space<vmem>>)
      tpu.yield
    }) : () -> ()
    "tpu.region"() ({
      %run_scoped3A = tpu.sem_alloc : memref<!tpu.dma_semaphore, #tpu.memory_space<semaphore_mem>>
      %dma_start3A = arith.constant 0 : i32
      %dma_start3A_32 = tpu.memref_slice %arg6[%arg0, %add3A_19, %dma_start3A] : memref<2x10240x128xf32, #tpu.memory_space<hbm>> -> memref<1x128x128xf32, #tpu.memory_space<hbm>>
      %dma_start3A_33 = tpu.memref_squeeze %dma_start3A_32 : memref<1x128x128xf32, #tpu.memory_space<hbm>> -> memref<128x128xf32, #tpu.memory_space<hbm>>
      %dma_start3A_34 = arith.constant 0 : i32
      %dma_start3A_35 = tpu.memref_slice %arg6[%arg0, %add3A_19, %dma_start3A_34] : memref<2x10240x128xf32, #tpu.memory_space<hbm>> -> memref<1x128x128xf32, #tpu.memory_space<hbm>>
      %dma_start3A_36 = tpu.memref_squeeze %dma_start3A_35 : memref<1x128x128xf32, #tpu.memory_space<hbm>> -> memref<128x128xf32, #tpu.memory_space<hbm>>
      tpu.enqueue_dma source(%arg9 : memref<128x128xf32, #tpu.memory_space<vmem>>) target(%dma_start3A_36 : memref<128x128xf32, #tpu.memory_space<hbm>>) target_semaphore(%run_scoped3A : memref<!tpu.dma_semaphore, #tpu.memory_space<semaphore_mem>>)
      %dma_wait3A = arith.constant 0 : i32
      %dma_wait3A_37 = tpu.memref_slice %arg6[%arg0, %add3A_19, %dma_wait3A] : memref<2x10240x128xf32, #tpu.memory_space<hbm>> -> memref<1x128x128xf32, #tpu.memory_space<hbm>>
      %dma_wait3A_38 = tpu.memref_squeeze %dma_wait3A_37 : memref<1x128x128xf32, #tpu.memory_space<hbm>> -> memref<128x128xf32, #tpu.memory_space<hbm>>
      %dma_wait3A_39 = arith.constant 0 : i32
      %dma_wait3A_40 = tpu.memref_slice %arg6[%arg0, %add3A_19, %dma_wait3A_39] : memref<2x10240x128xf32, #tpu.memory_space<hbm>> -> memref<1x128x128xf32, #tpu.memory_space<hbm>>
      %dma_wait3A_41 = tpu.memref_squeeze %dma_wait3A_40 : memref<1x128x128xf32, #tpu.memory_space<hbm>> -> memref<128x128xf32, #tpu.memory_space<hbm>>
      tpu.wait_dma2 semaphore(%run_scoped3A : memref<!tpu.dma_semaphore, #tpu.memory_space<semaphore_mem>>) src(%arg9 : memref<128x128xf32, #tpu.memory_space<vmem>>) dst(%dma_wait3A_41 : memref<128x128xf32, #tpu.memory_space<hbm>>)
      tpu.yield
    }) : () -> ()
    %mul3A_20 = arith.constant 640 : i32
    %mul3A_21 = arith.muli %arg1, %mul3A_20 : i32
    %add3A_22 = arith.constant 256 : i32
    %add3A_23 = arith.addi %mul3A_21, %add3A_22 : i32
    "tpu.region"() ({
      %run_scoped3A = tpu.sem_alloc : memref<!tpu.dma_semaphore, #tpu.memory_space<semaphore_mem>>
      %dma_start3A = arith.constant 0 : i32
      %dma_start3A_32 = tpu.memref_slice %arg10[%add3A_23, %dma_start3A] : memref<10240x128xf32, #tpu.memory_space<vmem_shared>> -> memref<128x128xf32, #tpu.memory_space<vmem_shared>>
      %dma_start3A_33 = arith.constant 0 : i32
      %dma_start3A_34 = tpu.memref_slice %arg10[%add3A_23, %dma_start3A_33] : memref<10240x128xf32, #tpu.memory_space<vmem_shared>> -> memref<128x128xf32, #tpu.memory_space<vmem_shared>>
      tpu.enqueue_dma source(%dma_start3A_34 : memref<128x128xf32, #tpu.memory_space<vmem_shared>>) target(%arg9 : memref<128x128xf32, #tpu.memory_space<vmem>>) target_semaphore(%run_scoped3A : memref<!tpu.dma_semaphore, #tpu.memory_space<semaphore_mem>>)
      %dma_wait3A = arith.constant 0 : i32
      %dma_wait3A_35 = tpu.memref_slice %arg10[%add3A_23, %dma_wait3A] : memref<10240x128xf32, #tpu.memory_space<vmem_shared>> -> memref<128x128xf32, #tpu.memory_space<vmem_shared>>
      %dma_wait3A_36 = arith.constant 0 : i32
      %dma_wait3A_37 = tpu.memref_slice %arg10[%add3A_23, %dma_wait3A_36] : memref<10240x128xf32, #tpu.memory_space<vmem_shared>> -> memref<128x128xf32, #tpu.memory_space<vmem_shared>>
      tpu.wait_dma2 semaphore(%run_scoped3A : memref<!tpu.dma_semaphore, #tpu.memory_space<semaphore_mem>>) src(%dma_wait3A_37 : memref<128x128xf32, #tpu.memory_space<vmem_shared>>) dst(%arg9 : memref<128x128xf32, #tpu.memory_space<vmem>>)
      tpu.yield
    }) : () -> ()
    "tpu.region"() ({
      %run_scoped3A = tpu.sem_alloc : memref<!tpu.dma_semaphore, #tpu.memory_space<semaphore_mem>>
      %dma_start3A = arith.constant 0 : i32
      %dma_start3A_32 = tpu.memref_slice %arg6[%arg0, %add3A_23, %dma_start3A] : memref<2x10240x128xf32, #tpu.memory_space<hbm>> -> memref<1x128x128xf32, #tpu.memory_space<hbm>>
      %dma_start3A_33 = tpu.memref_squeeze %dma_start3A_32 : memref<1x128x128xf32, #tpu.memory_space<hbm>> -> memref<128x128xf32, #tpu.memory_space<hbm>>
      %dma_start3A_34 = arith.constant 0 : i32
      %dma_start3A_35 = tpu.memref_slice %arg6[%arg0, %add3A_23, %dma_start3A_34] : memref<2x10240x128xf32, #tpu.memory_space<hbm>> -> memref<1x128x128xf32, #tpu.memory_space<hbm>>
      %dma_start3A_36 = tpu.memref_squeeze %dma_start3A_35 : memref<1x128x128xf32, #tpu.memory_space<hbm>> -> memref<128x128xf32, #tpu.memory_space<hbm>>
      tpu.enqueue_dma source(%arg9 : memref<128x128xf32, #tpu.memory_space<vmem>>) target(%dma_start3A_36 : memref<128x128xf32, #tpu.memory_space<hbm>>) target_semaphore(%run_scoped3A : memref<!tpu.dma_semaphore, #tpu.memory_space<semaphore_mem>>)
      %dma_wait3A = arith.constant 0 : i32
      %dma_wait3A_37 = tpu.memref_slice %arg6[%arg0, %add3A_23, %dma_wait3A] : memref<2x10240x128xf32, #tpu.memory_space<hbm>> -> memref<1x128x128xf32, #tpu.memory_space<hbm>>
      %dma_wait3A_38 = tpu.memref_squeeze %dma_wait3A_37 : memref<1x128x128xf32, #tpu.memory_space<hbm>> -> memref<128x128xf32, #tpu.memory_space<hbm>>
      %dma_wait3A_39 = arith.constant 0 : i32
      %dma_wait3A_40 = tpu.memref_slice %arg6[%arg0, %add3A_23, %dma_wait3A_39] : memref<2x10240x128xf32, #tpu.memory_space<hbm>> -> memref<1x128x128xf32, #tpu.memory_space<hbm>>
      %dma_wait3A_41 = tpu.memref_squeeze %dma_wait3A_40 : memref<1x128x128xf32, #tpu.memory_space<hbm>> -> memref<128x128xf32, #tpu.memory_space<hbm>>
      tpu.wait_dma2 semaphore(%run_scoped3A : memref<!tpu.dma_semaphore, #tpu.memory_space<semaphore_mem>>) src(%arg9 : memref<128x128xf32, #tpu.memory_space<vmem>>) dst(%dma_wait3A_41 : memref<128x128xf32, #tpu.memory_space<hbm>>)
      tpu.yield
    }) : () -> ()
    %mul3A_24 = arith.constant 640 : i32
    %mul3A_25 = arith.muli %arg1, %mul3A_24 : i32
    %add3A_26 = arith.constant 384 : i32
    %add3A_27 = arith.addi %mul3A_25, %add3A_26 : i32
    "tpu.region"() ({
      %run_scoped3A = tpu.sem_alloc : memref<!tpu.dma_semaphore, #tpu.memory_space<semaphore_mem>>
      %dma_start3A = arith.constant 0 : i32
      %dma_start3A_32 = tpu.memref_slice %arg10[%add3A_27, %dma_start3A] : memref<10240x128xf32, #tpu.memory_space<vmem_shared>> -> memref<128x128xf32, #tpu.memory_space<vmem_shared>>
      %dma_start3A_33 = arith.constant 0 : i32
      %dma_start3A_34 = tpu.memref_slice %arg10[%add3A_27, %dma_start3A_33] : memref<10240x128xf32, #tpu.memory_space<vmem_shared>> -> memref<128x128xf32, #tpu.memory_space<vmem_shared>>
      tpu.enqueue_dma source(%dma_start3A_34 : memref<128x128xf32, #tpu.memory_space<vmem_shared>>) target(%arg9 : memref<128x128xf32, #tpu.memory_space<vmem>>) target_semaphore(%run_scoped3A : memref<!tpu.dma_semaphore, #tpu.memory_space<semaphore_mem>>)
      %dma_wait3A = arith.constant 0 : i32
      %dma_wait3A_35 = tpu.memref_slice %arg10[%add3A_27, %dma_wait3A] : memref<10240x128xf32, #tpu.memory_space<vmem_shared>> -> memref<128x128xf32, #tpu.memory_space<vmem_shared>>
      %dma_wait3A_36 = arith.constant 0 : i32
      %dma_wait3A_37 = tpu.memref_slice %arg10[%add3A_27, %dma_wait3A_36] : memref<10240x128xf32, #tpu.memory_space<vmem_shared>> -> memref<128x128xf32, #tpu.memory_space<vmem_shared>>
      tpu.wait_dma2 semaphore(%run_scoped3A : memref<!tpu.dma_semaphore, #tpu.memory_space<semaphore_mem>>) src(%dma_wait3A_37 : memref<128x128xf32, #tpu.memory_space<vmem_shared>>) dst(%arg9 : memref<128x128xf32, #tpu.memory_space<vmem>>)
      tpu.yield
    }) : () -> ()
    "tpu.region"() ({
      %run_scoped3A = tpu.sem_alloc : memref<!tpu.dma_semaphore, #tpu.memory_space<semaphore_mem>>
      %dma_start3A = arith.constant 0 : i32
      %dma_start3A_32 = tpu.memref_slice %arg6[%arg0, %add3A_27, %dma_start3A] : memref<2x10240x128xf32, #tpu.memory_space<hbm>> -> memref<1x128x128xf32, #tpu.memory_space<hbm>>
      %dma_start3A_33 = tpu.memref_squeeze %dma_start3A_32 : memref<1x128x128xf32, #tpu.memory_space<hbm>> -> memref<128x128xf32, #tpu.memory_space<hbm>>
      %dma_start3A_34 = arith.constant 0 : i32
      %dma_start3A_35 = tpu.memref_slice %arg6[%arg0, %add3A_27, %dma_start3A_34] : memref<2x10240x128xf32, #tpu.memory_space<hbm>> -> memref<1x128x128xf32, #tpu.memory_space<hbm>>
      %dma_start3A_36 = tpu.memref_squeeze %dma_start3A_35 : memref<1x128x128xf32, #tpu.memory_space<hbm>> -> memref<128x128xf32, #tpu.memory_space<hbm>>
      tpu.enqueue_dma source(%arg9 : memref<128x128xf32, #tpu.memory_space<vmem>>) target(%dma_start3A_36 : memref<128x128xf32, #tpu.memory_space<hbm>>) target_semaphore(%run_scoped3A : memref<!tpu.dma_semaphore, #tpu.memory_space<semaphore_mem>>)
      %dma_wait3A = arith.constant 0 : i32
      %dma_wait3A_37 = tpu.memref_slice %arg6[%arg0, %add3A_27, %dma_wait3A] : memref<2x10240x128xf32, #tpu.memory_space<hbm>> -> memref<1x128x128xf32, #tpu.memory_space<hbm>>
      %dma_wait3A_38 = tpu.memref_squeeze %dma_wait3A_37 : memref<1x128x128xf32, #tpu.memory_space<hbm>> -> memref<128x128xf32, #tpu.memory_space<hbm>>
      %dma_wait3A_39 = arith.constant 0 : i32
      %dma_wait3A_40 = tpu.memref_slice %arg6[%arg0, %add3A_27, %dma_wait3A_39] : memref<2x10240x128xf32, #tpu.memory_space<hbm>> -> memref<1x128x128xf32, #tpu.memory_space<hbm>>
      %dma_wait3A_41 = tpu.memref_squeeze %dma_wait3A_40 : memref<1x128x128xf32, #tpu.memory_space<hbm>> -> memref<128x128xf32, #tpu.memory_space<hbm>>
      tpu.wait_dma2 semaphore(%run_scoped3A : memref<!tpu.dma_semaphore, #tpu.memory_space<semaphore_mem>>) src(%arg9 : memref<128x128xf32, #tpu.memory_space<vmem>>) dst(%dma_wait3A_41 : memref<128x128xf32, #tpu.memory_space<hbm>>)
      tpu.yield
    }) : () -> ()
    %mul3A_28 = arith.constant 640 : i32
    %mul3A_29 = arith.muli %arg1, %mul3A_28 : i32
    %add3A_30 = arith.constant 512 : i32
    %add3A_31 = arith.addi %mul3A_29, %add3A_30 : i32
    "tpu.region"() ({
      %run_scoped3A = tpu.sem_alloc : memref<!tpu.dma_semaphore, #tpu.memory_space<semaphore_mem>>
      %dma_start3A = arith.constant 0 : i32
      %dma_start3A_32 = tpu.memref_slice %arg10[%add3A_31, %dma_start3A] : memref<10240x128xf32, #tpu.memory_space<vmem_shared>> -> memref<128x128xf32, #tpu.memory_space<vmem_shared>>
      %dma_start3A_33 = arith.constant 0 : i32
      %dma_start3A_34 = tpu.memref_slice %arg10[%add3A_31, %dma_start3A_33] : memref<10240x128xf32, #tpu.memory_space<vmem_shared>> -> memref<128x128xf32, #tpu.memory_space<vmem_shared>>
      tpu.enqueue_dma source(%dma_start3A_34 : memref<128x128xf32, #tpu.memory_space<vmem_shared>>) target(%arg9 : memref<128x128xf32, #tpu.memory_space<vmem>>) target_semaphore(%run_scoped3A : memref<!tpu.dma_semaphore, #tpu.memory_space<semaphore_mem>>)
      %dma_wait3A = arith.constant 0 : i32
      %dma_wait3A_35 = tpu.memref_slice %arg10[%add3A_31, %dma_wait3A] : memref<10240x128xf32, #tpu.memory_space<vmem_shared>> -> memref<128x128xf32, #tpu.memory_space<vmem_shared>>
      %dma_wait3A_36 = arith.constant 0 : i32
      %dma_wait3A_37 = tpu.memref_slice %arg10[%add3A_31, %dma_wait3A_36] : memref<10240x128xf32, #tpu.memory_space<vmem_shared>> -> memref<128x128xf32, #tpu.memory_space<vmem_shared>>
      tpu.wait_dma2 semaphore(%run_scoped3A : memref<!tpu.dma_semaphore, #tpu.memory_space<semaphore_mem>>) src(%dma_wait3A_37 : memref<128x128xf32, #tpu.memory_space<vmem_shared>>) dst(%arg9 : memref<128x128xf32, #tpu.memory_space<vmem>>)
      tpu.yield
    }) : () -> ()
    "tpu.region"() ({
      %run_scoped3A = tpu.sem_alloc : memref<!tpu.dma_semaphore, #tpu.memory_space<semaphore_mem>>
      %dma_start3A = arith.constant 0 : i32
      %dma_start3A_32 = tpu.memref_slice %arg6[%arg0, %add3A_31, %dma_start3A] : memref<2x10240x128xf32, #tpu.memory_space<hbm>> -> memref<1x128x128xf32, #tpu.memory_space<hbm>>
      %dma_start3A_33 = tpu.memref_squeeze %dma_start3A_32 : memref<1x128x128xf32, #tpu.memory_space<hbm>> -> memref<128x128xf32, #tpu.memory_space<hbm>>
      %dma_start3A_34 = arith.constant 0 : i32
      %dma_start3A_35 = tpu.memref_slice %arg6[%arg0, %add3A_31, %dma_start3A_34] : memref<2x10240x128xf32, #tpu.memory_space<hbm>> -> memref<1x128x128xf32, #tpu.memory_space<hbm>>
      %dma_start3A_36 = tpu.memref_squeeze %dma_start3A_35 : memref<1x128x128xf32, #tpu.memory_space<hbm>> -> memref<128x128xf32, #tpu.memory_space<hbm>>
      tpu.enqueue_dma source(%arg9 : memref<128x128xf32, #tpu.memory_space<vmem>>) target(%dma_start3A_36 : memref<128x128xf32, #tpu.memory_space<hbm>>) target_semaphore(%run_scoped3A : memref<!tpu.dma_semaphore, #tpu.memory_space<semaphore_mem>>)
      %dma_wait3A = arith.constant 0 : i32
      %dma_wait3A_37 = tpu.memref_slice %arg6[%arg0, %add3A_31, %dma_wait3A] : memref<2x10240x128xf32, #tpu.memory_space<hbm>> -> memref<1x128x128xf32, #tpu.memory_space<hbm>>
      %dma_wait3A_38 = tpu.memref_squeeze %dma_wait3A_37 : memref<1x128x128xf32, #tpu.memory_space<hbm>> -> memref<128x128xf32, #tpu.memory_space<hbm>>
      %dma_wait3A_39 = arith.constant 0 : i32
      %dma_wait3A_40 = tpu.memref_slice %arg6[%arg0, %add3A_31, %dma_wait3A_39] : memref<2x10240x128xf32, #tpu.memory_space<hbm>> -> memref<1x128x128xf32, #tpu.memory_space<hbm>>
      %dma_wait3A_41 = tpu.memref_squeeze %dma_wait3A_40 : memref<1x128x128xf32, #tpu.memory_space<hbm>> -> memref<128x128xf32, #tpu.memory_space<hbm>>
      tpu.wait_dma2 semaphore(%run_scoped3A : memref<!tpu.dma_semaphore, #tpu.memory_space<semaphore_mem>>) src(%arg9 : memref<128x128xf32, #tpu.memory_space<vmem>>) dst(%dma_wait3A_41 : memref<128x128xf32, #tpu.memory_space<hbm>>)
      tpu.yield
    }) : () -> ()
    return
  }
}

#map = affine_map<(d0, d1) -> (0, 0)>
#map1 = affine_map<(d0, d1) -> (0)>
#map2 = affine_map<(d0, d1) -> (0, 0, 0)>
module attributes {stable_mosaic.version = 14 : i64} {
  func.func @_sc_agg(%arg0: i32, %arg1: i32, %arg2: memref<10000x128xf32, #tpu.memory_space<hbm>>, %arg3: memref<323584xi32, #tpu.memory_space<hbm>>, %arg4: memref<323584xi32, #tpu.memory_space<hbm>>, %arg5: memref<640x128xf32, #tpu.memory_space<hbm>>, %arg6: memref<2x10240x128xf32, #tpu.memory_space<hbm>>, %arg7: memref<128xi32, #tpu.memory_space<vmem>>, %arg8: memref<128xi32, #tpu.memory_space<vmem>>, %arg9: memref<128x128xf32, #tpu.memory_space<vmem>>, %arg10: memref<10240x128xf32, #tpu.memory_space<vmem_shared>>, %arg11: memref<!tpu.dma_semaphore, #tpu.memory_space<semaphore_mem>>) attributes {dimension_semantics = [#tpu.dimension_semantics<core_parallel>, #tpu.dimension_semantics<subcore_parallel>], iteration_bounds = array<i64: 2, 16>, scalar_prefetch = 0 : i64, scratch_operands = 5 : i64, tpu.core_type = #tpu.core_type<sc_vector_subcore>, window_params = [{transform_indices = #map}, {transform_indices = #map1}, {transform_indices = #map1}, {transform_indices = #map}, {transform_indices = #map2}]} {
    %mul3A = arith.constant 640 : i32
    %mul3A_0 = arith.muli %arg1, %mul3A : i32
    "tpu.region"() ({
      %run_scoped3A = tpu.sem_alloc : memref<!tpu.dma_semaphore, #tpu.memory_space<semaphore_mem>>
      %dma_start3A = arith.constant 0 : i32
      %dma_start3A_32 = tpu.memref_slice %arg10[%mul3A_0, %dma_start3A] : memref<10240x128xf32, #tpu.memory_space<vmem_shared>> -> memref<640x128xf32, #tpu.memory_space<vmem_shared>>
      tpu.enqueue_dma source(%arg5 : memref<640x128xf32, #tpu.memory_space<hbm>>) target(%dma_start3A_32 : memref<640x128xf32, #tpu.memory_space<vmem_shared>>) target_semaphore(%run_scoped3A : memref<!tpu.dma_semaphore, #tpu.memory_space<semaphore_mem>>)
      %dma_wait3A = arith.constant 0 : i32
      %dma_wait3A_33 = tpu.memref_slice %arg10[%mul3A_0, %dma_wait3A] : memref<10240x128xf32, #tpu.memory_space<vmem_shared>> -> memref<640x128xf32, #tpu.memory_space<vmem_shared>>
      tpu.wait_dma2 semaphore(%run_scoped3A : memref<!tpu.dma_semaphore, #tpu.memory_space<semaphore_mem>>) src(%arg5 : memref<640x128xf32, #tpu.memory_space<hbm>>) dst(%dma_wait3A_33 : memref<640x128xf32, #tpu.memory_space<vmem_shared>>)
      tpu.yield
    }) : () -> ()
    %barrier3A = arith.constant 0 : index
    tpu.barrier barrier_id(%barrier3A)
    %mul3A_1 = arith.constant 16 : i32
    %mul3A_2 = arith.muli %arg0, %mul3A_1 : i32
    %add3A = arith.addi %mul3A_2, %arg1 : i32
    %mul3A_3 = arith.constant 10112 : i32
    %mul3A_4 = arith.muli %add3A, %mul3A_3 : i32
    %scan3A = arith.constant 0 : i32
    %scan3A_5 = arith.constant 0 : i32
    %scan3A_6 = arith.constant 79 : i32
    %scan3A_7 = arith.addi %scan3A_5, %scan3A_6 : i32
    %scan3A_8 = arith.constant 1 : i32
    %scan3A_9 = scf.for %scan3A_32 = %scan3A_5 to %scan3A_7 step %scan3A_8 iter_args(%scan3A_33 = %scan3A) -> (i32)  : i32 {
      %mul3A_34 = arith.constant 128 : i32
      %mul3A_35 = arith.muli %scan3A_32, %mul3A_34 : i32
      %add3A_36 = arith.addi %mul3A_4, %mul3A_35 : i32
      "tpu.region"() ({
        %run_scoped3A = tpu.sem_alloc : memref<!tpu.dma_semaphore, #tpu.memory_space<semaphore_mem>>
        %dma_start3A_42 = tpu.memref_slice %arg3[%add3A_36] : memref<323584xi32, #tpu.memory_space<hbm>> -> memref<128xi32, #tpu.memory_space<hbm>>
        %dma_start3A_43 = tpu.memref_slice %arg3[%add3A_36] : memref<323584xi32, #tpu.memory_space<hbm>> -> memref<128xi32, #tpu.memory_space<hbm>>
        tpu.enqueue_dma source(%dma_start3A_43 : memref<128xi32, #tpu.memory_space<hbm>>) target(%arg7 : memref<128xi32, #tpu.memory_space<vmem>>) target_semaphore(%run_scoped3A : memref<!tpu.dma_semaphore, #tpu.memory_space<semaphore_mem>>)
        %dma_wait3A_44 = tpu.memref_slice %arg3[%add3A_36] : memref<323584xi32, #tpu.memory_space<hbm>> -> memref<128xi32, #tpu.memory_space<hbm>>
        %dma_wait3A_45 = tpu.memref_slice %arg3[%add3A_36] : memref<323584xi32, #tpu.memory_space<hbm>> -> memref<128xi32, #tpu.memory_space<hbm>>
        tpu.wait_dma2 semaphore(%run_scoped3A : memref<!tpu.dma_semaphore, #tpu.memory_space<semaphore_mem>>) src(%dma_wait3A_45 : memref<128xi32, #tpu.memory_space<hbm>>) dst(%arg7 : memref<128xi32, #tpu.memory_space<vmem>>)
        tpu.yield
      }) : () -> ()
      "tpu.region"() ({
        %run_scoped3A = tpu.sem_alloc : memref<!tpu.dma_semaphore, #tpu.memory_space<semaphore_mem>>
        %dma_start3A_42 = tpu.memref_slice %arg4[%add3A_36] : memref<323584xi32, #tpu.memory_space<hbm>> -> memref<128xi32, #tpu.memory_space<hbm>>
        %dma_start3A_43 = tpu.memref_slice %arg4[%add3A_36] : memref<323584xi32, #tpu.memory_space<hbm>> -> memref<128xi32, #tpu.memory_space<hbm>>
        tpu.enqueue_dma source(%dma_start3A_43 : memref<128xi32, #tpu.memory_space<hbm>>) target(%arg8 : memref<128xi32, #tpu.memory_space<vmem>>) target_semaphore(%run_scoped3A : memref<!tpu.dma_semaphore, #tpu.memory_space<semaphore_mem>>)
        %dma_wait3A_44 = tpu.memref_slice %arg4[%add3A_36] : memref<323584xi32, #tpu.memory_space<hbm>> -> memref<128xi32, #tpu.memory_space<hbm>>
        %dma_wait3A_45 = tpu.memref_slice %arg4[%add3A_36] : memref<323584xi32, #tpu.memory_space<hbm>> -> memref<128xi32, #tpu.memory_space<hbm>>
        tpu.wait_dma2 semaphore(%run_scoped3A : memref<!tpu.dma_semaphore, #tpu.memory_space<semaphore_mem>>) src(%dma_wait3A_45 : memref<128xi32, #tpu.memory_space<hbm>>) dst(%arg8 : memref<128xi32, #tpu.memory_space<vmem>>)
        tpu.yield
      }) : () -> ()
      %dma_start3A = arith.constant 0 : i32
      %dma_start3A_37 = arith.constant 0 : i32
      %dma_start3A_38 = tpu.memref_slice %arg2[%dma_start3A, %dma_start3A_37] : memref<10000x128xf32, #tpu.memory_space<hbm>> -> memref<10000x128xf32, #tpu.memory_space<hbm>>
      tpu.enqueue_indirect_dma source(%dma_start3A_38 : memref<10000x128xf32, #tpu.memory_space<hbm>>) target(%arg9 : memref<128x128xf32, #tpu.memory_space<vmem>>) offsets(%arg7 : memref<128xi32, #tpu.memory_space<vmem>>) semaphore(%arg11 : memref<!tpu.dma_semaphore, #tpu.memory_space<semaphore_mem>>)
      %dma_wait3A = arith.constant 0 : i32
      %dma_wait3A_39 = arith.constant 0 : i32
      %dma_wait3A_40 = tpu.memref_slice %arg2[%dma_wait3A, %dma_wait3A_39] : memref<10000x128xf32, #tpu.memory_space<hbm>> -> memref<10000x128xf32, #tpu.memory_space<hbm>>
      tpu.wait_indirect_dma semaphore(%arg11 : memref<!tpu.dma_semaphore, #tpu.memory_space<semaphore_mem>>) src(%dma_wait3A_40 : memref<10000x128xf32, #tpu.memory_space<hbm>>) dst(%arg9 : memref<128x128xf32, #tpu.memory_space<vmem>>)
      "tpu.region"() ({
        %run_scoped3A = tpu.sem_alloc : memref<!tpu.dma_semaphore, #tpu.memory_space<semaphore_mem>>
        %dma_start3A_42 = arith.constant 0 : i32
        %dma_start3A_43 = arith.constant 0 : i32
        %dma_start3A_44 = tpu.memref_slice %arg10[%dma_start3A_42, %dma_start3A_43] : memref<10240x128xf32, #tpu.memory_space<vmem_shared>> -> memref<10240x128xf32, #tpu.memory_space<vmem_shared>>
        tpu.enqueue_indirect_dma source(%arg9 : memref<128x128xf32, #tpu.memory_space<vmem>>) target(%dma_start3A_44 : memref<10240x128xf32, #tpu.memory_space<vmem_shared>>) offsets(%arg8 : memref<128xi32, #tpu.memory_space<vmem>>) semaphore(%run_scoped3A : memref<!tpu.dma_semaphore, #tpu.memory_space<semaphore_mem>>) {add = true}
        %dma_wait3A_45 = arith.constant 0 : i32
        %dma_wait3A_46 = arith.constant 0 : i32
        %dma_wait3A_47 = tpu.memref_slice %arg10[%dma_wait3A_45, %dma_wait3A_46] : memref<10240x128xf32, #tpu.memory_space<vmem_shared>> -> memref<10240x128xf32, #tpu.memory_space<vmem_shared>>
        tpu.wait_indirect_dma semaphore(%run_scoped3A : memref<!tpu.dma_semaphore, #tpu.memory_space<semaphore_mem>>) src(%arg9 : memref<128x128xf32, #tpu.memory_space<vmem>>) dst(%dma_wait3A_47 : memref<10240x128xf32, #tpu.memory_space<vmem_shared>>)
        tpu.yield
      }) : () -> ()
      %scan3A_41 = arith.constant 0 : i32
      scf.yield %scan3A_41 : i32
    }
    %scan3A_10 = arith.constant 79 : i32
    %barrier3A_11 = arith.constant 0 : index
    tpu.barrier barrier_id(%barrier3A_11)
    %mul3A_12 = arith.constant 640 : i32
    %mul3A_13 = arith.muli %arg1, %mul3A_12 : i32
    %add3A_14 = arith.constant 0 : i32
    %add3A_15 = arith.addi %mul3A_13, %add3A_14 : i32
    "tpu.region"() ({
      %run_scoped3A = tpu.sem_alloc : memref<!tpu.dma_semaphore, #tpu.memory_space<semaphore_mem>>
      %dma_start3A = arith.constant 0 : i32
      %dma_start3A_32 = tpu.memref_slice %arg10[%add3A_15, %dma_start3A] : memref<10240x128xf32, #tpu.memory_space<vmem_shared>> -> memref<128x128xf32, #tpu.memory_space<vmem_shared>>
      %dma_start3A_33 = arith.constant 0 : i32
      %dma_start3A_34 = tpu.memref_slice %arg10[%add3A_15, %dma_start3A_33] : memref<10240x128xf32, #tpu.memory_space<vmem_shared>> -> memref<128x128xf32, #tpu.memory_space<vmem_shared>>
      tpu.enqueue_dma source(%dma_start3A_34 : memref<128x128xf32, #tpu.memory_space<vmem_shared>>) target(%arg9 : memref<128x128xf32, #tpu.memory_space<vmem>>) target_semaphore(%run_scoped3A : memref<!tpu.dma_semaphore, #tpu.memory_space<semaphore_mem>>)
      %dma_wait3A = arith.constant 0 : i32
      %dma_wait3A_35 = tpu.memref_slice %arg10[%add3A_15, %dma_wait3A] : memref<10240x128xf32, #tpu.memory_space<vmem_shared>> -> memref<128x128xf32, #tpu.memory_space<vmem_shared>>
      %dma_wait3A_36 = arith.constant 0 : i32
      %dma_wait3A_37 = tpu.memref_slice %arg10[%add3A_15, %dma_wait3A_36] : memref<10240x128xf32, #tpu.memory_space<vmem_shared>> -> memref<128x128xf32, #tpu.memory_space<vmem_shared>>
      tpu.wait_dma2 semaphore(%run_scoped3A : memref<!tpu.dma_semaphore, #tpu.memory_space<semaphore_mem>>) src(%dma_wait3A_37 : memref<128x128xf32, #tpu.memory_space<vmem_shared>>) dst(%arg9 : memref<128x128xf32, #tpu.memory_space<vmem>>)
      tpu.yield
    }) : () -> ()
    "tpu.region"() ({
      %run_scoped3A = tpu.sem_alloc : memref<!tpu.dma_semaphore, #tpu.memory_space<semaphore_mem>>
      %dma_start3A = arith.constant 0 : i32
      %dma_start3A_32 = tpu.memref_slice %arg6[%arg0, %add3A_15, %dma_start3A] : memref<2x10240x128xf32, #tpu.memory_space<hbm>> -> memref<1x128x128xf32, #tpu.memory_space<hbm>>
      %dma_start3A_33 = tpu.memref_squeeze %dma_start3A_32 : memref<1x128x128xf32, #tpu.memory_space<hbm>> -> memref<128x128xf32, #tpu.memory_space<hbm>>
      %dma_start3A_34 = arith.constant 0 : i32
      %dma_start3A_35 = tpu.memref_slice %arg6[%arg0, %add3A_15, %dma_start3A_34] : memref<2x10240x128xf32, #tpu.memory_space<hbm>> -> memref<1x128x128xf32, #tpu.memory_space<hbm>>
      %dma_start3A_36 = tpu.memref_squeeze %dma_start3A_35 : memref<1x128x128xf32, #tpu.memory_space<hbm>> -> memref<128x128xf32, #tpu.memory_space<hbm>>
      tpu.enqueue_dma source(%arg9 : memref<128x128xf32, #tpu.memory_space<vmem>>) target(%dma_start3A_36 : memref<128x128xf32, #tpu.memory_space<hbm>>) target_semaphore(%run_scoped3A : memref<!tpu.dma_semaphore, #tpu.memory_space<semaphore_mem>>)
      %dma_wait3A = arith.constant 0 : i32
      %dma_wait3A_37 = tpu.memref_slice %arg6[%arg0, %add3A_15, %dma_wait3A] : memref<2x10240x128xf32, #tpu.memory_space<hbm>> -> memref<1x128x128xf32, #tpu.memory_space<hbm>>
      %dma_wait3A_38 = tpu.memref_squeeze %dma_wait3A_37 : memref<1x128x128xf32, #tpu.memory_space<hbm>> -> memref<128x128xf32, #tpu.memory_space<hbm>>
      %dma_wait3A_39 = arith.constant 0 : i32
      %dma_wait3A_40 = tpu.memref_slice %arg6[%arg0, %add3A_15, %dma_wait3A_39] : memref<2x10240x128xf32, #tpu.memory_space<hbm>> -> memref<1x128x128xf32, #tpu.memory_space<hbm>>
      %dma_wait3A_41 = tpu.memref_squeeze %dma_wait3A_40 : memref<1x128x128xf32, #tpu.memory_space<hbm>> -> memref<128x128xf32, #tpu.memory_space<hbm>>
      tpu.wait_dma2 semaphore(%run_scoped3A : memref<!tpu.dma_semaphore, #tpu.memory_space<semaphore_mem>>) src(%arg9 : memref<128x128xf32, #tpu.memory_space<vmem>>) dst(%dma_wait3A_41 : memref<128x128xf32, #tpu.memory_space<hbm>>)
      tpu.yield
    }) : () -> ()
    %mul3A_16 = arith.constant 640 : i32
    %mul3A_17 = arith.muli %arg1, %mul3A_16 : i32
    %add3A_18 = arith.constant 128 : i32
    %add3A_19 = arith.addi %mul3A_17, %add3A_18 : i32
    "tpu.region"() ({
      %run_scoped3A = tpu.sem_alloc : memref<!tpu.dma_semaphore, #tpu.memory_space<semaphore_mem>>
      %dma_start3A = arith.constant 0 : i32
      %dma_start3A_32 = tpu.memref_slice %arg10[%add3A_19, %dma_start3A] : memref<10240x128xf32, #tpu.memory_space<vmem_shared>> -> memref<128x128xf32, #tpu.memory_space<vmem_shared>>
      %dma_start3A_33 = arith.constant 0 : i32
      %dma_start3A_34 = tpu.memref_slice %arg10[%add3A_19, %dma_start3A_33] : memref<10240x128xf32, #tpu.memory_space<vmem_shared>> -> memref<128x128xf32, #tpu.memory_space<vmem_shared>>
      tpu.enqueue_dma source(%dma_start3A_34 : memref<128x128xf32, #tpu.memory_space<vmem_shared>>) target(%arg9 : memref<128x128xf32, #tpu.memory_space<vmem>>) target_semaphore(%run_scoped3A : memref<!tpu.dma_semaphore, #tpu.memory_space<semaphore_mem>>)
      %dma_wait3A = arith.constant 0 : i32
      %dma_wait3A_35 = tpu.memref_slice %arg10[%add3A_19, %dma_wait3A] : memref<10240x128xf32, #tpu.memory_space<vmem_shared>> -> memref<128x128xf32, #tpu.memory_space<vmem_shared>>
      %dma_wait3A_36 = arith.constant 0 : i32
      %dma_wait3A_37 = tpu.memref_slice %arg10[%add3A_19, %dma_wait3A_36] : memref<10240x128xf32, #tpu.memory_space<vmem_shared>> -> memref<128x128xf32, #tpu.memory_space<vmem_shared>>
      tpu.wait_dma2 semaphore(%run_scoped3A : memref<!tpu.dma_semaphore, #tpu.memory_space<semaphore_mem>>) src(%dma_wait3A_37 : memref<128x128xf32, #tpu.memory_space<vmem_shared>>) dst(%arg9 : memref<128x128xf32, #tpu.memory_space<vmem>>)
      tpu.yield
    }) : () -> ()
    "tpu.region"() ({
      %run_scoped3A = tpu.sem_alloc : memref<!tpu.dma_semaphore, #tpu.memory_space<semaphore_mem>>
      %dma_start3A = arith.constant 0 : i32
      %dma_start3A_32 = tpu.memref_slice %arg6[%arg0, %add3A_19, %dma_start3A] : memref<2x10240x128xf32, #tpu.memory_space<hbm>> -> memref<1x128x128xf32, #tpu.memory_space<hbm>>
      %dma_start3A_33 = tpu.memref_squeeze %dma_start3A_32 : memref<1x128x128xf32, #tpu.memory_space<hbm>> -> memref<128x128xf32, #tpu.memory_space<hbm>>
      %dma_start3A_34 = arith.constant 0 : i32
      %dma_start3A_35 = tpu.memref_slice %arg6[%arg0, %add3A_19, %dma_start3A_34] : memref<2x10240x128xf32, #tpu.memory_space<hbm>> -> memref<1x128x128xf32, #tpu.memory_space<hbm>>
      %dma_start3A_36 = tpu.memref_squeeze %dma_start3A_35 : memref<1x128x128xf32, #tpu.memory_space<hbm>> -> memref<128x128xf32, #tpu.memory_space<hbm>>
      tpu.enqueue_dma source(%arg9 : memref<128x128xf32, #tpu.memory_space<vmem>>) target(%dma_start3A_36 : memref<128x128xf32, #tpu.memory_space<hbm>>) target_semaphore(%run_scoped3A : memref<!tpu.dma_semaphore, #tpu.memory_space<semaphore_mem>>)
      %dma_wait3A = arith.constant 0 : i32
      %dma_wait3A_37 = tpu.memref_slice %arg6[%arg0, %add3A_19, %dma_wait3A] : memref<2x10240x128xf32, #tpu.memory_space<hbm>> -> memref<1x128x128xf32, #tpu.memory_space<hbm>>
      %dma_wait3A_38 = tpu.memref_squeeze %dma_wait3A_37 : memref<1x128x128xf32, #tpu.memory_space<hbm>> -> memref<128x128xf32, #tpu.memory_space<hbm>>
      %dma_wait3A_39 = arith.constant 0 : i32
      %dma_wait3A_40 = tpu.memref_slice %arg6[%arg0, %add3A_19, %dma_wait3A_39] : memref<2x10240x128xf32, #tpu.memory_space<hbm>> -> memref<1x128x128xf32, #tpu.memory_space<hbm>>
      %dma_wait3A_41 = tpu.memref_squeeze %dma_wait3A_40 : memref<1x128x128xf32, #tpu.memory_space<hbm>> -> memref<128x128xf32, #tpu.memory_space<hbm>>
      tpu.wait_dma2 semaphore(%run_scoped3A : memref<!tpu.dma_semaphore, #tpu.memory_space<semaphore_mem>>) src(%arg9 : memref<128x128xf32, #tpu.memory_space<vmem>>) dst(%dma_wait3A_41 : memref<128x128xf32, #tpu.memory_space<hbm>>)
      tpu.yield
    }) : () -> ()
    %mul3A_20 = arith.constant 640 : i32
    %mul3A_21 = arith.muli %arg1, %mul3A_20 : i32
    %add3A_22 = arith.constant 256 : i32
    %add3A_23 = arith.addi %mul3A_21, %add3A_22 : i32
    "tpu.region"() ({
      %run_scoped3A = tpu.sem_alloc : memref<!tpu.dma_semaphore, #tpu.memory_space<semaphore_mem>>
      %dma_start3A = arith.constant 0 : i32
      %dma_start3A_32 = tpu.memref_slice %arg10[%add3A_23, %dma_start3A] : memref<10240x128xf32, #tpu.memory_space<vmem_shared>> -> memref<128x128xf32, #tpu.memory_space<vmem_shared>>
      %dma_start3A_33 = arith.constant 0 : i32
      %dma_start3A_34 = tpu.memref_slice %arg10[%add3A_23, %dma_start3A_33] : memref<10240x128xf32, #tpu.memory_space<vmem_shared>> -> memref<128x128xf32, #tpu.memory_space<vmem_shared>>
      tpu.enqueue_dma source(%dma_start3A_34 : memref<128x128xf32, #tpu.memory_space<vmem_shared>>) target(%arg9 : memref<128x128xf32, #tpu.memory_space<vmem>>) target_semaphore(%run_scoped3A : memref<!tpu.dma_semaphore, #tpu.memory_space<semaphore_mem>>)
      %dma_wait3A = arith.constant 0 : i32
      %dma_wait3A_35 = tpu.memref_slice %arg10[%add3A_23, %dma_wait3A] : memref<10240x128xf32, #tpu.memory_space<vmem_shared>> -> memref<128x128xf32, #tpu.memory_space<vmem_shared>>
      %dma_wait3A_36 = arith.constant 0 : i32
      %dma_wait3A_37 = tpu.memref_slice %arg10[%add3A_23, %dma_wait3A_36] : memref<10240x128xf32, #tpu.memory_space<vmem_shared>> -> memref<128x128xf32, #tpu.memory_space<vmem_shared>>
      tpu.wait_dma2 semaphore(%run_scoped3A : memref<!tpu.dma_semaphore, #tpu.memory_space<semaphore_mem>>) src(%dma_wait3A_37 : memref<128x128xf32, #tpu.memory_space<vmem_shared>>) dst(%arg9 : memref<128x128xf32, #tpu.memory_space<vmem>>)
      tpu.yield
    }) : () -> ()
    "tpu.region"() ({
      %run_scoped3A = tpu.sem_alloc : memref<!tpu.dma_semaphore, #tpu.memory_space<semaphore_mem>>
      %dma_start3A = arith.constant 0 : i32
      %dma_start3A_32 = tpu.memref_slice %arg6[%arg0, %add3A_23, %dma_start3A] : memref<2x10240x128xf32, #tpu.memory_space<hbm>> -> memref<1x128x128xf32, #tpu.memory_space<hbm>>
      %dma_start3A_33 = tpu.memref_squeeze %dma_start3A_32 : memref<1x128x128xf32, #tpu.memory_space<hbm>> -> memref<128x128xf32, #tpu.memory_space<hbm>>
      %dma_start3A_34 = arith.constant 0 : i32
      %dma_start3A_35 = tpu.memref_slice %arg6[%arg0, %add3A_23, %dma_start3A_34] : memref<2x10240x128xf32, #tpu.memory_space<hbm>> -> memref<1x128x128xf32, #tpu.memory_space<hbm>>
      %dma_start3A_36 = tpu.memref_squeeze %dma_start3A_35 : memref<1x128x128xf32, #tpu.memory_space<hbm>> -> memref<128x128xf32, #tpu.memory_space<hbm>>
      tpu.enqueue_dma source(%arg9 : memref<128x128xf32, #tpu.memory_space<vmem>>) target(%dma_start3A_36 : memref<128x128xf32, #tpu.memory_space<hbm>>) target_semaphore(%run_scoped3A : memref<!tpu.dma_semaphore, #tpu.memory_space<semaphore_mem>>)
      %dma_wait3A = arith.constant 0 : i32
      %dma_wait3A_37 = tpu.memref_slice %arg6[%arg0, %add3A_23, %dma_wait3A] : memref<2x10240x128xf32, #tpu.memory_space<hbm>> -> memref<1x128x128xf32, #tpu.memory_space<hbm>>
      %dma_wait3A_38 = tpu.memref_squeeze %dma_wait3A_37 : memref<1x128x128xf32, #tpu.memory_space<hbm>> -> memref<128x128xf32, #tpu.memory_space<hbm>>
      %dma_wait3A_39 = arith.constant 0 : i32
      %dma_wait3A_40 = tpu.memref_slice %arg6[%arg0, %add3A_23, %dma_wait3A_39] : memref<2x10240x128xf32, #tpu.memory_space<hbm>> -> memref<1x128x128xf32, #tpu.memory_space<hbm>>
      %dma_wait3A_41 = tpu.memref_squeeze %dma_wait3A_40 : memref<1x128x128xf32, #tpu.memory_space<hbm>> -> memref<128x128xf32, #tpu.memory_space<hbm>>
      tpu.wait_dma2 semaphore(%run_scoped3A : memref<!tpu.dma_semaphore, #tpu.memory_space<semaphore_mem>>) src(%arg9 : memref<128x128xf32, #tpu.memory_space<vmem>>) dst(%dma_wait3A_41 : memref<128x128xf32, #tpu.memory_space<hbm>>)
      tpu.yield
    }) : () -> ()
    %mul3A_24 = arith.constant 640 : i32
    %mul3A_25 = arith.muli %arg1, %mul3A_24 : i32
    %add3A_26 = arith.constant 384 : i32
    %add3A_27 = arith.addi %mul3A_25, %add3A_26 : i32
    "tpu.region"() ({
      %run_scoped3A = tpu.sem_alloc : memref<!tpu.dma_semaphore, #tpu.memory_space<semaphore_mem>>
      %dma_start3A = arith.constant 0 : i32
      %dma_start3A_32 = tpu.memref_slice %arg10[%add3A_27, %dma_start3A] : memref<10240x128xf32, #tpu.memory_space<vmem_shared>> -> memref<128x128xf32, #tpu.memory_space<vmem_shared>>
      %dma_start3A_33 = arith.constant 0 : i32
      %dma_start3A_34 = tpu.memref_slice %arg10[%add3A_27, %dma_start3A_33] : memref<10240x128xf32, #tpu.memory_space<vmem_shared>> -> memref<128x128xf32, #tpu.memory_space<vmem_shared>>
      tpu.enqueue_dma source(%dma_start3A_34 : memref<128x128xf32, #tpu.memory_space<vmem_shared>>) target(%arg9 : memref<128x128xf32, #tpu.memory_space<vmem>>) target_semaphore(%run_scoped3A : memref<!tpu.dma_semaphore, #tpu.memory_space<semaphore_mem>>)
      %dma_wait3A = arith.constant 0 : i32
      %dma_wait3A_35 = tpu.memref_slice %arg10[%add3A_27, %dma_wait3A] : memref<10240x128xf32, #tpu.memory_space<vmem_shared>> -> memref<128x128xf32, #tpu.memory_space<vmem_shared>>
      %dma_wait3A_36 = arith.constant 0 : i32
      %dma_wait3A_37 = tpu.memref_slice %arg10[%add3A_27, %dma_wait3A_36] : memref<10240x128xf32, #tpu.memory_space<vmem_shared>> -> memref<128x128xf32, #tpu.memory_space<vmem_shared>>
      tpu.wait_dma2 semaphore(%run_scoped3A : memref<!tpu.dma_semaphore, #tpu.memory_space<semaphore_mem>>) src(%dma_wait3A_37 : memref<128x128xf32, #tpu.memory_space<vmem_shared>>) dst(%arg9 : memref<128x128xf32, #tpu.memory_space<vmem>>)
      tpu.yield
    }) : () -> ()
    "tpu.region"() ({
      %run_scoped3A = tpu.sem_alloc : memref<!tpu.dma_semaphore, #tpu.memory_space<semaphore_mem>>
      %dma_start3A = arith.constant 0 : i32
      %dma_start3A_32 = tpu.memref_slice %arg6[%arg0, %add3A_27, %dma_start3A] : memref<2x10240x128xf32, #tpu.memory_space<hbm>> -> memref<1x128x128xf32, #tpu.memory_space<hbm>>
      %dma_start3A_33 = tpu.memref_squeeze %dma_start3A_32 : memref<1x128x128xf32, #tpu.memory_space<hbm>> -> memref<128x128xf32, #tpu.memory_space<hbm>>
      %dma_start3A_34 = arith.constant 0 : i32
      %dma_start3A_35 = tpu.memref_slice %arg6[%arg0, %add3A_27, %dma_start3A_34] : memref<2x10240x128xf32, #tpu.memory_space<hbm>> -> memref<1x128x128xf32, #tpu.memory_space<hbm>>
      %dma_start3A_36 = tpu.memref_squeeze %dma_start3A_35 : memref<1x128x128xf32, #tpu.memory_space<hbm>> -> memref<128x128xf32, #tpu.memory_space<hbm>>
      tpu.enqueue_dma source(%arg9 : memref<128x128xf32, #tpu.memory_space<vmem>>) target(%dma_start3A_36 : memref<128x128xf32, #tpu.memory_space<hbm>>) target_semaphore(%run_scoped3A : memref<!tpu.dma_semaphore, #tpu.memory_space<semaphore_mem>>)
      %dma_wait3A = arith.constant 0 : i32
      %dma_wait3A_37 = tpu.memref_slice %arg6[%arg0, %add3A_27, %dma_wait3A] : memref<2x10240x128xf32, #tpu.memory_space<hbm>> -> memref<1x128x128xf32, #tpu.memory_space<hbm>>
      %dma_wait3A_38 = tpu.memref_squeeze %dma_wait3A_37 : memref<1x128x128xf32, #tpu.memory_space<hbm>> -> memref<128x128xf32, #tpu.memory_space<hbm>>
      %dma_wait3A_39 = arith.constant 0 : i32
      %dma_wait3A_40 = tpu.memref_slice %arg6[%arg0, %add3A_27, %dma_wait3A_39] : memref<2x10240x128xf32, #tpu.memory_space<hbm>> -> memref<1x128x128xf32, #tpu.memory_space<hbm>>
      %dma_wait3A_41 = tpu.memref_squeeze %dma_wait3A_40 : memref<1x128x128xf32, #tpu.memory_space<hbm>> -> memref<128x128xf32, #tpu.memory_space<hbm>>
      tpu.wait_dma2 semaphore(%run_scoped3A : memref<!tpu.dma_semaphore, #tpu.memory_space<semaphore_mem>>) src(%arg9 : memref<128x128xf32, #tpu.memory_space<vmem>>) dst(%dma_wait3A_41 : memref<128x128xf32, #tpu.memory_space<hbm>>)
      tpu.yield
    }) : () -> ()
    %mul3A_28 = arith.constant 640 : i32
    %mul3A_29 = arith.muli %arg1, %mul3A_28 : i32
    %add3A_30 = arith.constant 512 : i32
    %add3A_31 = arith.addi %mul3A_29, %add3A_30 : i32
    "tpu.region"() ({
      %run_scoped3A = tpu.sem_alloc : memref<!tpu.dma_semaphore, #tpu.memory_space<semaphore_mem>>
      %dma_start3A = arith.constant 0 : i32
      %dma_start3A_32 = tpu.memref_slice %arg10[%add3A_31, %dma_start3A] : memref<10240x128xf32, #tpu.memory_space<vmem_shared>> -> memref<128x128xf32, #tpu.memory_space<vmem_shared>>
      %dma_start3A_33 = arith.constant 0 : i32
      %dma_start3A_34 = tpu.memref_slice %arg10[%add3A_31, %dma_start3A_33] : memref<10240x128xf32, #tpu.memory_space<vmem_shared>> -> memref<128x128xf32, #tpu.memory_space<vmem_shared>>
      tpu.enqueue_dma source(%dma_start3A_34 : memref<128x128xf32, #tpu.memory_space<vmem_shared>>) target(%arg9 : memref<128x128xf32, #tpu.memory_space<vmem>>) target_semaphore(%run_scoped3A : memref<!tpu.dma_semaphore, #tpu.memory_space<semaphore_mem>>)
      %dma_wait3A = arith.constant 0 : i32
      %dma_wait3A_35 = tpu.memref_slice %arg10[%add3A_31, %dma_wait3A] : memref<10240x128xf32, #tpu.memory_space<vmem_shared>> -> memref<128x128xf32, #tpu.memory_space<vmem_shared>>
      %dma_wait3A_36 = arith.constant 0 : i32
      %dma_wait3A_37 = tpu.memref_slice %arg10[%add3A_31, %dma_wait3A_36] : memref<10240x128xf32, #tpu.memory_space<vmem_shared>> -> memref<128x128xf32, #tpu.memory_space<vmem_shared>>
      tpu.wait_dma2 semaphore(%run_scoped3A : memref<!tpu.dma_semaphore, #tpu.memory_space<semaphore_mem>>) src(%dma_wait3A_37 : memref<128x128xf32, #tpu.memory_space<vmem_shared>>) dst(%arg9 : memref<128x128xf32, #tpu.memory_space<vmem>>)
      tpu.yield
    }) : () -> ()
    "tpu.region"() ({
      %run_scoped3A = tpu.sem_alloc : memref<!tpu.dma_semaphore, #tpu.memory_space<semaphore_mem>>
      %dma_start3A = arith.constant 0 : i32
      %dma_start3A_32 = tpu.memref_slice %arg6[%arg0, %add3A_31, %dma_start3A] : memref<2x10240x128xf32, #tpu.memory_space<hbm>> -> memref<1x128x128xf32, #tpu.memory_space<hbm>>
      %dma_start3A_33 = tpu.memref_squeeze %dma_start3A_32 : memref<1x128x128xf32, #tpu.memory_space<hbm>> -> memref<128x128xf32, #tpu.memory_space<hbm>>
      %dma_start3A_34 = arith.constant 0 : i32
      %dma_start3A_35 = tpu.memref_slice %arg6[%arg0, %add3A_31, %dma_start3A_34] : memref<2x10240x128xf32, #tpu.memory_space<hbm>> -> memref<1x128x128xf32, #tpu.memory_space<hbm>>
      %dma_start3A_36 = tpu.memref_squeeze %dma_start3A_35 : memref<1x128x128xf32, #tpu.memory_space<hbm>> -> memref<128x128xf32, #tpu.memory_space<hbm>>
      tpu.enqueue_dma source(%arg9 : memref<128x128xf32, #tpu.memory_space<vmem>>) target(%dma_start3A_36 : memref<128x128xf32, #tpu.memory_space<hbm>>) target_semaphore(%run_scoped3A : memref<!tpu.dma_semaphore, #tpu.memory_space<semaphore_mem>>)
      %dma_wait3A = arith.constant 0 : i32
      %dma_wait3A_37 = tpu.memref_slice %arg6[%arg0, %add3A_31, %dma_wait3A] : memref<2x10240x128xf32, #tpu.memory_space<hbm>> -> memref<1x128x128xf32, #tpu.memory_space<hbm>>
      %dma_wait3A_38 = tpu.memref_squeeze %dma_wait3A_37 : memref<1x128x128xf32, #tpu.memory_space<hbm>> -> memref<128x128xf32, #tpu.memory_space<hbm>>
      %dma_wait3A_39 = arith.constant 0 : i32
      %dma_wait3A_40 = tpu.memref_slice %arg6[%arg0, %add3A_31, %dma_wait3A_39] : memref<2x10240x128xf32, #tpu.memory_space<hbm>> -> memref<1x128x128xf32, #tpu.memory_space<hbm>>
      %dma_wait3A_41 = tpu.memref_squeeze %dma_wait3A_40 : memref<1x128x128xf32, #tpu.memory_space<hbm>> -> memref<128x128xf32, #tpu.memory_space<hbm>>
      tpu.wait_dma2 semaphore(%run_scoped3A : memref<!tpu.dma_semaphore, #tpu.memory_space<semaphore_mem>>) src(%arg9 : memref<128x128xf32, #tpu.memory_space<vmem>>) dst(%dma_wait3A_41 : memref<128x128xf32, #tpu.memory_space<hbm>>)
      tpu.yield
    }) : () -> ()
    return
  }
}

#map = affine_map<(d0, d1) -> (0, 0)>
#map1 = affine_map<(d0, d1) -> (0)>
#map2 = affine_map<(d0, d1) -> (0, 0, 0)>
module attributes {stable_mosaic.version = 14 : i64} {
  func.func @_sc_agg(%arg0: i32, %arg1: i32, %arg2: memref<10000x128xf32, #tpu.memory_space<hbm>>, %arg3: memref<323584xi32, #tpu.memory_space<hbm>>, %arg4: memref<323584xi32, #tpu.memory_space<hbm>>, %arg5: memref<640x128xf32, #tpu.memory_space<hbm>>, %arg6: memref<2x10240x128xf32, #tpu.memory_space<hbm>>, %arg7: memref<128xi32, #tpu.memory_space<vmem>>, %arg8: memref<128xi32, #tpu.memory_space<vmem>>, %arg9: memref<128x128xf32, #tpu.memory_space<vmem>>, %arg10: memref<10240x128xf32, #tpu.memory_space<vmem_shared>>, %arg11: memref<!tpu.dma_semaphore, #tpu.memory_space<semaphore_mem>>) attributes {dimension_semantics = [#tpu.dimension_semantics<core_parallel>, #tpu.dimension_semantics<subcore_parallel>], iteration_bounds = array<i64: 2, 16>, scalar_prefetch = 0 : i64, scratch_operands = 5 : i64, tpu.core_type = #tpu.core_type<sc_vector_subcore>, window_params = [{transform_indices = #map}, {transform_indices = #map1}, {transform_indices = #map1}, {transform_indices = #map}, {transform_indices = #map2}]} {
    %mul3A = arith.constant 640 : i32
    %mul3A_0 = arith.muli %arg1, %mul3A : i32
    "tpu.region"() ({
      %run_scoped3A = tpu.sem_alloc : memref<!tpu.dma_semaphore, #tpu.memory_space<semaphore_mem>>
      %dma_start3A = arith.constant 0 : i32
      %dma_start3A_32 = tpu.memref_slice %arg10[%mul3A_0, %dma_start3A] : memref<10240x128xf32, #tpu.memory_space<vmem_shared>> -> memref<640x128xf32, #tpu.memory_space<vmem_shared>>
      tpu.enqueue_dma source(%arg5 : memref<640x128xf32, #tpu.memory_space<hbm>>) target(%dma_start3A_32 : memref<640x128xf32, #tpu.memory_space<vmem_shared>>) target_semaphore(%run_scoped3A : memref<!tpu.dma_semaphore, #tpu.memory_space<semaphore_mem>>)
      %dma_wait3A = arith.constant 0 : i32
      %dma_wait3A_33 = tpu.memref_slice %arg10[%mul3A_0, %dma_wait3A] : memref<10240x128xf32, #tpu.memory_space<vmem_shared>> -> memref<640x128xf32, #tpu.memory_space<vmem_shared>>
      tpu.wait_dma2 semaphore(%run_scoped3A : memref<!tpu.dma_semaphore, #tpu.memory_space<semaphore_mem>>) src(%arg5 : memref<640x128xf32, #tpu.memory_space<hbm>>) dst(%dma_wait3A_33 : memref<640x128xf32, #tpu.memory_space<vmem_shared>>)
      tpu.yield
    }) : () -> ()
    %barrier3A = arith.constant 0 : index
    tpu.barrier barrier_id(%barrier3A)
    %mul3A_1 = arith.constant 16 : i32
    %mul3A_2 = arith.muli %arg0, %mul3A_1 : i32
    %add3A = arith.addi %mul3A_2, %arg1 : i32
    %mul3A_3 = arith.constant 10112 : i32
    %mul3A_4 = arith.muli %add3A, %mul3A_3 : i32
    %scan3A = arith.constant 0 : i32
    %scan3A_5 = arith.constant 0 : i32
    %scan3A_6 = arith.constant 79 : i32
    %scan3A_7 = arith.addi %scan3A_5, %scan3A_6 : i32
    %scan3A_8 = arith.constant 1 : i32
    %scan3A_9 = scf.for %scan3A_32 = %scan3A_5 to %scan3A_7 step %scan3A_8 iter_args(%scan3A_33 = %scan3A) -> (i32)  : i32 {
      %mul3A_34 = arith.constant 128 : i32
      %mul3A_35 = arith.muli %scan3A_32, %mul3A_34 : i32
      %add3A_36 = arith.addi %mul3A_4, %mul3A_35 : i32
      "tpu.region"() ({
        %run_scoped3A = tpu.sem_alloc : memref<!tpu.dma_semaphore, #tpu.memory_space<semaphore_mem>>
        %dma_start3A_42 = tpu.memref_slice %arg3[%add3A_36] : memref<323584xi32, #tpu.memory_space<hbm>> -> memref<128xi32, #tpu.memory_space<hbm>>
        %dma_start3A_43 = tpu.memref_slice %arg3[%add3A_36] : memref<323584xi32, #tpu.memory_space<hbm>> -> memref<128xi32, #tpu.memory_space<hbm>>
        tpu.enqueue_dma source(%dma_start3A_43 : memref<128xi32, #tpu.memory_space<hbm>>) target(%arg7 : memref<128xi32, #tpu.memory_space<vmem>>) target_semaphore(%run_scoped3A : memref<!tpu.dma_semaphore, #tpu.memory_space<semaphore_mem>>)
        %dma_wait3A_44 = tpu.memref_slice %arg3[%add3A_36] : memref<323584xi32, #tpu.memory_space<hbm>> -> memref<128xi32, #tpu.memory_space<hbm>>
        %dma_wait3A_45 = tpu.memref_slice %arg3[%add3A_36] : memref<323584xi32, #tpu.memory_space<hbm>> -> memref<128xi32, #tpu.memory_space<hbm>>
        tpu.wait_dma2 semaphore(%run_scoped3A : memref<!tpu.dma_semaphore, #tpu.memory_space<semaphore_mem>>) src(%dma_wait3A_45 : memref<128xi32, #tpu.memory_space<hbm>>) dst(%arg7 : memref<128xi32, #tpu.memory_space<vmem>>)
        tpu.yield
      }) : () -> ()
      "tpu.region"() ({
        %run_scoped3A = tpu.sem_alloc : memref<!tpu.dma_semaphore, #tpu.memory_space<semaphore_mem>>
        %dma_start3A_42 = tpu.memref_slice %arg4[%add3A_36] : memref<323584xi32, #tpu.memory_space<hbm>> -> memref<128xi32, #tpu.memory_space<hbm>>
        %dma_start3A_43 = tpu.memref_slice %arg4[%add3A_36] : memref<323584xi32, #tpu.memory_space<hbm>> -> memref<128xi32, #tpu.memory_space<hbm>>
        tpu.enqueue_dma source(%dma_start3A_43 : memref<128xi32, #tpu.memory_space<hbm>>) target(%arg8 : memref<128xi32, #tpu.memory_space<vmem>>) target_semaphore(%run_scoped3A : memref<!tpu.dma_semaphore, #tpu.memory_space<semaphore_mem>>)
        %dma_wait3A_44 = tpu.memref_slice %arg4[%add3A_36] : memref<323584xi32, #tpu.memory_space<hbm>> -> memref<128xi32, #tpu.memory_space<hbm>>
        %dma_wait3A_45 = tpu.memref_slice %arg4[%add3A_36] : memref<323584xi32, #tpu.memory_space<hbm>> -> memref<128xi32, #tpu.memory_space<hbm>>
        tpu.wait_dma2 semaphore(%run_scoped3A : memref<!tpu.dma_semaphore, #tpu.memory_space<semaphore_mem>>) src(%dma_wait3A_45 : memref<128xi32, #tpu.memory_space<hbm>>) dst(%arg8 : memref<128xi32, #tpu.memory_space<vmem>>)
        tpu.yield
      }) : () -> ()
      %dma_start3A = arith.constant 0 : i32
      %dma_start3A_37 = arith.constant 0 : i32
      %dma_start3A_38 = tpu.memref_slice %arg2[%dma_start3A, %dma_start3A_37] : memref<10000x128xf32, #tpu.memory_space<hbm>> -> memref<10000x128xf32, #tpu.memory_space<hbm>>
      tpu.enqueue_indirect_dma source(%dma_start3A_38 : memref<10000x128xf32, #tpu.memory_space<hbm>>) target(%arg9 : memref<128x128xf32, #tpu.memory_space<vmem>>) offsets(%arg7 : memref<128xi32, #tpu.memory_space<vmem>>) semaphore(%arg11 : memref<!tpu.dma_semaphore, #tpu.memory_space<semaphore_mem>>)
      %dma_wait3A = arith.constant 0 : i32
      %dma_wait3A_39 = arith.constant 0 : i32
      %dma_wait3A_40 = tpu.memref_slice %arg2[%dma_wait3A, %dma_wait3A_39] : memref<10000x128xf32, #tpu.memory_space<hbm>> -> memref<10000x128xf32, #tpu.memory_space<hbm>>
      tpu.wait_indirect_dma semaphore(%arg11 : memref<!tpu.dma_semaphore, #tpu.memory_space<semaphore_mem>>) src(%dma_wait3A_40 : memref<10000x128xf32, #tpu.memory_space<hbm>>) dst(%arg9 : memref<128x128xf32, #tpu.memory_space<vmem>>)
      "tpu.region"() ({
        %run_scoped3A = tpu.sem_alloc : memref<!tpu.dma_semaphore, #tpu.memory_space<semaphore_mem>>
        %dma_start3A_42 = arith.constant 0 : i32
        %dma_start3A_43 = arith.constant 0 : i32
        %dma_start3A_44 = tpu.memref_slice %arg10[%dma_start3A_42, %dma_start3A_43] : memref<10240x128xf32, #tpu.memory_space<vmem_shared>> -> memref<10240x128xf32, #tpu.memory_space<vmem_shared>>
        tpu.enqueue_indirect_dma source(%arg9 : memref<128x128xf32, #tpu.memory_space<vmem>>) target(%dma_start3A_44 : memref<10240x128xf32, #tpu.memory_space<vmem_shared>>) offsets(%arg8 : memref<128xi32, #tpu.memory_space<vmem>>) semaphore(%run_scoped3A : memref<!tpu.dma_semaphore, #tpu.memory_space<semaphore_mem>>) {add = true}
        %dma_wait3A_45 = arith.constant 0 : i32
        %dma_wait3A_46 = arith.constant 0 : i32
        %dma_wait3A_47 = tpu.memref_slice %arg10[%dma_wait3A_45, %dma_wait3A_46] : memref<10240x128xf32, #tpu.memory_space<vmem_shared>> -> memref<10240x128xf32, #tpu.memory_space<vmem_shared>>
        tpu.wait_indirect_dma semaphore(%run_scoped3A : memref<!tpu.dma_semaphore, #tpu.memory_space<semaphore_mem>>) src(%arg9 : memref<128x128xf32, #tpu.memory_space<vmem>>) dst(%dma_wait3A_47 : memref<10240x128xf32, #tpu.memory_space<vmem_shared>>)
        tpu.yield
      }) : () -> ()
      %scan3A_41 = arith.constant 0 : i32
      scf.yield %scan3A_41 : i32
    }
    %scan3A_10 = arith.constant 79 : i32
    %barrier3A_11 = arith.constant 0 : index
    tpu.barrier barrier_id(%barrier3A_11)
    %mul3A_12 = arith.constant 640 : i32
    %mul3A_13 = arith.muli %arg1, %mul3A_12 : i32
    %add3A_14 = arith.constant 0 : i32
    %add3A_15 = arith.addi %mul3A_13, %add3A_14 : i32
    "tpu.region"() ({
      %run_scoped3A = tpu.sem_alloc : memref<!tpu.dma_semaphore, #tpu.memory_space<semaphore_mem>>
      %dma_start3A = arith.constant 0 : i32
      %dma_start3A_32 = tpu.memref_slice %arg10[%add3A_15, %dma_start3A] : memref<10240x128xf32, #tpu.memory_space<vmem_shared>> -> memref<128x128xf32, #tpu.memory_space<vmem_shared>>
      %dma_start3A_33 = arith.constant 0 : i32
      %dma_start3A_34 = tpu.memref_slice %arg10[%add3A_15, %dma_start3A_33] : memref<10240x128xf32, #tpu.memory_space<vmem_shared>> -> memref<128x128xf32, #tpu.memory_space<vmem_shared>>
      tpu.enqueue_dma source(%dma_start3A_34 : memref<128x128xf32, #tpu.memory_space<vmem_shared>>) target(%arg9 : memref<128x128xf32, #tpu.memory_space<vmem>>) target_semaphore(%run_scoped3A : memref<!tpu.dma_semaphore, #tpu.memory_space<semaphore_mem>>)
      %dma_wait3A = arith.constant 0 : i32
      %dma_wait3A_35 = tpu.memref_slice %arg10[%add3A_15, %dma_wait3A] : memref<10240x128xf32, #tpu.memory_space<vmem_shared>> -> memref<128x128xf32, #tpu.memory_space<vmem_shared>>
      %dma_wait3A_36 = arith.constant 0 : i32
      %dma_wait3A_37 = tpu.memref_slice %arg10[%add3A_15, %dma_wait3A_36] : memref<10240x128xf32, #tpu.memory_space<vmem_shared>> -> memref<128x128xf32, #tpu.memory_space<vmem_shared>>
      tpu.wait_dma2 semaphore(%run_scoped3A : memref<!tpu.dma_semaphore, #tpu.memory_space<semaphore_mem>>) src(%dma_wait3A_37 : memref<128x128xf32, #tpu.memory_space<vmem_shared>>) dst(%arg9 : memref<128x128xf32, #tpu.memory_space<vmem>>)
      tpu.yield
    }) : () -> ()
    "tpu.region"() ({
      %run_scoped3A = tpu.sem_alloc : memref<!tpu.dma_semaphore, #tpu.memory_space<semaphore_mem>>
      %dma_start3A = arith.constant 0 : i32
      %dma_start3A_32 = tpu.memref_slice %arg6[%arg0, %add3A_15, %dma_start3A] : memref<2x10240x128xf32, #tpu.memory_space<hbm>> -> memref<1x128x128xf32, #tpu.memory_space<hbm>>
      %dma_start3A_33 = tpu.memref_squeeze %dma_start3A_32 : memref<1x128x128xf32, #tpu.memory_space<hbm>> -> memref<128x128xf32, #tpu.memory_space<hbm>>
      %dma_start3A_34 = arith.constant 0 : i32
      %dma_start3A_35 = tpu.memref_slice %arg6[%arg0, %add3A_15, %dma_start3A_34] : memref<2x10240x128xf32, #tpu.memory_space<hbm>> -> memref<1x128x128xf32, #tpu.memory_space<hbm>>
      %dma_start3A_36 = tpu.memref_squeeze %dma_start3A_35 : memref<1x128x128xf32, #tpu.memory_space<hbm>> -> memref<128x128xf32, #tpu.memory_space<hbm>>
      tpu.enqueue_dma source(%arg9 : memref<128x128xf32, #tpu.memory_space<vmem>>) target(%dma_start3A_36 : memref<128x128xf32, #tpu.memory_space<hbm>>) target_semaphore(%run_scoped3A : memref<!tpu.dma_semaphore, #tpu.memory_space<semaphore_mem>>)
      %dma_wait3A = arith.constant 0 : i32
      %dma_wait3A_37 = tpu.memref_slice %arg6[%arg0, %add3A_15, %dma_wait3A] : memref<2x10240x128xf32, #tpu.memory_space<hbm>> -> memref<1x128x128xf32, #tpu.memory_space<hbm>>
      %dma_wait3A_38 = tpu.memref_squeeze %dma_wait3A_37 : memref<1x128x128xf32, #tpu.memory_space<hbm>> -> memref<128x128xf32, #tpu.memory_space<hbm>>
      %dma_wait3A_39 = arith.constant 0 : i32
      %dma_wait3A_40 = tpu.memref_slice %arg6[%arg0, %add3A_15, %dma_wait3A_39] : memref<2x10240x128xf32, #tpu.memory_space<hbm>> -> memref<1x128x128xf32, #tpu.memory_space<hbm>>
      %dma_wait3A_41 = tpu.memref_squeeze %dma_wait3A_40 : memref<1x128x128xf32, #tpu.memory_space<hbm>> -> memref<128x128xf32, #tpu.memory_space<hbm>>
      tpu.wait_dma2 semaphore(%run_scoped3A : memref<!tpu.dma_semaphore, #tpu.memory_space<semaphore_mem>>) src(%arg9 : memref<128x128xf32, #tpu.memory_space<vmem>>) dst(%dma_wait3A_41 : memref<128x128xf32, #tpu.memory_space<hbm>>)
      tpu.yield
    }) : () -> ()
    %mul3A_16 = arith.constant 640 : i32
    %mul3A_17 = arith.muli %arg1, %mul3A_16 : i32
    %add3A_18 = arith.constant 128 : i32
    %add3A_19 = arith.addi %mul3A_17, %add3A_18 : i32
    "tpu.region"() ({
      %run_scoped3A = tpu.sem_alloc : memref<!tpu.dma_semaphore, #tpu.memory_space<semaphore_mem>>
      %dma_start3A = arith.constant 0 : i32
      %dma_start3A_32 = tpu.memref_slice %arg10[%add3A_19, %dma_start3A] : memref<10240x128xf32, #tpu.memory_space<vmem_shared>> -> memref<128x128xf32, #tpu.memory_space<vmem_shared>>
      %dma_start3A_33 = arith.constant 0 : i32
      %dma_start3A_34 = tpu.memref_slice %arg10[%add3A_19, %dma_start3A_33] : memref<10240x128xf32, #tpu.memory_space<vmem_shared>> -> memref<128x128xf32, #tpu.memory_space<vmem_shared>>
      tpu.enqueue_dma source(%dma_start3A_34 : memref<128x128xf32, #tpu.memory_space<vmem_shared>>) target(%arg9 : memref<128x128xf32, #tpu.memory_space<vmem>>) target_semaphore(%run_scoped3A : memref<!tpu.dma_semaphore, #tpu.memory_space<semaphore_mem>>)
      %dma_wait3A = arith.constant 0 : i32
      %dma_wait3A_35 = tpu.memref_slice %arg10[%add3A_19, %dma_wait3A] : memref<10240x128xf32, #tpu.memory_space<vmem_shared>> -> memref<128x128xf32, #tpu.memory_space<vmem_shared>>
      %dma_wait3A_36 = arith.constant 0 : i32
      %dma_wait3A_37 = tpu.memref_slice %arg10[%add3A_19, %dma_wait3A_36] : memref<10240x128xf32, #tpu.memory_space<vmem_shared>> -> memref<128x128xf32, #tpu.memory_space<vmem_shared>>
      tpu.wait_dma2 semaphore(%run_scoped3A : memref<!tpu.dma_semaphore, #tpu.memory_space<semaphore_mem>>) src(%dma_wait3A_37 : memref<128x128xf32, #tpu.memory_space<vmem_shared>>) dst(%arg9 : memref<128x128xf32, #tpu.memory_space<vmem>>)
      tpu.yield
    }) : () -> ()
    "tpu.region"() ({
      %run_scoped3A = tpu.sem_alloc : memref<!tpu.dma_semaphore, #tpu.memory_space<semaphore_mem>>
      %dma_start3A = arith.constant 0 : i32
      %dma_start3A_32 = tpu.memref_slice %arg6[%arg0, %add3A_19, %dma_start3A] : memref<2x10240x128xf32, #tpu.memory_space<hbm>> -> memref<1x128x128xf32, #tpu.memory_space<hbm>>
      %dma_start3A_33 = tpu.memref_squeeze %dma_start3A_32 : memref<1x128x128xf32, #tpu.memory_space<hbm>> -> memref<128x128xf32, #tpu.memory_space<hbm>>
      %dma_start3A_34 = arith.constant 0 : i32
      %dma_start3A_35 = tpu.memref_slice %arg6[%arg0, %add3A_19, %dma_start3A_34] : memref<2x10240x128xf32, #tpu.memory_space<hbm>> -> memref<1x128x128xf32, #tpu.memory_space<hbm>>
      %dma_start3A_36 = tpu.memref_squeeze %dma_start3A_35 : memref<1x128x128xf32, #tpu.memory_space<hbm>> -> memref<128x128xf32, #tpu.memory_space<hbm>>
      tpu.enqueue_dma source(%arg9 : memref<128x128xf32, #tpu.memory_space<vmem>>) target(%dma_start3A_36 : memref<128x128xf32, #tpu.memory_space<hbm>>) target_semaphore(%run_scoped3A : memref<!tpu.dma_semaphore, #tpu.memory_space<semaphore_mem>>)
      %dma_wait3A = arith.constant 0 : i32
      %dma_wait3A_37 = tpu.memref_slice %arg6[%arg0, %add3A_19, %dma_wait3A] : memref<2x10240x128xf32, #tpu.memory_space<hbm>> -> memref<1x128x128xf32, #tpu.memory_space<hbm>>
      %dma_wait3A_38 = tpu.memref_squeeze %dma_wait3A_37 : memref<1x128x128xf32, #tpu.memory_space<hbm>> -> memref<128x128xf32, #tpu.memory_space<hbm>>
      %dma_wait3A_39 = arith.constant 0 : i32
      %dma_wait3A_40 = tpu.memref_slice %arg6[%arg0, %add3A_19, %dma_wait3A_39] : memref<2x10240x128xf32, #tpu.memory_space<hbm>> -> memref<1x128x128xf32, #tpu.memory_space<hbm>>
      %dma_wait3A_41 = tpu.memref_squeeze %dma_wait3A_40 : memref<1x128x128xf32, #tpu.memory_space<hbm>> -> memref<128x128xf32, #tpu.memory_space<hbm>>
      tpu.wait_dma2 semaphore(%run_scoped3A : memref<!tpu.dma_semaphore, #tpu.memory_space<semaphore_mem>>) src(%arg9 : memref<128x128xf32, #tpu.memory_space<vmem>>) dst(%dma_wait3A_41 : memref<128x128xf32, #tpu.memory_space<hbm>>)
      tpu.yield
    }) : () -> ()
    %mul3A_20 = arith.constant 640 : i32
    %mul3A_21 = arith.muli %arg1, %mul3A_20 : i32
    %add3A_22 = arith.constant 256 : i32
    %add3A_23 = arith.addi %mul3A_21, %add3A_22 : i32
    "tpu.region"() ({
      %run_scoped3A = tpu.sem_alloc : memref<!tpu.dma_semaphore, #tpu.memory_space<semaphore_mem>>
      %dma_start3A = arith.constant 0 : i32
      %dma_start3A_32 = tpu.memref_slice %arg10[%add3A_23, %dma_start3A] : memref<10240x128xf32, #tpu.memory_space<vmem_shared>> -> memref<128x128xf32, #tpu.memory_space<vmem_shared>>
      %dma_start3A_33 = arith.constant 0 : i32
      %dma_start3A_34 = tpu.memref_slice %arg10[%add3A_23, %dma_start3A_33] : memref<10240x128xf32, #tpu.memory_space<vmem_shared>> -> memref<128x128xf32, #tpu.memory_space<vmem_shared>>
      tpu.enqueue_dma source(%dma_start3A_34 : memref<128x128xf32, #tpu.memory_space<vmem_shared>>) target(%arg9 : memref<128x128xf32, #tpu.memory_space<vmem>>) target_semaphore(%run_scoped3A : memref<!tpu.dma_semaphore, #tpu.memory_space<semaphore_mem>>)
      %dma_wait3A = arith.constant 0 : i32
      %dma_wait3A_35 = tpu.memref_slice %arg10[%add3A_23, %dma_wait3A] : memref<10240x128xf32, #tpu.memory_space<vmem_shared>> -> memref<128x128xf32, #tpu.memory_space<vmem_shared>>
      %dma_wait3A_36 = arith.constant 0 : i32
      %dma_wait3A_37 = tpu.memref_slice %arg10[%add3A_23, %dma_wait3A_36] : memref<10240x128xf32, #tpu.memory_space<vmem_shared>> -> memref<128x128xf32, #tpu.memory_space<vmem_shared>>
      tpu.wait_dma2 semaphore(%run_scoped3A : memref<!tpu.dma_semaphore, #tpu.memory_space<semaphore_mem>>) src(%dma_wait3A_37 : memref<128x128xf32, #tpu.memory_space<vmem_shared>>) dst(%arg9 : memref<128x128xf32, #tpu.memory_space<vmem>>)
      tpu.yield
    }) : () -> ()
    "tpu.region"() ({
      %run_scoped3A = tpu.sem_alloc : memref<!tpu.dma_semaphore, #tpu.memory_space<semaphore_mem>>
      %dma_start3A = arith.constant 0 : i32
      %dma_start3A_32 = tpu.memref_slice %arg6[%arg0, %add3A_23, %dma_start3A] : memref<2x10240x128xf32, #tpu.memory_space<hbm>> -> memref<1x128x128xf32, #tpu.memory_space<hbm>>
      %dma_start3A_33 = tpu.memref_squeeze %dma_start3A_32 : memref<1x128x128xf32, #tpu.memory_space<hbm>> -> memref<128x128xf32, #tpu.memory_space<hbm>>
      %dma_start3A_34 = arith.constant 0 : i32
      %dma_start3A_35 = tpu.memref_slice %arg6[%arg0, %add3A_23, %dma_start3A_34] : memref<2x10240x128xf32, #tpu.memory_space<hbm>> -> memref<1x128x128xf32, #tpu.memory_space<hbm>>
      %dma_start3A_36 = tpu.memref_squeeze %dma_start3A_35 : memref<1x128x128xf32, #tpu.memory_space<hbm>> -> memref<128x128xf32, #tpu.memory_space<hbm>>
      tpu.enqueue_dma source(%arg9 : memref<128x128xf32, #tpu.memory_space<vmem>>) target(%dma_start3A_36 : memref<128x128xf32, #tpu.memory_space<hbm>>) target_semaphore(%run_scoped3A : memref<!tpu.dma_semaphore, #tpu.memory_space<semaphore_mem>>)
      %dma_wait3A = arith.constant 0 : i32
      %dma_wait3A_37 = tpu.memref_slice %arg6[%arg0, %add3A_23, %dma_wait3A] : memref<2x10240x128xf32, #tpu.memory_space<hbm>> -> memref<1x128x128xf32, #tpu.memory_space<hbm>>
      %dma_wait3A_38 = tpu.memref_squeeze %dma_wait3A_37 : memref<1x128x128xf32, #tpu.memory_space<hbm>> -> memref<128x128xf32, #tpu.memory_space<hbm>>
      %dma_wait3A_39 = arith.constant 0 : i32
      %dma_wait3A_40 = tpu.memref_slice %arg6[%arg0, %add3A_23, %dma_wait3A_39] : memref<2x10240x128xf32, #tpu.memory_space<hbm>> -> memref<1x128x128xf32, #tpu.memory_space<hbm>>
      %dma_wait3A_41 = tpu.memref_squeeze %dma_wait3A_40 : memref<1x128x128xf32, #tpu.memory_space<hbm>> -> memref<128x128xf32, #tpu.memory_space<hbm>>
      tpu.wait_dma2 semaphore(%run_scoped3A : memref<!tpu.dma_semaphore, #tpu.memory_space<semaphore_mem>>) src(%arg9 : memref<128x128xf32, #tpu.memory_space<vmem>>) dst(%dma_wait3A_41 : memref<128x128xf32, #tpu.memory_space<hbm>>)
      tpu.yield
    }) : () -> ()
    %mul3A_24 = arith.constant 640 : i32
    %mul3A_25 = arith.muli %arg1, %mul3A_24 : i32
    %add3A_26 = arith.constant 384 : i32
    %add3A_27 = arith.addi %mul3A_25, %add3A_26 : i32
    "tpu.region"() ({
      %run_scoped3A = tpu.sem_alloc : memref<!tpu.dma_semaphore, #tpu.memory_space<semaphore_mem>>
      %dma_start3A = arith.constant 0 : i32
      %dma_start3A_32 = tpu.memref_slice %arg10[%add3A_27, %dma_start3A] : memref<10240x128xf32, #tpu.memory_space<vmem_shared>> -> memref<128x128xf32, #tpu.memory_space<vmem_shared>>
      %dma_start3A_33 = arith.constant 0 : i32
      %dma_start3A_34 = tpu.memref_slice %arg10[%add3A_27, %dma_start3A_33] : memref<10240x128xf32, #tpu.memory_space<vmem_shared>> -> memref<128x128xf32, #tpu.memory_space<vmem_shared>>
      tpu.enqueue_dma source(%dma_start3A_34 : memref<128x128xf32, #tpu.memory_space<vmem_shared>>) target(%arg9 : memref<128x128xf32, #tpu.memory_space<vmem>>) target_semaphore(%run_scoped3A : memref<!tpu.dma_semaphore, #tpu.memory_space<semaphore_mem>>)
      %dma_wait3A = arith.constant 0 : i32
      %dma_wait3A_35 = tpu.memref_slice %arg10[%add3A_27, %dma_wait3A] : memref<10240x128xf32, #tpu.memory_space<vmem_shared>> -> memref<128x128xf32, #tpu.memory_space<vmem_shared>>
      %dma_wait3A_36 = arith.constant 0 : i32
      %dma_wait3A_37 = tpu.memref_slice %arg10[%add3A_27, %dma_wait3A_36] : memref<10240x128xf32, #tpu.memory_space<vmem_shared>> -> memref<128x128xf32, #tpu.memory_space<vmem_shared>>
      tpu.wait_dma2 semaphore(%run_scoped3A : memref<!tpu.dma_semaphore, #tpu.memory_space<semaphore_mem>>) src(%dma_wait3A_37 : memref<128x128xf32, #tpu.memory_space<vmem_shared>>) dst(%arg9 : memref<128x128xf32, #tpu.memory_space<vmem>>)
      tpu.yield
    }) : () -> ()
    "tpu.region"() ({
      %run_scoped3A = tpu.sem_alloc : memref<!tpu.dma_semaphore, #tpu.memory_space<semaphore_mem>>
      %dma_start3A = arith.constant 0 : i32
      %dma_start3A_32 = tpu.memref_slice %arg6[%arg0, %add3A_27, %dma_start3A] : memref<2x10240x128xf32, #tpu.memory_space<hbm>> -> memref<1x128x128xf32, #tpu.memory_space<hbm>>
      %dma_start3A_33 = tpu.memref_squeeze %dma_start3A_32 : memref<1x128x128xf32, #tpu.memory_space<hbm>> -> memref<128x128xf32, #tpu.memory_space<hbm>>
      %dma_start3A_34 = arith.constant 0 : i32
      %dma_start3A_35 = tpu.memref_slice %arg6[%arg0, %add3A_27, %dma_start3A_34] : memref<2x10240x128xf32, #tpu.memory_space<hbm>> -> memref<1x128x128xf32, #tpu.memory_space<hbm>>
      %dma_start3A_36 = tpu.memref_squeeze %dma_start3A_35 : memref<1x128x128xf32, #tpu.memory_space<hbm>> -> memref<128x128xf32, #tpu.memory_space<hbm>>
      tpu.enqueue_dma source(%arg9 : memref<128x128xf32, #tpu.memory_space<vmem>>) target(%dma_start3A_36 : memref<128x128xf32, #tpu.memory_space<hbm>>) target_semaphore(%run_scoped3A : memref<!tpu.dma_semaphore, #tpu.memory_space<semaphore_mem>>)
      %dma_wait3A = arith.constant 0 : i32
      %dma_wait3A_37 = tpu.memref_slice %arg6[%arg0, %add3A_27, %dma_wait3A] : memref<2x10240x128xf32, #tpu.memory_space<hbm>> -> memref<1x128x128xf32, #tpu.memory_space<hbm>>
      %dma_wait3A_38 = tpu.memref_squeeze %dma_wait3A_37 : memref<1x128x128xf32, #tpu.memory_space<hbm>> -> memref<128x128xf32, #tpu.memory_space<hbm>>
      %dma_wait3A_39 = arith.constant 0 : i32
      %dma_wait3A_40 = tpu.memref_slice %arg6[%arg0, %add3A_27, %dma_wait3A_39] : memref<2x10240x128xf32, #tpu.memory_space<hbm>> -> memref<1x128x128xf32, #tpu.memory_space<hbm>>
      %dma_wait3A_41 = tpu.memref_squeeze %dma_wait3A_40 : memref<1x128x128xf32, #tpu.memory_space<hbm>> -> memref<128x128xf32, #tpu.memory_space<hbm>>
      tpu.wait_dma2 semaphore(%run_scoped3A : memref<!tpu.dma_semaphore, #tpu.memory_space<semaphore_mem>>) src(%arg9 : memref<128x128xf32, #tpu.memory_space<vmem>>) dst(%dma_wait3A_41 : memref<128x128xf32, #tpu.memory_space<hbm>>)
      tpu.yield
    }) : () -> ()
    %mul3A_28 = arith.constant 640 : i32
    %mul3A_29 = arith.muli %arg1, %mul3A_28 : i32
    %add3A_30 = arith.constant 512 : i32
    %add3A_31 = arith.addi %mul3A_29, %add3A_30 : i32
    "tpu.region"() ({
      %run_scoped3A = tpu.sem_alloc : memref<!tpu.dma_semaphore, #tpu.memory_space<semaphore_mem>>
      %dma_start3A = arith.constant 0 : i32
      %dma_start3A_32 = tpu.memref_slice %arg10[%add3A_31, %dma_start3A] : memref<10240x128xf32, #tpu.memory_space<vmem_shared>> -> memref<128x128xf32, #tpu.memory_space<vmem_shared>>
      %dma_start3A_33 = arith.constant 0 : i32
      %dma_start3A_34 = tpu.memref_slice %arg10[%add3A_31, %dma_start3A_33] : memref<10240x128xf32, #tpu.memory_space<vmem_shared>> -> memref<128x128xf32, #tpu.memory_space<vmem_shared>>
      tpu.enqueue_dma source(%dma_start3A_34 : memref<128x128xf32, #tpu.memory_space<vmem_shared>>) target(%arg9 : memref<128x128xf32, #tpu.memory_space<vmem>>) target_semaphore(%run_scoped3A : memref<!tpu.dma_semaphore, #tpu.memory_space<semaphore_mem>>)
      %dma_wait3A = arith.constant 0 : i32
      %dma_wait3A_35 = tpu.memref_slice %arg10[%add3A_31, %dma_wait3A] : memref<10240x128xf32, #tpu.memory_space<vmem_shared>> -> memref<128x128xf32, #tpu.memory_space<vmem_shared>>
      %dma_wait3A_36 = arith.constant 0 : i32
      %dma_wait3A_37 = tpu.memref_slice %arg10[%add3A_31, %dma_wait3A_36] : memref<10240x128xf32, #tpu.memory_space<vmem_shared>> -> memref<128x128xf32, #tpu.memory_space<vmem_shared>>
      tpu.wait_dma2 semaphore(%run_scoped3A : memref<!tpu.dma_semaphore, #tpu.memory_space<semaphore_mem>>) src(%dma_wait3A_37 : memref<128x128xf32, #tpu.memory_space<vmem_shared>>) dst(%arg9 : memref<128x128xf32, #tpu.memory_space<vmem>>)
      tpu.yield
    }) : () -> ()
    "tpu.region"() ({
      %run_scoped3A = tpu.sem_alloc : memref<!tpu.dma_semaphore, #tpu.memory_space<semaphore_mem>>
      %dma_start3A = arith.constant 0 : i32
      %dma_start3A_32 = tpu.memref_slice %arg6[%arg0, %add3A_31, %dma_start3A] : memref<2x10240x128xf32, #tpu.memory_space<hbm>> -> memref<1x128x128xf32, #tpu.memory_space<hbm>>
      %dma_start3A_33 = tpu.memref_squeeze %dma_start3A_32 : memref<1x128x128xf32, #tpu.memory_space<hbm>> -> memref<128x128xf32, #tpu.memory_space<hbm>>
      %dma_start3A_34 = arith.constant 0 : i32
      %dma_start3A_35 = tpu.memref_slice %arg6[%arg0, %add3A_31, %dma_start3A_34] : memref<2x10240x128xf32, #tpu.memory_space<hbm>> -> memref<1x128x128xf32, #tpu.memory_space<hbm>>
      %dma_start3A_36 = tpu.memref_squeeze %dma_start3A_35 : memref<1x128x128xf32, #tpu.memory_space<hbm>> -> memref<128x128xf32, #tpu.memory_space<hbm>>
      tpu.enqueue_dma source(%arg9 : memref<128x128xf32, #tpu.memory_space<vmem>>) target(%dma_start3A_36 : memref<128x128xf32, #tpu.memory_space<hbm>>) target_semaphore(%run_scoped3A : memref<!tpu.dma_semaphore, #tpu.memory_space<semaphore_mem>>)
      %dma_wait3A = arith.constant 0 : i32
      %dma_wait3A_37 = tpu.memref_slice %arg6[%arg0, %add3A_31, %dma_wait3A] : memref<2x10240x128xf32, #tpu.memory_space<hbm>> -> memref<1x128x128xf32, #tpu.memory_space<hbm>>
      %dma_wait3A_38 = tpu.memref_squeeze %dma_wait3A_37 : memref<1x128x128xf32, #tpu.memory_space<hbm>> -> memref<128x128xf32, #tpu.memory_space<hbm>>
      %dma_wait3A_39 = arith.constant 0 : i32
      %dma_wait3A_40 = tpu.memref_slice %arg6[%arg0, %add3A_31, %dma_wait3A_39] : memref<2x10240x128xf32, #tpu.memory_space<hbm>> -> memref<1x128x128xf32, #tpu.memory_space<hbm>>
      %dma_wait3A_41 = tpu.memref_squeeze %dma_wait3A_40 : memref<1x128x128xf32, #tpu.memory_space<hbm>> -> memref<128x128xf32, #tpu.memory_space<hbm>>
      tpu.wait_dma2 semaphore(%run_scoped3A : memref<!tpu.dma_semaphore, #tpu.memory_space<semaphore_mem>>) src(%arg9 : memref<128x128xf32, #tpu.memory_space<vmem>>) dst(%dma_wait3A_41 : memref<128x128xf32, #tpu.memory_space<hbm>>)
      tpu.yield
    }) : () -> ()
    return
  }
}

module attributes {stable_mosaic.version = 14 : i64} {
  func.func @_tc_layer_body(%arg0: i32, %arg1: memref<2000x128xf32, #tpu.memory_space<vmem>>, %arg2: memref<1x2000x128xf32, #tpu.memory_space<vmem>>, %arg3: memref<1x2000x128xf32, #tpu.memory_space<vmem>>, %arg4: memref<128x128xf32, #tpu.memory_space<vmem>>, %arg5: memref<1x128xf32, #tpu.memory_space<vmem>>, %arg6: memref<128x128xf32, #tpu.memory_space<vmem>>, %arg7: memref<1x128xf32, #tpu.memory_space<vmem>>, %arg8: memref<2000x128xf32, #tpu.memory_space<vmem>>) attributes {dimension_semantics = [#tpu.dimension_semantics<arbitrary>], iteration_bounds = array<i64: 5>, scalar_prefetch = 0 : i64, scratch_operands = 0 : i64, tpu.core_type = #tpu.core_type<tc>, window_params = [{transform_indices = @transform_0, window_bounds = array<i64: 2000, 128>}, {transform_indices = @transform_1, window_bounds = array<i64: 1, 2000, 128>}, {transform_indices = @transform_2, window_bounds = array<i64: 1, 2000, 128>}, {pipeline_mode = #tpu.pipeline_mode<synchronous>, transform_indices = @transform_3, window_bounds = array<i64: 128, 128>}, {pipeline_mode = #tpu.pipeline_mode<synchronous>, transform_indices = @transform_4, window_bounds = array<i64: 1, 128>}, {pipeline_mode = #tpu.pipeline_mode<synchronous>, transform_indices = @transform_5, window_bounds = array<i64: 128, 128>}, {pipeline_mode = #tpu.pipeline_mode<synchronous>, transform_indices = @transform_6, window_bounds = array<i64: 1, 128>}, {transform_indices = @transform_7, window_bounds = array<i64: 2000, 128>}]} {
    %get3A = arith.constant 0 : index
    %get3A_0 = arith.constant 0 : index
    %get3A_1 = vector.load %arg1[%get3A, %get3A_0] : memref<2000x128xf32, #tpu.memory_space<vmem>>, vector<2000x128xf32>
    %get3A_2 = arith.constant 0 : index
    %get3A_3 = arith.constant 0 : index
    %get3A_4 = arith.constant 0 : index
    %get3A_5 = vector.load %arg2[%get3A_2, %get3A_3, %get3A_4] : memref<1x2000x128xf32, #tpu.memory_space<vmem>>, vector<1x2000x128xf32>
    %get3A_6 = vector.shape_cast %get3A_5 : vector<1x2000x128xf32> to vector<2000x128xf32>
    %add3A = arith.addf %get3A_1, %get3A_6 : vector<2000x128xf32>
    %get3A_7 = arith.constant 0 : index
    %get3A_8 = arith.constant 0 : index
    %get3A_9 = arith.constant 0 : index
    %get3A_10 = vector.load %arg3[%get3A_7, %get3A_8, %get3A_9] : memref<1x2000x128xf32, #tpu.memory_space<vmem>>, vector<1x2000x128xf32>
    %get3A_11 = vector.shape_cast %get3A_10 : vector<1x2000x128xf32> to vector<2000x128xf32>
    %add3A_12 = arith.addf %add3A, %get3A_11 : vector<2000x128xf32>
    %get3A_13 = arith.constant 0 : index
    %get3A_14 = arith.constant 0 : index
    %get3A_15 = vector.load %arg4[%get3A_13, %get3A_14] : memref<128x128xf32, #tpu.memory_space<vmem>>, vector<128x128xf32>
    %dot_general3A = arith.constant dense<0.000000e+00> : vector<2000x128xf32>
    %dot_general3A_16 = tpu.matmul %add3A_12, %get3A_15, %dot_general3A {dimension_numbers = #tpu.dot_dimension_numbers<[1], [0], [0], [1], [0, 0, 1, 1], [], []>, precision = #tpu.contract_precision<fp32>, transpose_lhs_hint = false} : vector<2000x128xf32>, vector<128x128xf32>, vector<2000x128xf32> -> vector<2000x128xf32>
    %get3A_17 = arith.constant 0 : index
    %get3A_18 = arith.constant 0 : index
    %get3A_19 = vector.load %arg5[%get3A_17, %get3A_18] : memref<1x128xf32, #tpu.memory_space<vmem>>, vector<1x128xf32>
    %add3A_20 = vector.broadcast %get3A_19 : vector<1x128xf32> to vector<2000x128xf32>
    %add3A_21 = arith.addf %dot_general3A_16, %add3A_20 : vector<2000x128xf32>
    %max3A = arith.constant 0.000000e+00 : f32
    %max3A_22 = vector.broadcast %max3A : f32 to vector<2000x128xf32>
    %max3A_23 = arith.maximumf %add3A_21, %max3A_22 : vector<2000x128xf32>
    %get3A_24 = arith.constant 0 : index
    %get3A_25 = arith.constant 0 : index
    %get3A_26 = vector.load %arg6[%get3A_24, %get3A_25] : memref<128x128xf32, #tpu.memory_space<vmem>>, vector<128x128xf32>
    %dot_general3A_27 = arith.constant dense<0.000000e+00> : vector<2000x128xf32>
    %dot_general3A_28 = tpu.matmul %max3A_23, %get3A_26, %dot_general3A_27 {dimension_numbers = #tpu.dot_dimension_numbers<[1], [0], [0], [1], [0, 0, 1, 1], [], []>, precision = #tpu.contract_precision<fp32>, transpose_lhs_hint = false} : vector<2000x128xf32>, vector<128x128xf32>, vector<2000x128xf32> -> vector<2000x128xf32>
    %get3A_29 = arith.constant 0 : index
    %get3A_30 = arith.constant 0 : index
    %get3A_31 = vector.load %arg7[%get3A_29, %get3A_30] : memref<1x128xf32, #tpu.memory_space<vmem>>, vector<1x128xf32>
    %add3A_32 = vector.broadcast %get3A_31 : vector<1x128xf32> to vector<2000x128xf32>
    %add3A_33 = arith.addf %dot_general3A_28, %add3A_32 : vector<2000x128xf32>
    %max3A_34 = arith.constant 0.000000e+00 : f32
    %max3A_35 = vector.broadcast %max3A_34 : f32 to vector<2000x128xf32>
    %max3A_36 = arith.maximumf %add3A_33, %max3A_35 : vector<2000x128xf32>
    %swap3A = arith.constant 0 : index
    %swap3A_37 = arith.constant 0 : index
    %swap3A_38 = vector.load %arg8[%swap3A, %swap3A_37] : memref<2000x128xf32, #tpu.memory_space<vmem>>, vector<2000x128xf32>
    tpu.vector_store %arg8[%swap3A, %swap3A_37], %max3A_36 {strides = array<i32>} : memref<2000x128xf32, #tpu.memory_space<vmem>>, vector<2000x128xf32>,
    return
  }
  func.func @transform_0(%arg0: i32) -> (i32, i32) {
    %c0_i32 = arith.constant 0 : i32
    %c0_i32_0 = arith.constant 0 : i32
    return %arg0, %c0_i32 : i32, i32
  }
  func.func @transform_1(%arg0: i32) -> (i32, i32, i32) {
    %c0_i32 = arith.constant 0 : i32
    %c0_i32_0 = arith.constant 0 : i32
    %c0_i32_1 = arith.constant 0 : i32
    return %c0_i32, %arg0, %c0_i32_0 : i32, i32, i32
  }
  func.func @transform_2(%arg0: i32) -> (i32, i32, i32) {
    %c1_i32 = arith.constant 1 : i32
    %c0_i32 = arith.constant 0 : i32
    %c0_i32_0 = arith.constant 0 : i32
    return %c1_i32, %arg0, %c0_i32 : i32, i32, i32
  }
  func.func @transform_3(%arg0: i32) -> (i32, i32) {
    %c0_i32 = arith.constant 0 : i32
    %c0_i32_0 = arith.constant 0 : i32
    %c0_i32_1 = arith.constant 0 : i32
    return %c0_i32, %c0_i32_0 : i32, i32
  }
  func.func @transform_4(%arg0: i32) -> (i32, i32) {
    %c0_i32 = arith.constant 0 : i32
    %c0_i32_0 = arith.constant 0 : i32
    %c0_i32_1 = arith.constant 0 : i32
    return %c0_i32, %c0_i32_0 : i32, i32
  }
  func.func @transform_5(%arg0: i32) -> (i32, i32) {
    %c0_i32 = arith.constant 0 : i32
    %c0_i32_0 = arith.constant 0 : i32
    %c0_i32_1 = arith.constant 0 : i32
    return %c0_i32, %c0_i32_0 : i32, i32
  }
  func.func @transform_6(%arg0: i32) -> (i32, i32) {
    %c0_i32 = arith.constant 0 : i32
    %c0_i32_0 = arith.constant 0 : i32
    %c0_i32_1 = arith.constant 0 : i32
    return %c0_i32, %c0_i32_0 : i32, i32
  }
  func.func @transform_7(%arg0: i32) -> (i32, i32) {
    %c0_i32 = arith.constant 0 : i32
    %c0_i32_0 = arith.constant 0 : i32
    return %arg0, %c0_i32 : i32, i32
  }
}

module attributes {stable_mosaic.version = 14 : i64} {
  func.func @_tc_layer_pool_body(%arg0: i32, %arg1: memref<2000x128xf32, #tpu.memory_space<vmem>>, %arg2: memref<1x2000x128xf32, #tpu.memory_space<vmem>>, %arg3: memref<1x2000x128xf32, #tpu.memory_space<vmem>>, %arg4: memref<128x128xf32, #tpu.memory_space<vmem>>, %arg5: memref<1x128xf32, #tpu.memory_space<vmem>>, %arg6: memref<128x128xf32, #tpu.memory_space<vmem>>, %arg7: memref<1x128xf32, #tpu.memory_space<vmem>>, %arg8: memref<2000x1xi32, #tpu.memory_space<vmem>>, %arg9: memref<64x128xf32, #tpu.memory_space<vmem>>, %arg10: memref<1x64xf32, #tpu.memory_space<vmem>>) attributes {dimension_semantics = [#tpu.dimension_semantics<arbitrary>], iteration_bounds = array<i64: 5>, scalar_prefetch = 0 : i64, scratch_operands = 0 : i64, tpu.core_type = #tpu.core_type<tc>, window_params = [{transform_indices = @transform_0, window_bounds = array<i64: 2000, 128>}, {transform_indices = @transform_1, window_bounds = array<i64: 1, 2000, 128>}, {transform_indices = @transform_2, window_bounds = array<i64: 1, 2000, 128>}, {pipeline_mode = #tpu.pipeline_mode<synchronous>, transform_indices = @transform_3, window_bounds = array<i64: 128, 128>}, {pipeline_mode = #tpu.pipeline_mode<synchronous>, transform_indices = @transform_4, window_bounds = array<i64: 1, 128>}, {pipeline_mode = #tpu.pipeline_mode<synchronous>, transform_indices = @transform_5, window_bounds = array<i64: 128, 128>}, {pipeline_mode = #tpu.pipeline_mode<synchronous>, transform_indices = @transform_6, window_bounds = array<i64: 1, 128>}, {transform_indices = @transform_7, window_bounds = array<i64: 2000, 1>}, {pipeline_mode = #tpu.pipeline_mode<synchronous>, transform_indices = @transform_8, window_bounds = array<i64: 64, 128>}, {pipeline_mode = #tpu.pipeline_mode<synchronous>, transform_indices = @transform_9, window_bounds = array<i64: 1, 64>}]} {
    %get3A = arith.constant 0 : index
    %get3A_0 = arith.constant 0 : index
    %get3A_1 = vector.load %arg1[%get3A, %get3A_0] : memref<2000x128xf32, #tpu.memory_space<vmem>>, vector<2000x128xf32>
    %get3A_2 = arith.constant 0 : index
    %get3A_3 = arith.constant 0 : index
    %get3A_4 = arith.constant 0 : index
    %get3A_5 = vector.load %arg2[%get3A_2, %get3A_3, %get3A_4] : memref<1x2000x128xf32, #tpu.memory_space<vmem>>, vector<1x2000x128xf32>
    %get3A_6 = vector.shape_cast %get3A_5 : vector<1x2000x128xf32> to vector<2000x128xf32>
    %add3A = arith.addf %get3A_1, %get3A_6 : vector<2000x128xf32>
    %get3A_7 = arith.constant 0 : index
    %get3A_8 = arith.constant 0 : index
    %get3A_9 = arith.constant 0 : index
    %get3A_10 = vector.load %arg3[%get3A_7, %get3A_8, %get3A_9] : memref<1x2000x128xf32, #tpu.memory_space<vmem>>, vector<1x2000x128xf32>
    %get3A_11 = vector.shape_cast %get3A_10 : vector<1x2000x128xf32> to vector<2000x128xf32>
    %add3A_12 = arith.addf %add3A, %get3A_11 : vector<2000x128xf32>
    %get3A_13 = arith.constant 0 : index
    %get3A_14 = arith.constant 0 : index
    %get3A_15 = vector.load %arg4[%get3A_13, %get3A_14] : memref<128x128xf32, #tpu.memory_space<vmem>>, vector<128x128xf32>
    %dot_general3A = arith.constant dense<0.000000e+00> : vector<2000x128xf32>
    %dot_general3A_16 = tpu.matmul %add3A_12, %get3A_15, %dot_general3A {dimension_numbers = #tpu.dot_dimension_numbers<[1], [0], [0], [1], [0, 0, 1, 1], [], []>, precision = #tpu.contract_precision<fp32>, transpose_lhs_hint = false} : vector<2000x128xf32>, vector<128x128xf32>, vector<2000x128xf32> -> vector<2000x128xf32>
    %get3A_17 = arith.constant 0 : index
    %get3A_18 = arith.constant 0 : index
    %get3A_19 = vector.load %arg5[%get3A_17, %get3A_18] : memref<1x128xf32, #tpu.memory_space<vmem>>, vector<1x128xf32>
    %add3A_20 = vector.broadcast %get3A_19 : vector<1x128xf32> to vector<2000x128xf32>
    %add3A_21 = arith.addf %dot_general3A_16, %add3A_20 : vector<2000x128xf32>
    %max3A = arith.constant 0.000000e+00 : f32
    %max3A_22 = vector.broadcast %max3A : f32 to vector<2000x128xf32>
    %max3A_23 = arith.maximumf %add3A_21, %max3A_22 : vector<2000x128xf32>
    %get3A_24 = arith.constant 0 : index
    %get3A_25 = arith.constant 0 : index
    %get3A_26 = vector.load %arg6[%get3A_24, %get3A_25] : memref<128x128xf32, #tpu.memory_space<vmem>>, vector<128x128xf32>
    %dot_general3A_27 = arith.constant dense<0.000000e+00> : vector<2000x128xf32>
    %dot_general3A_28 = tpu.matmul %max3A_23, %get3A_26, %dot_general3A_27 {dimension_numbers = #tpu.dot_dimension_numbers<[1], [0], [0], [1], [0, 0, 1, 1], [], []>, precision = #tpu.contract_precision<fp32>, transpose_lhs_hint = false} : vector<2000x128xf32>, vector<128x128xf32>, vector<2000x128xf32> -> vector<2000x128xf32>
    %get3A_29 = arith.constant 0 : index
    %get3A_30 = arith.constant 0 : index
    %get3A_31 = vector.load %arg7[%get3A_29, %get3A_30] : memref<1x128xf32, #tpu.memory_space<vmem>>, vector<1x128xf32>
    %add3A_32 = vector.broadcast %get3A_31 : vector<1x128xf32> to vector<2000x128xf32>
    %add3A_33 = arith.addf %dot_general3A_28, %add3A_32 : vector<2000x128xf32>
    %max3A_34 = arith.constant 0.000000e+00 : f32
    %max3A_35 = vector.broadcast %max3A_34 : f32 to vector<2000x128xf32>
    %max3A_36 = arith.maximumf %add3A_33, %max3A_35 : vector<2000x128xf32>
    %iota3A = tpu.iota {dimensions = array<i32: 1>} : vector<2000x64xi32>
    %get3A_37 = arith.constant 0 : index
    %get3A_38 = arith.constant 0 : index
    %get3A_39 = vector.load %arg8[%get3A_37, %get3A_38] : memref<2000x1xi32, #tpu.memory_space<vmem>>, vector<2000x1xi32>
    %eq3A = vector.broadcast %get3A_39 : vector<2000x1xi32> to vector<2000x64xi32>
    %eq3A_40 = arith.cmpi eq, %iota3A, %eq3A : vector<2000x64xi32>
    %convert_element_type3A = arith.extui %eq3A_40 : vector<2000x64xi1> to vector<2000x64xi32>
    %convert_element_type3A_41 = arith.sitofp %convert_element_type3A : vector<2000x64xi32> to vector<2000x64xf32>
    %eq3A_42 = arith.constant 0 : i32
    %eq3A_43 = arith.cmpi eq, %arg0, %eq3A_42 : i32
    %convert_element_type3A_44 = arith.extui %eq3A_43 : i1 to i32
    %cond3A = arith.constant 0 : i32
    %cond3A_45 = arith.cmpi ne, %convert_element_type3A_44, %cond3A : i32
    scf.if %cond3A_45 {
      %broadcast_in_dim3A_62 = arith.constant 0.000000e+00 : f32
      %broadcast_in_dim3A_63 = vector.broadcast %broadcast_in_dim3A_62 : f32 to vector<64x128xf32>
      %swap3A_64 = arith.constant 0 : index
      %swap3A_65 = arith.constant 0 : index
      %swap3A_66 = vector.load %arg9[%swap3A_64, %swap3A_65] : memref<64x128xf32, #tpu.memory_space<vmem>>, vector<64x128xf32>
      tpu.vector_store %arg9[%swap3A_64, %swap3A_65], %broadcast_in_dim3A_63 {strides = array<i32>} : memref<64x128xf32, #tpu.memory_space<vmem>>, vector<64x128xf32>,
      %broadcast_in_dim3A_67 = arith.constant 0.000000e+00 : f32
      %broadcast_in_dim3A_68 = vector.broadcast %broadcast_in_dim3A_67 : f32 to vector<1x64xf32>
      %swap3A_69 = arith.constant 0 : index
      %swap3A_70 = arith.constant 0 : index
      %swap3A_71 = vector.load %arg10[%swap3A_69, %swap3A_70] : memref<1x64xf32, #tpu.memory_space<vmem>>, vector<1x64xf32>
      tpu.vector_store %arg10[%swap3A_69, %swap3A_70], %broadcast_in_dim3A_68 {strides = array<i32>} : memref<1x64xf32, #tpu.memory_space<vmem>>, vector<1x64xf32>,
    } else {
    }
    %get3A_46 = arith.constant 0 : index
    %get3A_47 = arith.constant 0 : index
    %get3A_48 = vector.load %arg9[%get3A_46, %get3A_47] : memref<64x128xf32, #tpu.memory_space<vmem>>, vector<64x128xf32>
    %dot_general3A_49 = arith.constant dense<0.000000e+00> : vector<64x128xf32>
    %dot_general3A_50 = tpu.matmul %convert_element_type3A_41, %max3A_36, %dot_general3A_49 {dimension_numbers = #tpu.dot_dimension_numbers<[0], [0], [1], [1], [0, 1, 1, 1], [], []>, precision = #tpu.contract_precision<fp32>, transpose_lhs_hint = false} : vector<2000x64xf32>, vector<2000x128xf32>, vector<64x128xf32> -> vector<64x128xf32>
    %add3A_51 = arith.addf %get3A_48, %dot_general3A_50 : vector<64x128xf32>
    %swap3A = arith.constant 0 : index
    %swap3A_52 = arith.constant 0 : index
    %swap3A_53 = vector.load %arg9[%swap3A, %swap3A_52] : memref<64x128xf32, #tpu.memory_space<vmem>>, vector<64x128xf32>
    tpu.vector_store %arg9[%swap3A, %swap3A_52], %add3A_51 {strides = array<i32>} : memref<64x128xf32, #tpu.memory_space<vmem>>, vector<64x128xf32>,
    %get3A_54 = arith.constant 0 : index
    %get3A_55 = arith.constant 0 : index
    %get3A_56 = vector.load %arg10[%get3A_54, %get3A_55] : memref<1x64xf32, #tpu.memory_space<vmem>>, vector<1x64xf32>
    %reduce_sum3A = arith.constant dense<0.000000e+00> : vector<64xf32>
    %reduce_sum3A_57 = vector.multi_reduction <add>, %convert_element_type3A_41, %reduce_sum3A [0] : vector<2000x64xf32> to vector<64xf32>
    %broadcast_in_dim3A = vector.shape_cast %reduce_sum3A_57 : vector<64xf32> to vector<1x64xf32>
    %add3A_58 = arith.addf %get3A_56, %broadcast_in_dim3A : vector<1x64xf32>
    %swap3A_59 = arith.constant 0 : index
    %swap3A_60 = arith.constant 0 : index
    %swap3A_61 = vector.load %arg10[%swap3A_59, %swap3A_60] : memref<1x64xf32, #tpu.memory_space<vmem>>, vector<1x64xf32>
    tpu.vector_store %arg10[%swap3A_59, %swap3A_60], %add3A_58 {strides = array<i32>} : memref<1x64xf32, #tpu.memory_space<vmem>>, vector<1x64xf32>,
    return
  }
  func.func @transform_0(%arg0: i32) -> (i32, i32) {
    %c0_i32 = arith.constant 0 : i32
    %c0_i32_0 = arith.constant 0 : i32
    return %arg0, %c0_i32 : i32, i32
  }
  func.func @transform_1(%arg0: i32) -> (i32, i32, i32) {
    %c0_i32 = arith.constant 0 : i32
    %c0_i32_0 = arith.constant 0 : i32
    %c0_i32_1 = arith.constant 0 : i32
    return %c0_i32, %arg0, %c0_i32_0 : i32, i32, i32
  }
  func.func @transform_2(%arg0: i32) -> (i32, i32, i32) {
    %c1_i32 = arith.constant 1 : i32
    %c0_i32 = arith.constant 0 : i32
    %c0_i32_0 = arith.constant 0 : i32
    return %c1_i32, %arg0, %c0_i32 : i32, i32, i32
  }
  func.func @transform_3(%arg0: i32) -> (i32, i32) {
    %c0_i32 = arith.constant 0 : i32
    %c0_i32_0 = arith.constant 0 : i32
    %c0_i32_1 = arith.constant 0 : i32
    return %c0_i32, %c0_i32_0 : i32, i32
  }
  func.func @transform_4(%arg0: i32) -> (i32, i32) {
    %c0_i32 = arith.constant 0 : i32
    %c0_i32_0 = arith.constant 0 : i32
    %c0_i32_1 = arith.constant 0 : i32
    return %c0_i32, %c0_i32_0 : i32, i32
  }
  func.func @transform_5(%arg0: i32) -> (i32, i32) {
    %c0_i32 = arith.constant 0 : i32
    %c0_i32_0 = arith.constant 0 : i32
    %c0_i32_1 = arith.constant 0 : i32
    return %c0_i32, %c0_i32_0 : i32, i32
  }
  func.func @transform_6(%arg0: i32) -> (i32, i32) {
    %c0_i32 = arith.constant 0 : i32
    %c0_i32_0 = arith.constant 0 : i32
    %c0_i32_1 = arith.constant 0 : i32
    return %c0_i32, %c0_i32_0 : i32, i32
  }
  func.func @transform_7(%arg0: i32) -> (i32, i32) {
    %c0_i32 = arith.constant 0 : i32
    %c0_i32_0 = arith.constant 0 : i32
    return %arg0, %c0_i32 : i32, i32
  }
  func.func @transform_8(%arg0: i32) -> (i32, i32) {
    %c0_i32 = arith.constant 0 : i32
    %c0_i32_0 = arith.constant 0 : i32
    %c0_i32_1 = arith.constant 0 : i32
    return %c0_i32, %c0_i32_0 : i32, i32
  }
  func.func @transform_9(%arg0: i32) -> (i32, i32) {
    %c0_i32 = arith.constant 0 : i32
    %c0_i32_0 = arith.constant 0 : i32
    %c0_i32_1 = arith.constant 0 : i32
    return %c0_i32, %c0_i32_0 : i32, i32
  }
}

module attributes {stable_mosaic.version = 14 : i64} {
  func.func @_tc_head_body(%arg0: memref<64x128xf32, #tpu.memory_space<vmem>>, %arg1: memref<1x64xf32, #tpu.memory_space<vmem>>, %arg2: memref<64x128xf32, #tpu.memory_space<vmem>>, %arg3: memref<1x64xf32, #tpu.memory_space<vmem>>, %arg4: memref<64x128xf32, #tpu.memory_space<vmem>>, %arg5: memref<1x64xf32, #tpu.memory_space<vmem>>, %arg6: memref<128x128xf32, #tpu.memory_space<vmem>>, %arg7: memref<1x128xf32, #tpu.memory_space<vmem>>, %arg8: memref<384x128xf32, #tpu.memory_space<vmem>>, %arg9: memref<1x128xf32, #tpu.memory_space<vmem>>, %arg10: memref<128x10xf32, #tpu.memory_space<vmem>>, %arg11: memref<1x10xf32, #tpu.memory_space<vmem>>, %arg12: memref<64x10xf32, #tpu.memory_space<vmem>>) attributes {dimension_semantics = [], scalar_prefetch = 0 : i64, scratch_operands = 0 : i64, tpu.core_type = #tpu.core_type<tc>} {
    %get3A = arith.constant 0 : index
    %get3A_0 = arith.constant 0 : index
    %get3A_1 = vector.load %arg1[%get3A, %get3A_0] : memref<1x64xf32, #tpu.memory_space<vmem>>, vector<1x64xf32>
    %max3A = arith.constant 1.000000e+00 : f32
    %max3A_2 = vector.broadcast %max3A : f32 to vector<1x64xf32>
    %max3A_3 = arith.maximumf %get3A_1, %max3A_2 : vector<1x64xf32>
    %get3A_4 = arith.constant 0 : index
    %get3A_5 = arith.constant 0 : index
    %get3A_6 = vector.load %arg0[%get3A_4, %get3A_5] : memref<64x128xf32, #tpu.memory_space<vmem>>, vector<64x128xf32>
    %reshape3A = vector.shape_cast %max3A_3 : vector<1x64xf32> to vector<64x1xf32>
    %div3A = vector.broadcast %reshape3A : vector<64x1xf32> to vector<64x128xf32>
    %div3A_7 = arith.divf %get3A_6, %div3A : vector<64x128xf32>
    %get3A_8 = arith.constant 0 : index
    %get3A_9 = arith.constant 0 : index
    %get3A_10 = vector.load %arg6[%get3A_8, %get3A_9] : memref<128x128xf32, #tpu.memory_space<vmem>>, vector<128x128xf32>
    %dot_general3A = arith.constant dense<0.000000e+00> : vector<64x128xf32>
    %dot_general3A_11 = tpu.matmul %div3A_7, %get3A_10, %dot_general3A {dimension_numbers = #tpu.dot_dimension_numbers<[1], [0], [0], [1], [0, 0, 1, 1], [], []>, precision = #tpu.contract_precision<fp32>, transpose_lhs_hint = false} : vector<64x128xf32>, vector<128x128xf32>, vector<64x128xf32> -> vector<64x128xf32>
    %get3A_12 = arith.constant 0 : index
    %get3A_13 = arith.constant 0 : index
    %get3A_14 = vector.load %arg7[%get3A_12, %get3A_13] : memref<1x128xf32, #tpu.memory_space<vmem>>, vector<1x128xf32>
    %add3A = vector.broadcast %get3A_14 : vector<1x128xf32> to vector<64x128xf32>
    %add3A_15 = arith.addf %dot_general3A_11, %add3A : vector<64x128xf32>
    %get3A_16 = arith.constant 0 : index
    %get3A_17 = arith.constant 0 : index
    %get3A_18 = vector.load %arg3[%get3A_16, %get3A_17] : memref<1x64xf32, #tpu.memory_space<vmem>>, vector<1x64xf32>
    %max3A_19 = arith.constant 1.000000e+00 : f32
    %max3A_20 = vector.broadcast %max3A_19 : f32 to vector<1x64xf32>
    %max3A_21 = arith.maximumf %get3A_18, %max3A_20 : vector<1x64xf32>
    %get3A_22 = arith.constant 0 : index
    %get3A_23 = arith.constant 0 : index
    %get3A_24 = vector.load %arg2[%get3A_22, %get3A_23] : memref<64x128xf32, #tpu.memory_space<vmem>>, vector<64x128xf32>
    %reshape3A_25 = vector.shape_cast %max3A_21 : vector<1x64xf32> to vector<64x1xf32>
    %div3A_26 = vector.broadcast %reshape3A_25 : vector<64x1xf32> to vector<64x128xf32>
    %div3A_27 = arith.divf %get3A_24, %div3A_26 : vector<64x128xf32>
    %get3A_28 = arith.constant 0 : index
    %get3A_29 = arith.constant 0 : index
    %get3A_30 = vector.load %arg6[%get3A_28, %get3A_29] : memref<128x128xf32, #tpu.memory_space<vmem>>, vector<128x128xf32>
    %dot_general3A_31 = arith.constant dense<0.000000e+00> : vector<64x128xf32>
    %dot_general3A_32 = tpu.matmul %div3A_27, %get3A_30, %dot_general3A_31 {dimension_numbers = #tpu.dot_dimension_numbers<[1], [0], [0], [1], [0, 0, 1, 1], [], []>, precision = #tpu.contract_precision<fp32>, transpose_lhs_hint = false} : vector<64x128xf32>, vector<128x128xf32>, vector<64x128xf32> -> vector<64x128xf32>
    %get3A_33 = arith.constant 0 : index
    %get3A_34 = arith.constant 0 : index
    %get3A_35 = vector.load %arg7[%get3A_33, %get3A_34] : memref<1x128xf32, #tpu.memory_space<vmem>>, vector<1x128xf32>
    %add3A_36 = vector.broadcast %get3A_35 : vector<1x128xf32> to vector<64x128xf32>
    %add3A_37 = arith.addf %dot_general3A_32, %add3A_36 : vector<64x128xf32>
    %get3A_38 = arith.constant 0 : index
    %get3A_39 = arith.constant 0 : index
    %get3A_40 = vector.load %arg5[%get3A_38, %get3A_39] : memref<1x64xf32, #tpu.memory_space<vmem>>, vector<1x64xf32>
    %max3A_41 = arith.constant 1.000000e+00 : f32
    %max3A_42 = vector.broadcast %max3A_41 : f32 to vector<1x64xf32>
    %max3A_43 = arith.maximumf %get3A_40, %max3A_42 : vector<1x64xf32>
    %get3A_44 = arith.constant 0 : index
    %get3A_45 = arith.constant 0 : index
    %get3A_46 = vector.load %arg4[%get3A_44, %get3A_45] : memref<64x128xf32, #tpu.memory_space<vmem>>, vector<64x128xf32>
    %reshape3A_47 = vector.shape_cast %max3A_43 : vector<1x64xf32> to vector<64x1xf32>
    %div3A_48 = vector.broadcast %reshape3A_47 : vector<64x1xf32> to vector<64x128xf32>
    %div3A_49 = arith.divf %get3A_46, %div3A_48 : vector<64x128xf32>
    %get3A_50 = arith.constant 0 : index
    %get3A_51 = arith.constant 0 : index
    %get3A_52 = vector.load %arg6[%get3A_50, %get3A_51] : memref<128x128xf32, #tpu.memory_space<vmem>>, vector<128x128xf32>
    %dot_general3A_53 = arith.constant dense<0.000000e+00> : vector<64x128xf32>
    %dot_general3A_54 = tpu.matmul %div3A_49, %get3A_52, %dot_general3A_53 {dimension_numbers = #tpu.dot_dimension_numbers<[1], [0], [0], [1], [0, 0, 1, 1], [], []>, precision = #tpu.contract_precision<fp32>, transpose_lhs_hint = false} : vector<64x128xf32>, vector<128x128xf32>, vector<64x128xf32> -> vector<64x128xf32>
    %get3A_55 = arith.constant 0 : index
    %get3A_56 = arith.constant 0 : index
    %get3A_57 = vector.load %arg7[%get3A_55, %get3A_56] : memref<1x128xf32, #tpu.memory_space<vmem>>, vector<1x128xf32>
    %add3A_58 = vector.broadcast %get3A_57 : vector<1x128xf32> to vector<64x128xf32>
    %add3A_59 = arith.addf %dot_general3A_54, %add3A_58 : vector<64x128xf32>
    %get3A_60 = arith.constant 0 : index
    %get3A_61 = arith.constant 0 : index
    %get3A_62 = vector.load %arg8[%get3A_60, %get3A_61] : memref<384x128xf32, #tpu.memory_space<vmem>>, vector<128x128xf32>
    %dot_general3A_63 = arith.constant dense<0.000000e+00> : vector<64x128xf32>
    %dot_general3A_64 = tpu.matmul %add3A_15, %get3A_62, %dot_general3A_63 {dimension_numbers = #tpu.dot_dimension_numbers<[1], [0], [0], [1], [0, 0, 1, 1], [], []>, precision = #tpu.contract_precision<fp32>, transpose_lhs_hint = false} : vector<64x128xf32>, vector<128x128xf32>, vector<64x128xf32> -> vector<64x128xf32>
    %get3A_65 = arith.constant 128 : index
    %get3A_66 = arith.constant 0 : index
    %get3A_67 = vector.load %arg8[%get3A_65, %get3A_66] : memref<384x128xf32, #tpu.memory_space<vmem>>, vector<128x128xf32>
    %dot_general3A_68 = arith.constant dense<0.000000e+00> : vector<64x128xf32>
    %dot_general3A_69 = tpu.matmul %add3A_37, %get3A_67, %dot_general3A_68 {dimension_numbers = #tpu.dot_dimension_numbers<[1], [0], [0], [1], [0, 0, 1, 1], [], []>, precision = #tpu.contract_precision<fp32>, transpose_lhs_hint = false} : vector<64x128xf32>, vector<128x128xf32>, vector<64x128xf32> -> vector<64x128xf32>
    %add3A_70 = arith.addf %dot_general3A_64, %dot_general3A_69 : vector<64x128xf32>
    %get3A_71 = arith.constant 256 : index
    %get3A_72 = arith.constant 0 : index
    %get3A_73 = vector.load %arg8[%get3A_71, %get3A_72] : memref<384x128xf32, #tpu.memory_space<vmem>>, vector<128x128xf32>
    %dot_general3A_74 = arith.constant dense<0.000000e+00> : vector<64x128xf32>
    %dot_general3A_75 = tpu.matmul %add3A_59, %get3A_73, %dot_general3A_74 {dimension_numbers = #tpu.dot_dimension_numbers<[1], [0], [0], [1], [0, 0, 1, 1], [], []>, precision = #tpu.contract_precision<fp32>, transpose_lhs_hint = false} : vector<64x128xf32>, vector<128x128xf32>, vector<64x128xf32> -> vector<64x128xf32>
    %add3A_76 = arith.addf %add3A_70, %dot_general3A_75 : vector<64x128xf32>
    %get3A_77 = arith.constant 0 : index
    %get3A_78 = arith.constant 0 : index
    %get3A_79 = vector.load %arg9[%get3A_77, %get3A_78] : memref<1x128xf32, #tpu.memory_space<vmem>>, vector<1x128xf32>
    %add3A_80 = vector.broadcast %get3A_79 : vector<1x128xf32> to vector<64x128xf32>
    %add3A_81 = arith.addf %add3A_76, %add3A_80 : vector<64x128xf32>
    %max3A_82 = arith.constant 0.000000e+00 : f32
    %max3A_83 = vector.broadcast %max3A_82 : f32 to vector<64x128xf32>
    %max3A_84 = arith.maximumf %add3A_81, %max3A_83 : vector<64x128xf32>
    %get3A_85 = arith.constant 0 : index
    %get3A_86 = arith.constant 0 : index
    %get3A_87 = vector.load %arg10[%get3A_85, %get3A_86] : memref<128x10xf32, #tpu.memory_space<vmem>>, vector<128x10xf32>
    %dot_general3A_88 = arith.constant dense<0.000000e+00> : vector<64x10xf32>
    %dot_general3A_89 = tpu.matmul %max3A_84, %get3A_87, %dot_general3A_88 {dimension_numbers = #tpu.dot_dimension_numbers<[1], [0], [0], [1], [0, 0, 1, 1], [], []>, precision = #tpu.contract_precision<fp32>, transpose_lhs_hint = false} : vector<64x128xf32>, vector<128x10xf32>, vector<64x10xf32> -> vector<64x10xf32>
    %get3A_90 = arith.constant 0 : index
    %get3A_91 = arith.constant 0 : index
    %get3A_92 = vector.load %arg11[%get3A_90, %get3A_91] : memref<1x10xf32, #tpu.memory_space<vmem>>, vector<1x10xf32>
    %add3A_93 = vector.broadcast %get3A_92 : vector<1x10xf32> to vector<64x10xf32>
    %add3A_94 = arith.addf %dot_general3A_89, %add3A_93 : vector<64x10xf32>
    %swap3A = arith.constant 0 : index
    %swap3A_95 = arith.constant 0 : index
    %swap3A_96 = vector.load %arg12[%swap3A, %swap3A_95] : memref<64x10xf32, #tpu.memory_space<vmem>>, vector<64x10xf32>
    tpu.vector_store %arg12[%swap3A, %swap3A_95], %add3A_94 {strides = array<i32>} : memref<64x10xf32, #tpu.memory_space<vmem>>, vector<64x10xf32>,
    return
  }
}

</mosaic_0001>

<sc_bundles>
// kernel: kernel.21.cloned.1.call-start
scs
__scs_entry_jumppad:
0x0: {  	(pc) =	sbr.rel $0x88, $3  }
0x1: {  	(tag) =	ssettag $0x0;
	lr =	simm.s32 $0x1  }
0x2: {  	[smem:$0x3F8E] =	sst lr;
	_ =	strace $0xD0000000  }
0x3: {  	_ = 	snop  }
0x4: {  	_ = 	snop  }
0x5: {  	_ = 	snop  }
0x6: {  	_ = 	snop  }
0x7: {  	_ = 	snop  }
__scs_overlays_trampoline_lowered:
0x8: {  	[smem:$0x3F9D] =	sst s0  }
0x9: {  	[smem:$0x3F9E] =	sst s1  }
0xa: {  	[smem:$0x3F9F] =	sst s2  }
0xb: {  	[smem:$0x3FA0] =	sst s3  }
0xc: {  	[smem:$0x3FA1] =	sst s4  }
0xd: {  	[smem:$0x3FA2] =	sst s5  }
0xe: {  	[smem:$0x3FA3] =	sst s6  }
0xf: {  	[smem:$0x3FA4] =	sst s7  }
0x10: {  	[smem:$0x3FA5] =	sst s8  }
0x11: {  	[smem:$0x3FA6] =	sst s9;
	s0 =	simm.s32 @!p0 $0x0  }
0x12: {  	s1 =	sld [smem:$0x3F8C];
	s0 =	simm.s32 @p0 $0x1  }
0x13: {  	[smem:$0x3FA7] =	sst s0;
	s0 =	simm.s32 @!p1 $0x0  }
0x14: {  	s2 =	sld [smem:$0x3F8B];
	s0 =	simm.s32 @p1 $0x1  }
0x15: {  	[smem:$0x3FA8] =	sst s0;
	s0 =	simm.s32 @!p2 $0x0  }
0x16: {  	s3 =	sld [smem:$0x3FDB];
	s0 =	simm.s32 @p2 $0x1  }
0x17: {  	s4 =	simm.s32 $0x1BF5;
	[smem:$0x3FAA] =	sst s0  }
0x18: {  	s0 =	sld [smem:$0x3F8D];
	_ =	swait.ge [sflag:s4], $0x0  }
0x19: {  	s7 =	sld [smem:$0x3F8E]  }
0x1a: {  	s8 =	sadd.s32 $0xFFFFE003, lr  }
0x1b: {  	s9 =	sadd.s32 $0xFFFFFEF7, lr;
	s5 =	simm.s32 $0xFFFFFFFF;
	p2 =	slt.u32 s8, $0xFFFFF086  }
0x1c: {  	p1 =	slt.u32 s9, $0xF7A;
	s5 =	simm.s32 @!p2 $0x0  }
0x1d: {  	s5 =	simm.s32 @p1 $0x1;
	p0 =	seq.s32 s7, s2  }
0x1e: {  	s7 =	smul.u32 @!p0 $0xF7A, s2;
	p2 =	seq.s32 @!p0 s5, $0x0  }
0x1f: {  	s9 =	smul.u32 $0xF7A, s1;
	s8 =	simm.s32 @!p0 $0x1BF5;
	p2 =	por !p2, p0  }
0x20: {  	[sflag:s8] =	ssyncset.s32 @!p0 $0xFFFFF086;
	s6 =	sadd.s32 @!p0 s3, s7;
	s7 =	simm.s32 @!p0 $0x108  }
0x21: {  	s3 =	sadd.s32 s3, s9;
	s6 =	sadd.s32 @!p0 $0x88, s6;
	s7 =	simm.s32 @p2 $0x1082  }
0x22: {  	[simem:s7], [sflag:s8] =	dma.local @!p0 [hbm:s6], $0xF7A  }
0x23: {  	s9 =	sor.u32 $0xD0000000, s2;
	s6 =	simm.s32 $0x108;
	_ =	swait.ge @!p0 [sflag:s8], $0x0  }
0x24: {  	s3 =	sadd.s32 $0x88, s3;
	s6 =	simm.s32 @!p1 $0x1082;
	[sflag:s4] =	ssyncset.s32 $0xFFFFF086  }
0x25: {  	[simem:s6], [sflag:s4] =	dma.local [hbm:s3], $0xF7A  }
0x26: {  	[smem:$0x3F8E] =	sst s1;
	(tag) =	ssettag s2;
	_ =	strace s9  }
0x27: {  	s1 =	sld [smem:$0x3F9E]  }
0x28: {  	s2 =	sld [smem:$0x3F9F]  }
0x29: {  	s4 =	sld [smem:$0x3FA1]  }
0x2a: {  	p0 =	seq.s32 s5, $0x0;
	s5 =	sld [smem:$0x3FA2]  }
0x2b: {  	s6 =	sld [smem:$0x3FA3]  }
0x2c: {  	s7 =	sld [smem:$0x3FA4]  }
0x2d: {  	s3 =	simm.s32 $0x108;
	s8 =	sld [smem:$0x3FA5]  }
0x2e: {  	s3 =	simm.s32 @!p0 $0x1082;
	s9 =	sld [smem:$0x3FA6]  }
0x2f: {  	lr =	sadd.s32 s0, s3;
	s0 =	sld [smem:$0x3F9D]  }
0x30: {  	s3 =	sld [smem:$0x3FA0]  }
0x31: {  	[smem:$0x3FA9] =	sst s10  }
0x32: {  	s10 =	sld [smem:$0x3FA7];
	_ =	sdelay $0x3  }
0x33: {  	p0 =	seq.s32 s10, $0x1;
	s10 =	sld [smem:$0x3FA9];
	_ =	sdelay $0x3  }
0x34: {  	[smem:$0x3FA9] =	sst s10  }
0x35: {  	s10 =	sld [smem:$0x3FA8];
	_ =	sdelay $0x3  }
0x36: {  	p1 =	seq.s32 s10, $0x1;
	s10 =	sld [smem:$0x3FA9];
	_ =	sdelay $0x3  }
0x37: {  	[smem:$0x3FA9] =	sst s10  }
0x38: {  	s10 =	sld [smem:$0x3FAA]  }
0x39: {  	_ = 	snop;
	(pc) =	sbr.ind lr, $3  }
0x3a: {  	_ = 	snop  }
0x3b: {  	_ = 	snop  }
0x3c: {  	p2 =	seq.s32 s10, $0x1;
	s10 =	sld [smem:$0x3FA9]  }
0x3d: {  	_ =	shalt  }
0x3e: {  	_ =	shalt  }
0x3f: {  	_ =	shalt  }
0x40: {  	_ =	shalt  }
0x41: {  	_ =	shalt  }
0x42: {  	_ =	shalt  }
0x43: {  	_ =	shalt  }
0x44: {  	_ =	shalt  }
0x45: {  	_ =	shalt  }
0x46: {  	_ =	shalt  }
0x47: {  	_ =	shalt  }
0x48: {  	_ =	shalt  }
0x49: {  	_ =	shalt  }
0x4a: {  	_ =	shalt  }
0x4b: {  	_ =	shalt  }
0x4c: {  	_ =	shalt  }
0x4d: {  	_ =	shalt  }
0x4e: {  	_ =	shalt  }
0x4f: {  	_ =	shalt  }
0x50: {  	_ =	shalt  }
0x51: {  	_ =	shalt  }
0x52: {  	_ =	shalt  }
0x53: {  	_ =	shalt  }
0x54: {  	_ =	shalt  }
0x55: {  	_ =	shalt  }
0x56: {  	_ =	shalt  }
0x57: {  	_ =	shalt  }
0x58: {  	_ =	shalt  }
0x59: {  	_ =	shalt  }
0x5a: {  	_ =	shalt  }
0x5b: {  	_ =	shalt  }
0x5c: {  	_ =	shalt  }
0x5d: {  	_ =	shalt  }
0x5e: {  	_ =	shalt  }
0x5f: {  	_ =	shalt  }
0x60: {  	_ =	shalt  }
0x61: {  	_ =	shalt  }
0x62: {  	_ =	shalt  }
0x63: {  	_ =	shalt  }
0x64: {  	_ =	shalt  }
0x65: {  	_ =	shalt  }
0x66: {  	_ =	shalt  }
0x67: {  	_ =	shalt  }
0x68: {  	_ =	shalt  }
0x69: {  	_ =	shalt  }
0x6a: {  	_ =	shalt  }
0x6b: {  	_ =	shalt  }
0x6c: {  	_ =	shalt  }
0x6d: {  	_ =	shalt  }
0x6e: {  	_ =	shalt  }
0x6f: {  	_ =	shalt  }
0x70: {  	_ =	shalt  }
0x71: {  	_ =	shalt  }
0x72: {  	_ =	shalt  }
0x73: {  	_ =	shalt  }
0x74: {  	_ =	shalt  }
0x75: {  	_ =	shalt  }
0x76: {  	_ =	shalt  }
0x77: {  	_ =	shalt  }
0x78: {  	_ =	shalt  }
0x79: {  	_ =	shalt  }
0x7a: {  	_ =	shalt  }
0x7b: {  	_ =	shalt  }
0x7c: {  	_ =	shalt  }
0x7d: {  	_ =	shalt  }
0x7e: {  	_ =	shalt  }
0x7f: {  	_ =	shalt  }
0x80: {  	_ =	shalt  }
0x81: {  	_ =	shalt  }
0x82: {  	_ =	shalt  }
0x83: {  	_ =	shalt  }
0x84: {  	_ =	shalt  }
0x85: {  	_ =	shalt  }
0x86: {  	_ =	shalt  }
0x87: {  	_ =	shalt  }
.Lfunc_end0:
.L_simem_size_0:
called_computation_lowered:
.L_overlay_start_0:
0x88: {  	s2 =	sld [smem:$0x3FD9]  }
0x89: {  	s3 =	sld [smem:$0x3FFE];
	_ =	sdelay $0x1  }
0x8a: {  	s1 =	srdreg.scid  }
0x8b: {  	s0 =	sand.u32 $0x1, s1  }
0x8c: {  	s17 =	sshll.u32 s0, $0xA;
	s2 =	sadd.s32 s3, s2  }
0x8d: {  	s2 =	sadd.s32 s2, s17  }
0x8e: {  	[smem:$0x3FB5] =	sst s2  }
0x8f: {  	_ = 	snop  }
0x90: {  	s18 =	sld [smem:$0x3FC9];
	(tm) =	ssettm $0x1  }
0x91: {  	s19 =	sld [smem:$0x3FFB];
	_ =	sdelay $0x3  }
0x92: {  	_ =	strace s19  }
0x93: {  	s2 =	sld [smem:$0x3FFC];
	_ =	sdelay $0x3  }
0x94: {  	_ =	strace s2  }
0x95: {  	s2 =	sld [smem:$0x3FFD];
	_ =	sdelay $0x3  }
0x96: {  	_ =	strace s2  }
0x97: {  	_ =	strace $0x8FFFFFFF  }
0x98: {  	s20 =	sld [smem:$0x3FDB];
	_ =	sdelay $0x1  }
0x99: {  	s4 =	simm.s32 $_scs_section_size  }
0x9a: {  	s5 =	simm.s32 $_size__tile_overlayer_lowered;
	s6 =	simm.s32 $_tile_overlayer_lowered  }
0x9b: {  	s7 =	simm.s32 $0x1BFF;
	s21 =	sshll.u32 s6, $0x1;
	s4 =	sadd.s32 s4, s20  }
0x9c: {  	s22 =	simm.s32 $0x0;
	s5 =	sshll.u32 s5, $0x1;
	s6 =	sadd.s32 s21, s4  }
0x9d: {  	[timem:s22], [sflag:s7] =	dma.local [hbm:s6], s5  }
0x9e: {  	_ =	swait.ge [sflag:s7], s5  }
0x9f: {  	s5 =	ssub.s32 $0x0, s5;
	[sflag:s7] =	ssyncset.done $0x0  }
0xa0: {  	[sflag:s7] =	ssyncadd.s32 s5;
	_ =	sdelay $0x1  }
0xa1: {  	s23 =	simm.s32 $0x1B8B  }
0xa2: {  	_ =	swait.ge [sflag:s23], $0x1  }
0xa3: {  	[sflag:s23] =	ssyncset.done $0x0  }
0xa4: {  	[sflag:s23] =	ssyncadd.s32 $0xFFFFFFFF  }
0xa5: {  	s5 =	sld [smem:$0x0]  }
0xa6: {  	s6 =	sand.u32 $0xFFFFFFFE, s1  }
0xa7: {  	p0 =	sne.s32 s1, s6  }
0xa8: {  	s6 =	sshll.u32 @p0 s6, $0xE  }
0xa9: {  	s6 =	sadd.s32 @p0 $0x11B8D, s6;
	s7 =	sshll.u32 @p0 s5, $0x11  }
0xaa: {  	s6 =	sor.u32 @p0 s7, s6  }
0xab: {  	[sflag:s6] =	ssyncadd.remote.s32 @p0 $0x1;
	_ =	sdelay $0x1  }
0xac: {  	s6 =	simm.s32 @p0 $0x1B8D  }
0xad: {  	_ =	swait.eq @p0 [sflag:s6], $0x1  }
0xae: {  	[sflag:s6] =	ssyncadd.s32 @p0 $0xFFFFFFFF  }
0xaf: {  	s7 =	sshll.u32 @!p0 s1, $0xE  }
0xb0: {  	s7 =	sor.u32 @!p0 $0x4000, s7;
	s6 =	simm.s32 @!p0 $0x1B8D  }
0xb1: {  	s5 =	sshll.u32 @!p0 s5, $0x11;
	s7 =	sadd.s32 @!p0 $0x11B8D, s7;
	_ =	swait.eq @!p0 [sflag:s6], $0x1  }
0xb2: {  	s5 =	sor.u32 @!p0 s5, s7;
	[sflag:s6] =	ssyncadd.s32 @!p0 $0xFFFFFFFF  }
0xb3: {  	s25 =	simm.s32 $0x1B8E;
	s24 =	sld [smem:$0x3FFE];
	[sflag:s5] =	ssyncadd.remote.s32 @!p0 $0x1  }
0xb4: {  	s26 =	simm.s32 $execute0_lowered;
	[smem:$0x3FD2] =	sst s25  }
0xb5: {  	s6 =	sshll.u32 s26, $0x1;
	_ =	strace $0x8000004C;
	[dreg:$0x1] =	wrdreg $0xFFFFFFFF  }
0xb6: {  	s28 =	simm.s32 $_size_execute0_lowered;
	s4 =	sadd.s32 s4, s6;
	[dreg:$0x0] =	wrdreg $0x0  }
0xb7: {  	s6 =	sshll.u32 s28, $0x1;
	[dreg:$0x2] =	wrdreg s4  }
0xb8: {  	[dreg:$0x3] =	wrdreg s6  }
0xb9: {  	[dreg:$0x4] =	wrdreg $0xC0  }
0xba: {  	_ =	task [dreg:s22], $0x5FFFF  }
0xbb: {  	[dreg:$0x1] =	wrdreg $0xFFFFFFFF  }
0xbc: {  	[dreg:$0x0] =	wrdreg $0x60  }
0xbd: {  	[dreg:$0x2] =	wrdreg s18  }
0xbe: {  	[dreg:$0x3] =	wrdreg s24  }
0xbf: {  	[dreg:$0x4] =	wrdreg $0x41000  }
0xc0: {  	[dreg:$0x5] =	wrdreg $0x9  }
0xc1: {  	_ =	task.clear_ibuf [dreg:s22], $0x6FFFF;
	_ =	strace $0x9000004C  }
0xc2: {  	s29 =	simm.s32 $0x9;
	_ =	strace $0x8000004E  }
0xc3: {  	_ =	swait.ge [sflag:s29], $0x1  }
0xc4: {  	[sflag:s29] =	ssyncadd.s32 $0xFFFFFFFF  }
0xc5: {  	_ =	strace $0x9000004E  }
0xc6: {  	_ =	sfence  }
0xc7: {  	s30 =	sld [smem:$0x0];
	_ =	sdelay $0x2  }
0xc8: {  	s31 =	sshll.u32 s1, $0xD;
	s1 =	sshrl.u32 s1, $0x2  }
0xc9: {  	s4 =	sand.u32 $0x4000, s31;
	s1 =	sadd.s32 s1, s30  }
0xca: {  	s0 =	sor.u32 s4, s0;
	s1 =	sshll.u32 s1, $0x11  }
0xcb: {  	s0 =	sor.u32 s1, s0  }
0xcc: {  	s0 =	sadd.s32 $0x8F2B, s0  }
0xcd: {  	[sflag:s0] =	ssyncadd.remote.s32 $0x1  }
0xce: {  	_ =	sfence.sel $0xFFFF  }
0xcf: {  	[dreg:$0x0] =	wrdreg $0xFFFFFFFF;
	(pc) =	sbr.abs _section_cstart, $3  }
0xd0: {  	[dreg:$0x1] =	wrdreg $0xFFFFFFFF  }
0xd1: {  	_ =	task.clear_ibuf [dreg:s22], $0x2FFFF;
	_ =	strace $0x9FFFFFFF  }
0xd2: {  	(tm) =	ssettm $0x7FFFFFFF  }
0xd3: {  	_ =	shalt  }
tec
execute0_lowered:
.L_overlay_start_1:
0x0: {  	(tag) =	ssettag $0x1  }
0x1: {  	s1 =	rddreg [dreg:$0x0]  }
0x2: {  	s6 =	rddreg [dreg:$0x1]  }
0x3: {  	s2 =	rddreg [dreg:$0x2]  }
0x4: {  	s0 =	rddreg [dreg:$0x3];
	s3 =	simm.s32 $0x0;
	s4 =	srdreg.scid  }
0x5: {  	s22 =	simm.s32 $0x100;
	[smem:$0x7FF] =	sst s3;
	s5 =	sand.u32 $0x1, s4  }
0x6: {  	s23 =	simm.s32 $0x1;
	s4 =	stileid.u32;
	s7 =	smul.u32 $0x4F00, s5  }
0x7: {  	s17 =	sadd.s32 $0xE7A00, s6;
	_ =	strace $0x8000004D;
	s8 =	smul.u32 $0x50000, s4  }
0x8: {  	s24 =	ssub.s32 $0x2, s5;
	s15 =	smul.u32 $0x140000, s5;
	s5 =	sadd.s32 $0x1DA00, s6  }
0x9: {  	s13 =	smul.u32 $0x14000, s4;
	s26 =	sshll.u32 s4, $0x6;
	s9 =	sshrl.u32 s24, $0x1  }
0xa: {  	s21 =	smul.u32 $0x4F0, s4;
	s16 =	sadd.s32 s7, s6;
	s18 =	ssub.s32 s24, s9  }
0xb: {  	s25 =	sshrl.u32 s8, $0x2;
	s28 =	sadd.s32 s13, s15;
	s7 =	sor.u32 $0x1C02, s26  }
0xc: {  	s29 =	sadd.s32 $0x4000, s13;
	s11 =	sadd.s32 $0x8000, s13;
	s14 =	sadd.s32 $0xC000, s13  }
0xd: {  	s20 =	sadd.s32 $0x10000, s13;
	s24 =	simm.s32 $0x0;
	s6 =	sadd.s32 s25, s2  }
0xe: {  	s8 =	sshrl.u32 s28, $0x3;
	s10 =	sadd.s32 s15, s29;
	s9 =	sadd.s32 s29, s2  }
0xf: {  	s12 =	sadd.s32 s15, s11;
	s11 =	sadd.s32 s11, s2;
	s19 =	sadd.s32 s15, s14  }
0x10: {  	s13 =	sadd.s32 s14, s2;
	s30 =	sadd.s32 s15, s20;
	s15 =	sadd.s32 s20, s2  }
0x11: {  	s31 =	sadd.s32 s21, s16;
	s20 =	simm.s32 $0x2;
	s21 =	simm.s32 $0x80  }
0x12: {  	s8 =	sadd.s32 s17, s8;
	s10 =	sshrl.u32 s10, $0x3;
	s19 =	sshrl.u32 s19, $0x3  }
0x13: {  	s12 =	sshrl.u32 s12, $0x3;
	s14 =	sadd.s32 s17, s19;
	s19 =	sshrl.u32 s30, $0x3  }
0x14: {  	s10 =	sadd.s32 s17, s10;
	s12 =	sadd.s32 s17, s12;
	s16 =	sadd.s32 s17, s19  }
0x15: {  	s17 =	smax.u32 s18, $0x1;
	s18 =	sadd.s32 $0xDDC00, s31;
	s19 =	sadd.s32 $0xD3E00, s31  }
.LBB2_1:
0x16: {  	s25 =	sshrl.u32 s6, $0x3  }
0x17: {  	[spmem:s25], [sflag:s7] =	dma.local [hbm:s5], $0x2800  }
0x18: {  	_ =	swait.ge [sflag:s20], $0x2800  }
0x19: {  	[sflag:s20] =	ssyncset.done $0x0  }
0x1a: {  	[sflag:s20] =	ssyncadd.s32 $0xFFFFD800  }
0x1b: {  	s30 =	sadd.s32 $0x0, s19;
	[bflag:$0x0] =	sbarrier.arrive $0xFFFF  }
0x1c: {  	[tilespmem:s3], [sflag:$0x2] =	stream.linear.gather [hbm4b:s30+s3], $0x80, $0x38;
	[tilespmem:$0x18100] =	vst v63  }
0x1d: {  	_ =	swait.ge [sflag:s20], $0x80  }
0x1e: {  	[sflag:s20] =	ssyncset.done $0x0  }
0x1f: {  	s31 =	sadd.s32 $0x0, s18;
	[sflag:s20] =	ssyncadd.s32 $0xFFFFFF80  }
0x20: {  	[tilespmem:s21], [sflag:$0x2] =	stream.linear.gather [hbm4b:s31+s3], $0x80, $0x38;
	[tilespmem:$0x18100] =	vst v63  }
0x21: {  	_ =	swait.ge [sflag:s20], $0x80  }
0x22: {  	[sflag:s20] =	ssyncset.done $0x0  }
0x23: {  	[sflag:s20] =	ssyncadd.s32 $0xFFFFFF80  }
0x24: {  	[tilespmem:s22], [sflag:$0x1] =	stream.indirect.gather [hbm4b:s1+s21], $0x80, s3, s21, $0xb8;
	[tilespmem:$0x18100] =	vst v63  }
0x25: {  	_ =	swait.ge [sflag:s23], $0x4000  }
0x26: {  	[sflag:s23] =	ssyncset.done $0x0  }
0x27: {  	[sflag:s23] =	ssyncadd.s32 $0xFFFFC000  }
0x28: {  	[spmem:s2] =	stream.indirect.scatter.add.f32 [tilespmem:s22], [sflag:$0x2], $0x80, s21, s21, $0xb8;
	[tilespmem:$0x18100] =	vst v63  }
0x29: {  	_ =	swait.ge [sflag:s20], $0x4000  }
0x2a: {  	s26 =	simm.s32 $0x20;
	s25 =	simm.s32 $0x10;
	[sflag:s20] =	ssyncset.done $0x0  }
.LBB2_2:
0x2b: {  	s28 =	sadd.s32 s25, s19  }
0x2c: {  	[sflag:s20] =	ssyncadd.s32 $0xFFFFC000;
	s29 =	smov.u32 s26;
	s30 =	sadd.s32 $0x10, s26  }
0x2d: {  	[tilespmem:s3], [sflag:$0x2] =	stream.linear.gather [hbm4b:s28+s3], $0x80, $0x38;
	[tilespmem:$0x18100] =	vst v63  }
0x2e: {  	p0 =	sne.s32 s26, $0x4E0;
	_ =	swait.ge [sflag:s20], $0x80  }
0x2f: {  	[sflag:s20] =	ssyncset.done $0x0  }
0x30: {  	s26 =	sadd.s32 s25, s18;
	s25 =	smov.u32 s29;
	[sflag:s20] =	ssyncadd.s32 $0xFFFFFF80  }
0x31: {  	[tilespmem:s21], [sflag:$0x2] =	stream.linear.gather [hbm4b:s26+s3], $0x80, $0x38;
	[tilespmem:$0x18100] =	vst v63  }
0x32: {  	_ =	swait.ge [sflag:s20], $0x80  }
0x33: {  	[sflag:s20] =	ssyncset.done $0x0  }
0x34: {  	[sflag:s20] =	ssyncadd.s32 $0xFFFFFF80  }
0x35: {  	[tilespmem:s22], [sflag:$0x1] =	stream.indirect.gather [hbm4b:s1+s21], $0x80, s3, s21, $0xb8;
	[tilespmem:$0x18100] =	vst v63  }
0x36: {  	_ =	swait.ge [sflag:s23], $0x4000  }
.Ltmp0:
0x37: {  	[sflag:s23] =	ssyncset.done $0x0;
	(pc) =	sbr.rel @p0 .LBB2_2-.Ltmp0, $4  }
0x38: {  	[sflag:s23] =	ssyncadd.s32 $0xFFFFC000  }
0x39: {  	[spmem:s2] =	stream.indirect.scatter.add.f32 [tilespmem:s22], [sflag:$0x2], $0x80, s21, s21, $0xb8;
	[tilespmem:$0x18100] =	vst v63  }
0x3a: {  	_ =	swait.ge [sflag:s20], $0x4000  }
0x3b: {  	s26 =	smov.u32 s30;
	[sflag:s20] =	ssyncset.done $0x0  }
0x3c: {  	s26 =	sadd.s32 s25, s19;
	[sflag:s20] =	ssyncadd.s32 $0xFFFFC000  }
0x3d: {  	[tilespmem:s3], [sflag:$0x2] =	stream.linear.gather [hbm4b:s26+s3], $0x80, $0x38;
	[tilespmem:$0x18100] =	vst v63  }
0x3e: {  	_ =	swait.ge [sflag:s20], $0x80  }
0x3f: {  	[sflag:s20] =	ssyncset.done $0x0  }
0x40: {  	s31 =	sadd.s32 s25, s18;
	[sflag:s20] =	ssyncadd.s32 $0xFFFFFF80  }
0x41: {  	[tilespmem:s21], [sflag:$0x2] =	stream.linear.gather [hbm4b:s31+s3], $0x80, $0x38;
	[tilespmem:$0x18100] =	vst v63  }
0x42: {  	_ =	swait.ge [sflag:s20], $0x80  }
0x43: {  	[sflag:s20] =	ssyncset.done $0x0  }
0x44: {  	[sflag:s20] =	ssyncadd.s32 $0xFFFFFF80  }
0x45: {  	[tilespmem:s22], [sflag:$0x1] =	stream.indirect.gather [hbm4b:s1+s21], $0x80, s3, s21, $0xb8;
	[tilespmem:$0x18100] =	vst v63  }
0x46: {  	_ =	swait.ge [sflag:s23], $0x4000  }
0x47: {  	[sflag:s23] =	ssyncset.done $0x0  }
0x48: {  	[sflag:s23] =	ssyncadd.s32 $0xFFFFC000  }
0x49: {  	[spmem:s2] =	stream.indirect.scatter.add.f32 [tilespmem:s22], [sflag:$0x2], $0x80, s21, s21, $0xb8;
	[tilespmem:$0x18100] =	vst v63  }
0x4a: {  	_ =	swait.ge [sflag:s20], $0x4000  }
0x4b: {  	[sflag:s20] =	ssyncset.done $0x0  }
0x4c: {  	[sflag:s20] =	ssyncadd.s32 $0xFFFFC000  }
0x4d: {  	[bflag:$0x0] =	sbarrier.arrive $0xFFFF  }
0x4e: {  	[tilespmem:s22], [sflag:$0x2] =	stream.linear.gather [spmem:s6], $0x4000, $0x38;
	[tilespmem:$0x18100] =	vst v63  }
0x4f: {  	_ =	swait.ge [sflag:s20], $0x4000  }
0x50: {  	[sflag:s20] =	ssyncset.done $0x0  }
0x51: {  	[sflag:s20] =	ssyncadd.s32 $0xFFFFC000  }
0x52: {  	[hbm4b:s8+s3] =	stream.linear.scatter [tilespmem:s22], [sflag:$0x2], $0x4000, $0x38;
	[tilespmem:$0x18100] =	vst v63  }
0x53: {  	_ =	swait.ge [sflag:s20], $0x4000  }
0x54: {  	[sflag:s20] =	ssyncset.done $0x0  }
0x55: {  	[sflag:s20] =	ssyncadd.s32 $0xFFFFC000  }
0x56: {  	[tilespmem:s22], [sflag:$0x2] =	stream.linear.gather [spmem:s9], $0x4000, $0x38;
	[tilespmem:$0x18100] =	vst v63  }
0x57: {  	_ =	swait.ge [sflag:s20], $0x4000  }
0x58: {  	[sflag:s20] =	ssyncset.done $0x0  }
0x59: {  	[sflag:s20] =	ssyncadd.s32 $0xFFFFC000  }
0x5a: {  	[hbm4b:s10+s3] =	stream.linear.scatter [tilespmem:s22], [sflag:$0x2], $0x4000, $0x38;
	[tilespmem:$0x18100] =	vst v63  }
0x5b: {  	_ =	swait.ge [sflag:s20], $0x4000  }
0x5c: {  	[sflag:s20] =	ssyncset.done $0x0  }
0x5d: {  	[sflag:s20] =	ssyncadd.s32 $0xFFFFC000  }
0x5e: {  	[tilespmem:s22], [sflag:$0x2] =	stream.linear.gather [spmem:s11], $0x4000, $0x38;
	[tilespmem:$0x18100] =	vst v63  }
0x5f: {  	_ =	swait.ge [sflag:s20], $0x4000  }
0x60: {  	[sflag:s20] =	ssyncset.done $0x0  }
0x61: {  	[sflag:s20] =	ssyncadd.s32 $0xFFFFC000  }
0x62: {  	[hbm4b:s12+s3] =	stream.linear.scatter [tilespmem:s22], [sflag:$0x2], $0x4000, $0x38;
	[tilespmem:$0x18100] =	vst v63  }
0x63: {  	_ =	swait.ge [sflag:s20], $0x4000  }
0x64: {  	[sflag:s20] =	ssyncset.done $0x0  }
0x65: {  	[sflag:s20] =	ssyncadd.s32 $0xFFFFC000  }
0x66: {  	[tilespmem:s22], [sflag:$0x2] =	stream.linear.gather [spmem:s13], $0x4000, $0x38;
	[tilespmem:$0x18100] =	vst v63  }
0x67: {  	_ =	swait.ge [sflag:s20], $0x4000  }
0x68: {  	[sflag:s20] =	ssyncset.done $0x0  }
0x69: {  	[sflag:s20] =	ssyncadd.s32 $0xFFFFC000  }
0x6a: {  	[hbm4b:s14+s3] =	stream.linear.scatter [tilespmem:s22], [sflag:$0x2], $0x4000, $0x38;
	[tilespmem:$0x18100] =	vst v63  }
0x6b: {  	_ =	swait.ge [sflag:s20], $0x4000  }
0x6c: {  	[sflag:s20] =	ssyncset.done $0x0  }
0x6d: {  	[sflag:s20] =	ssyncadd.s32 $0xFFFFC000  }
0x6e: {  	[tilespmem:s22], [sflag:$0x2] =	stream.linear.gather [spmem:s15], $0x4000, $0x38;
	[tilespmem:$0x18100] =	vst v63  }
0x6f: {  	s24 =	sadd.s32 $0x1, s24;
	_ =	swait.ge [sflag:s20], $0x4000  }
0x70: {  	p0 =	sne.s32 s24, s17;
	[sflag:s20] =	ssyncset.done $0x0  }
.Ltmp1:
0x71: {  	[sflag:s20] =	ssyncadd.s32 $0xFFFFC000;
	(pc) =	sbr.rel @p0 .LBB2_1-.Ltmp1, $4  }
0x72: {  	[hbm4b:s16+s3] =	stream.linear.scatter [tilespmem:s22], [sflag:$0x2], $0x4000, $0x38;
	[tilespmem:$0x18100] =	vst v63  }
0x73: {  	_ =	swait.ge [sflag:s20], $0x4000  }
0x74: {  	[sflag:s20] =	ssyncset.done $0x0  }
0x75: {  	[sflag:s20] =	ssyncadd.s32 $0xFFFFC000  }
0x76: {  	_ =	sfence.sel $0x180000  }
0x77: {  	[bflag:$0x0] =	sbarrier.arrive $0xFFFF  }
0x78: {  	p0 =	sne.s32 s4, $0x0;
	_ =	strace $0x9000004D  }
0x79: {  	s0 =	sadd.s32 @!p0 $0x100000, s0;
	[bflag:$0x2] =	sbarrier.arrive $0xFFFF  }
0x7a: {  	[sflag:s0] =	ssyncadd.tile.s32 @!p0 $0x1;
	_ =	shalt  }
.Lfunc_end2:
_tile_overlayer_lowered:
.L_overlay_start_2:
0x7b: {  	(tag) =	ssettag $0x2  }
0x7c: {  	s0 =	rddreg [dreg:$0x0];
	s2 =	stileid.u32  }
0x7d: {  	s1 =	rddreg [dreg:$0x1];
	p0 =	sne.s32 s2, $0x0  }
0x7e: {  	s3 =	rddreg [dreg:$0x2];
	[bflag:$0x3] =	sbarrier.arrive $0xFFFF;
	s2 =	simm.s32 @!p0 $0x1C02  }
0x7f: {  	[timem:s3], [sflag:s2] =	dma.local @!p0 [hbm:s0], s1  }
0x80: {  	s0 =	simm.s32 @!p0 $0x2  }
0x81: {  	_ =	swait.ge @!p0 [sflag:s0], s1  }
0x82: {  	s1 =	ssub.s32 @!p0 $0x0, s1;
	[sflag:s0] =	ssyncset.done @!p0 $0x0  }
0x83: {  	[sflag:s0] =	ssyncadd.s32 @!p0 s1  }
0x84: {  	[bflag:$0x3] =	sbarrier.arrive $0xFFFF  }
0x85: {  	_ =	shalt  }

// kernel: kernel.24.cloned.1.call-start
scs
__scs_entry_jumppad:
0x0: {  	(pc) =	sbr.rel $0x88, $3  }
0x1: {  	(tag) =	ssettag $0x0;
	lr =	simm.s32 $0x1  }
0x2: {  	[smem:$0x3F8E] =	sst lr;
	_ =	strace $0xD0000000  }
0x3: {  	_ = 	snop  }
0x4: {  	_ = 	snop  }
0x5: {  	_ = 	snop  }
0x6: {  	_ = 	snop  }
0x7: {  	_ = 	snop  }
__scs_overlays_trampoline_lowered:
0x8: {  	[smem:$0x3F9D] =	sst s0  }
0x9: {  	[smem:$0x3F9E] =	sst s1  }
0xa: {  	[smem:$0x3F9F] =	sst s2  }
0xb: {  	[smem:$0x3FA0] =	sst s3  }
0xc: {  	[smem:$0x3FA1] =	sst s4  }
0xd: {  	[smem:$0x3FA2] =	sst s5  }
0xe: {  	[smem:$0x3FA3] =	sst s6  }
0xf: {  	[smem:$0x3FA4] =	sst s7  }
0x10: {  	[smem:$0x3FA5] =	sst s8  }
0x11: {  	[smem:$0x3FA6] =	sst s9;
	s0 =	simm.s32 @!p0 $0x0  }
0x12: {  	s1 =	sld [smem:$0x3F8C];
	s0 =	simm.s32 @p0 $0x1  }
0x13: {  	[smem:$0x3FA7] =	sst s0;
	s0 =	simm.s32 @!p1 $0x0  }
0x14: {  	s2 =	sld [smem:$0x3F8B];
	s0 =	simm.s32 @p1 $0x1  }
0x15: {  	[smem:$0x3FA8] =	sst s0;
	s0 =	simm.s32 @!p2 $0x0  }
0x16: {  	s3 =	sld [smem:$0x3FDB];
	s0 =	simm.s32 @p2 $0x1  }
0x17: {  	s4 =	simm.s32 $0x1BF5;
	[smem:$0x3FAA] =	sst s0  }
0x18: {  	s0 =	sld [smem:$0x3F8D];
	_ =	swait.ge [sflag:s4], $0x0  }
0x19: {  	s7 =	sld [smem:$0x3F8E]  }
0x1a: {  	s8 =	sadd.s32 $0xFFFFE003, lr  }
0x1b: {  	s9 =	sadd.s32 $0xFFFFFEF7, lr;
	s5 =	simm.s32 $0xFFFFFFFF;
	p2 =	slt.u32 s8, $0xFFFFF086  }
0x1c: {  	p1 =	slt.u32 s9, $0xF7A;
	s5 =	simm.s32 @!p2 $0x0  }
0x1d: {  	s5 =	simm.s32 @p1 $0x1;
	p0 =	seq.s32 s7, s2  }
0x1e: {  	s7 =	smul.u32 @!p0 $0xF7A, s2;
	p2 =	seq.s32 @!p0 s5, $0x0  }
0x1f: {  	s9 =	smul.u32 $0xF7A, s1;
	s8 =	simm.s32 @!p0 $0x1BF5;
	p2 =	por !p2, p0  }
0x20: {  	[sflag:s8] =	ssyncset.s32 @!p0 $0xFFFFF086;
	s6 =	sadd.s32 @!p0 s3, s7;
	s7 =	simm.s32 @!p0 $0x108  }
0x21: {  	s3 =	sadd.s32 s3, s9;
	s6 =	sadd.s32 @!p0 $0x88, s6;
	s7 =	simm.s32 @p2 $0x1082  }
0x22: {  	[simem:s7], [sflag:s8] =	dma.local @!p0 [hbm:s6], $0xF7A  }
0x23: {  	s9 =	sor.u32 $0xD0000000, s2;
	s6 =	simm.s32 $0x108;
	_ =	swait.ge @!p0 [sflag:s8], $0x0  }
0x24: {  	s3 =	sadd.s32 $0x88, s3;
	s6 =	simm.s32 @!p1 $0x1082;
	[sflag:s4] =	ssyncset.s32 $0xFFFFF086  }
0x25: {  	[simem:s6], [sflag:s4] =	dma.local [hbm:s3], $0xF7A  }
0x26: {  	[smem:$0x3F8E] =	sst s1;
	(tag) =	ssettag s2;
	_ =	strace s9  }
0x27: {  	s1 =	sld [smem:$0x3F9E]  }
0x28: {  	s2 =	sld [smem:$0x3F9F]  }
0x29: {  	s4 =	sld [smem:$0x3FA1]  }
0x2a: {  	p0 =	seq.s32 s5, $0x0;
	s5 =	sld [smem:$0x3FA2]  }
0x2b: {  	s6 =	sld [smem:$0x3FA3]  }
0x2c: {  	s7 =	sld [smem:$0x3FA4]  }
0x2d: {  	s3 =	simm.s32 $0x108;
	s8 =	sld [smem:$0x3FA5]  }
0x2e: {  	s3 =	simm.s32 @!p0 $0x1082;
	s9 =	sld [smem:$0x3FA6]  }
0x2f: {  	lr =	sadd.s32 s0, s3;
	s0 =	sld [smem:$0x3F9D]  }
0x30: {  	s3 =	sld [smem:$0x3FA0]  }
0x31: {  	[smem:$0x3FA9] =	sst s10  }
0x32: {  	s10 =	sld [smem:$0x3FA7];
	_ =	sdelay $0x3  }
0x33: {  	p0 =	seq.s32 s10, $0x1;
	s10 =	sld [smem:$0x3FA9];
	_ =	sdelay $0x3  }
0x34: {  	[smem:$0x3FA9] =	sst s10  }
0x35: {  	s10 =	sld [smem:$0x3FA8];
	_ =	sdelay $0x3  }
0x36: {  	p1 =	seq.s32 s10, $0x1;
	s10 =	sld [smem:$0x3FA9];
	_ =	sdelay $0x3  }
0x37: {  	[smem:$0x3FA9] =	sst s10  }
0x38: {  	s10 =	sld [smem:$0x3FAA]  }
0x39: {  	_ = 	snop;
	(pc) =	sbr.ind lr, $3  }
0x3a: {  	_ = 	snop  }
0x3b: {  	_ = 	snop  }
0x3c: {  	p2 =	seq.s32 s10, $0x1;
	s10 =	sld [smem:$0x3FA9]  }
0x3d: {  	_ =	shalt  }
0x3e: {  	_ =	shalt  }
0x3f: {  	_ =	shalt  }
0x40: {  	_ =	shalt  }
0x41: {  	_ =	shalt  }
0x42: {  	_ =	shalt  }
0x43: {  	_ =	shalt  }
0x44: {  	_ =	shalt  }
0x45: {  	_ =	shalt  }
0x46: {  	_ =	shalt  }
0x47: {  	_ =	shalt  }
0x48: {  	_ =	shalt  }
0x49: {  	_ =	shalt  }
0x4a: {  	_ =	shalt  }
0x4b: {  	_ =	shalt  }
0x4c: {  	_ =	shalt  }
0x4d: {  	_ =	shalt  }
0x4e: {  	_ =	shalt  }
0x4f: {  	_ =	shalt  }
0x50: {  	_ =	shalt  }
0x51: {  	_ =	shalt  }
0x52: {  	_ =	shalt  }
0x53: {  	_ =	shalt  }
0x54: {  	_ =	shalt  }
0x55: {  	_ =	shalt  }
0x56: {  	_ =	shalt  }
0x57: {  	_ =	shalt  }
0x58: {  	_ =	shalt  }
0x59: {  	_ =	shalt  }
0x5a: {  	_ =	shalt  }
0x5b: {  	_ =	shalt  }
0x5c: {  	_ =	shalt  }
0x5d: {  	_ =	shalt  }
0x5e: {  	_ =	shalt  }
0x5f: {  	_ =	shalt  }
0x60: {  	_ =	shalt  }
0x61: {  	_ =	shalt  }
0x62: {  	_ =	shalt  }
0x63: {  	_ =	shalt  }
0x64: {  	_ =	shalt  }
0x65: {  	_ =	shalt  }
0x66: {  	_ =	shalt  }
0x67: {  	_ =	shalt  }
0x68: {  	_ =	shalt  }
0x69: {  	_ =	shalt  }
0x6a: {  	_ =	shalt  }
0x6b: {  	_ =	shalt  }
0x6c: {  	_ =	shalt  }
0x6d: {  	_ =	shalt  }
0x6e: {  	_ =	shalt  }
0x6f: {  	_ =	shalt  }
0x70: {  	_ =	shalt  }
0x71: {  	_ =	shalt  }
0x72: {  	_ =	shalt  }
0x73: {  	_ =	shalt  }
0x74: {  	_ =	shalt  }
0x75: {  	_ =	shalt  }
0x76: {  	_ =	shalt  }
0x77: {  	_ =	shalt  }
0x78: {  	_ =	shalt  }
0x79: {  	_ =	shalt  }
0x7a: {  	_ =	shalt  }
0x7b: {  	_ =	shalt  }
0x7c: {  	_ =	shalt  }
0x7d: {  	_ =	shalt  }
0x7e: {  	_ =	shalt  }
0x7f: {  	_ =	shalt  }
0x80: {  	_ =	shalt  }
0x81: {  	_ =	shalt  }
0x82: {  	_ =	shalt  }
0x83: {  	_ =	shalt  }
0x84: {  	_ =	shalt  }
0x85: {  	_ =	shalt  }
0x86: {  	_ =	shalt  }
0x87: {  	_ =	shalt  }
.Lfunc_end0:
.L_simem_size_0:
called_computation.1_lowered:
.L_overlay_start_0:
0x88: {  	s2 =	sld [smem:$0x3FD9]  }
0x89: {  	s3 =	sld [smem:$0x3FFE];
	_ =	sdelay $0x1  }
0x8a: {  	s1 =	srdreg.scid  }
0x8b: {  	s0 =	sand.u32 $0x1, s1  }
0x8c: {  	s17 =	sshll.u32 s0, $0xA;
	s2 =	sadd.s32 s3, s2  }
0x8d: {  	s2 =	sadd.s32 s2, s17  }
0x8e: {  	[smem:$0x3FB5] =	sst s2  }
0x8f: {  	_ = 	snop  }
0x90: {  	(tm) =	ssettm $0x1  }
0x91: {  	s18 =	sld [smem:$0x3FFB];
	_ =	sdelay $0x3  }
0x92: {  	_ =	strace s18  }
0x93: {  	s2 =	sld [smem:$0x3FFC];
	_ =	sdelay $0x3  }
0x94: {  	_ =	strace s2  }
0x95: {  	s2 =	sld [smem:$0x3FFD];
	_ =	sdelay $0x3  }
0x96: {  	_ =	strace s2  }
0x97: {  	_ =	strace $0x8FFFFFFF  }
0x98: {  	s19 =	sld [smem:$0x3FDB];
	_ =	sdelay $0x1  }
0x99: {  	s20 =	simm.s32 $_scs_section_size  }
0x9a: {  	s4 =	simm.s32 $_size__tile_overlayer_lowered;
	s5 =	simm.s32 $_tile_overlayer_lowered  }
0x9b: {  	s6 =	simm.s32 $0x1BFF;
	s21 =	sshll.u32 s5, $0x1;
	s3 =	sadd.s32 s20, s19  }
0x9c: {  	s22 =	simm.s32 $0x0;
	s4 =	sshll.u32 s4, $0x1;
	s5 =	sadd.s32 s21, s3  }
0x9d: {  	[timem:s22], [sflag:s6] =	dma.local [hbm:s5], s4  }
0x9e: {  	_ =	swait.ge [sflag:s6], s4  }
0x9f: {  	s4 =	ssub.s32 $0x0, s4;
	[sflag:s6] =	ssyncset.done $0x0  }
0xa0: {  	[sflag:s6] =	ssyncadd.s32 s4;
	_ =	sdelay $0x1  }
0xa1: {  	s23 =	simm.s32 $0x1B8B  }
0xa2: {  	_ =	swait.ge [sflag:s23], $0x1  }
0xa3: {  	[sflag:s23] =	ssyncset.done $0x0  }
0xa4: {  	[sflag:s23] =	ssyncadd.s32 $0xFFFFFFFF  }
0xa5: {  	s4 =	sld [smem:$0x0]  }
0xa6: {  	s5 =	sand.u32 $0xFFFFFFFE, s1  }
0xa7: {  	p0 =	sne.s32 s1, s5  }
0xa8: {  	s5 =	sshll.u32 @p0 s5, $0xE  }
0xa9: {  	s5 =	sadd.s32 @p0 $0x11B8D, s5;
	s6 =	sshll.u32 @p0 s4, $0x11  }
0xaa: {  	s5 =	sor.u32 @p0 s6, s5  }
0xab: {  	[sflag:s5] =	ssyncadd.remote.s32 @p0 $0x1;
	_ =	sdelay $0x1  }
0xac: {  	s5 =	simm.s32 @p0 $0x1B8D  }
0xad: {  	_ =	swait.eq @p0 [sflag:s5], $0x1  }
0xae: {  	[sflag:s5] =	ssyncadd.s32 @p0 $0xFFFFFFFF  }
0xaf: {  	s6 =	sshll.u32 @!p0 s1, $0xE  }
0xb0: {  	s6 =	sor.u32 @!p0 $0x4000, s6;
	s5 =	simm.s32 @!p0 $0x1B8D  }
0xb1: {  	s4 =	sshll.u32 @!p0 s4, $0x11;
	s6 =	sadd.s32 @!p0 $0x11B8D, s6;
	_ =	swait.eq @!p0 [sflag:s5], $0x1  }
0xb2: {  	s4 =	sor.u32 @!p0 s4, s6;
	[sflag:s5] =	ssyncadd.s32 @!p0 $0xFFFFFFFF  }
0xb3: {  	s25 =	simm.s32 $0x1B8E;
	s24 =	sld [smem:$0x3FFE];
	[sflag:s4] =	ssyncadd.remote.s32 @!p0 $0x1  }
0xb4: {  	s26 =	simm.s32 $execute0_lowered;
	[smem:$0x3FD2] =	sst s25  }
0xb5: {  	s5 =	sshll.u32 s26, $0x1;
	_ =	strace $0x80000055;
	[dreg:$0x1] =	wrdreg $0xFFFFFFFF  }
0xb6: {  	s28 =	simm.s32 $_size_execute0_lowered;
	s3 =	sadd.s32 s3, s5;
	[dreg:$0x0] =	wrdreg $0x0  }
0xb7: {  	s5 =	sshll.u32 s28, $0x1;
	[dreg:$0x2] =	wrdreg s3  }
0xb8: {  	[dreg:$0x3] =	wrdreg s5  }
0xb9: {  	[dreg:$0x4] =	wrdreg $0xC0  }
0xba: {  	_ =	task [dreg:s22], $0x5FFFF  }
0xbb: {  	[dreg:$0x1] =	wrdreg $0xFFFFFFFF  }
0xbc: {  	[dreg:$0x0] =	wrdreg $0x60  }
0xbd: {  	[dreg:$0x2] =	wrdreg s24  }
0xbe: {  	[dreg:$0x3] =	wrdreg $0x41000  }
0xbf: {  	[dreg:$0x4] =	wrdreg $0x9  }
0xc0: {  	_ =	task.clear_ibuf [dreg:s22], $0x5FFFF;
	_ =	strace $0x90000055  }
0xc1: {  	s29 =	simm.s32 $0x9;
	_ =	strace $0x80000057  }
0xc2: {  	_ =	swait.ge [sflag:s29], $0x1  }
0xc3: {  	[sflag:s29] =	ssyncadd.s32 $0xFFFFFFFF  }
0xc4: {  	_ =	strace $0x90000057  }
0xc5: {  	_ =	sfence  }
0xc6: {  	s30 =	sld [smem:$0x0];
	_ =	sdelay $0x2  }
0xc7: {  	s31 =	sshll.u32 s1, $0xD;
	s1 =	sshrl.u32 s1, $0x2  }
0xc8: {  	s4 =	sand.u32 $0x4000, s31;
	s1 =	sadd.s32 s1, s30  }
0xc9: {  	s0 =	sor.u32 s4, s0;
	s1 =	sshll.u32 s1, $0x11  }
0xca: {  	s0 =	sor.u32 s1, s0  }
0xcb: {  	s0 =	sadd.s32 $0x8F2B, s0  }
0xcc: {  	[sflag:s0] =	ssyncadd.remote.s32 $0x1  }
0xcd: {  	_ =	sfence.sel $0xFFFF  }
0xce: {  	[dreg:$0x0] =	wrdreg $0xFFFFFFFF;
	(pc) =	sbr.abs _section_cstart, $3  }
0xcf: {  	[dreg:$0x1] =	wrdreg $0xFFFFFFFF  }
0xd0: {  	_ =	task.clear_ibuf [dreg:s22], $0x2FFFF;
	_ =	strace $0x9FFFFFFF  }
0xd1: {  	(tm) =	ssettm $0x7FFFFFFF  }
tec
execute0_lowered:
.L_overlay_start_1:
0x0: {  	(tag) =	ssettag $0x1  }
0x1: {  	s6 =	rddreg [dreg:$0x0]  }
0x2: {  	s1 =	rddreg [dreg:$0x1]  }
0x3: {  	s0 =	rddreg [dreg:$0x2]  }
0x4: {  	s2 =	simm.s32 $0x0;
	s3 =	srdreg.scid;
	s22 =	simm.s32 $0x100  }
0x5: {  	s23 =	simm.s32 $0x1;
	[smem:$0x7FF] =	sst s2;
	s5 =	sand.u32 $0x1, s3  }
0x6: {  	s3 =	stileid.u32;
	s17 =	sadd.s32 $0x188A00, s6;
	s7 =	smul.u32 $0x4F00, s5  }
0x7: {  	s4 =	sadd.s32 $0xE7A00, s6;
	_ =	strace $0x80000056;
	s8 =	smul.u32 $0x50000, s3  }
0x8: {  	s24 =	ssub.s32 $0x2, s5;
	s15 =	smul.u32 $0x140000, s5;
	s5 =	sadd.s32 $0x1DA00, s6  }
0x9: {  	s13 =	smul.u32 $0x14000, s3;
	s26 =	sshll.u32 s3, $0x6;
	s9 =	sshrl.u32 s24, $0x1  }
0xa: {  	s21 =	smul.u32 $0x4F0, s3;
	s16 =	sadd.s32 s7, s6;
	s18 =	ssub.s32 s24, s9  }
0xb: {  	s25 =	sshrl.u32 s8, $0x2;
	s28 =	sadd.s32 s13, s15;
	s7 =	sor.u32 $0x1C02, s26  }
0xc: {  	s29 =	sadd.s32 $0x4000, s13;
	s11 =	sadd.s32 $0x8000, s13;
	s14 =	sadd.s32 $0xC000, s13  }
0xd: {  	s20 =	sadd.s32 $0x10000, s13;
	s24 =	simm.s32 $0x0;
	s6 =	sadd.s32 s25, s1  }
0xe: {  	s8 =	sshrl.u32 s28, $0x3;
	s10 =	sadd.s32 s15, s29;
	s9 =	sadd.s32 s29, s1  }
0xf: {  	s12 =	sadd.s32 s15, s11;
	s11 =	sadd.s32 s11, s1;
	s19 =	sadd.s32 s15, s14  }
0x10: {  	s13 =	sadd.s32 s14, s1;
	s30 =	sadd.s32 s15, s20;
	s15 =	sadd.s32 s20, s1  }
0x11: {  	s31 =	sadd.s32 s21, s16;
	s20 =	simm.s32 $0x2;
	s21 =	simm.s32 $0x80  }
0x12: {  	s8 =	sadd.s32 s17, s8;
	s10 =	sshrl.u32 s10, $0x3;
	s19 =	sshrl.u32 s19, $0x3  }
0x13: {  	s12 =	sshrl.u32 s12, $0x3;
	s14 =	sadd.s32 s17, s19;
	s19 =	sshrl.u32 s30, $0x3  }
0x14: {  	s10 =	sadd.s32 s17, s10;
	s12 =	sadd.s32 s17, s12;
	s16 =	sadd.s32 s17, s19  }
0x15: {  	s17 =	smax.u32 s18, $0x1;
	s18 =	sadd.s32 $0xDDC00, s31;
	s19 =	sadd.s32 $0xD3E00, s31  }
.LBB2_1:
0x16: {  	s25 =	sshrl.u32 s6, $0x3  }
0x17: {  	[spmem:s25], [sflag:s7] =	dma.local [hbm:s5], $0x2800  }
0x18: {  	_ =	swait.ge [sflag:s20], $0x2800  }
0x19: {  	[sflag:s20] =	ssyncset.done $0x0  }
0x1a: {  	[sflag:s20] =	ssyncadd.s32 $0xFFFFD800  }
0x1b: {  	s30 =	sadd.s32 $0x0, s19;
	[bflag:$0x0] =	sbarrier.arrive $0xFFFF  }
0x1c: {  	[tilespmem:s2], [sflag:$0x2] =	stream.linear.gather [hbm4b:s30+s2], $0x80, $0x38;
	[tilespmem:$0x18100] =	vst v63  }
0x1d: {  	_ =	swait.ge [sflag:s20], $0x80  }
0x1e: {  	[sflag:s20] =	ssyncset.done $0x0  }
0x1f: {  	s31 =	sadd.s32 $0x0, s18;
	[sflag:s20] =	ssyncadd.s32 $0xFFFFFF80  }
0x20: {  	[tilespmem:s21], [sflag:$0x2] =	stream.linear.gather [hbm4b:s31+s2], $0x80, $0x38;
	[tilespmem:$0x18100] =	vst v63  }
0x21: {  	_ =	swait.ge [sflag:s20], $0x80  }
0x22: {  	[sflag:s20] =	ssyncset.done $0x0  }
0x23: {  	[sflag:s20] =	ssyncadd.s32 $0xFFFFFF80  }
0x24: {  	[tilespmem:s22], [sflag:$0x1] =	stream.indirect.gather [hbm4b:s4+s21], $0x80, s2, s21, $0xb8;
	[tilespmem:$0x18100] =	vst v63  }
0x25: {  	_ =	swait.ge [sflag:s23], $0x4000  }
0x26: {  	[sflag:s23] =	ssyncset.done $0x0  }
0x27: {  	[sflag:s23] =	ssyncadd.s32 $0xFFFFC000  }
0x28: {  	[spmem:s1] =	stream.indirect.scatter.add.f32 [tilespmem:s22], [sflag:$0x2], $0x80, s21, s21, $0xb8;
	[tilespmem:$0x18100] =	vst v63  }
0x29: {  	_ =	swait.ge [sflag:s20], $0x4000  }
0x2a: {  	s26 =	simm.s32 $0x20;
	s25 =	simm.s32 $0x10;
	[sflag:s20] =	ssyncset.done $0x0  }
.LBB2_2:
0x2b: {  	s28 =	sadd.s32 s25, s19  }
0x2c: {  	[sflag:s20] =	ssyncadd.s32 $0xFFFFC000;
	s29 =	smov.u32 s26;
	s30 =	sadd.s32 $0x10, s26  }
0x2d: {  	[tilespmem:s2], [sflag:$0x2] =	stream.linear.gather [hbm4b:s28+s2], $0x80, $0x38;
	[tilespmem:$0x18100] =	vst v63  }
0x2e: {  	p0 =	sne.s32 s26, $0x4E0;
	_ =	swait.ge [sflag:s20], $0x80  }
0x2f: {  	[sflag:s20] =	ssyncset.done $0x0  }
0x30: {  	s26 =	sadd.s32 s25, s18;
	s25 =	smov.u32 s29;
	[sflag:s20] =	ssyncadd.s32 $0xFFFFFF80  }
0x31: {  	[tilespmem:s21], [sflag:$0x2] =	stream.linear.gather [hbm4b:s26+s2], $0x80, $0x38;
	[tilespmem:$0x18100] =	vst v63  }
0x32: {  	_ =	swait.ge [sflag:s20], $0x80  }
0x33: {  	[sflag:s20] =	ssyncset.done $0x0  }
0x34: {  	[sflag:s20] =	ssyncadd.s32 $0xFFFFFF80  }
0x35: {  	[tilespmem:s22], [sflag:$0x1] =	stream.indirect.gather [hbm4b:s4+s21], $0x80, s2, s21, $0xb8;
	[tilespmem:$0x18100] =	vst v63  }
0x36: {  	_ =	swait.ge [sflag:s23], $0x4000  }
.Ltmp0:
0x37: {  	[sflag:s23] =	ssyncset.done $0x0;
	(pc) =	sbr.rel @p0 .LBB2_2-.Ltmp0, $4  }
0x38: {  	[sflag:s23] =	ssyncadd.s32 $0xFFFFC000  }
0x39: {  	[spmem:s1] =	stream.indirect.scatter.add.f32 [tilespmem:s22], [sflag:$0x2], $0x80, s21, s21, $0xb8;
	[tilespmem:$0x18100] =	vst v63  }
0x3a: {  	_ =	swait.ge [sflag:s20], $0x4000  }
0x3b: {  	s26 =	smov.u32 s30;
	[sflag:s20] =	ssyncset.done $0x0  }
0x3c: {  	s26 =	sadd.s32 s25, s19;
	[sflag:s20] =	ssyncadd.s32 $0xFFFFC000  }
0x3d: {  	[tilespmem:s2], [sflag:$0x2] =	stream.linear.gather [hbm4b:s26+s2], $0x80, $0x38;
	[tilespmem:$0x18100] =	vst v63  }
0x3e: {  	_ =	swait.ge [sflag:s20], $0x80  }
0x3f: {  	[sflag:s20] =	ssyncset.done $0x0  }
0x40: {  	s31 =	sadd.s32 s25, s18;
	[sflag:s20] =	ssyncadd.s32 $0xFFFFFF80  }
0x41: {  	[tilespmem:s21], [sflag:$0x2] =	stream.linear.gather [hbm4b:s31+s2], $0x80, $0x38;
	[tilespmem:$0x18100] =	vst v63  }
0x42: {  	_ =	swait.ge [sflag:s20], $0x80  }
0x43: {  	[sflag:s20] =	ssyncset.done $0x0  }
0x44: {  	[sflag:s20] =	ssyncadd.s32 $0xFFFFFF80  }
0x45: {  	[tilespmem:s22], [sflag:$0x1] =	stream.indirect.gather [hbm4b:s4+s21], $0x80, s2, s21, $0xb8;
	[tilespmem:$0x18100] =	vst v63  }
0x46: {  	_ =	swait.ge [sflag:s23], $0x4000  }
0x47: {  	[sflag:s23] =	ssyncset.done $0x0  }
0x48: {  	[sflag:s23] =	ssyncadd.s32 $0xFFFFC000  }
0x49: {  	[spmem:s1] =	stream.indirect.scatter.add.f32 [tilespmem:s22], [sflag:$0x2], $0x80, s21, s21, $0xb8;
	[tilespmem:$0x18100] =	vst v63  }
0x4a: {  	_ =	swait.ge [sflag:s20], $0x4000  }
0x4b: {  	[sflag:s20] =	ssyncset.done $0x0  }
0x4c: {  	[sflag:s20] =	ssyncadd.s32 $0xFFFFC000  }
0x4d: {  	[bflag:$0x0] =	sbarrier.arrive $0xFFFF  }
0x4e: {  	[tilespmem:s22], [sflag:$0x2] =	stream.linear.gather [spmem:s6], $0x4000, $0x38;
	[tilespmem:$0x18100] =	vst v63  }
0x4f: {  	_ =	swait.ge [sflag:s20], $0x4000  }
0x50: {  	[sflag:s20] =	ssyncset.done $0x0  }
0x51: {  	[sflag:s20] =	ssyncadd.s32 $0xFFFFC000  }
0x52: {  	[hbm4b:s8+s2] =	stream.linear.scatter [tilespmem:s22], [sflag:$0x2], $0x4000, $0x38;
	[tilespmem:$0x18100] =	vst v63  }
0x53: {  	_ =	swait.ge [sflag:s20], $0x4000  }
0x54: {  	[sflag:s20] =	ssyncset.done $0x0  }
0x55: {  	[sflag:s20] =	ssyncadd.s32 $0xFFFFC000  }
0x56: {  	[tilespmem:s22], [sflag:$0x2] =	stream.linear.gather [spmem:s9], $0x4000, $0x38;
	[tilespmem:$0x18100] =	vst v63  }
0x57: {  	_ =	swait.ge [sflag:s20], $0x4000  }
0x58: {  	[sflag:s20] =	ssyncset.done $0x0  }
0x59: {  	[sflag:s20] =	ssyncadd.s32 $0xFFFFC000  }
0x5a: {  	[hbm4b:s10+s2] =	stream.linear.scatter [tilespmem:s22], [sflag:$0x2], $0x4000, $0x38;
	[tilespmem:$0x18100] =	vst v63  }
0x5b: {  	_ =	swait.ge [sflag:s20], $0x4000  }
0x5c: {  	[sflag:s20] =	ssyncset.done $0x0  }
0x5d: {  	[sflag:s20] =	ssyncadd.s32 $0xFFFFC000  }
0x5e: {  	[tilespmem:s22], [sflag:$0x2] =	stream.linear.gather [spmem:s11], $0x4000, $0x38;
	[tilespmem:$0x18100] =	vst v63  }
0x5f: {  	_ =	swait.ge [sflag:s20], $0x4000  }
0x60: {  	[sflag:s20] =	ssyncset.done $0x0  }
0x61: {  	[sflag:s20] =	ssyncadd.s32 $0xFFFFC000  }
0x62: {  	[hbm4b:s12+s2] =	stream.linear.scatter [tilespmem:s22], [sflag:$0x2], $0x4000, $0x38;
	[tilespmem:$0x18100] =	vst v63  }
0x63: {  	_ =	swait.ge [sflag:s20], $0x4000  }
0x64: {  	[sflag:s20] =	ssyncset.done $0x0  }
0x65: {  	[sflag:s20] =	ssyncadd.s32 $0xFFFFC000  }
0x66: {  	[tilespmem:s22], [sflag:$0x2] =	stream.linear.gather [spmem:s13], $0x4000, $0x38;
	[tilespmem:$0x18100] =	vst v63  }
0x67: {  	_ =	swait.ge [sflag:s20], $0x4000  }
0x68: {  	[sflag:s20] =	ssyncset.done $0x0  }
0x69: {  	[sflag:s20] =	ssyncadd.s32 $0xFFFFC000  }
0x6a: {  	[hbm4b:s14+s2] =	stream.linear.scatter [tilespmem:s22], [sflag:$0x2], $0x4000, $0x38;
	[tilespmem:$0x18100] =	vst v63  }
0x6b: {  	_ =	swait.ge [sflag:s20], $0x4000  }
0x6c: {  	[sflag:s20] =	ssyncset.done $0x0  }
0x6d: {  	[sflag:s20] =	ssyncadd.s32 $0xFFFFC000  }
0x6e: {  	[tilespmem:s22], [sflag:$0x2] =	stream.linear.gather [spmem:s15], $0x4000, $0x38;
	[tilespmem:$0x18100] =	vst v63  }
0x6f: {  	s24 =	sadd.s32 $0x1, s24;
	_ =	swait.ge [sflag:s20], $0x4000  }
0x70: {  	p0 =	sne.s32 s24, s17;
	[sflag:s20] =	ssyncset.done $0x0  }
.Ltmp1:
0x71: {  	[sflag:s20] =	ssyncadd.s32 $0xFFFFC000;
	(pc) =	sbr.rel @p0 .LBB2_1-.Ltmp1, $4  }
0x72: {  	[hbm4b:s16+s2] =	stream.linear.scatter [tilespmem:s22], [sflag:$0x2], $0x4000, $0x38;
	[tilespmem:$0x18100] =	vst v63  }
0x73: {  	_ =	swait.ge [sflag:s20], $0x4000  }
0x74: {  	[sflag:s20] =	ssyncset.done $0x0  }
0x75: {  	[sflag:s20] =	ssyncadd.s32 $0xFFFFC000  }
0x76: {  	_ =	sfence.sel $0x180000  }
0x77: {  	[bflag:$0x0] =	sbarrier.arrive $0xFFFF  }
0x78: {  	p0 =	sne.s32 s3, $0x0;
	_ =	strace $0x90000056  }
0x79: {  	s0 =	sadd.s32 @!p0 $0x100000, s0;
	[bflag:$0x2] =	sbarrier.arrive $0xFFFF  }
0x7a: {  	[sflag:s0] =	ssyncadd.tile.s32 @!p0 $0x1;
	_ =	shalt  }
.Lfunc_end2:
_tile_overlayer_lowered:
.L_overlay_start_2:
0x7b: {  	(tag) =	ssettag $0x2  }
0x7c: {  	s0 =	rddreg [dreg:$0x0];
	s2 =	stileid.u32  }
0x7d: {  	s1 =	rddreg [dreg:$0x1];
	p0 =	sne.s32 s2, $0x0  }
0x7e: {  	s3 =	rddreg [dreg:$0x2];
	[bflag:$0x3] =	sbarrier.arrive $0xFFFF;
	s2 =	simm.s32 @!p0 $0x1C02  }
0x7f: {  	[timem:s3], [sflag:s2] =	dma.local @!p0 [hbm:s0], s1  }
0x80: {  	s0 =	simm.s32 @!p0 $0x2  }
0x81: {  	_ =	swait.ge @!p0 [sflag:s0], s1  }
0x82: {  	s1 =	ssub.s32 @!p0 $0x0, s1;
	[sflag:s0] =	ssyncset.done @!p0 $0x0  }
0x83: {  	[sflag:s0] =	ssyncadd.s32 @!p0 s1  }
0x84: {  	[bflag:$0x3] =	sbarrier.arrive $0xFFFF  }
0x85: {  	_ =	shalt  }

// kernel: kernel.27.cloned.1.call-start
scs
__scs_entry_jumppad:
0x0: {  	(pc) =	sbr.rel $0x88, $3  }
0x1: {  	(tag) =	ssettag $0x0;
	lr =	simm.s32 $0x1  }
0x2: {  	[smem:$0x3F8E] =	sst lr;
	_ =	strace $0xD0000000  }
0x3: {  	_ = 	snop  }
0x4: {  	_ = 	snop  }
0x5: {  	_ = 	snop  }
0x6: {  	_ = 	snop  }
0x7: {  	_ = 	snop  }
__scs_overlays_trampoline_lowered:
0x8: {  	[smem:$0x3F9D] =	sst s0  }
0x9: {  	[smem:$0x3F9E] =	sst s1  }
0xa: {  	[smem:$0x3F9F] =	sst s2  }
0xb: {  	[smem:$0x3FA0] =	sst s3  }
0xc: {  	[smem:$0x3FA1] =	sst s4  }
0xd: {  	[smem:$0x3FA2] =	sst s5  }
0xe: {  	[smem:$0x3FA3] =	sst s6  }
0xf: {  	[smem:$0x3FA4] =	sst s7  }
0x10: {  	[smem:$0x3FA5] =	sst s8  }
0x11: {  	[smem:$0x3FA6] =	sst s9;
	s0 =	simm.s32 @!p0 $0x0  }
0x12: {  	s1 =	sld [smem:$0x3F8C];
	s0 =	simm.s32 @p0 $0x1  }
0x13: {  	[smem:$0x3FA7] =	sst s0;
	s0 =	simm.s32 @!p1 $0x0  }
0x14: {  	s2 =	sld [smem:$0x3F8B];
	s0 =	simm.s32 @p1 $0x1  }
0x15: {  	[smem:$0x3FA8] =	sst s0;
	s0 =	simm.s32 @!p2 $0x0  }
0x16: {  	s3 =	sld [smem:$0x3FDB];
	s0 =	simm.s32 @p2 $0x1  }
0x17: {  	s4 =	simm.s32 $0x1BF5;
	[smem:$0x3FAA] =	sst s0  }
0x18: {  	s0 =	sld [smem:$0x3F8D];
	_ =	swait.ge [sflag:s4], $0x0  }
0x19: {  	s7 =	sld [smem:$0x3F8E]  }
0x1a: {  	s8 =	sadd.s32 $0xFFFFE003, lr  }
0x1b: {  	s9 =	sadd.s32 $0xFFFFFEF7, lr;
	s5 =	simm.s32 $0xFFFFFFFF;
	p2 =	slt.u32 s8, $0xFFFFF086  }
0x1c: {  	p1 =	slt.u32 s9, $0xF7A;
	s5 =	simm.s32 @!p2 $0x0  }
0x1d: {  	s5 =	simm.s32 @p1 $0x1;
	p0 =	seq.s32 s7, s2  }
0x1e: {  	s7 =	smul.u32 @!p0 $0xF7A, s2;
	p2 =	seq.s32 @!p0 s5, $0x0  }
0x1f: {  	s9 =	smul.u32 $0xF7A, s1;
	s8 =	simm.s32 @!p0 $0x1BF5;
	p2 =	por !p2, p0  }
0x20: {  	[sflag:s8] =	ssyncset.s32 @!p0 $0xFFFFF086;
	s6 =	sadd.s32 @!p0 s3, s7;
	s7 =	simm.s32 @!p0 $0x108  }
0x21: {  	s3 =	sadd.s32 s3, s9;
	s6 =	sadd.s32 @!p0 $0x88, s6;
	s7 =	simm.s32 @p2 $0x1082  }
0x22: {  	[simem:s7], [sflag:s8] =	dma.local @!p0 [hbm:s6], $0xF7A  }
0x23: {  	s9 =	sor.u32 $0xD0000000, s2;
	s6 =	simm.s32 $0x108;
	_ =	swait.ge @!p0 [sflag:s8], $0x0  }
0x24: {  	s3 =	sadd.s32 $0x88, s3;
	s6 =	simm.s32 @!p1 $0x1082;
	[sflag:s4] =	ssyncset.s32 $0xFFFFF086  }
0x25: {  	[simem:s6], [sflag:s4] =	dma.local [hbm:s3], $0xF7A  }
0x26: {  	[smem:$0x3F8E] =	sst s1;
	(tag) =	ssettag s2;
	_ =	strace s9  }
0x27: {  	s1 =	sld [smem:$0x3F9E]  }
0x28: {  	s2 =	sld [smem:$0x3F9F]  }
0x29: {  	s4 =	sld [smem:$0x3FA1]  }
0x2a: {  	p0 =	seq.s32 s5, $0x0;
	s5 =	sld [smem:$0x3FA2]  }
0x2b: {  	s6 =	sld [smem:$0x3FA3]  }
0x2c: {  	s7 =	sld [smem:$0x3FA4]  }
0x2d: {  	s3 =	simm.s32 $0x108;
	s8 =	sld [smem:$0x3FA5]  }
0x2e: {  	s3 =	simm.s32 @!p0 $0x1082;
	s9 =	sld [smem:$0x3FA6]  }
0x2f: {  	lr =	sadd.s32 s0, s3;
	s0 =	sld [smem:$0x3F9D]  }
0x30: {  	s3 =	sld [smem:$0x3FA0]  }
0x31: {  	[smem:$0x3FA9] =	sst s10  }
0x32: {  	s10 =	sld [smem:$0x3FA7];
	_ =	sdelay $0x3  }
0x33: {  	p0 =	seq.s32 s10, $0x1;
	s10 =	sld [smem:$0x3FA9];
	_ =	sdelay $0x3  }
0x34: {  	[smem:$0x3FA9] =	sst s10  }
0x35: {  	s10 =	sld [smem:$0x3FA8];
	_ =	sdelay $0x3  }
0x36: {  	p1 =	seq.s32 s10, $0x1;
	s10 =	sld [smem:$0x3FA9];
	_ =	sdelay $0x3  }
0x37: {  	[smem:$0x3FA9] =	sst s10  }
0x38: {  	s10 =	sld [smem:$0x3FAA]  }
0x39: {  	_ = 	snop;
	(pc) =	sbr.ind lr, $3  }
0x3a: {  	_ = 	snop  }
0x3b: {  	_ = 	snop  }
0x3c: {  	p2 =	seq.s32 s10, $0x1;
	s10 =	sld [smem:$0x3FA9]  }
0x3d: {  	_ =	shalt  }
0x3e: {  	_ =	shalt  }
0x3f: {  	_ =	shalt  }
0x40: {  	_ =	shalt  }
0x41: {  	_ =	shalt  }
0x42: {  	_ =	shalt  }
0x43: {  	_ =	shalt  }
0x44: {  	_ =	shalt  }
0x45: {  	_ =	shalt  }
0x46: {  	_ =	shalt  }
0x47: {  	_ =	shalt  }
0x48: {  	_ =	shalt  }
0x49: {  	_ =	shalt  }
0x4a: {  	_ =	shalt  }
0x4b: {  	_ =	shalt  }
0x4c: {  	_ =	shalt  }
0x4d: {  	_ =	shalt  }
0x4e: {  	_ =	shalt  }
0x4f: {  	_ =	shalt  }
0x50: {  	_ =	shalt  }
0x51: {  	_ =	shalt  }
0x52: {  	_ =	shalt  }
0x53: {  	_ =	shalt  }
0x54: {  	_ =	shalt  }
0x55: {  	_ =	shalt  }
0x56: {  	_ =	shalt  }
0x57: {  	_ =	shalt  }
0x58: {  	_ =	shalt  }
0x59: {  	_ =	shalt  }
0x5a: {  	_ =	shalt  }
0x5b: {  	_ =	shalt  }
0x5c: {  	_ =	shalt  }
0x5d: {  	_ =	shalt  }
0x5e: {  	_ =	shalt  }
0x5f: {  	_ =	shalt  }
0x60: {  	_ =	shalt  }
0x61: {  	_ =	shalt  }
0x62: {  	_ =	shalt  }
0x63: {  	_ =	shalt  }
0x64: {  	_ =	shalt  }
0x65: {  	_ =	shalt  }
0x66: {  	_ =	shalt  }
0x67: {  	_ =	shalt  }
0x68: {  	_ =	shalt  }
0x69: {  	_ =	shalt  }
0x6a: {  	_ =	shalt  }
0x6b: {  	_ =	shalt  }
0x6c: {  	_ =	shalt  }
0x6d: {  	_ =	shalt  }
0x6e: {  	_ =	shalt  }
0x6f: {  	_ =	shalt  }
0x70: {  	_ =	shalt  }
0x71: {  	_ =	shalt  }
0x72: {  	_ =	shalt  }
0x73: {  	_ =	shalt  }
0x74: {  	_ =	shalt  }
0x75: {  	_ =	shalt  }
0x76: {  	_ =	shalt  }
0x77: {  	_ =	shalt  }
0x78: {  	_ =	shalt  }
0x79: {  	_ =	shalt  }
0x7a: {  	_ =	shalt  }
0x7b: {  	_ =	shalt  }
0x7c: {  	_ =	shalt  }
0x7d: {  	_ =	shalt  }
0x7e: {  	_ =	shalt  }
0x7f: {  	_ =	shalt  }
0x80: {  	_ =	shalt  }
0x81: {  	_ =	shalt  }
0x82: {  	_ =	shalt  }
0x83: {  	_ =	shalt  }
0x84: {  	_ =	shalt  }
0x85: {  	_ =	shalt  }
0x86: {  	_ =	shalt  }
0x87: {  	_ =	shalt  }
.Lfunc_end0:
.L_simem_size_0:
called_computation.2_lowered:
.L_overlay_start_0:
0x88: {  	s2 =	sld [smem:$0x3FD9]  }
0x89: {  	s3 =	sld [smem:$0x3FFE];
	_ =	sdelay $0x1  }
0x8a: {  	s1 =	srdreg.scid  }
0x8b: {  	s0 =	sand.u32 $0x1, s1  }
0x8c: {  	s17 =	sshll.u32 s0, $0xA;
	s2 =	sadd.s32 s3, s2  }
0x8d: {  	s2 =	sadd.s32 s2, s17  }
0x8e: {  	[smem:$0x3FB5] =	sst s2  }
0x8f: {  	_ = 	snop  }
0x90: {  	(tm) =	ssettm $0x1  }
0x91: {  	s18 =	sld [smem:$0x3FFB];
	_ =	sdelay $0x3  }
0x92: {  	_ =	strace s18  }
0x93: {  	s2 =	sld [smem:$0x3FFC];
	_ =	sdelay $0x3  }
0x94: {  	_ =	strace s2  }
0x95: {  	s2 =	sld [smem:$0x3FFD];
	_ =	sdelay $0x3  }
0x96: {  	_ =	strace s2  }
0x97: {  	_ =	strace $0x8FFFFFFF  }
0x98: {  	s19 =	sld [smem:$0x3FDB];
	_ =	sdelay $0x1  }
0x99: {  	s20 =	simm.s32 $_scs_section_size  }
0x9a: {  	s4 =	simm.s32 $_size__tile_overlayer_lowered;
	s5 =	simm.s32 $_tile_overlayer_lowered  }
0x9b: {  	s6 =	simm.s32 $0x1BFF;
	s21 =	sshll.u32 s5, $0x1;
	s3 =	sadd.s32 s20, s19  }
0x9c: {  	s22 =	simm.s32 $0x0;
	s4 =	sshll.u32 s4, $0x1;
	s5 =	sadd.s32 s21, s3  }
0x9d: {  	[timem:s22], [sflag:s6] =	dma.local [hbm:s5], s4  }
0x9e: {  	_ =	swait.ge [sflag:s6], s4  }
0x9f: {  	s4 =	ssub.s32 $0x0, s4;
	[sflag:s6] =	ssyncset.done $0x0  }
0xa0: {  	[sflag:s6] =	ssyncadd.s32 s4;
	_ =	sdelay $0x1  }
0xa1: {  	s23 =	simm.s32 $0x1B8B  }
0xa2: {  	_ =	swait.ge [sflag:s23], $0x1  }
0xa3: {  	[sflag:s23] =	ssyncset.done $0x0  }
0xa4: {  	[sflag:s23] =	ssyncadd.s32 $0xFFFFFFFF  }
0xa5: {  	s4 =	sld [smem:$0x0]  }
0xa6: {  	s5 =	sand.u32 $0xFFFFFFFE, s1  }
0xa7: {  	p0 =	sne.s32 s1, s5  }
0xa8: {  	s5 =	sshll.u32 @p0 s5, $0xE  }
0xa9: {  	s5 =	sadd.s32 @p0 $0x11B8D, s5;
	s6 =	sshll.u32 @p0 s4, $0x11  }
0xaa: {  	s5 =	sor.u32 @p0 s6, s5  }
0xab: {  	[sflag:s5] =	ssyncadd.remote.s32 @p0 $0x1;
	_ =	sdelay $0x1  }
0xac: {  	s5 =	simm.s32 @p0 $0x1B8D  }
0xad: {  	_ =	swait.eq @p0 [sflag:s5], $0x1  }
0xae: {  	[sflag:s5] =	ssyncadd.s32 @p0 $0xFFFFFFFF  }
0xaf: {  	s6 =	sshll.u32 @!p0 s1, $0xE  }
0xb0: {  	s6 =	sor.u32 @!p0 $0x4000, s6;
	s5 =	simm.s32 @!p0 $0x1B8D  }
0xb1: {  	s4 =	sshll.u32 @!p0 s4, $0x11;
	s6 =	sadd.s32 @!p0 $0x11B8D, s6;
	_ =	swait.eq @!p0 [sflag:s5], $0x1  }
0xb2: {  	s4 =	sor.u32 @!p0 s4, s6;
	[sflag:s5] =	ssyncadd.s32 @!p0 $0xFFFFFFFF  }
0xb3: {  	s25 =	simm.s32 $0x1B8E;
	s24 =	sld [smem:$0x3FFE];
	[sflag:s4] =	ssyncadd.remote.s32 @!p0 $0x1  }
0xb4: {  	s26 =	simm.s32 $execute0_lowered;
	[smem:$0x3FD2] =	sst s25  }
0xb5: {  	s5 =	sshll.u32 s26, $0x1;
	_ =	strace $0x8000005E;
	[dreg:$0x1] =	wrdreg $0xFFFFFFFF  }
0xb6: {  	s28 =	simm.s32 $_size_execute0_lowered;
	s3 =	sadd.s32 s3, s5;
	[dreg:$0x0] =	wrdreg $0x0  }
0xb7: {  	s5 =	sshll.u32 s28, $0x1;
	[dreg:$0x2] =	wrdreg s3  }
0xb8: {  	[dreg:$0x3] =	wrdreg s5  }
0xb9: {  	[dreg:$0x4] =	wrdreg $0xC0  }
0xba: {  	_ =	task [dreg:s22], $0x5FFFF  }
0xbb: {  	[dreg:$0x1] =	wrdreg $0xFFFFFFFF  }
0xbc: {  	[dreg:$0x0] =	wrdreg $0x60  }
0xbd: {  	[dreg:$0x2] =	wrdreg s24  }
0xbe: {  	[dreg:$0x3] =	wrdreg $0x41000  }
0xbf: {  	[dreg:$0x4] =	wrdreg $0x9  }
0xc0: {  	_ =	task.clear_ibuf [dreg:s22], $0x5FFFF;
	_ =	strace $0x9000005E  }
0xc1: {  	s29 =	simm.s32 $0x9;
	_ =	strace $0x80000060  }
0xc2: {  	_ =	swait.ge [sflag:s29], $0x1  }
0xc3: {  	[sflag:s29] =	ssyncadd.s32 $0xFFFFFFFF  }
0xc4: {  	_ =	strace $0x90000060  }
0xc5: {  	_ =	sfence  }
0xc6: {  	s30 =	sld [smem:$0x0];
	_ =	sdelay $0x2  }
0xc7: {  	s31 =	sshll.u32 s1, $0xD;
	s1 =	sshrl.u32 s1, $0x2  }
0xc8: {  	s4 =	sand.u32 $0x4000, s31;
	s1 =	sadd.s32 s1, s30  }
0xc9: {  	s0 =	sor.u32 s4, s0;
	s1 =	sshll.u32 s1, $0x11  }
0xca: {  	s0 =	sor.u32 s1, s0  }
0xcb: {  	s0 =	sadd.s32 $0x8F2B, s0  }
0xcc: {  	[sflag:s0] =	ssyncadd.remote.s32 $0x1  }
0xcd: {  	_ =	sfence.sel $0xFFFF  }
0xce: {  	[dreg:$0x0] =	wrdreg $0xFFFFFFFF;
	(pc) =	sbr.abs _section_cstart, $3  }
0xcf: {  	[dreg:$0x1] =	wrdreg $0xFFFFFFFF  }
0xd0: {  	_ =	task.clear_ibuf [dreg:s22], $0x2FFFF;
	_ =	strace $0x9FFFFFFF  }
0xd1: {  	(tm) =	ssettm $0x7FFFFFFF  }
tec
execute0_lowered:
.L_overlay_start_1:
0x0: {  	(tag) =	ssettag $0x1  }
0x1: {  	s6 =	rddreg [dreg:$0x0]  }
0x2: {  	s1 =	rddreg [dreg:$0x1]  }
0x3: {  	s0 =	rddreg [dreg:$0x2]  }
0x4: {  	s2 =	simm.s32 $0x0;
	s3 =	srdreg.scid;
	s22 =	simm.s32 $0x100  }
0x5: {  	s23 =	simm.s32 $0x1;
	[smem:$0x7FF] =	sst s2;
	s5 =	sand.u32 $0x1, s3  }
0x6: {  	s3 =	stileid.u32;
	s17 =	sadd.s32 $0x188A00, s6;
	s7 =	smul.u32 $0x4F00, s5  }
0x7: {  	s4 =	sadd.s32 $0xE7A00, s6;
	_ =	strace $0x8000005F;
	s8 =	smul.u32 $0x50000, s3  }
0x8: {  	s24 =	ssub.s32 $0x2, s5;
	s15 =	smul.u32 $0x140000, s5;
	s5 =	sadd.s32 $0x1DA00, s6  }
0x9: {  	s13 =	smul.u32 $0x14000, s3;
	s26 =	sshll.u32 s3, $0x6;
	s9 =	sshrl.u32 s24, $0x1  }
0xa: {  	s21 =	smul.u32 $0x4F0, s3;
	s16 =	sadd.s32 s7, s6;
	s18 =	ssub.s32 s24, s9  }
0xb: {  	s25 =	sshrl.u32 s8, $0x2;
	s28 =	sadd.s32 s13, s15;
	s7 =	sor.u32 $0x1C02, s26  }
0xc: {  	s29 =	sadd.s32 $0x4000, s13;
	s11 =	sadd.s32 $0x8000, s13;
	s14 =	sadd.s32 $0xC000, s13  }
0xd: {  	s20 =	sadd.s32 $0x10000, s13;
	s24 =	simm.s32 $0x0;
	s6 =	sadd.s32 s25, s1  }
0xe: {  	s8 =	sshrl.u32 s28, $0x3;
	s10 =	sadd.s32 s15, s29;
	s9 =	sadd.s32 s29, s1  }
0xf: {  	s12 =	sadd.s32 s15, s11;
	s11 =	sadd.s32 s11, s1;
	s19 =	sadd.s32 s15, s14  }
0x10: {  	s13 =	sadd.s32 s14, s1;
	s30 =	sadd.s32 s15, s20;
	s15 =	sadd.s32 s20, s1  }
0x11: {  	s31 =	sadd.s32 s21, s16;
	s20 =	simm.s32 $0x2;
	s21 =	simm.s32 $0x80  }
0x12: {  	s8 =	sadd.s32 s17, s8;
	s10 =	sshrl.u32 s10, $0x3;
	s19 =	sshrl.u32 s19, $0x3  }
0x13: {  	s12 =	sshrl.u32 s12, $0x3;
	s14 =	sadd.s32 s17, s19;
	s19 =	sshrl.u32 s30, $0x3  }
0x14: {  	s10 =	sadd.s32 s17, s10;
	s12 =	sadd.s32 s17, s12;
	s16 =	sadd.s32 s17, s19  }
0x15: {  	s17 =	smax.u32 s18, $0x1;
	s18 =	sadd.s32 $0xDDC00, s31;
	s19 =	sadd.s32 $0xD3E00, s31  }
.LBB2_1:
0x16: {  	s25 =	sshrl.u32 s6, $0x3  }
0x17: {  	[spmem:s25], [sflag:s7] =	dma.local [hbm:s5], $0x2800  }
0x18: {  	_ =	swait.ge [sflag:s20], $0x2800  }
0x19: {  	[sflag:s20] =	ssyncset.done $0x0  }
0x1a: {  	[sflag:s20] =	ssyncadd.s32 $0xFFFFD800  }
0x1b: {  	s30 =	sadd.s32 $0x0, s19;
	[bflag:$0x0] =	sbarrier.arrive $0xFFFF  }
0x1c: {  	[tilespmem:s2], [sflag:$0x2] =	stream.linear.gather [hbm4b:s30+s2], $0x80, $0x38;
	[tilespmem:$0x18100] =	vst v63  }
0x1d: {  	_ =	swait.ge [sflag:s20], $0x80  }
0x1e: {  	[sflag:s20] =	ssyncset.done $0x0  }
0x1f: {  	s31 =	sadd.s32 $0x0, s18;
	[sflag:s20] =	ssyncadd.s32 $0xFFFFFF80  }
0x20: {  	[tilespmem:s21], [sflag:$0x2] =	stream.linear.gather [hbm4b:s31+s2], $0x80, $0x38;
	[tilespmem:$0x18100] =	vst v63  }
0x21: {  	_ =	swait.ge [sflag:s20], $0x80  }
0x22: {  	[sflag:s20] =	ssyncset.done $0x0  }
0x23: {  	[sflag:s20] =	ssyncadd.s32 $0xFFFFFF80  }
0x24: {  	[tilespmem:s22], [sflag:$0x1] =	stream.indirect.gather [hbm4b:s4+s21], $0x80, s2, s21, $0xb8;
	[tilespmem:$0x18100] =	vst v63  }
0x25: {  	_ =	swait.ge [sflag:s23], $0x4000  }
0x26: {  	[sflag:s23] =	ssyncset.done $0x0  }
0x27: {  	[sflag:s23] =	ssyncadd.s32 $0xFFFFC000  }
0x28: {  	[spmem:s1] =	stream.indirect.scatter.add.f32 [tilespmem:s22], [sflag:$0x2], $0x80, s21, s21, $0xb8;
	[tilespmem:$0x18100] =	vst v63  }
0x29: {  	_ =	swait.ge [sflag:s20], $0x4000  }
0x2a: {  	s26 =	simm.s32 $0x20;
	s25 =	simm.s32 $0x10;
	[sflag:s20] =	ssyncset.done $0x0  }
.LBB2_2:
0x2b: {  	s28 =	sadd.s32 s25, s19  }
0x2c: {  	[sflag:s20] =	ssyncadd.s32 $0xFFFFC000;
	s29 =	smov.u32 s26;
	s30 =	sadd.s32 $0x10, s26  }
0x2d: {  	[tilespmem:s2], [sflag:$0x2] =	stream.linear.gather [hbm4b:s28+s2], $0x80, $0x38;
	[tilespmem:$0x18100] =	vst v63  }
0x2e: {  	p0 =	sne.s32 s26, $0x4E0;
	_ =	swait.ge [sflag:s20], $0x80  }
0x2f: {  	[sflag:s20] =	ssyncset.done $0x0  }
0x30: {  	s26 =	sadd.s32 s25, s18;
	s25 =	smov.u32 s29;
	[sflag:s20] =	ssyncadd.s32 $0xFFFFFF80  }
0x31: {  	[tilespmem:s21], [sflag:$0x2] =	stream.linear.gather [hbm4b:s26+s2], $0x80, $0x38;
	[tilespmem:$0x18100] =	vst v63  }
0x32: {  	_ =	swait.ge [sflag:s20], $0x80  }
0x33: {  	[sflag:s20] =	ssyncset.done $0x0  }
0x34: {  	[sflag:s20] =	ssyncadd.s32 $0xFFFFFF80  }
0x35: {  	[tilespmem:s22], [sflag:$0x1] =	stream.indirect.gather [hbm4b:s4+s21], $0x80, s2, s21, $0xb8;
	[tilespmem:$0x18100] =	vst v63  }
0x36: {  	_ =	swait.ge [sflag:s23], $0x4000  }
.Ltmp0:
0x37: {  	[sflag:s23] =	ssyncset.done $0x0;
	(pc) =	sbr.rel @p0 .LBB2_2-.Ltmp0, $4  }
0x38: {  	[sflag:s23] =	ssyncadd.s32 $0xFFFFC000  }
0x39: {  	[spmem:s1] =	stream.indirect.scatter.add.f32 [tilespmem:s22], [sflag:$0x2], $0x80, s21, s21, $0xb8;
	[tilespmem:$0x18100] =	vst v63  }
0x3a: {  	_ =	swait.ge [sflag:s20], $0x4000  }
0x3b: {  	s26 =	smov.u32 s30;
	[sflag:s20] =	ssyncset.done $0x0  }
0x3c: {  	s26 =	sadd.s32 s25, s19;
	[sflag:s20] =	ssyncadd.s32 $0xFFFFC000  }
0x3d: {  	[tilespmem:s2], [sflag:$0x2] =	stream.linear.gather [hbm4b:s26+s2], $0x80, $0x38;
	[tilespmem:$0x18100] =	vst v63  }
0x3e: {  	_ =	swait.ge [sflag:s20], $0x80  }
0x3f: {  	[sflag:s20] =	ssyncset.done $0x0  }
0x40: {  	s31 =	sadd.s32 s25, s18;
	[sflag:s20] =	ssyncadd.s32 $0xFFFFFF80  }
0x41: {  	[tilespmem:s21], [sflag:$0x2] =	stream.linear.gather [hbm4b:s31+s2], $0x80, $0x38;
	[tilespmem:$0x18100] =	vst v63  }
0x42: {  	_ =	swait.ge [sflag:s20], $0x80  }
0x43: {  	[sflag:s20] =	ssyncset.done $0x0  }
0x44: {  	[sflag:s20] =	ssyncadd.s32 $0xFFFFFF80  }
0x45: {  	[tilespmem:s22], [sflag:$0x1] =	stream.indirect.gather [hbm4b:s4+s21], $0x80, s2, s21, $0xb8;
	[tilespmem:$0x18100] =	vst v63  }
0x46: {  	_ =	swait.ge [sflag:s23], $0x4000  }
0x47: {  	[sflag:s23] =	ssyncset.done $0x0  }
0x48: {  	[sflag:s23] =	ssyncadd.s32 $0xFFFFC000  }
0x49: {  	[spmem:s1] =	stream.indirect.scatter.add.f32 [tilespmem:s22], [sflag:$0x2], $0x80, s21, s21, $0xb8;
	[tilespmem:$0x18100] =	vst v63  }
0x4a: {  	_ =	swait.ge [sflag:s20], $0x4000  }
0x4b: {  	[sflag:s20] =	ssyncset.done $0x0  }
0x4c: {  	[sflag:s20] =	ssyncadd.s32 $0xFFFFC000  }
0x4d: {  	[bflag:$0x0] =	sbarrier.arrive $0xFFFF  }
0x4e: {  	[tilespmem:s22], [sflag:$0x2] =	stream.linear.gather [spmem:s6], $0x4000, $0x38;
	[tilespmem:$0x18100] =	vst v63  }
0x4f: {  	_ =	swait.ge [sflag:s20], $0x4000  }
0x50: {  	[sflag:s20] =	ssyncset.done $0x0  }
0x51: {  	[sflag:s20] =	ssyncadd.s32 $0xFFFFC000  }
0x52: {  	[hbm4b:s8+s2] =	stream.linear.scatter [tilespmem:s22], [sflag:$0x2], $0x4000, $0x38;
	[tilespmem:$0x18100] =	vst v63  }
0x53: {  	_ =	swait.ge [sflag:s20], $0x4000  }
0x54: {  	[sflag:s20] =	ssyncset.done $0x0  }
0x55: {  	[sflag:s20] =	ssyncadd.s32 $0xFFFFC000  }
0x56: {  	[tilespmem:s22], [sflag:$0x2] =	stream.linear.gather [spmem:s9], $0x4000, $0x38;
	[tilespmem:$0x18100] =	vst v63  }
0x57: {  	_ =	swait.ge [sflag:s20], $0x4000  }
0x58: {  	[sflag:s20] =	ssyncset.done $0x0  }
0x59: {  	[sflag:s20] =	ssyncadd.s32 $0xFFFFC000  }
0x5a: {  	[hbm4b:s10+s2] =	stream.linear.scatter [tilespmem:s22], [sflag:$0x2], $0x4000, $0x38;
	[tilespmem:$0x18100] =	vst v63  }
0x5b: {  	_ =	swait.ge [sflag:s20], $0x4000  }
0x5c: {  	[sflag:s20] =	ssyncset.done $0x0  }
0x5d: {  	[sflag:s20] =	ssyncadd.s32 $0xFFFFC000  }
0x5e: {  	[tilespmem:s22], [sflag:$0x2] =	stream.linear.gather [spmem:s11], $0x4000, $0x38;
	[tilespmem:$0x18100] =	vst v63  }
0x5f: {  	_ =	swait.ge [sflag:s20], $0x4000  }
0x60: {  	[sflag:s20] =	ssyncset.done $0x0  }
0x61: {  	[sflag:s20] =	ssyncadd.s32 $0xFFFFC000  }
0x62: {  	[hbm4b:s12+s2] =	stream.linear.scatter [tilespmem:s22], [sflag:$0x2], $0x4000, $0x38;
	[tilespmem:$0x18100] =	vst v63  }
0x63: {  	_ =	swait.ge [sflag:s20], $0x4000  }
0x64: {  	[sflag:s20] =	ssyncset.done $0x0  }
0x65: {  	[sflag:s20] =	ssyncadd.s32 $0xFFFFC000  }
0x66: {  	[tilespmem:s22], [sflag:$0x2] =	stream.linear.gather [spmem:s13], $0x4000, $0x38;
	[tilespmem:$0x18100] =	vst v63  }
0x67: {  	_ =	swait.ge [sflag:s20], $0x4000  }
0x68: {  	[sflag:s20] =	ssyncset.done $0x0  }
0x69: {  	[sflag:s20] =	ssyncadd.s32 $0xFFFFC000  }
0x6a: {  	[hbm4b:s14+s2] =	stream.linear.scatter [tilespmem:s22], [sflag:$0x2], $0x4000, $0x38;
	[tilespmem:$0x18100] =	vst v63  }
0x6b: {  	_ =	swait.ge [sflag:s20], $0x4000  }
0x6c: {  	[sflag:s20] =	ssyncset.done $0x0  }
0x6d: {  	[sflag:s20] =	ssyncadd.s32 $0xFFFFC000  }
0x6e: {  	[tilespmem:s22], [sflag:$0x2] =	stream.linear.gather [spmem:s15], $0x4000, $0x38;
	[tilespmem:$0x18100] =	vst v63  }
0x6f: {  	s24 =	sadd.s32 $0x1, s24;
	_ =	swait.ge [sflag:s20], $0x4000  }
0x70: {  	p0 =	sne.s32 s24, s17;
	[sflag:s20] =	ssyncset.done $0x0  }
.Ltmp1:
0x71: {  	[sflag:s20] =	ssyncadd.s32 $0xFFFFC000;
	(pc) =	sbr.rel @p0 .LBB2_1-.Ltmp1, $4  }
0x72: {  	[hbm4b:s16+s2] =	stream.linear.scatter [tilespmem:s22], [sflag:$0x2], $0x4000, $0x38;
	[tilespmem:$0x18100] =	vst v63  }
0x73: {  	_ =	swait.ge [sflag:s20], $0x4000  }
0x74: {  	[sflag:s20] =	ssyncset.done $0x0  }
0x75: {  	[sflag:s20] =	ssyncadd.s32 $0xFFFFC000  }
0x76: {  	_ =	sfence.sel $0x180000  }
0x77: {  	[bflag:$0x0] =	sbarrier.arrive $0xFFFF  }
0x78: {  	p0 =	sne.s32 s3, $0x0;
	_ =	strace $0x9000005F  }
0x79: {  	s0 =	sadd.s32 @!p0 $0x100000, s0;
	[bflag:$0x2] =	sbarrier.arrive $0xFFFF  }
0x7a: {  	[sflag:s0] =	ssyncadd.tile.s32 @!p0 $0x1;
	_ =	shalt  }
.Lfunc_end2:
_tile_overlayer_lowered:
.L_overlay_start_2:
0x7b: {  	(tag) =	ssettag $0x2  }
0x7c: {  	s0 =	rddreg [dreg:$0x0];
	s2 =	stileid.u32  }
0x7d: {  	s1 =	rddreg [dreg:$0x1];
	p0 =	sne.s32 s2, $0x0  }
0x7e: {  	s3 =	rddreg [dreg:$0x2];
	[bflag:$0x3] =	sbarrier.arrive $0xFFFF;
	s2 =	simm.s32 @!p0 $0x1C02  }
0x7f: {  	[timem:s3], [sflag:s2] =	dma.local @!p0 [hbm:s0], s1  }
0x80: {  	s0 =	simm.s32 @!p0 $0x2  }
0x81: {  	_ =	swait.ge @!p0 [sflag:s0], s1  }
0x82: {  	s1 =	ssub.s32 @!p0 $0x0, s1;
	[sflag:s0] =	ssyncset.done @!p0 $0x0  }
0x83: {  	[sflag:s0] =	ssyncadd.s32 @!p0 s1  }
0x84: {  	[bflag:$0x3] =	sbarrier.arrive $0xFFFF  }
0x85: {  	_ =	shalt  }

// kernel: kernel.30.cloned.1.call-start
scs
__scs_entry_jumppad:
0x0: {  	(pc) =	sbr.rel $0x88, $3  }
0x1: {  	(tag) =	ssettag $0x0;
	lr =	simm.s32 $0x1  }
0x2: {  	[smem:$0x3F8E] =	sst lr;
	_ =	strace $0xD0000000  }
0x3: {  	_ = 	snop  }
0x4: {  	_ = 	snop  }
0x5: {  	_ = 	snop  }
0x6: {  	_ = 	snop  }
0x7: {  	_ = 	snop  }
__scs_overlays_trampoline_lowered:
0x8: {  	[smem:$0x3F9D] =	sst s0  }
0x9: {  	[smem:$0x3F9E] =	sst s1  }
0xa: {  	[smem:$0x3F9F] =	sst s2  }
0xb: {  	[smem:$0x3FA0] =	sst s3  }
0xc: {  	[smem:$0x3FA1] =	sst s4  }
0xd: {  	[smem:$0x3FA2] =	sst s5  }
0xe: {  	[smem:$0x3FA3] =	sst s6  }
0xf: {  	[smem:$0x3FA4] =	sst s7  }
0x10: {  	[smem:$0x3FA5] =	sst s8  }
0x11: {  	[smem:$0x3FA6] =	sst s9;
	s0 =	simm.s32 @!p0 $0x0  }
0x12: {  	s1 =	sld [smem:$0x3F8C];
	s0 =	simm.s32 @p0 $0x1  }
0x13: {  	[smem:$0x3FA7] =	sst s0;
	s0 =	simm.s32 @!p1 $0x0  }
0x14: {  	s2 =	sld [smem:$0x3F8B];
	s0 =	simm.s32 @p1 $0x1  }
0x15: {  	[smem:$0x3FA8] =	sst s0;
	s0 =	simm.s32 @!p2 $0x0  }
0x16: {  	s3 =	sld [smem:$0x3FDB];
	s0 =	simm.s32 @p2 $0x1  }
0x17: {  	s4 =	simm.s32 $0x1BF5;
	[smem:$0x3FAA] =	sst s0  }
0x18: {  	s0 =	sld [smem:$0x3F8D];
	_ =	swait.ge [sflag:s4], $0x0  }
0x19: {  	s7 =	sld [smem:$0x3F8E]  }
0x1a: {  	s8 =	sadd.s32 $0xFFFFE003, lr  }
0x1b: {  	s9 =	sadd.s32 $0xFFFFFEF7, lr;
	s5 =	simm.s32 $0xFFFFFFFF;
	p2 =	slt.u32 s8, $0xFFFFF086  }
0x1c: {  	p1 =	slt.u32 s9, $0xF7A;
	s5 =	simm.s32 @!p2 $0x0  }
0x1d: {  	s5 =	simm.s32 @p1 $0x1;
	p0 =	seq.s32 s7, s2  }
0x1e: {  	s7 =	smul.u32 @!p0 $0xF7A, s2;
	p2 =	seq.s32 @!p0 s5, $0x0  }
0x1f: {  	s9 =	smul.u32 $0xF7A, s1;
	s8 =	simm.s32 @!p0 $0x1BF5;
	p2 =	por !p2, p0  }
0x20: {  	[sflag:s8] =	ssyncset.s32 @!p0 $0xFFFFF086;
	s6 =	sadd.s32 @!p0 s3, s7;
	s7 =	simm.s32 @!p0 $0x108  }
0x21: {  	s3 =	sadd.s32 s3, s9;
	s6 =	sadd.s32 @!p0 $0x88, s6;
	s7 =	simm.s32 @p2 $0x1082  }
0x22: {  	[simem:s7], [sflag:s8] =	dma.local @!p0 [hbm:s6], $0xF7A  }
0x23: {  	s9 =	sor.u32 $0xD0000000, s2;
	s6 =	simm.s32 $0x108;
	_ =	swait.ge @!p0 [sflag:s8], $0x0  }
0x24: {  	s3 =	sadd.s32 $0x88, s3;
	s6 =	simm.s32 @!p1 $0x1082;
	[sflag:s4] =	ssyncset.s32 $0xFFFFF086  }
0x25: {  	[simem:s6], [sflag:s4] =	dma.local [hbm:s3], $0xF7A  }
0x26: {  	[smem:$0x3F8E] =	sst s1;
	(tag) =	ssettag s2;
	_ =	strace s9  }
0x27: {  	s1 =	sld [smem:$0x3F9E]  }
0x28: {  	s2 =	sld [smem:$0x3F9F]  }
0x29: {  	s4 =	sld [smem:$0x3FA1]  }
0x2a: {  	p0 =	seq.s32 s5, $0x0;
	s5 =	sld [smem:$0x3FA2]  }
0x2b: {  	s6 =	sld [smem:$0x3FA3]  }
0x2c: {  	s7 =	sld [smem:$0x3FA4]  }
0x2d: {  	s3 =	simm.s32 $0x108;
	s8 =	sld [smem:$0x3FA5]  }
0x2e: {  	s3 =	simm.s32 @!p0 $0x1082;
	s9 =	sld [smem:$0x3FA6]  }
0x2f: {  	lr =	sadd.s32 s0, s3;
	s0 =	sld [smem:$0x3F9D]  }
0x30: {  	s3 =	sld [smem:$0x3FA0]  }
0x31: {  	[smem:$0x3FA9] =	sst s10  }
0x32: {  	s10 =	sld [smem:$0x3FA7];
	_ =	sdelay $0x3  }
0x33: {  	p0 =	seq.s32 s10, $0x1;
	s10 =	sld [smem:$0x3FA9];
	_ =	sdelay $0x3  }
0x34: {  	[smem:$0x3FA9] =	sst s10  }
0x35: {  	s10 =	sld [smem:$0x3FA8];
	_ =	sdelay $0x3  }
0x36: {  	p1 =	seq.s32 s10, $0x1;
	s10 =	sld [smem:$0x3FA9];
	_ =	sdelay $0x3  }
0x37: {  	[smem:$0x3FA9] =	sst s10  }
0x38: {  	s10 =	sld [smem:$0x3FAA]  }
0x39: {  	_ = 	snop;
	(pc) =	sbr.ind lr, $3  }
0x3a: {  	_ = 	snop  }
0x3b: {  	_ = 	snop  }
0x3c: {  	p2 =	seq.s32 s10, $0x1;
	s10 =	sld [smem:$0x3FA9]  }
0x3d: {  	_ =	shalt  }
0x3e: {  	_ =	shalt  }
0x3f: {  	_ =	shalt  }
0x40: {  	_ =	shalt  }
0x41: {  	_ =	shalt  }
0x42: {  	_ =	shalt  }
0x43: {  	_ =	shalt  }
0x44: {  	_ =	shalt  }
0x45: {  	_ =	shalt  }
0x46: {  	_ =	shalt  }
0x47: {  	_ =	shalt  }
0x48: {  	_ =	shalt  }
0x49: {  	_ =	shalt  }
0x4a: {  	_ =	shalt  }
0x4b: {  	_ =	shalt  }
0x4c: {  	_ =	shalt  }
0x4d: {  	_ =	shalt  }
0x4e: {  	_ =	shalt  }
0x4f: {  	_ =	shalt  }
0x50: {  	_ =	shalt  }
0x51: {  	_ =	shalt  }
0x52: {  	_ =	shalt  }
0x53: {  	_ =	shalt  }
0x54: {  	_ =	shalt  }
0x55: {  	_ =	shalt  }
0x56: {  	_ =	shalt  }
0x57: {  	_ =	shalt  }
0x58: {  	_ =	shalt  }
0x59: {  	_ =	shalt  }
0x5a: {  	_ =	shalt  }
0x5b: {  	_ =	shalt  }
0x5c: {  	_ =	shalt  }
0x5d: {  	_ =	shalt  }
0x5e: {  	_ =	shalt  }
0x5f: {  	_ =	shalt  }
0x60: {  	_ =	shalt  }
0x61: {  	_ =	shalt  }
0x62: {  	_ =	shalt  }
0x63: {  	_ =	shalt  }
0x64: {  	_ =	shalt  }
0x65: {  	_ =	shalt  }
0x66: {  	_ =	shalt  }
0x67: {  	_ =	shalt  }
0x68: {  	_ =	shalt  }
0x69: {  	_ =	shalt  }
0x6a: {  	_ =	shalt  }
0x6b: {  	_ =	shalt  }
0x6c: {  	_ =	shalt  }
0x6d: {  	_ =	shalt  }
0x6e: {  	_ =	shalt  }
0x6f: {  	_ =	shalt  }
0x70: {  	_ =	shalt  }
0x71: {  	_ =	shalt  }
0x72: {  	_ =	shalt  }
0x73: {  	_ =	shalt  }
0x74: {  	_ =	shalt  }
0x75: {  	_ =	shalt  }
0x76: {  	_ =	shalt  }
0x77: {  	_ =	shalt  }
0x78: {  	_ =	shalt  }
0x79: {  	_ =	shalt  }
0x7a: {  	_ =	shalt  }
0x7b: {  	_ =	shalt  }
0x7c: {  	_ =	shalt  }
0x7d: {  	_ =	shalt  }
0x7e: {  	_ =	shalt  }
0x7f: {  	_ =	shalt  }
0x80: {  	_ =	shalt  }
0x81: {  	_ =	shalt  }
0x82: {  	_ =	shalt  }
0x83: {  	_ =	shalt  }
0x84: {  	_ =	shalt  }
0x85: {  	_ =	shalt  }
0x86: {  	_ =	shalt  }
0x87: {  	_ =	shalt  }
.Lfunc_end0:
.L_simem_size_0:
called_computation.3_lowered:
.L_overlay_start_0:
0x88: {  	s2 =	sld [smem:$0x3FD9]  }
0x89: {  	s3 =	sld [smem:$0x3FFE];
	_ =	sdelay $0x1  }
0x8a: {  	s1 =	srdreg.scid  }
0x8b: {  	s0 =	sand.u32 $0x1, s1  }
0x8c: {  	s17 =	sshll.u32 s0, $0xA;
	s2 =	sadd.s32 s3, s2  }
0x8d: {  	s2 =	sadd.s32 s2, s17  }
0x8e: {  	[smem:$0x3FB5] =	sst s2  }
0x8f: {  	_ = 	snop  }
0x90: {  	s18 =	sld [smem:$0x3FC6];
	(tm) =	ssettm $0x1  }
0x91: {  	s19 =	sld [smem:$0x3FFB];
	_ =	sdelay $0x3  }
0x92: {  	_ =	strace s19  }
0x93: {  	s2 =	sld [smem:$0x3FFC];
	_ =	sdelay $0x3  }
0x94: {  	_ =	strace s2  }
0x95: {  	s2 =	sld [smem:$0x3FFD];
	_ =	sdelay $0x3  }
0x96: {  	_ =	strace s2  }
0x97: {  	_ =	strace $0x8FFFFFFF  }
0x98: {  	s20 =	sld [smem:$0x3FDB];
	_ =	sdelay $0x1  }
0x99: {  	s4 =	simm.s32 $_scs_section_size  }
0x9a: {  	s5 =	simm.s32 $_size__tile_overlayer_lowered;
	s6 =	simm.s32 $_tile_overlayer_lowered  }
0x9b: {  	s7 =	simm.s32 $0x1BFF;
	s21 =	sshll.u32 s6, $0x1;
	s4 =	sadd.s32 s4, s20  }
0x9c: {  	s22 =	simm.s32 $0x0;
	s5 =	sshll.u32 s5, $0x1;
	s6 =	sadd.s32 s21, s4  }
0x9d: {  	[timem:s22], [sflag:s7] =	dma.local [hbm:s6], s5  }
0x9e: {  	_ =	swait.ge [sflag:s7], s5  }
0x9f: {  	s5 =	ssub.s32 $0x0, s5;
	[sflag:s7] =	ssyncset.done $0x0  }
0xa0: {  	[sflag:s7] =	ssyncadd.s32 s5;
	_ =	sdelay $0x1  }
0xa1: {  	s23 =	simm.s32 $0x1B8B  }
0xa2: {  	_ =	swait.ge [sflag:s23], $0x1  }
0xa3: {  	[sflag:s23] =	ssyncset.done $0x0  }
0xa4: {  	[sflag:s23] =	ssyncadd.s32 $0xFFFFFFFF  }
0xa5: {  	s5 =	sld [smem:$0x0]  }
0xa6: {  	s6 =	sand.u32 $0xFFFFFFFE, s1  }
0xa7: {  	p0 =	sne.s32 s1, s6  }
0xa8: {  	s6 =	sshll.u32 @p0 s6, $0xE  }
0xa9: {  	s6 =	sadd.s32 @p0 $0x11B8D, s6;
	s7 =	sshll.u32 @p0 s5, $0x11  }
0xaa: {  	s6 =	sor.u32 @p0 s7, s6  }
0xab: {  	[sflag:s6] =	ssyncadd.remote.s32 @p0 $0x1;
	_ =	sdelay $0x1  }
0xac: {  	s6 =	simm.s32 @p0 $0x1B8D  }
0xad: {  	_ =	swait.eq @p0 [sflag:s6], $0x1  }
0xae: {  	[sflag:s6] =	ssyncadd.s32 @p0 $0xFFFFFFFF  }
0xaf: {  	s7 =	sshll.u32 @!p0 s1, $0xE  }
0xb0: {  	s7 =	sor.u32 @!p0 $0x4000, s7;
	s6 =	simm.s32 @!p0 $0x1B8D  }
0xb1: {  	s5 =	sshll.u32 @!p0 s5, $0x11;
	s7 =	sadd.s32 @!p0 $0x11B8D, s7;
	_ =	swait.eq @!p0 [sflag:s6], $0x1  }
0xb2: {  	s5 =	sor.u32 @!p0 s5, s7;
	[sflag:s6] =	ssyncadd.s32 @!p0 $0xFFFFFFFF  }
0xb3: {  	s25 =	simm.s32 $0x1B8E;
	s24 =	sld [smem:$0x3FFE];
	[sflag:s5] =	ssyncadd.remote.s32 @!p0 $0x1  }
0xb4: {  	s26 =	simm.s32 $execute0_lowered;
	[smem:$0x3FD2] =	sst s25  }
0xb5: {  	s6 =	sshll.u32 s26, $0x1;
	_ =	strace $0x80000049;
	[dreg:$0x1] =	wrdreg $0xFFFFFFFF  }
0xb6: {  	s28 =	simm.s32 $_size_execute0_lowered;
	s4 =	sadd.s32 s4, s6;
	[dreg:$0x0] =	wrdreg $0x0  }
0xb7: {  	s6 =	sshll.u32 s28, $0x1;
	[dreg:$0x2] =	wrdreg s4  }
0xb8: {  	[dreg:$0x3] =	wrdreg s6  }
0xb9: {  	[dreg:$0x4] =	wrdreg $0xC0  }
0xba: {  	_ =	task [dreg:s22], $0x5FFFF  }
0xbb: {  	[dreg:$0x1] =	wrdreg $0xFFFFFFFF  }
0xbc: {  	[dreg:$0x0] =	wrdreg $0x60  }
0xbd: {  	[dreg:$0x2] =	wrdreg s18  }
0xbe: {  	[dreg:$0x3] =	wrdreg s24  }
0xbf: {  	[dreg:$0x4] =	wrdreg $0x41000  }
0xc0: {  	[dreg:$0x5] =	wrdreg $0xA  }
0xc1: {  	_ =	task.clear_ibuf [dreg:s22], $0x6FFFF;
	_ =	strace $0x90000049  }
0xc2: {  	s29 =	simm.s32 $0xA;
	_ =	strace $0x8000004B  }
0xc3: {  	_ =	swait.ge [sflag:s29], $0x1  }
0xc4: {  	[sflag:s29] =	ssyncadd.s32 $0xFFFFFFFF  }
0xc5: {  	_ =	strace $0x9000004B  }
0xc6: {  	_ =	sfence  }
0xc7: {  	s30 =	sld [smem:$0x0];
	_ =	sdelay $0x2  }
0xc8: {  	s31 =	sshll.u32 s1, $0xD;
	s1 =	sshrl.u32 s1, $0x2  }
0xc9: {  	s4 =	sand.u32 $0x4000, s31;
	s1 =	sadd.s32 s1, s30  }
0xca: {  	s0 =	sor.u32 s4, s0;
	s1 =	sshll.u32 s1, $0x11  }
0xcb: {  	s0 =	sor.u32 s1, s0  }
0xcc: {  	s0 =	sadd.s32 $0x8F2B, s0  }
0xcd: {  	[sflag:s0] =	ssyncadd.remote.s32 $0x1  }
0xce: {  	_ =	sfence.sel $0xFFFF  }
0xcf: {  	[dreg:$0x0] =	wrdreg $0xFFFFFFFF;
	(pc) =	sbr.abs _section_cstart, $3  }
0xd0: {  	[dreg:$0x1] =	wrdreg $0xFFFFFFFF  }
0xd1: {  	_ =	task.clear_ibuf [dreg:s22], $0x2FFFF;
	_ =	strace $0x9FFFFFFF  }
0xd2: {  	(tm) =	ssettm $0x7FFFFFFF  }
0xd3: {  	_ =	shalt  }
tec
execute0_lowered:
.L_overlay_start_1:
0x0: {  	(tag) =	ssettag $0x1  }
0x1: {  	s1 =	rddreg [dreg:$0x0]  }
0x2: {  	s6 =	rddreg [dreg:$0x1]  }
0x3: {  	s2 =	rddreg [dreg:$0x2]  }
0x4: {  	s0 =	rddreg [dreg:$0x3];
	s3 =	simm.s32 $0x0;
	s4 =	srdreg.scid  }
0x5: {  	s22 =	simm.s32 $0x100;
	[smem:$0x7FF] =	sst s3;
	s5 =	sand.u32 $0x1, s4  }
0x6: {  	s23 =	simm.s32 $0x1;
	s4 =	stileid.u32;
	s7 =	smul.u32 $0x4F00, s5  }
0x7: {  	s17 =	sadd.s32 $0x83E00, s6;
	_ =	strace $0x8000004A;
	s8 =	smul.u32 $0x50000, s4  }
0x8: {  	s24 =	ssub.s32 $0x2, s5;
	s15 =	smul.u32 $0x140000, s5;
	s5 =	sadd.s32 $0x1DA00, s6  }
0x9: {  	s13 =	smul.u32 $0x14000, s4;
	s26 =	sshll.u32 s4, $0x6;
	s9 =	sshrl.u32 s24, $0x1  }
0xa: {  	s21 =	smul.u32 $0x4F0, s4;
	s16 =	sadd.s32 s7, s6;
	s18 =	ssub.s32 s24, s9  }
0xb: {  	s25 =	sshrl.u32 s8, $0x2;
	s28 =	sadd.s32 s13, s15;
	s7 =	sor.u32 $0x1C02, s26  }
0xc: {  	s29 =	sadd.s32 $0x4000, s13;
	s11 =	sadd.s32 $0x8000, s13;
	s14 =	sadd.s32 $0xC000, s13  }
0xd: {  	s20 =	sadd.s32 $0x10000, s13;
	s24 =	simm.s32 $0x0;
	s6 =	sadd.s32 s25, s2  }
0xe: {  	s8 =	sshrl.u32 s28, $0x3;
	s10 =	sadd.s32 s15, s29;
	s9 =	sadd.s32 s29, s2  }
0xf: {  	s12 =	sadd.s32 s15, s11;
	s11 =	sadd.s32 s11, s2;
	s19 =	sadd.s32 s15, s14  }
0x10: {  	s13 =	sadd.s32 s14, s2;
	s30 =	sadd.s32 s15, s20;
	s15 =	sadd.s32 s20, s2  }
0x11: {  	s31 =	sadd.s32 s21, s16;
	s20 =	simm.s32 $0x2;
	s21 =	simm.s32 $0x80  }
0x12: {  	s8 =	sadd.s32 s17, s8;
	s10 =	sshrl.u32 s10, $0x3;
	s19 =	sshrl.u32 s19, $0x3  }
0x13: {  	s12 =	sshrl.u32 s12, $0x3;
	s14 =	sadd.s32 s17, s19;
	s19 =	sshrl.u32 s30, $0x3  }
0x14: {  	s10 =	sadd.s32 s17, s10;
	s12 =	sadd.s32 s17, s12;
	s16 =	sadd.s32 s17, s19  }
0x15: {  	s17 =	smax.u32 s18, $0x1;
	s18 =	sadd.s32 $0x7A000, s31;
	s19 =	sadd.s32 $0x70200, s31  }
.LBB2_1:
0x16: {  	s25 =	sshrl.u32 s6, $0x3  }
0x17: {  	[spmem:s25], [sflag:s7] =	dma.local [hbm:s5], $0x2800  }
0x18: {  	_ =	swait.ge [sflag:s20], $0x2800  }
0x19: {  	[sflag:s20] =	ssyncset.done $0x0  }
0x1a: {  	[sflag:s20] =	ssyncadd.s32 $0xFFFFD800  }
0x1b: {  	s30 =	sadd.s32 $0x0, s19;
	[bflag:$0x0] =	sbarrier.arrive $0xFFFF  }
0x1c: {  	[tilespmem:s3], [sflag:$0x2] =	stream.linear.gather [hbm4b:s30+s3], $0x80, $0x38;
	[tilespmem:$0x18100] =	vst v63  }
0x1d: {  	_ =	swait.ge [sflag:s20], $0x80  }
0x1e: {  	[sflag:s20] =	ssyncset.done $0x0  }
0x1f: {  	s31 =	sadd.s32 $0x0, s18;
	[sflag:s20] =	ssyncadd.s32 $0xFFFFFF80  }
0x20: {  	[tilespmem:s21], [sflag:$0x2] =	stream.linear.gather [hbm4b:s31+s3], $0x80, $0x38;
	[tilespmem:$0x18100] =	vst v63  }
0x21: {  	_ =	swait.ge [sflag:s20], $0x80  }
0x22: {  	[sflag:s20] =	ssyncset.done $0x0  }
0x23: {  	[sflag:s20] =	ssyncadd.s32 $0xFFFFFF80  }
0x24: {  	[tilespmem:s22], [sflag:$0x1] =	stream.indirect.gather [hbm4b:s1+s21], $0x80, s3, s21, $0xb8;
	[tilespmem:$0x18100] =	vst v63  }
0x25: {  	_ =	swait.ge [sflag:s23], $0x4000  }
0x26: {  	[sflag:s23] =	ssyncset.done $0x0  }
0x27: {  	[sflag:s23] =	ssyncadd.s32 $0xFFFFC000  }
0x28: {  	[spmem:s2] =	stream.indirect.scatter.add.f32 [tilespmem:s22], [sflag:$0x2], $0x80, s21, s21, $0xb8;
	[tilespmem:$0x18100] =	vst v63  }
0x29: {  	_ =	swait.ge [sflag:s20], $0x4000  }
0x2a: {  	s26 =	simm.s32 $0x20;
	s25 =	simm.s32 $0x10;
	[sflag:s20] =	ssyncset.done $0x0  }
.LBB2_2:
0x2b: {  	s28 =	sadd.s32 s25, s19  }
0x2c: {  	[sflag:s20] =	ssyncadd.s32 $0xFFFFC000;
	s29 =	smov.u32 s26;
	s30 =	sadd.s32 $0x10, s26  }
0x2d: {  	[tilespmem:s3], [sflag:$0x2] =	stream.linear.gather [hbm4b:s28+s3], $0x80, $0x38;
	[tilespmem:$0x18100] =	vst v63  }
0x2e: {  	p0 =	sne.s32 s26, $0x4E0;
	_ =	swait.ge [sflag:s20], $0x80  }
0x2f: {  	[sflag:s20] =	ssyncset.done $0x0  }
0x30: {  	s26 =	sadd.s32 s25, s18;
	s25 =	smov.u32 s29;
	[sflag:s20] =	ssyncadd.s32 $0xFFFFFF80  }
0x31: {  	[tilespmem:s21], [sflag:$0x2] =	stream.linear.gather [hbm4b:s26+s3], $0x80, $0x38;
	[tilespmem:$0x18100] =	vst v63  }
0x32: {  	_ =	swait.ge [sflag:s20], $0x80  }
0x33: {  	[sflag:s20] =	ssyncset.done $0x0  }
0x34: {  	[sflag:s20] =	ssyncadd.s32 $0xFFFFFF80  }
0x35: {  	[tilespmem:s22], [sflag:$0x1] =	stream.indirect.gather [hbm4b:s1+s21], $0x80, s3, s21, $0xb8;
	[tilespmem:$0x18100] =	vst v63  }
0x36: {  	_ =	swait.ge [sflag:s23], $0x4000  }
.Ltmp0:
0x37: {  	[sflag:s23] =	ssyncset.done $0x0;
	(pc) =	sbr.rel @p0 .LBB2_2-.Ltmp0, $4  }
0x38: {  	[sflag:s23] =	ssyncadd.s32 $0xFFFFC000  }
0x39: {  	[spmem:s2] =	stream.indirect.scatter.add.f32 [tilespmem:s22], [sflag:$0x2], $0x80, s21, s21, $0xb8;
	[tilespmem:$0x18100] =	vst v63  }
0x3a: {  	_ =	swait.ge [sflag:s20], $0x4000  }
0x3b: {  	s26 =	smov.u32 s30;
	[sflag:s20] =	ssyncset.done $0x0  }
0x3c: {  	s26 =	sadd.s32 s25, s19;
	[sflag:s20] =	ssyncadd.s32 $0xFFFFC000  }
0x3d: {  	[tilespmem:s3], [sflag:$0x2] =	stream.linear.gather [hbm4b:s26+s3], $0x80, $0x38;
	[tilespmem:$0x18100] =	vst v63  }
0x3e: {  	_ =	swait.ge [sflag:s20], $0x80  }
0x3f: {  	[sflag:s20] =	ssyncset.done $0x0  }
0x40: {  	s31 =	sadd.s32 s25, s18;
	[sflag:s20] =	ssyncadd.s32 $0xFFFFFF80  }
0x41: {  	[tilespmem:s21], [sflag:$0x2] =	stream.linear.gather [hbm4b:s31+s3], $0x80, $0x38;
	[tilespmem:$0x18100] =	vst v63  }
0x42: {  	_ =	swait.ge [sflag:s20], $0x80  }
0x43: {  	[sflag:s20] =	ssyncset.done $0x0  }
0x44: {  	[sflag:s20] =	ssyncadd.s32 $0xFFFFFF80  }
0x45: {  	[tilespmem:s22], [sflag:$0x1] =	stream.indirect.gather [hbm4b:s1+s21], $0x80, s3, s21, $0xb8;
	[tilespmem:$0x18100] =	vst v63  }
0x46: {  	_ =	swait.ge [sflag:s23], $0x4000  }
0x47: {  	[sflag:s23] =	ssyncset.done $0x0  }
0x48: {  	[sflag:s23] =	ssyncadd.s32 $0xFFFFC000  }
0x49: {  	[spmem:s2] =	stream.indirect.scatter.add.f32 [tilespmem:s22], [sflag:$0x2], $0x80, s21, s21, $0xb8;
	[tilespmem:$0x18100] =	vst v63  }
0x4a: {  	_ =	swait.ge [sflag:s20], $0x4000  }
0x4b: {  	[sflag:s20] =	ssyncset.done $0x0  }
0x4c: {  	[sflag:s20] =	ssyncadd.s32 $0xFFFFC000  }
0x4d: {  	[bflag:$0x0] =	sbarrier.arrive $0xFFFF  }
0x4e: {  	[tilespmem:s22], [sflag:$0x2] =	stream.linear.gather [spmem:s6], $0x4000, $0x38;
	[tilespmem:$0x18100] =	vst v63  }
0x4f: {  	_ =	swait.ge [sflag:s20], $0x4000  }
0x50: {  	[sflag:s20] =	ssyncset.done $0x0  }
0x51: {  	[sflag:s20] =	ssyncadd.s32 $0xFFFFC000  }
0x52: {  	[hbm4b:s8+s3] =	stream.linear.scatter [tilespmem:s22], [sflag:$0x2], $0x4000, $0x38;
	[tilespmem:$0x18100] =	vst v63  }
0x53: {  	_ =	swait.ge [sflag:s20], $0x4000  }
0x54: {  	[sflag:s20] =	ssyncset.done $0x0  }
0x55: {  	[sflag:s20] =	ssyncadd.s32 $0xFFFFC000  }
0x56: {  	[tilespmem:s22], [sflag:$0x2] =	stream.linear.gather [spmem:s9], $0x4000, $0x38;
	[tilespmem:$0x18100] =	vst v63  }
0x57: {  	_ =	swait.ge [sflag:s20], $0x4000  }
0x58: {  	[sflag:s20] =	ssyncset.done $0x0  }
0x59: {  	[sflag:s20] =	ssyncadd.s32 $0xFFFFC000  }
0x5a: {  	[hbm4b:s10+s3] =	stream.linear.scatter [tilespmem:s22], [sflag:$0x2], $0x4000, $0x38;
	[tilespmem:$0x18100] =	vst v63  }
0x5b: {  	_ =	swait.ge [sflag:s20], $0x4000  }
0x5c: {  	[sflag:s20] =	ssyncset.done $0x0  }
0x5d: {  	[sflag:s20] =	ssyncadd.s32 $0xFFFFC000  }
0x5e: {  	[tilespmem:s22], [sflag:$0x2] =	stream.linear.gather [spmem:s11], $0x4000, $0x38;
	[tilespmem:$0x18100] =	vst v63  }
0x5f: {  	_ =	swait.ge [sflag:s20], $0x4000  }
0x60: {  	[sflag:s20] =	ssyncset.done $0x0  }
0x61: {  	[sflag:s20] =	ssyncadd.s32 $0xFFFFC000  }
0x62: {  	[hbm4b:s12+s3] =	stream.linear.scatter [tilespmem:s22], [sflag:$0x2], $0x4000, $0x38;
	[tilespmem:$0x18100] =	vst v63  }
0x63: {  	_ =	swait.ge [sflag:s20], $0x4000  }
0x64: {  	[sflag:s20] =	ssyncset.done $0x0  }
0x65: {  	[sflag:s20] =	ssyncadd.s32 $0xFFFFC000  }
0x66: {  	[tilespmem:s22], [sflag:$0x2] =	stream.linear.gather [spmem:s13], $0x4000, $0x38;
	[tilespmem:$0x18100] =	vst v63  }
0x67: {  	_ =	swait.ge [sflag:s20], $0x4000  }
0x68: {  	[sflag:s20] =	ssyncset.done $0x0  }
0x69: {  	[sflag:s20] =	ssyncadd.s32 $0xFFFFC000  }
0x6a: {  	[hbm4b:s14+s3] =	stream.linear.scatter [tilespmem:s22], [sflag:$0x2], $0x4000, $0x38;
	[tilespmem:$0x18100] =	vst v63  }
0x6b: {  	_ =	swait.ge [sflag:s20], $0x4000  }
0x6c: {  	[sflag:s20] =	ssyncset.done $0x0  }
0x6d: {  	[sflag:s20] =	ssyncadd.s32 $0xFFFFC000  }
0x6e: {  	[tilespmem:s22], [sflag:$0x2] =	stream.linear.gather [spmem:s15], $0x4000, $0x38;
	[tilespmem:$0x18100] =	vst v63  }
0x6f: {  	s24 =	sadd.s32 $0x1, s24;
	_ =	swait.ge [sflag:s20], $0x4000  }
0x70: {  	p0 =	sne.s32 s24, s17;
	[sflag:s20] =	ssyncset.done $0x0  }
.Ltmp1:
0x71: {  	[sflag:s20] =	ssyncadd.s32 $0xFFFFC000;
	(pc) =	sbr.rel @p0 .LBB2_1-.Ltmp1, $4  }
0x72: {  	[hbm4b:s16+s3] =	stream.linear.scatter [tilespmem:s22], [sflag:$0x2], $0x4000, $0x38;
	[tilespmem:$0x18100] =	vst v63  }
0x73: {  	_ =	swait.ge [sflag:s20], $0x4000  }
0x74: {  	[sflag:s20] =	ssyncset.done $0x0  }
0x75: {  	[sflag:s20] =	ssyncadd.s32 $0xFFFFC000  }
0x76: {  	_ =	sfence.sel $0x180000  }
0x77: {  	[bflag:$0x0] =	sbarrier.arrive $0xFFFF  }
0x78: {  	p0 =	sne.s32 s4, $0x0;
	_ =	strace $0x9000004A  }
0x79: {  	s0 =	sadd.s32 @!p0 $0x100000, s0;
	[bflag:$0x2] =	sbarrier.arrive $0xFFFF  }
0x7a: {  	[sflag:s0] =	ssyncadd.tile.s32 @!p0 $0x1;
	_ =	shalt  }
.Lfunc_end2:
_tile_overlayer_lowered:
.L_overlay_start_2:
0x7b: {  	(tag) =	ssettag $0x2  }
0x7c: {  	s0 =	rddreg [dreg:$0x0];
	s2 =	stileid.u32  }
0x7d: {  	s1 =	rddreg [dreg:$0x1];
	p0 =	sne.s32 s2, $0x0  }
0x7e: {  	s3 =	rddreg [dreg:$0x2];
	[bflag:$0x3] =	sbarrier.arrive $0xFFFF;
	s2 =	simm.s32 @!p0 $0x1C02  }
0x7f: {  	[timem:s3], [sflag:s2] =	dma.local @!p0 [hbm:s0], s1  }
0x80: {  	s0 =	simm.s32 @!p0 $0x2  }
0x81: {  	_ =	swait.ge @!p0 [sflag:s0], s1  }
0x82: {  	s1 =	ssub.s32 @!p0 $0x0, s1;
	[sflag:s0] =	ssyncset.done @!p0 $0x0  }
0x83: {  	[sflag:s0] =	ssyncadd.s32 @!p0 s1  }
0x84: {  	[bflag:$0x3] =	sbarrier.arrive $0xFFFF  }
0x85: {  	_ =	shalt  }

// kernel: kernel.33.cloned.1.call-start
scs
__scs_entry_jumppad:
0x0: {  	(pc) =	sbr.rel $0x88, $3  }
0x1: {  	(tag) =	ssettag $0x0;
	lr =	simm.s32 $0x1  }
0x2: {  	[smem:$0x3F8E] =	sst lr;
	_ =	strace $0xD0000000  }
0x3: {  	_ = 	snop  }
0x4: {  	_ = 	snop  }
0x5: {  	_ = 	snop  }
0x6: {  	_ = 	snop  }
0x7: {  	_ = 	snop  }
__scs_overlays_trampoline_lowered:
0x8: {  	[smem:$0x3F9D] =	sst s0  }
0x9: {  	[smem:$0x3F9E] =	sst s1  }
0xa: {  	[smem:$0x3F9F] =	sst s2  }
0xb: {  	[smem:$0x3FA0] =	sst s3  }
0xc: {  	[smem:$0x3FA1] =	sst s4  }
0xd: {  	[smem:$0x3FA2] =	sst s5  }
0xe: {  	[smem:$0x3FA3] =	sst s6  }
0xf: {  	[smem:$0x3FA4] =	sst s7  }
0x10: {  	[smem:$0x3FA5] =	sst s8  }
0x11: {  	[smem:$0x3FA6] =	sst s9;
	s0 =	simm.s32 @!p0 $0x0  }
0x12: {  	s1 =	sld [smem:$0x3F8C];
	s0 =	simm.s32 @p0 $0x1  }
0x13: {  	[smem:$0x3FA7] =	sst s0;
	s0 =	simm.s32 @!p1 $0x0  }
0x14: {  	s2 =	sld [smem:$0x3F8B];
	s0 =	simm.s32 @p1 $0x1  }
0x15: {  	[smem:$0x3FA8] =	sst s0;
	s0 =	simm.s32 @!p2 $0x0  }
0x16: {  	s3 =	sld [smem:$0x3FDB];
	s0 =	simm.s32 @p2 $0x1  }
0x17: {  	s4 =	simm.s32 $0x1BF5;
	[smem:$0x3FAA] =	sst s0  }
0x18: {  	s0 =	sld [smem:$0x3F8D];
	_ =	swait.ge [sflag:s4], $0x0  }
0x19: {  	s7 =	sld [smem:$0x3F8E]  }
0x1a: {  	s8 =	sadd.s32 $0xFFFFE003, lr  }
0x1b: {  	s9 =	sadd.s32 $0xFFFFFEF7, lr;
	s5 =	simm.s32 $0xFFFFFFFF;
	p2 =	slt.u32 s8, $0xFFFFF086  }
0x1c: {  	p1 =	slt.u32 s9, $0xF7A;
	s5 =	simm.s32 @!p2 $0x0  }
0x1d: {  	s5 =	simm.s32 @p1 $0x1;
	p0 =	seq.s32 s7, s2  }
0x1e: {  	s7 =	smul.u32 @!p0 $0xF7A, s2;
	p2 =	seq.s32 @!p0 s5, $0x0  }
0x1f: {  	s9 =	smul.u32 $0xF7A, s1;
	s8 =	simm.s32 @!p0 $0x1BF5;
	p2 =	por !p2, p0  }
0x20: {  	[sflag:s8] =	ssyncset.s32 @!p0 $0xFFFFF086;
	s6 =	sadd.s32 @!p0 s3, s7;
	s7 =	simm.s32 @!p0 $0x108  }
0x21: {  	s3 =	sadd.s32 s3, s9;
	s6 =	sadd.s32 @!p0 $0x88, s6;
	s7 =	simm.s32 @p2 $0x1082  }
0x22: {  	[simem:s7], [sflag:s8] =	dma.local @!p0 [hbm:s6], $0xF7A  }
0x23: {  	s9 =	sor.u32 $0xD0000000, s2;
	s6 =	simm.s32 $0x108;
	_ =	swait.ge @!p0 [sflag:s8], $0x0  }
0x24: {  	s3 =	sadd.s32 $0x88, s3;
	s6 =	simm.s32 @!p1 $0x1082;
	[sflag:s4] =	ssyncset.s32 $0xFFFFF086  }
0x25: {  	[simem:s6], [sflag:s4] =	dma.local [hbm:s3], $0xF7A  }
0x26: {  	[smem:$0x3F8E] =	sst s1;
	(tag) =	ssettag s2;
	_ =	strace s9  }
0x27: {  	s1 =	sld [smem:$0x3F9E]  }
0x28: {  	s2 =	sld [smem:$0x3F9F]  }
0x29: {  	s4 =	sld [smem:$0x3FA1]  }
0x2a: {  	p0 =	seq.s32 s5, $0x0;
	s5 =	sld [smem:$0x3FA2]  }
0x2b: {  	s6 =	sld [smem:$0x3FA3]  }
0x2c: {  	s7 =	sld [smem:$0x3FA4]  }
0x2d: {  	s3 =	simm.s32 $0x108;
	s8 =	sld [smem:$0x3FA5]  }
0x2e: {  	s3 =	simm.s32 @!p0 $0x1082;
	s9 =	sld [smem:$0x3FA6]  }
0x2f: {  	lr =	sadd.s32 s0, s3;
	s0 =	sld [smem:$0x3F9D]  }
0x30: {  	s3 =	sld [smem:$0x3FA0]  }
0x31: {  	[smem:$0x3FA9] =	sst s10  }
0x32: {  	s10 =	sld [smem:$0x3FA7];
	_ =	sdelay $0x3  }
0x33: {  	p0 =	seq.s32 s10, $0x1;
	s10 =	sld [smem:$0x3FA9];
	_ =	sdelay $0x3  }
0x34: {  	[smem:$0x3FA9] =	sst s10  }
0x35: {  	s10 =	sld [smem:$0x3FA8];
	_ =	sdelay $0x3  }
0x36: {  	p1 =	seq.s32 s10, $0x1;
	s10 =	sld [smem:$0x3FA9];
	_ =	sdelay $0x3  }
0x37: {  	[smem:$0x3FA9] =	sst s10  }
0x38: {  	s10 =	sld [smem:$0x3FAA]  }
0x39: {  	_ = 	snop;
	(pc) =	sbr.ind lr, $3  }
0x3a: {  	_ = 	snop  }
0x3b: {  	_ = 	snop  }
0x3c: {  	p2 =	seq.s32 s10, $0x1;
	s10 =	sld [smem:$0x3FA9]  }
0x3d: {  	_ =	shalt  }
0x3e: {  	_ =	shalt  }
0x3f: {  	_ =	shalt  }
0x40: {  	_ =	shalt  }
0x41: {  	_ =	shalt  }
0x42: {  	_ =	shalt  }
0x43: {  	_ =	shalt  }
0x44: {  	_ =	shalt  }
0x45: {  	_ =	shalt  }
0x46: {  	_ =	shalt  }
0x47: {  	_ =	shalt  }
0x48: {  	_ =	shalt  }
0x49: {  	_ =	shalt  }
0x4a: {  	_ =	shalt  }
0x4b: {  	_ =	shalt  }
0x4c: {  	_ =	shalt  }
0x4d: {  	_ =	shalt  }
0x4e: {  	_ =	shalt  }
0x4f: {  	_ =	shalt  }
0x50: {  	_ =	shalt  }
0x51: {  	_ =	shalt  }
0x52: {  	_ =	shalt  }
0x53: {  	_ =	shalt  }
0x54: {  	_ =	shalt  }
0x55: {  	_ =	shalt  }
0x56: {  	_ =	shalt  }
0x57: {  	_ =	shalt  }
0x58: {  	_ =	shalt  }
0x59: {  	_ =	shalt  }
0x5a: {  	_ =	shalt  }
0x5b: {  	_ =	shalt  }
0x5c: {  	_ =	shalt  }
0x5d: {  	_ =	shalt  }
0x5e: {  	_ =	shalt  }
0x5f: {  	_ =	shalt  }
0x60: {  	_ =	shalt  }
0x61: {  	_ =	shalt  }
0x62: {  	_ =	shalt  }
0x63: {  	_ =	shalt  }
0x64: {  	_ =	shalt  }
0x65: {  	_ =	shalt  }
0x66: {  	_ =	shalt  }
0x67: {  	_ =	shalt  }
0x68: {  	_ =	shalt  }
0x69: {  	_ =	shalt  }
0x6a: {  	_ =	shalt  }
0x6b: {  	_ =	shalt  }
0x6c: {  	_ =	shalt  }
0x6d: {  	_ =	shalt  }
0x6e: {  	_ =	shalt  }
0x6f: {  	_ =	shalt  }
0x70: {  	_ =	shalt  }
0x71: {  	_ =	shalt  }
0x72: {  	_ =	shalt  }
0x73: {  	_ =	shalt  }
0x74: {  	_ =	shalt  }
0x75: {  	_ =	shalt  }
0x76: {  	_ =	shalt  }
0x77: {  	_ =	shalt  }
0x78: {  	_ =	shalt  }
0x79: {  	_ =	shalt  }
0x7a: {  	_ =	shalt  }
0x7b: {  	_ =	shalt  }
0x7c: {  	_ =	shalt  }
0x7d: {  	_ =	shalt  }
0x7e: {  	_ =	shalt  }
0x7f: {  	_ =	shalt  }
0x80: {  	_ =	shalt  }
0x81: {  	_ =	shalt  }
0x82: {  	_ =	shalt  }
0x83: {  	_ =	shalt  }
0x84: {  	_ =	shalt  }
0x85: {  	_ =	shalt  }
0x86: {  	_ =	shalt  }
0x87: {  	_ =	shalt  }
.Lfunc_end0:
.L_simem_size_0:
called_computation.4_lowered:
.L_overlay_start_0:
0x88: {  	s2 =	sld [smem:$0x3FD9]  }
0x89: {  	s3 =	sld [smem:$0x3FFE];
	_ =	sdelay $0x1  }
0x8a: {  	s1 =	srdreg.scid  }
0x8b: {  	s0 =	sand.u32 $0x1, s1  }
0x8c: {  	s17 =	sshll.u32 s0, $0xA;
	s2 =	sadd.s32 s3, s2  }
0x8d: {  	s2 =	sadd.s32 s2, s17  }
0x8e: {  	[smem:$0x3FB5] =	sst s2  }
0x8f: {  	_ = 	snop  }
0x90: {  	(tm) =	ssettm $0x1  }
0x91: {  	s18 =	sld [smem:$0x3FFB];
	_ =	sdelay $0x3  }
0x92: {  	_ =	strace s18  }
0x93: {  	s2 =	sld [smem:$0x3FFC];
	_ =	sdelay $0x3  }
0x94: {  	_ =	strace s2  }
0x95: {  	s2 =	sld [smem:$0x3FFD];
	_ =	sdelay $0x3  }
0x96: {  	_ =	strace s2  }
0x97: {  	_ =	strace $0x8FFFFFFF  }
0x98: {  	s19 =	sld [smem:$0x3FDB];
	_ =	sdelay $0x1  }
0x99: {  	s20 =	simm.s32 $_scs_section_size  }
0x9a: {  	s4 =	simm.s32 $_size__tile_overlayer_lowered;
	s5 =	simm.s32 $_tile_overlayer_lowered  }
0x9b: {  	s6 =	simm.s32 $0x1BFF;
	s21 =	sshll.u32 s5, $0x1;
	s3 =	sadd.s32 s20, s19  }
0x9c: {  	s22 =	simm.s32 $0x0;
	s4 =	sshll.u32 s4, $0x1;
	s5 =	sadd.s32 s21, s3  }
0x9d: {  	[timem:s22], [sflag:s6] =	dma.local [hbm:s5], s4  }
0x9e: {  	_ =	swait.ge [sflag:s6], s4  }
0x9f: {  	s4 =	ssub.s32 $0x0, s4;
	[sflag:s6] =	ssyncset.done $0x0  }
0xa0: {  	[sflag:s6] =	ssyncadd.s32 s4;
	_ =	sdelay $0x1  }
0xa1: {  	s23 =	simm.s32 $0x1B8B  }
0xa2: {  	_ =	swait.ge [sflag:s23], $0x1  }
0xa3: {  	[sflag:s23] =	ssyncset.done $0x0  }
0xa4: {  	[sflag:s23] =	ssyncadd.s32 $0xFFFFFFFF  }
0xa5: {  	s4 =	sld [smem:$0x0]  }
0xa6: {  	s5 =	sand.u32 $0xFFFFFFFE, s1  }
0xa7: {  	p0 =	sne.s32 s1, s5  }
0xa8: {  	s5 =	sshll.u32 @p0 s5, $0xE  }
0xa9: {  	s5 =	sadd.s32 @p0 $0x11B8D, s5;
	s6 =	sshll.u32 @p0 s4, $0x11  }
0xaa: {  	s5 =	sor.u32 @p0 s6, s5  }
0xab: {  	[sflag:s5] =	ssyncadd.remote.s32 @p0 $0x1;
	_ =	sdelay $0x1  }
0xac: {  	s5 =	simm.s32 @p0 $0x1B8D  }
0xad: {  	_ =	swait.eq @p0 [sflag:s5], $0x1  }
0xae: {  	[sflag:s5] =	ssyncadd.s32 @p0 $0xFFFFFFFF  }
0xaf: {  	s6 =	sshll.u32 @!p0 s1, $0xE  }
0xb0: {  	s6 =	sor.u32 @!p0 $0x4000, s6;
	s5 =	simm.s32 @!p0 $0x1B8D  }
0xb1: {  	s4 =	sshll.u32 @!p0 s4, $0x11;
	s6 =	sadd.s32 @!p0 $0x11B8D, s6;
	_ =	swait.eq @!p0 [sflag:s5], $0x1  }
0xb2: {  	s4 =	sor.u32 @!p0 s4, s6;
	[sflag:s5] =	ssyncadd.s32 @!p0 $0xFFFFFFFF  }
0xb3: {  	s25 =	simm.s32 $0x1B8E;
	s24 =	sld [smem:$0x3FFE];
	[sflag:s4] =	ssyncadd.remote.s32 @!p0 $0x1  }
0xb4: {  	s26 =	simm.s32 $execute0_lowered;
	[smem:$0x3FD2] =	sst s25  }
0xb5: {  	s5 =	sshll.u32 s26, $0x1;
	_ =	strace $0x80000052;
	[dreg:$0x1] =	wrdreg $0xFFFFFFFF  }
0xb6: {  	s28 =	simm.s32 $_size_execute0_lowered;
	s3 =	sadd.s32 s3, s5;
	[dreg:$0x0] =	wrdreg $0x0  }
0xb7: {  	s5 =	sshll.u32 s28, $0x1;
	[dreg:$0x2] =	wrdreg s3  }
0xb8: {  	[dreg:$0x3] =	wrdreg s5  }
0xb9: {  	[dreg:$0x4] =	wrdreg $0xC0  }
0xba: {  	_ =	task [dreg:s22], $0x5FFFF  }
0xbb: {  	[dreg:$0x1] =	wrdreg $0xFFFFFFFF  }
0xbc: {  	[dreg:$0x0] =	wrdreg $0x60  }
0xbd: {  	[dreg:$0x2] =	wrdreg s24  }
0xbe: {  	[dreg:$0x3] =	wrdreg $0x41000  }
0xbf: {  	[dreg:$0x4] =	wrdreg $0xA  }
0xc0: {  	_ =	task.clear_ibuf [dreg:s22], $0x5FFFF;
	_ =	strace $0x90000052  }
0xc1: {  	s29 =	simm.s32 $0xA;
	_ =	strace $0x80000054  }
0xc2: {  	_ =	swait.ge [sflag:s29], $0x1  }
0xc3: {  	[sflag:s29] =	ssyncadd.s32 $0xFFFFFFFF  }
0xc4: {  	_ =	strace $0x90000054  }
0xc5: {  	_ =	sfence  }
0xc6: {  	s30 =	sld [smem:$0x0];
	_ =	sdelay $0x2  }
0xc7: {  	s31 =	sshll.u32 s1, $0xD;
	s1 =	sshrl.u32 s1, $0x2  }
0xc8: {  	s4 =	sand.u32 $0x4000, s31;
	s1 =	sadd.s32 s1, s30  }
0xc9: {  	s0 =	sor.u32 s4, s0;
	s1 =	sshll.u32 s1, $0x11  }
0xca: {  	s0 =	sor.u32 s1, s0  }
0xcb: {  	s0 =	sadd.s32 $0x8F2B, s0  }
0xcc: {  	[sflag:s0] =	ssyncadd.remote.s32 $0x1  }
0xcd: {  	_ =	sfence.sel $0xFFFF  }
0xce: {  	[dreg:$0x0] =	wrdreg $0xFFFFFFFF;
	(pc) =	sbr.abs _section_cstart, $3  }
0xcf: {  	[dreg:$0x1] =	wrdreg $0xFFFFFFFF  }
0xd0: {  	_ =	task.clear_ibuf [dreg:s22], $0x2FFFF;
	_ =	strace $0x9FFFFFFF  }
0xd1: {  	(tm) =	ssettm $0x7FFFFFFF  }
tec
execute0_lowered:
.L_overlay_start_1:
0x0: {  	(tag) =	ssettag $0x1  }
0x1: {  	s6 =	rddreg [dreg:$0x0]  }
0x2: {  	s1 =	rddreg [dreg:$0x1]  }
0x3: {  	s0 =	rddreg [dreg:$0x2]  }
0x4: {  	s2 =	simm.s32 $0x0;
	s3 =	srdreg.scid;
	s22 =	simm.s32 $0x100  }
0x5: {  	s23 =	simm.s32 $0x1;
	[smem:$0x7FF] =	sst s2;
	s5 =	sand.u32 $0x1, s3  }
0x6: {  	s3 =	stileid.u32;
	s4 =	sadd.s32 $0x47400, s6;
	s7 =	smul.u32 $0x4F00, s5  }
0x7: {  	s17 =	sadd.s32 $0x83E00, s6;
	_ =	strace $0x80000053;
	s8 =	smul.u32 $0x50000, s3  }
0x8: {  	s24 =	ssub.s32 $0x2, s5;
	s15 =	smul.u32 $0x140000, s5;
	s5 =	sadd.s32 $0x1DA00, s6  }
0x9: {  	s13 =	smul.u32 $0x14000, s3;
	s26 =	sshll.u32 s3, $0x6;
	s9 =	sshrl.u32 s24, $0x1  }
0xa: {  	s21 =	smul.u32 $0x4F0, s3;
	s16 =	sadd.s32 s7, s6;
	s18 =	ssub.s32 s24, s9  }
0xb: {  	s25 =	sshrl.u32 s8, $0x2;
	s28 =	sadd.s32 s13, s15;
	s7 =	sor.u32 $0x1C02, s26  }
0xc: {  	s29 =	sadd.s32 $0x4000, s13;
	s11 =	sadd.s32 $0x8000, s13;
	s14 =	sadd.s32 $0xC000, s13  }
0xd: {  	s20 =	sadd.s32 $0x10000, s13;
	s24 =	simm.s32 $0x0;
	s6 =	sadd.s32 s25, s1  }
0xe: {  	s8 =	sshrl.u32 s28, $0x3;
	s10 =	sadd.s32 s15, s29;
	s9 =	sadd.s32 s29, s1  }
0xf: {  	s12 =	sadd.s32 s15, s11;
	s11 =	sadd.s32 s11, s1;
	s19 =	sadd.s32 s15, s14  }
0x10: {  	s13 =	sadd.s32 s14, s1;
	s30 =	sadd.s32 s15, s20;
	s15 =	sadd.s32 s20, s1  }
0x11: {  	s31 =	sadd.s32 s21, s16;
	s20 =	simm.s32 $0x2;
	s21 =	simm.s32 $0x80  }
0x12: {  	s8 =	sadd.s32 s17, s8;
	s10 =	sshrl.u32 s10, $0x3;
	s19 =	sshrl.u32 s19, $0x3  }
0x13: {  	s12 =	sshrl.u32 s12, $0x3;
	s14 =	sadd.s32 s17, s19;
	s19 =	sshrl.u32 s30, $0x3  }
0x14: {  	s10 =	sadd.s32 s17, s10;
	s12 =	sadd.s32 s17, s12;
	s16 =	sadd.s32 s17, s19  }
0x15: {  	s17 =	smax.u32 s18, $0x1;
	s18 =	sadd.s32 $0x7A000, s31;
	s19 =	sadd.s32 $0x70200, s31  }
.LBB2_1:
0x16: {  	s25 =	sshrl.u32 s6, $0x3  }
0x17: {  	[spmem:s25], [sflag:s7] =	dma.local [hbm:s5], $0x2800  }
0x18: {  	_ =	swait.ge [sflag:s20], $0x2800  }
0x19: {  	[sflag:s20] =	ssyncset.done $0x0  }
0x1a: {  	[sflag:s20] =	ssyncadd.s32 $0xFFFFD800  }
0x1b: {  	s30 =	sadd.s32 $0x0, s19;
	[bflag:$0x0] =	sbarrier.arrive $0xFFFF  }
0x1c: {  	[tilespmem:s2], [sflag:$0x2] =	stream.linear.gather [hbm4b:s30+s2], $0x80, $0x38;
	[tilespmem:$0x18100] =	vst v63  }
0x1d: {  	_ =	swait.ge [sflag:s20], $0x80  }
0x1e: {  	[sflag:s20] =	ssyncset.done $0x0  }
0x1f: {  	s31 =	sadd.s32 $0x0, s18;
	[sflag:s20] =	ssyncadd.s32 $0xFFFFFF80  }
0x20: {  	[tilespmem:s21], [sflag:$0x2] =	stream.linear.gather [hbm4b:s31+s2], $0x80, $0x38;
	[tilespmem:$0x18100] =	vst v63  }
0x21: {  	_ =	swait.ge [sflag:s20], $0x80  }
0x22: {  	[sflag:s20] =	ssyncset.done $0x0  }
0x23: {  	[sflag:s20] =	ssyncadd.s32 $0xFFFFFF80  }
0x24: {  	[tilespmem:s22], [sflag:$0x1] =	stream.indirect.gather [hbm4b:s4+s21], $0x80, s2, s21, $0xb8;
	[tilespmem:$0x18100] =	vst v63  }
0x25: {  	_ =	swait.ge [sflag:s23], $0x4000  }
0x26: {  	[sflag:s23] =	ssyncset.done $0x0  }
0x27: {  	[sflag:s23] =	ssyncadd.s32 $0xFFFFC000  }
0x28: {  	[spmem:s1] =	stream.indirect.scatter.add.f32 [tilespmem:s22], [sflag:$0x2], $0x80, s21, s21, $0xb8;
	[tilespmem:$0x18100] =	vst v63  }
0x29: {  	_ =	swait.ge [sflag:s20], $0x4000  }
0x2a: {  	s26 =	simm.s32 $0x20;
	s25 =	simm.s32 $0x10;
	[sflag:s20] =	ssyncset.done $0x0  }
.LBB2_2:
0x2b: {  	s28 =	sadd.s32 s25, s19  }
0x2c: {  	[sflag:s20] =	ssyncadd.s32 $0xFFFFC000;
	s29 =	smov.u32 s26;
	s30 =	sadd.s32 $0x10, s26  }
0x2d: {  	[tilespmem:s2], [sflag:$0x2] =	stream.linear.gather [hbm4b:s28+s2], $0x80, $0x38;
	[tilespmem:$0x18100] =	vst v63  }
0x2e: {  	p0 =	sne.s32 s26, $0x4E0;
	_ =	swait.ge [sflag:s20], $0x80  }
0x2f: {  	[sflag:s20] =	ssyncset.done $0x0  }
0x30: {  	s26 =	sadd.s32 s25, s18;
	s25 =	smov.u32 s29;
	[sflag:s20] =	ssyncadd.s32 $0xFFFFFF80  }
0x31: {  	[tilespmem:s21], [sflag:$0x2] =	stream.linear.gather [hbm4b:s26+s2], $0x80, $0x38;
	[tilespmem:$0x18100] =	vst v63  }
0x32: {  	_ =	swait.ge [sflag:s20], $0x80  }
0x33: {  	[sflag:s20] =	ssyncset.done $0x0  }
0x34: {  	[sflag:s20] =	ssyncadd.s32 $0xFFFFFF80  }
0x35: {  	[tilespmem:s22], [sflag:$0x1] =	stream.indirect.gather [hbm4b:s4+s21], $0x80, s2, s21, $0xb8;
	[tilespmem:$0x18100] =	vst v63  }
0x36: {  	_ =	swait.ge [sflag:s23], $0x4000  }
.Ltmp0:
0x37: {  	[sflag:s23] =	ssyncset.done $0x0;
	(pc) =	sbr.rel @p0 .LBB2_2-.Ltmp0, $4  }
0x38: {  	[sflag:s23] =	ssyncadd.s32 $0xFFFFC000  }
0x39: {  	[spmem:s1] =	stream.indirect.scatter.add.f32 [tilespmem:s22], [sflag:$0x2], $0x80, s21, s21, $0xb8;
	[tilespmem:$0x18100] =	vst v63  }
0x3a: {  	_ =	swait.ge [sflag:s20], $0x4000  }
0x3b: {  	s26 =	smov.u32 s30;
	[sflag:s20] =	ssyncset.done $0x0  }
0x3c: {  	s26 =	sadd.s32 s25, s19;
	[sflag:s20] =	ssyncadd.s32 $0xFFFFC000  }
0x3d: {  	[tilespmem:s2], [sflag:$0x2] =	stream.linear.gather [hbm4b:s26+s2], $0x80, $0x38;
	[tilespmem:$0x18100] =	vst v63  }
0x3e: {  	_ =	swait.ge [sflag:s20], $0x80  }
0x3f: {  	[sflag:s20] =	ssyncset.done $0x0  }
0x40: {  	s31 =	sadd.s32 s25, s18;
	[sflag:s20] =	ssyncadd.s32 $0xFFFFFF80  }
0x41: {  	[tilespmem:s21], [sflag:$0x2] =	stream.linear.gather [hbm4b:s31+s2], $0x80, $0x38;
	[tilespmem:$0x18100] =	vst v63  }
0x42: {  	_ =	swait.ge [sflag:s20], $0x80  }
0x43: {  	[sflag:s20] =	ssyncset.done $0x0  }
0x44: {  	[sflag:s20] =	ssyncadd.s32 $0xFFFFFF80  }
0x45: {  	[tilespmem:s22], [sflag:$0x1] =	stream.indirect.gather [hbm4b:s4+s21], $0x80, s2, s21, $0xb8;
	[tilespmem:$0x18100] =	vst v63  }
0x46: {  	_ =	swait.ge [sflag:s23], $0x4000  }
0x47: {  	[sflag:s23] =	ssyncset.done $0x0  }
0x48: {  	[sflag:s23] =	ssyncadd.s32 $0xFFFFC000  }
0x49: {  	[spmem:s1] =	stream.indirect.scatter.add.f32 [tilespmem:s22], [sflag:$0x2], $0x80, s21, s21, $0xb8;
	[tilespmem:$0x18100] =	vst v63  }
0x4a: {  	_ =	swait.ge [sflag:s20], $0x4000  }
0x4b: {  	[sflag:s20] =	ssyncset.done $0x0  }
0x4c: {  	[sflag:s20] =	ssyncadd.s32 $0xFFFFC000  }
0x4d: {  	[bflag:$0x0] =	sbarrier.arrive $0xFFFF  }
0x4e: {  	[tilespmem:s22], [sflag:$0x2] =	stream.linear.gather [spmem:s6], $0x4000, $0x38;
	[tilespmem:$0x18100] =	vst v63  }
0x4f: {  	_ =	swait.ge [sflag:s20], $0x4000  }
0x50: {  	[sflag:s20] =	ssyncset.done $0x0  }
0x51: {  	[sflag:s20] =	ssyncadd.s32 $0xFFFFC000  }
0x52: {  	[hbm4b:s8+s2] =	stream.linear.scatter [tilespmem:s22], [sflag:$0x2], $0x4000, $0x38;
	[tilespmem:$0x18100] =	vst v63  }
0x53: {  	_ =	swait.ge [sflag:s20], $0x4000  }
0x54: {  	[sflag:s20] =	ssyncset.done $0x0  }
0x55: {  	[sflag:s20] =	ssyncadd.s32 $0xFFFFC000  }
0x56: {  	[tilespmem:s22], [sflag:$0x2] =	stream.linear.gather [spmem:s9], $0x4000, $0x38;
	[tilespmem:$0x18100] =	vst v63  }
0x57: {  	_ =	swait.ge [sflag:s20], $0x4000  }
0x58: {  	[sflag:s20] =	ssyncset.done $0x0  }
0x59: {  	[sflag:s20] =	ssyncadd.s32 $0xFFFFC000  }
0x5a: {  	[hbm4b:s10+s2] =	stream.linear.scatter [tilespmem:s22], [sflag:$0x2], $0x4000, $0x38;
	[tilespmem:$0x18100] =	vst v63  }
0x5b: {  	_ =	swait.ge [sflag:s20], $0x4000  }
0x5c: {  	[sflag:s20] =	ssyncset.done $0x0  }
0x5d: {  	[sflag:s20] =	ssyncadd.s32 $0xFFFFC000  }
0x5e: {  	[tilespmem:s22], [sflag:$0x2] =	stream.linear.gather [spmem:s11], $0x4000, $0x38;
	[tilespmem:$0x18100] =	vst v63  }
0x5f: {  	_ =	swait.ge [sflag:s20], $0x4000  }
0x60: {  	[sflag:s20] =	ssyncset.done $0x0  }
0x61: {  	[sflag:s20] =	ssyncadd.s32 $0xFFFFC000  }
0x62: {  	[hbm4b:s12+s2] =	stream.linear.scatter [tilespmem:s22], [sflag:$0x2], $0x4000, $0x38;
	[tilespmem:$0x18100] =	vst v63  }
0x63: {  	_ =	swait.ge [sflag:s20], $0x4000  }
0x64: {  	[sflag:s20] =	ssyncset.done $0x0  }
0x65: {  	[sflag:s20] =	ssyncadd.s32 $0xFFFFC000  }
0x66: {  	[tilespmem:s22], [sflag:$0x2] =	stream.linear.gather [spmem:s13], $0x4000, $0x38;
	[tilespmem:$0x18100] =	vst v63  }
0x67: {  	_ =	swait.ge [sflag:s20], $0x4000  }
0x68: {  	[sflag:s20] =	ssyncset.done $0x0  }
0x69: {  	[sflag:s20] =	ssyncadd.s32 $0xFFFFC000  }
0x6a: {  	[hbm4b:s14+s2] =	stream.linear.scatter [tilespmem:s22], [sflag:$0x2], $0x4000, $0x38;
	[tilespmem:$0x18100] =	vst v63  }
0x6b: {  	_ =	swait.ge [sflag:s20], $0x4000  }
0x6c: {  	[sflag:s20] =	ssyncset.done $0x0  }
0x6d: {  	[sflag:s20] =	ssyncadd.s32 $0xFFFFC000  }
0x6e: {  	[tilespmem:s22], [sflag:$0x2] =	stream.linear.gather [spmem:s15], $0x4000, $0x38;
	[tilespmem:$0x18100] =	vst v63  }
0x6f: {  	s24 =	sadd.s32 $0x1, s24;
	_ =	swait.ge [sflag:s20], $0x4000  }
0x70: {  	p0 =	sne.s32 s24, s17;
	[sflag:s20] =	ssyncset.done $0x0  }
.Ltmp1:
0x71: {  	[sflag:s20] =	ssyncadd.s32 $0xFFFFC000;
	(pc) =	sbr.rel @p0 .LBB2_1-.Ltmp1, $4  }
0x72: {  	[hbm4b:s16+s2] =	stream.linear.scatter [tilespmem:s22], [sflag:$0x2], $0x4000, $0x38;
	[tilespmem:$0x18100] =	vst v63  }
0x73: {  	_ =	swait.ge [sflag:s20], $0x4000  }
0x74: {  	[sflag:s20] =	ssyncset.done $0x0  }
0x75: {  	[sflag:s20] =	ssyncadd.s32 $0xFFFFC000  }
0x76: {  	_ =	sfence.sel $0x180000  }
0x77: {  	[bflag:$0x0] =	sbarrier.arrive $0xFFFF  }
0x78: {  	p0 =	sne.s32 s3, $0x0;
	_ =	strace $0x90000053  }
0x79: {  	s0 =	sadd.s32 @!p0 $0x100000, s0;
	[bflag:$0x2] =	sbarrier.arrive $0xFFFF  }
0x7a: {  	[sflag:s0] =	ssyncadd.tile.s32 @!p0 $0x1;
	_ =	shalt  }
.Lfunc_end2:
_tile_overlayer_lowered:
.L_overlay_start_2:
0x7b: {  	(tag) =	ssettag $0x2  }
0x7c: {  	s0 =	rddreg [dreg:$0x0];
	s2 =	stileid.u32  }
0x7d: {  	s1 =	rddreg [dreg:$0x1];
	p0 =	sne.s32 s2, $0x0  }
0x7e: {  	s3 =	rddreg [dreg:$0x2];
	[bflag:$0x3] =	sbarrier.arrive $0xFFFF;
	s2 =	simm.s32 @!p0 $0x1C02  }
0x7f: {  	[timem:s3], [sflag:s2] =	dma.local @!p0 [hbm:s0], s1  }
0x80: {  	s0 =	simm.s32 @!p0 $0x2  }
0x81: {  	_ =	swait.ge @!p0 [sflag:s0], s1  }
0x82: {  	s1 =	ssub.s32 @!p0 $0x0, s1;
	[sflag:s0] =	ssyncset.done @!p0 $0x0  }
0x83: {  	[sflag:s0] =	ssyncadd.s32 @!p0 s1  }
0x84: {  	[bflag:$0x3] =	sbarrier.arrive $0xFFFF  }
0x85: {  	_ =	shalt  }

// kernel: kernel.36.cloned.1.call-start
scs
__scs_entry_jumppad:
0x0: {  	(pc) =	sbr.rel $0x88, $3  }
0x1: {  	(tag) =	ssettag $0x0;
	lr =	simm.s32 $0x1  }
0x2: {  	[smem:$0x3F8E] =	sst lr;
	_ =	strace $0xD0000000  }
0x3: {  	_ = 	snop  }
0x4: {  	_ = 	snop  }
0x5: {  	_ = 	snop  }
0x6: {  	_ = 	snop  }
0x7: {  	_ = 	snop  }
__scs_overlays_trampoline_lowered:
0x8: {  	[smem:$0x3F9D] =	sst s0  }
0x9: {  	[smem:$0x3F9E] =	sst s1  }
0xa: {  	[smem:$0x3F9F] =	sst s2  }
0xb: {  	[smem:$0x3FA0] =	sst s3  }
0xc: {  	[smem:$0x3FA1] =	sst s4  }
0xd: {  	[smem:$0x3FA2] =	sst s5  }
0xe: {  	[smem:$0x3FA3] =	sst s6  }
0xf: {  	[smem:$0x3FA4] =	sst s7  }
0x10: {  	[smem:$0x3FA5] =	sst s8  }
0x11: {  	[smem:$0x3FA6] =	sst s9;
	s0 =	simm.s32 @!p0 $0x0  }
0x12: {  	s1 =	sld [smem:$0x3F8C];
	s0 =	simm.s32 @p0 $0x1  }
0x13: {  	[smem:$0x3FA7] =	sst s0;
	s0 =	simm.s32 @!p1 $0x0  }
0x14: {  	s2 =	sld [smem:$0x3F8B];
	s0 =	simm.s32 @p1 $0x1  }
0x15: {  	[smem:$0x3FA8] =	sst s0;
	s0 =	simm.s32 @!p2 $0x0  }
0x16: {  	s3 =	sld [smem:$0x3FDB];
	s0 =	simm.s32 @p2 $0x1  }
0x17: {  	s4 =	simm.s32 $0x1BF5;
	[smem:$0x3FAA] =	sst s0  }
0x18: {  	s0 =	sld [smem:$0x3F8D];
	_ =	swait.ge [sflag:s4], $0x0  }
0x19: {  	s7 =	sld [smem:$0x3F8E]  }
0x1a: {  	s8 =	sadd.s32 $0xFFFFE003, lr  }
0x1b: {  	s9 =	sadd.s32 $0xFFFFFEF7, lr;
	s5 =	simm.s32 $0xFFFFFFFF;
	p2 =	slt.u32 s8, $0xFFFFF086  }
0x1c: {  	p1 =	slt.u32 s9, $0xF7A;
	s5 =	simm.s32 @!p2 $0x0  }
0x1d: {  	s5 =	simm.s32 @p1 $0x1;
	p0 =	seq.s32 s7, s2  }
0x1e: {  	s7 =	smul.u32 @!p0 $0xF7A, s2;
	p2 =	seq.s32 @!p0 s5, $0x0  }
0x1f: {  	s9 =	smul.u32 $0xF7A, s1;
	s8 =	simm.s32 @!p0 $0x1BF5;
	p2 =	por !p2, p0  }
0x20: {  	[sflag:s8] =	ssyncset.s32 @!p0 $0xFFFFF086;
	s6 =	sadd.s32 @!p0 s3, s7;
	s7 =	simm.s32 @!p0 $0x108  }
0x21: {  	s3 =	sadd.s32 s3, s9;
	s6 =	sadd.s32 @!p0 $0x88, s6;
	s7 =	simm.s32 @p2 $0x1082  }
0x22: {  	[simem:s7], [sflag:s8] =	dma.local @!p0 [hbm:s6], $0xF7A  }
0x23: {  	s9 =	sor.u32 $0xD0000000, s2;
	s6 =	simm.s32 $0x108;
	_ =	swait.ge @!p0 [sflag:s8], $0x0  }
0x24: {  	s3 =	sadd.s32 $0x88, s3;
	s6 =	simm.s32 @!p1 $0x1082;
	[sflag:s4] =	ssyncset.s32 $0xFFFFF086  }
0x25: {  	[simem:s6], [sflag:s4] =	dma.local [hbm:s3], $0xF7A  }
0x26: {  	[smem:$0x3F8E] =	sst s1;
	(tag) =	ssettag s2;
	_ =	strace s9  }
0x27: {  	s1 =	sld [smem:$0x3F9E]  }
0x28: {  	s2 =	sld [smem:$0x3F9F]  }
0x29: {  	s4 =	sld [smem:$0x3FA1]  }
0x2a: {  	p0 =	seq.s32 s5, $0x0;
	s5 =	sld [smem:$0x3FA2]  }
0x2b: {  	s6 =	sld [smem:$0x3FA3]  }
0x2c: {  	s7 =	sld [smem:$0x3FA4]  }
0x2d: {  	s3 =	simm.s32 $0x108;
	s8 =	sld [smem:$0x3FA5]  }
0x2e: {  	s3 =	simm.s32 @!p0 $0x1082;
	s9 =	sld [smem:$0x3FA6]  }
0x2f: {  	lr =	sadd.s32 s0, s3;
	s0 =	sld [smem:$0x3F9D]  }
0x30: {  	s3 =	sld [smem:$0x3FA0]  }
0x31: {  	[smem:$0x3FA9] =	sst s10  }
0x32: {  	s10 =	sld [smem:$0x3FA7];
	_ =	sdelay $0x3  }
0x33: {  	p0 =	seq.s32 s10, $0x1;
	s10 =	sld [smem:$0x3FA9];
	_ =	sdelay $0x3  }
0x34: {  	[smem:$0x3FA9] =	sst s10  }
0x35: {  	s10 =	sld [smem:$0x3FA8];
	_ =	sdelay $0x3  }
0x36: {  	p1 =	seq.s32 s10, $0x1;
	s10 =	sld [smem:$0x3FA9];
	_ =	sdelay $0x3  }
0x37: {  	[smem:$0x3FA9] =	sst s10  }
0x38: {  	s10 =	sld [smem:$0x3FAA]  }
0x39: {  	_ = 	snop;
	(pc) =	sbr.ind lr, $3  }
0x3a: {  	_ = 	snop  }
0x3b: {  	_ = 	snop  }
0x3c: {  	p2 =	seq.s32 s10, $0x1;
	s10 =	sld [smem:$0x3FA9]  }
0x3d: {  	_ =	shalt  }
0x3e: {  	_ =	shalt  }
0x3f: {  	_ =	shalt  }
0x40: {  	_ =	shalt  }
0x41: {  	_ =	shalt  }
0x42: {  	_ =	shalt  }
0x43: {  	_ =	shalt  }
0x44: {  	_ =	shalt  }
0x45: {  	_ =	shalt  }
0x46: {  	_ =	shalt  }
0x47: {  	_ =	shalt  }
0x48: {  	_ =	shalt  }
0x49: {  	_ =	shalt  }
0x4a: {  	_ =	shalt  }
0x4b: {  	_ =	shalt  }
0x4c: {  	_ =	shalt  }
0x4d: {  	_ =	shalt  }
0x4e: {  	_ =	shalt  }
0x4f: {  	_ =	shalt  }
0x50: {  	_ =	shalt  }
0x51: {  	_ =	shalt  }
0x52: {  	_ =	shalt  }
0x53: {  	_ =	shalt  }
0x54: {  	_ =	shalt  }
0x55: {  	_ =	shalt  }
0x56: {  	_ =	shalt  }
0x57: {  	_ =	shalt  }
0x58: {  	_ =	shalt  }
0x59: {  	_ =	shalt  }
0x5a: {  	_ =	shalt  }
0x5b: {  	_ =	shalt  }
0x5c: {  	_ =	shalt  }
0x5d: {  	_ =	shalt  }
0x5e: {  	_ =	shalt  }
0x5f: {  	_ =	shalt  }
0x60: {  	_ =	shalt  }
0x61: {  	_ =	shalt  }
0x62: {  	_ =	shalt  }
0x63: {  	_ =	shalt  }
0x64: {  	_ =	shalt  }
0x65: {  	_ =	shalt  }
0x66: {  	_ =	shalt  }
0x67: {  	_ =	shalt  }
0x68: {  	_ =	shalt  }
0x69: {  	_ =	shalt  }
0x6a: {  	_ =	shalt  }
0x6b: {  	_ =	shalt  }
0x6c: {  	_ =	shalt  }
0x6d: {  	_ =	shalt  }
0x6e: {  	_ =	shalt  }
0x6f: {  	_ =	shalt  }
0x70: {  	_ =	shalt  }
0x71: {  	_ =	shalt  }
0x72: {  	_ =	shalt  }
0x73: {  	_ =	shalt  }
0x74: {  	_ =	shalt  }
0x75: {  	_ =	shalt  }
0x76: {  	_ =	shalt  }
0x77: {  	_ =	shalt  }
0x78: {  	_ =	shalt  }
0x79: {  	_ =	shalt  }
0x7a: {  	_ =	shalt  }
0x7b: {  	_ =	shalt  }
0x7c: {  	_ =	shalt  }
0x7d: {  	_ =	shalt  }
0x7e: {  	_ =	shalt  }
0x7f: {  	_ =	shalt  }
0x80: {  	_ =	shalt  }
0x81: {  	_ =	shalt  }
0x82: {  	_ =	shalt  }
0x83: {  	_ =	shalt  }
0x84: {  	_ =	shalt  }
0x85: {  	_ =	shalt  }
0x86: {  	_ =	shalt  }
0x87: {  	_ =	shalt  }
.Lfunc_end0:
.L_simem_size_0:
called_computation.5_lowered:
.L_overlay_start_0:
0x88: {  	s2 =	sld [smem:$0x3FD9]  }
0x89: {  	s3 =	sld [smem:$0x3FFE];
	_ =	sdelay $0x1  }
0x8a: {  	s1 =	srdreg.scid  }
0x8b: {  	s0 =	sand.u32 $0x1, s1  }
0x8c: {  	s17 =	sshll.u32 s0, $0xA;
	s2 =	sadd.s32 s3, s2  }
0x8d: {  	s2 =	sadd.s32 s2, s17  }
0x8e: {  	[smem:$0x3FB5] =	sst s2  }
0x8f: {  	_ = 	snop  }
0x90: {  	(tm) =	ssettm $0x1  }
0x91: {  	s18 =	sld [smem:$0x3FFB];
	_ =	sdelay $0x3  }
0x92: {  	_ =	strace s18  }
0x93: {  	s2 =	sld [smem:$0x3FFC];
	_ =	sdelay $0x3  }
0x94: {  	_ =	strace s2  }
0x95: {  	s2 =	sld [smem:$0x3FFD];
	_ =	sdelay $0x3  }
0x96: {  	_ =	strace s2  }
0x97: {  	_ =	strace $0x8FFFFFFF  }
0x98: {  	s19 =	sld [smem:$0x3FDB];
	_ =	sdelay $0x1  }
0x99: {  	s20 =	simm.s32 $_scs_section_size  }
0x9a: {  	s4 =	simm.s32 $_size__tile_overlayer_lowered;
	s5 =	simm.s32 $_tile_overlayer_lowered  }
0x9b: {  	s6 =	simm.s32 $0x1BFF;
	s21 =	sshll.u32 s5, $0x1;
	s3 =	sadd.s32 s20, s19  }
0x9c: {  	s22 =	simm.s32 $0x0;
	s4 =	sshll.u32 s4, $0x1;
	s5 =	sadd.s32 s21, s3  }
0x9d: {  	[timem:s22], [sflag:s6] =	dma.local [hbm:s5], s4  }
0x9e: {  	_ =	swait.ge [sflag:s6], s4  }
0x9f: {  	s4 =	ssub.s32 $0x0, s4;
	[sflag:s6] =	ssyncset.done $0x0  }
0xa0: {  	[sflag:s6] =	ssyncadd.s32 s4;
	_ =	sdelay $0x1  }
0xa1: {  	s23 =	simm.s32 $0x1B8B  }
0xa2: {  	_ =	swait.ge [sflag:s23], $0x1  }
0xa3: {  	[sflag:s23] =	ssyncset.done $0x0  }
0xa4: {  	[sflag:s23] =	ssyncadd.s32 $0xFFFFFFFF  }
0xa5: {  	s4 =	sld [smem:$0x0]  }
0xa6: {  	s5 =	sand.u32 $0xFFFFFFFE, s1  }
0xa7: {  	p0 =	sne.s32 s1, s5  }
0xa8: {  	s5 =	sshll.u32 @p0 s5, $0xE  }
0xa9: {  	s5 =	sadd.s32 @p0 $0x11B8D, s5;
	s6 =	sshll.u32 @p0 s4, $0x11  }
0xaa: {  	s5 =	sor.u32 @p0 s6, s5  }
0xab: {  	[sflag:s5] =	ssyncadd.remote.s32 @p0 $0x1;
	_ =	sdelay $0x1  }
0xac: {  	s5 =	simm.s32 @p0 $0x1B8D  }
0xad: {  	_ =	swait.eq @p0 [sflag:s5], $0x1  }
0xae: {  	[sflag:s5] =	ssyncadd.s32 @p0 $0xFFFFFFFF  }
0xaf: {  	s6 =	sshll.u32 @!p0 s1, $0xE  }
0xb0: {  	s6 =	sor.u32 @!p0 $0x4000, s6;
	s5 =	simm.s32 @!p0 $0x1B8D  }
0xb1: {  	s4 =	sshll.u32 @!p0 s4, $0x11;
	s6 =	sadd.s32 @!p0 $0x11B8D, s6;
	_ =	swait.eq @!p0 [sflag:s5], $0x1  }
0xb2: {  	s4 =	sor.u32 @!p0 s4, s6;
	[sflag:s5] =	ssyncadd.s32 @!p0 $0xFFFFFFFF  }
0xb3: {  	s25 =	simm.s32 $0x1B8E;
	s24 =	sld [smem:$0x3FFE];
	[sflag:s4] =	ssyncadd.remote.s32 @!p0 $0x1  }
0xb4: {  	s26 =	simm.s32 $execute0_lowered;
	[smem:$0x3FD2] =	sst s25  }
0xb5: {  	s5 =	sshll.u32 s26, $0x1;
	_ =	strace $0x8000005B;
	[dreg:$0x1] =	wrdreg $0xFFFFFFFF  }
0xb6: {  	s28 =	simm.s32 $_size_execute0_lowered;
	s3 =	sadd.s32 s3, s5;
	[dreg:$0x0] =	wrdreg $0x0  }
0xb7: {  	s5 =	sshll.u32 s28, $0x1;
	[dreg:$0x2] =	wrdreg s3  }
0xb8: {  	[dreg:$0x3] =	wrdreg s5  }
0xb9: {  	[dreg:$0x4] =	wrdreg $0xC0  }
0xba: {  	_ =	task [dreg:s22], $0x5FFFF  }
0xbb: {  	[dreg:$0x1] =	wrdreg $0xFFFFFFFF  }
0xbc: {  	[dreg:$0x0] =	wrdreg $0x60  }
0xbd: {  	[dreg:$0x2] =	wrdreg s24  }
0xbe: {  	[dreg:$0x3] =	wrdreg $0x41000  }
0xbf: {  	[dreg:$0x4] =	wrdreg $0xA  }
0xc0: {  	_ =	task.clear_ibuf [dreg:s22], $0x5FFFF;
	_ =	strace $0x9000005B  }
0xc1: {  	s29 =	simm.s32 $0xA;
	_ =	strace $0x8000005D  }
0xc2: {  	_ =	swait.ge [sflag:s29], $0x1  }
0xc3: {  	[sflag:s29] =	ssyncadd.s32 $0xFFFFFFFF  }
0xc4: {  	_ =	strace $0x9000005D  }
0xc5: {  	_ =	sfence  }
0xc6: {  	s30 =	sld [smem:$0x0];
	_ =	sdelay $0x2  }
0xc7: {  	s31 =	sshll.u32 s1, $0xD;
	s1 =	sshrl.u32 s1, $0x2  }
0xc8: {  	s4 =	sand.u32 $0x4000, s31;
	s1 =	sadd.s32 s1, s30  }
0xc9: {  	s0 =	sor.u32 s4, s0;
	s1 =	sshll.u32 s1, $0x11  }
0xca: {  	s0 =	sor.u32 s1, s0  }
0xcb: {  	s0 =	sadd.s32 $0x8F2B, s0  }
0xcc: {  	[sflag:s0] =	ssyncadd.remote.s32 $0x1  }
0xcd: {  	_ =	sfence.sel $0xFFFF  }
0xce: {  	[dreg:$0x0] =	wrdreg $0xFFFFFFFF;
	(pc) =	sbr.abs _section_cstart, $3  }
0xcf: {  	[dreg:$0x1] =	wrdreg $0xFFFFFFFF  }
0xd0: {  	_ =	task.clear_ibuf [dreg:s22], $0x2FFFF;
	_ =	strace $0x9FFFFFFF  }
0xd1: {  	(tm) =	ssettm $0x7FFFFFFF  }
tec
execute0_lowered:
.L_overlay_start_1:
0x0: {  	(tag) =	ssettag $0x1  }
0x1: {  	s6 =	rddreg [dreg:$0x0]  }
0x2: {  	s1 =	rddreg [dreg:$0x1]  }
0x3: {  	s0 =	rddreg [dreg:$0x2]  }
0x4: {  	s2 =	simm.s32 $0x0;
	s3 =	srdreg.scid;
	s22 =	simm.s32 $0x100  }
0x5: {  	s23 =	simm.s32 $0x1;
	[smem:$0x7FF] =	sst s2;
	s5 =	sand.u32 $0x1, s3  }
0x6: {  	s3 =	stileid.u32;
	s4 =	sadd.s32 $0x47400, s6;
	s7 =	smul.u32 $0x4F00, s5  }
0x7: {  	s17 =	sadd.s32 $0x83E00, s6;
	_ =	strace $0x8000005C;
	s8 =	smul.u32 $0x50000, s3  }
0x8: {  	s24 =	ssub.s32 $0x2, s5;
	s15 =	smul.u32 $0x140000, s5;
	s5 =	sadd.s32 $0x1DA00, s6  }
0x9: {  	s13 =	smul.u32 $0x14000, s3;
	s26 =	sshll.u32 s3, $0x6;
	s9 =	sshrl.u32 s24, $0x1  }
0xa: {  	s21 =	smul.u32 $0x4F0, s3;
	s16 =	sadd.s32 s7, s6;
	s18 =	ssub.s32 s24, s9  }
0xb: {  	s25 =	sshrl.u32 s8, $0x2;
	s28 =	sadd.s32 s13, s15;
	s7 =	sor.u32 $0x1C02, s26  }
0xc: {  	s29 =	sadd.s32 $0x4000, s13;
	s11 =	sadd.s32 $0x8000, s13;
	s14 =	sadd.s32 $0xC000, s13  }
0xd: {  	s20 =	sadd.s32 $0x10000, s13;
	s24 =	simm.s32 $0x0;
	s6 =	sadd.s32 s25, s1  }
0xe: {  	s8 =	sshrl.u32 s28, $0x3;
	s10 =	sadd.s32 s15, s29;
	s9 =	sadd.s32 s29, s1  }
0xf: {  	s12 =	sadd.s32 s15, s11;
	s11 =	sadd.s32 s11, s1;
	s19 =	sadd.s32 s15, s14  }
0x10: {  	s13 =	sadd.s32 s14, s1;
	s30 =	sadd.s32 s15, s20;
	s15 =	sadd.s32 s20, s1  }
0x11: {  	s31 =	sadd.s32 s21, s16;
	s20 =	simm.s32 $0x2;
	s21 =	simm.s32 $0x80  }
0x12: {  	s8 =	sadd.s32 s17, s8;
	s10 =	sshrl.u32 s10, $0x3;
	s19 =	sshrl.u32 s19, $0x3  }
0x13: {  	s12 =	sshrl.u32 s12, $0x3;
	s14 =	sadd.s32 s17, s19;
	s19 =	sshrl.u32 s30, $0x3  }
0x14: {  	s10 =	sadd.s32 s17, s10;
	s12 =	sadd.s32 s17, s12;
	s16 =	sadd.s32 s17, s19  }
0x15: {  	s17 =	smax.u32 s18, $0x1;
	s18 =	sadd.s32 $0x7A000, s31;
	s19 =	sadd.s32 $0x70200, s31  }
.LBB2_1:
0x16: {  	s25 =	sshrl.u32 s6, $0x3  }
0x17: {  	[spmem:s25], [sflag:s7] =	dma.local [hbm:s5], $0x2800  }
0x18: {  	_ =	swait.ge [sflag:s20], $0x2800  }
0x19: {  	[sflag:s20] =	ssyncset.done $0x0  }
0x1a: {  	[sflag:s20] =	ssyncadd.s32 $0xFFFFD800  }
0x1b: {  	s30 =	sadd.s32 $0x0, s19;
	[bflag:$0x0] =	sbarrier.arrive $0xFFFF  }
0x1c: {  	[tilespmem:s2], [sflag:$0x2] =	stream.linear.gather [hbm4b:s30+s2], $0x80, $0x38;
	[tilespmem:$0x18100] =	vst v63  }
0x1d: {  	_ =	swait.ge [sflag:s20], $0x80  }
0x1e: {  	[sflag:s20] =	ssyncset.done $0x0  }
0x1f: {  	s31 =	sadd.s32 $0x0, s18;
	[sflag:s20] =	ssyncadd.s32 $0xFFFFFF80  }
0x20: {  	[tilespmem:s21], [sflag:$0x2] =	stream.linear.gather [hbm4b:s31+s2], $0x80, $0x38;
	[tilespmem:$0x18100] =	vst v63  }
0x21: {  	_ =	swait.ge [sflag:s20], $0x80  }
0x22: {  	[sflag:s20] =	ssyncset.done $0x0  }
0x23: {  	[sflag:s20] =	ssyncadd.s32 $0xFFFFFF80  }
0x24: {  	[tilespmem:s22], [sflag:$0x1] =	stream.indirect.gather [hbm4b:s4+s21], $0x80, s2, s21, $0xb8;
	[tilespmem:$0x18100] =	vst v63  }
0x25: {  	_ =	swait.ge [sflag:s23], $0x4000  }
0x26: {  	[sflag:s23] =	ssyncset.done $0x0  }
0x27: {  	[sflag:s23] =	ssyncadd.s32 $0xFFFFC000  }
0x28: {  	[spmem:s1] =	stream.indirect.scatter.add.f32 [tilespmem:s22], [sflag:$0x2], $0x80, s21, s21, $0xb8;
	[tilespmem:$0x18100] =	vst v63  }
0x29: {  	_ =	swait.ge [sflag:s20], $0x4000  }
0x2a: {  	s26 =	simm.s32 $0x20;
	s25 =	simm.s32 $0x10;
	[sflag:s20] =	ssyncset.done $0x0  }
.LBB2_2:
0x2b: {  	s28 =	sadd.s32 s25, s19  }
0x2c: {  	[sflag:s20] =	ssyncadd.s32 $0xFFFFC000;
	s29 =	smov.u32 s26;
	s30 =	sadd.s32 $0x10, s26  }
0x2d: {  	[tilespmem:s2], [sflag:$0x2] =	stream.linear.gather [hbm4b:s28+s2], $0x80, $0x38;
	[tilespmem:$0x18100] =	vst v63  }
0x2e: {  	p0 =	sne.s32 s26, $0x4E0;
	_ =	swait.ge [sflag:s20], $0x80  }
0x2f: {  	[sflag:s20] =	ssyncset.done $0x0  }
0x30: {  	s26 =	sadd.s32 s25, s18;
	s25 =	smov.u32 s29;
	[sflag:s20] =	ssyncadd.s32 $0xFFFFFF80  }
0x31: {  	[tilespmem:s21], [sflag:$0x2] =	stream.linear.gather [hbm4b:s26+s2], $0x80, $0x38;
	[tilespmem:$0x18100] =	vst v63  }
0x32: {  	_ =	swait.ge [sflag:s20], $0x80  }
0x33: {  	[sflag:s20] =	ssyncset.done $0x0  }
0x34: {  	[sflag:s20] =	ssyncadd.s32 $0xFFFFFF80  }
0x35: {  	[tilespmem:s22], [sflag:$0x1] =	stream.indirect.gather [hbm4b:s4+s21], $0x80, s2, s21, $0xb8;
	[tilespmem:$0x18100] =	vst v63  }
0x36: {  	_ =	swait.ge [sflag:s23], $0x4000  }
.Ltmp0:
0x37: {  	[sflag:s23] =	ssyncset.done $0x0;
	(pc) =	sbr.rel @p0 .LBB2_2-.Ltmp0, $4  }
0x38: {  	[sflag:s23] =	ssyncadd.s32 $0xFFFFC000  }
0x39: {  	[spmem:s1] =	stream.indirect.scatter.add.f32 [tilespmem:s22], [sflag:$0x2], $0x80, s21, s21, $0xb8;
	[tilespmem:$0x18100] =	vst v63  }
0x3a: {  	_ =	swait.ge [sflag:s20], $0x4000  }
0x3b: {  	s26 =	smov.u32 s30;
	[sflag:s20] =	ssyncset.done $0x0  }
0x3c: {  	s26 =	sadd.s32 s25, s19;
	[sflag:s20] =	ssyncadd.s32 $0xFFFFC000  }
0x3d: {  	[tilespmem:s2], [sflag:$0x2] =	stream.linear.gather [hbm4b:s26+s2], $0x80, $0x38;
	[tilespmem:$0x18100] =	vst v63  }
0x3e: {  	_ =	swait.ge [sflag:s20], $0x80  }
0x3f: {  	[sflag:s20] =	ssyncset.done $0x0  }
0x40: {  	s31 =	sadd.s32 s25, s18;
	[sflag:s20] =	ssyncadd.s32 $0xFFFFFF80  }
0x41: {  	[tilespmem:s21], [sflag:$0x2] =	stream.linear.gather [hbm4b:s31+s2], $0x80, $0x38;
	[tilespmem:$0x18100] =	vst v63  }
0x42: {  	_ =	swait.ge [sflag:s20], $0x80  }
0x43: {  	[sflag:s20] =	ssyncset.done $0x0  }
0x44: {  	[sflag:s20] =	ssyncadd.s32 $0xFFFFFF80  }
0x45: {  	[tilespmem:s22], [sflag:$0x1] =	stream.indirect.gather [hbm4b:s4+s21], $0x80, s2, s21, $0xb8;
	[tilespmem:$0x18100] =	vst v63  }
0x46: {  	_ =	swait.ge [sflag:s23], $0x4000  }
0x47: {  	[sflag:s23] =	ssyncset.done $0x0  }
0x48: {  	[sflag:s23] =	ssyncadd.s32 $0xFFFFC000  }
0x49: {  	[spmem:s1] =	stream.indirect.scatter.add.f32 [tilespmem:s22], [sflag:$0x2], $0x80, s21, s21, $0xb8;
	[tilespmem:$0x18100] =	vst v63  }
0x4a: {  	_ =	swait.ge [sflag:s20], $0x4000  }
0x4b: {  	[sflag:s20] =	ssyncset.done $0x0  }
0x4c: {  	[sflag:s20] =	ssyncadd.s32 $0xFFFFC000  }
0x4d: {  	[bflag:$0x0] =	sbarrier.arrive $0xFFFF  }
0x4e: {  	[tilespmem:s22], [sflag:$0x2] =	stream.linear.gather [spmem:s6], $0x4000, $0x38;
	[tilespmem:$0x18100] =	vst v63  }
0x4f: {  	_ =	swait.ge [sflag:s20], $0x4000  }
0x50: {  	[sflag:s20] =	ssyncset.done $0x0  }
0x51: {  	[sflag:s20] =	ssyncadd.s32 $0xFFFFC000  }
0x52: {  	[hbm4b:s8+s2] =	stream.linear.scatter [tilespmem:s22], [sflag:$0x2], $0x4000, $0x38;
	[tilespmem:$0x18100] =	vst v63  }
0x53: {  	_ =	swait.ge [sflag:s20], $0x4000  }
0x54: {  	[sflag:s20] =	ssyncset.done $0x0  }
0x55: {  	[sflag:s20] =	ssyncadd.s32 $0xFFFFC000  }
0x56: {  	[tilespmem:s22], [sflag:$0x2] =	stream.linear.gather [spmem:s9], $0x4000, $0x38;
	[tilespmem:$0x18100] =	vst v63  }
0x57: {  	_ =	swait.ge [sflag:s20], $0x4000  }
0x58: {  	[sflag:s20] =	ssyncset.done $0x0  }
0x59: {  	[sflag:s20] =	ssyncadd.s32 $0xFFFFC000  }
0x5a: {  	[hbm4b:s10+s2] =	stream.linear.scatter [tilespmem:s22], [sflag:$0x2], $0x4000, $0x38;
	[tilespmem:$0x18100] =	vst v63  }
0x5b: {  	_ =	swait.ge [sflag:s20], $0x4000  }
0x5c: {  	[sflag:s20] =	ssyncset.done $0x0  }
0x5d: {  	[sflag:s20] =	ssyncadd.s32 $0xFFFFC000  }
0x5e: {  	[tilespmem:s22], [sflag:$0x2] =	stream.linear.gather [spmem:s11], $0x4000, $0x38;
	[tilespmem:$0x18100] =	vst v63  }
0x5f: {  	_ =	swait.ge [sflag:s20], $0x4000  }
0x60: {  	[sflag:s20] =	ssyncset.done $0x0  }
0x61: {  	[sflag:s20] =	ssyncadd.s32 $0xFFFFC000  }
0x62: {  	[hbm4b:s12+s2] =	stream.linear.scatter [tilespmem:s22], [sflag:$0x2], $0x4000, $0x38;
	[tilespmem:$0x18100] =	vst v63  }
0x63: {  	_ =	swait.ge [sflag:s20], $0x4000  }
0x64: {  	[sflag:s20] =	ssyncset.done $0x0  }
0x65: {  	[sflag:s20] =	ssyncadd.s32 $0xFFFFC000  }
0x66: {  	[tilespmem:s22], [sflag:$0x2] =	stream.linear.gather [spmem:s13], $0x4000, $0x38;
	[tilespmem:$0x18100] =	vst v63  }
0x67: {  	_ =	swait.ge [sflag:s20], $0x4000  }
0x68: {  	[sflag:s20] =	ssyncset.done $0x0  }
0x69: {  	[sflag:s20] =	ssyncadd.s32 $0xFFFFC000  }
0x6a: {  	[hbm4b:s14+s2] =	stream.linear.scatter [tilespmem:s22], [sflag:$0x2], $0x4000, $0x38;
	[tilespmem:$0x18100] =	vst v63  }
0x6b: {  	_ =	swait.ge [sflag:s20], $0x4000  }
0x6c: {  	[sflag:s20] =	ssyncset.done $0x0  }
0x6d: {  	[sflag:s20] =	ssyncadd.s32 $0xFFFFC000  }
0x6e: {  	[tilespmem:s22], [sflag:$0x2] =	stream.linear.gather [spmem:s15], $0x4000, $0x38;
	[tilespmem:$0x18100] =	vst v63  }
0x6f: {  	s24 =	sadd.s32 $0x1, s24;
	_ =	swait.ge [sflag:s20], $0x4000  }
0x70: {  	p0 =	sne.s32 s24, s17;
	[sflag:s20] =	ssyncset.done $0x0  }
.Ltmp1:
0x71: {  	[sflag:s20] =	ssyncadd.s32 $0xFFFFC000;
	(pc) =	sbr.rel @p0 .LBB2_1-.Ltmp1, $4  }
0x72: {  	[hbm4b:s16+s2] =	stream.linear.scatter [tilespmem:s22], [sflag:$0x2], $0x4000, $0x38;
	[tilespmem:$0x18100] =	vst v63  }
0x73: {  	_ =	swait.ge [sflag:s20], $0x4000  }
0x74: {  	[sflag:s20] =	ssyncset.done $0x0  }
0x75: {  	[sflag:s20] =	ssyncadd.s32 $0xFFFFC000  }
0x76: {  	_ =	sfence.sel $0x180000  }
0x77: {  	[bflag:$0x0] =	sbarrier.arrive $0xFFFF  }
0x78: {  	p0 =	sne.s32 s3, $0x0;
	_ =	strace $0x9000005C  }
0x79: {  	s0 =	sadd.s32 @!p0 $0x100000, s0;
	[bflag:$0x2] =	sbarrier.arrive $0xFFFF  }
0x7a: {  	[sflag:s0] =	ssyncadd.tile.s32 @!p0 $0x1;
	_ =	shalt  }
.Lfunc_end2:
_tile_overlayer_lowered:
.L_overlay_start_2:
0x7b: {  	(tag) =	ssettag $0x2  }
0x7c: {  	s0 =	rddreg [dreg:$0x0];
	s2 =	stileid.u32  }
0x7d: {  	s1 =	rddreg [dreg:$0x1];
	p0 =	sne.s32 s2, $0x0  }
0x7e: {  	s3 =	rddreg [dreg:$0x2];
	[bflag:$0x3] =	sbarrier.arrive $0xFFFF;
	s2 =	simm.s32 @!p0 $0x1C02  }
0x7f: {  	[timem:s3], [sflag:s2] =	dma.local @!p0 [hbm:s0], s1  }
0x80: {  	s0 =	simm.s32 @!p0 $0x2  }
0x81: {  	_ =	swait.ge @!p0 [sflag:s0], s1  }
0x82: {  	s1 =	ssub.s32 @!p0 $0x0, s1;
	[sflag:s0] =	ssyncset.done @!p0 $0x0  }
0x83: {  	[sflag:s0] =	ssyncadd.s32 @!p0 s1  }
0x84: {  	[bflag:$0x3] =	sbarrier.arrive $0xFFFF  }
0x85: {  	_ =	shalt  }

// kernel: kernel.39.cloned.1.call-start
scs
__scs_entry_jumppad:
0x0: {  	(pc) =	sbr.rel $0x88, $3  }
0x1: {  	(tag) =	ssettag $0x0;
	lr =	simm.s32 $0x1  }
0x2: {  	[smem:$0x3F8E] =	sst lr;
	_ =	strace $0xD0000000  }
0x3: {  	_ = 	snop  }
0x4: {  	_ = 	snop  }
0x5: {  	_ = 	snop  }
0x6: {  	_ = 	snop  }
0x7: {  	_ = 	snop  }
__scs_overlays_trampoline_lowered:
0x8: {  	[smem:$0x3F9D] =	sst s0  }
0x9: {  	[smem:$0x3F9E] =	sst s1  }
0xa: {  	[smem:$0x3F9F] =	sst s2  }
0xb: {  	[smem:$0x3FA0] =	sst s3  }
0xc: {  	[smem:$0x3FA1] =	sst s4  }
0xd: {  	[smem:$0x3FA2] =	sst s5  }
0xe: {  	[smem:$0x3FA3] =	sst s6  }
0xf: {  	[smem:$0x3FA4] =	sst s7  }
0x10: {  	[smem:$0x3FA5] =	sst s8  }
0x11: {  	[smem:$0x3FA6] =	sst s9;
	s0 =	simm.s32 @!p0 $0x0  }
0x12: {  	s1 =	sld [smem:$0x3F8C];
	s0 =	simm.s32 @p0 $0x1  }
0x13: {  	[smem:$0x3FA7] =	sst s0;
	s0 =	simm.s32 @!p1 $0x0  }
0x14: {  	s2 =	sld [smem:$0x3F8B];
	s0 =	simm.s32 @p1 $0x1  }
0x15: {  	[smem:$0x3FA8] =	sst s0;
	s0 =	simm.s32 @!p2 $0x0  }
0x16: {  	s3 =	sld [smem:$0x3FDB];
	s0 =	simm.s32 @p2 $0x1  }
0x17: {  	s4 =	simm.s32 $0x1BF5;
	[smem:$0x3FAA] =	sst s0  }
0x18: {  	s0 =	sld [smem:$0x3F8D];
	_ =	swait.ge [sflag:s4], $0x0  }
0x19: {  	s7 =	sld [smem:$0x3F8E]  }
0x1a: {  	s8 =	sadd.s32 $0xFFFFE003, lr  }
0x1b: {  	s9 =	sadd.s32 $0xFFFFFEF7, lr;
	s5 =	simm.s32 $0xFFFFFFFF;
	p2 =	slt.u32 s8, $0xFFFFF086  }
0x1c: {  	p1 =	slt.u32 s9, $0xF7A;
	s5 =	simm.s32 @!p2 $0x0  }
0x1d: {  	s5 =	simm.s32 @p1 $0x1;
	p0 =	seq.s32 s7, s2  }
0x1e: {  	s7 =	smul.u32 @!p0 $0xF7A, s2;
	p2 =	seq.s32 @!p0 s5, $0x0  }
0x1f: {  	s9 =	smul.u32 $0xF7A, s1;
	s8 =	simm.s32 @!p0 $0x1BF5;
	p2 =	por !p2, p0  }
0x20: {  	[sflag:s8] =	ssyncset.s32 @!p0 $0xFFFFF086;
	s6 =	sadd.s32 @!p0 s3, s7;
	s7 =	simm.s32 @!p0 $0x108  }
0x21: {  	s3 =	sadd.s32 s3, s9;
	s6 =	sadd.s32 @!p0 $0x88, s6;
	s7 =	simm.s32 @p2 $0x1082  }
0x22: {  	[simem:s7], [sflag:s8] =	dma.local @!p0 [hbm:s6], $0xF7A  }
0x23: {  	s9 =	sor.u32 $0xD0000000, s2;
	s6 =	simm.s32 $0x108;
	_ =	swait.ge @!p0 [sflag:s8], $0x0  }
0x24: {  	s3 =	sadd.s32 $0x88, s3;
	s6 =	simm.s32 @!p1 $0x1082;
	[sflag:s4] =	ssyncset.s32 $0xFFFFF086  }
0x25: {  	[simem:s6], [sflag:s4] =	dma.local [hbm:s3], $0xF7A  }
0x26: {  	[smem:$0x3F8E] =	sst s1;
	(tag) =	ssettag s2;
	_ =	strace s9  }
0x27: {  	s1 =	sld [smem:$0x3F9E]  }
0x28: {  	s2 =	sld [smem:$0x3F9F]  }
0x29: {  	s4 =	sld [smem:$0x3FA1]  }
0x2a: {  	p0 =	seq.s32 s5, $0x0;
	s5 =	sld [smem:$0x3FA2]  }
0x2b: {  	s6 =	sld [smem:$0x3FA3]  }
0x2c: {  	s7 =	sld [smem:$0x3FA4]  }
0x2d: {  	s3 =	simm.s32 $0x108;
	s8 =	sld [smem:$0x3FA5]  }
0x2e: {  	s3 =	simm.s32 @!p0 $0x1082;
	s9 =	sld [smem:$0x3FA6]  }
0x2f: {  	lr =	sadd.s32 s0, s3;
	s0 =	sld [smem:$0x3F9D]  }
0x30: {  	s3 =	sld [smem:$0x3FA0]  }
0x31: {  	[smem:$0x3FA9] =	sst s10  }
0x32: {  	s10 =	sld [smem:$0x3FA7];
	_ =	sdelay $0x3  }
0x33: {  	p0 =	seq.s32 s10, $0x1;
	s10 =	sld [smem:$0x3FA9];
	_ =	sdelay $0x3  }
0x34: {  	[smem:$0x3FA9] =	sst s10  }
0x35: {  	s10 =	sld [smem:$0x3FA8];
	_ =	sdelay $0x3  }
0x36: {  	p1 =	seq.s32 s10, $0x1;
	s10 =	sld [smem:$0x3FA9];
	_ =	sdelay $0x3  }
0x37: {  	[smem:$0x3FA9] =	sst s10  }
0x38: {  	s10 =	sld [smem:$0x3FAA]  }
0x39: {  	_ = 	snop;
	(pc) =	sbr.ind lr, $3  }
0x3a: {  	_ = 	snop  }
0x3b: {  	_ = 	snop  }
0x3c: {  	p2 =	seq.s32 s10, $0x1;
	s10 =	sld [smem:$0x3FA9]  }
0x3d: {  	_ =	shalt  }
0x3e: {  	_ =	shalt  }
0x3f: {  	_ =	shalt  }
0x40: {  	_ =	shalt  }
0x41: {  	_ =	shalt  }
0x42: {  	_ =	shalt  }
0x43: {  	_ =	shalt  }
0x44: {  	_ =	shalt  }
0x45: {  	_ =	shalt  }
0x46: {  	_ =	shalt  }
0x47: {  	_ =	shalt  }
0x48: {  	_ =	shalt  }
0x49: {  	_ =	shalt  }
0x4a: {  	_ =	shalt  }
0x4b: {  	_ =	shalt  }
0x4c: {  	_ =	shalt  }
0x4d: {  	_ =	shalt  }
0x4e: {  	_ =	shalt  }
0x4f: {  	_ =	shalt  }
0x50: {  	_ =	shalt  }
0x51: {  	_ =	shalt  }
0x52: {  	_ =	shalt  }
0x53: {  	_ =	shalt  }
0x54: {  	_ =	shalt  }
0x55: {  	_ =	shalt  }
0x56: {  	_ =	shalt  }
0x57: {  	_ =	shalt  }
0x58: {  	_ =	shalt  }
0x59: {  	_ =	shalt  }
0x5a: {  	_ =	shalt  }
0x5b: {  	_ =	shalt  }
0x5c: {  	_ =	shalt  }
0x5d: {  	_ =	shalt  }
0x5e: {  	_ =	shalt  }
0x5f: {  	_ =	shalt  }
0x60: {  	_ =	shalt  }
0x61: {  	_ =	shalt  }
0x62: {  	_ =	shalt  }
0x63: {  	_ =	shalt  }
0x64: {  	_ =	shalt  }
0x65: {  	_ =	shalt  }
0x66: {  	_ =	shalt  }
0x67: {  	_ =	shalt  }
0x68: {  	_ =	shalt  }
0x69: {  	_ =	shalt  }
0x6a: {  	_ =	shalt  }
0x6b: {  	_ =	shalt  }
0x6c: {  	_ =	shalt  }
0x6d: {  	_ =	shalt  }
0x6e: {  	_ =	shalt  }
0x6f: {  	_ =	shalt  }
0x70: {  	_ =	shalt  }
0x71: {  	_ =	shalt  }
0x72: {  	_ =	shalt  }
0x73: {  	_ =	shalt  }
0x74: {  	_ =	shalt  }
0x75: {  	_ =	shalt  }
0x76: {  	_ =	shalt  }
0x77: {  	_ =	shalt  }
0x78: {  	_ =	shalt  }
0x79: {  	_ =	shalt  }
0x7a: {  	_ =	shalt  }
0x7b: {  	_ =	shalt  }
0x7c: {  	_ =	shalt  }
0x7d: {  	_ =	shalt  }
0x7e: {  	_ =	shalt  }
0x7f: {  	_ =	shalt  }
0x80: {  	_ =	shalt  }
0x81: {  	_ =	shalt  }
0x82: {  	_ =	shalt  }
0x83: {  	_ =	shalt  }
0x84: {  	_ =	shalt  }
0x85: {  	_ =	shalt  }
0x86: {  	_ =	shalt  }
0x87: {  	_ =	shalt  }
.Lfunc_end0:
.L_simem_size_0:
called_computation.6_lowered:
.L_overlay_start_0:
0x88: {  	s2 =	sld [smem:$0x3FD9]  }
0x89: {  	s3 =	sld [smem:$0x3FFE];
	_ =	sdelay $0x1  }
0x8a: {  	s1 =	srdreg.scid  }
0x8b: {  	s0 =	sand.u32 $0x1, s1  }
0x8c: {  	s17 =	sshll.u32 s0, $0xA;
	s2 =	sadd.s32 s3, s2  }
0x8d: {  	s2 =	sadd.s32 s2, s17  }
0x8e: {  	[smem:$0x3FB5] =	sst s2  }
0x8f: {  	_ = 	snop  }
0x90: {  	s2 =	sld [smem:$0x3FC3];
	(tm) =	ssettm $0x1  }
0x91: {  	s18 =	sld [smem:$0x3FFB];
	_ =	sdelay $0x3  }
0x92: {  	_ =	strace s18  }
0x93: {  	s3 =	sld [smem:$0x3FFC];
	_ =	sdelay $0x3  }
0x94: {  	_ =	strace s3  }
0x95: {  	s3 =	sld [smem:$0x3FFD];
	_ =	sdelay $0x3  }
0x96: {  	_ =	strace s3  }
0x97: {  	_ =	strace $0x8FFFFFFF  }
0x98: {  	s19 =	sld [smem:$0x3FDB];
	_ =	sdelay $0x1  }
0x99: {  	s4 =	simm.s32 $_scs_section_size  }
0x9a: {  	s5 =	simm.s32 $_size__tile_overlayer_lowered;
	s6 =	simm.s32 $_tile_overlayer_lowered  }
0x9b: {  	s22 =	simm.s32 $0x1BFF;
	s21 =	sshll.u32 s6, $0x1;
	s3 =	sadd.s32 s4, s19  }
0x9c: {  	s7 =	simm.s32 $0x0;
	s20 =	sshll.u32 s5, $0x1;
	s5 =	sadd.s32 s21, s3  }
0x9d: {  	[timem:s7], [sflag:s22] =	dma.local [hbm:s5], s20  }
0x9e: {  	_ =	swait.ge [sflag:s22], s20  }
0x9f: {  	s4 =	ssub.s32 $0x0, s20;
	[sflag:s22] =	ssyncset.done $0x0  }
0xa0: {  	[sflag:s22] =	ssyncadd.s32 s4;
	_ =	sdelay $0x1  }
0xa1: {  	s23 =	simm.s32 $0x1B8B  }
0xa2: {  	_ =	swait.ge [sflag:s23], $0x1  }
0xa3: {  	[sflag:s23] =	ssyncset.done $0x0  }
0xa4: {  	s25 =	simm.s32 $0x1B8E;
	s24 =	sld [smem:$0x3FFE];
	[sflag:s23] =	ssyncadd.s32 $0xFFFFFFFF  }
0xa5: {  	s26 =	simm.s32 $execute0_lowered;
	[smem:$0x3FD2] =	sst s25  }
0xa6: {  	s5 =	sshll.u32 s26, $0x1;
	_ =	strace $0x80000046;
	[dreg:$0x1] =	wrdreg $0xFFFFFFFF  }
0xa7: {  	s28 =	simm.s32 $_size_execute0_lowered;
	s3 =	sadd.s32 s3, s5;
	[dreg:$0x0] =	wrdreg $0x0  }
0xa8: {  	s5 =	sshll.u32 s28, $0x1;
	[dreg:$0x2] =	wrdreg s3  }
0xa9: {  	[dreg:$0x3] =	wrdreg s5  }
0xaa: {  	[dreg:$0x4] =	wrdreg $0xC0  }
0xab: {  	_ =	task [dreg:s7], $0x5FFFF  }
0xac: {  	[dreg:$0x1] =	wrdreg $0xFFFFFFFF  }
0xad: {  	[dreg:$0x0] =	wrdreg $0x60  }
0xae: {  	[dreg:$0x2] =	wrdreg s2  }
0xaf: {  	[dreg:$0x3] =	wrdreg s24  }
0xb0: {  	[dreg:$0x4] =	wrdreg $0x41000  }
0xb1: {  	[dreg:$0x5] =	wrdreg $0xB  }
0xb2: {  	_ =	task.clear_ibuf [dreg:s7], $0x6FFFF;
	_ =	strace $0x90000046  }
0xb3: {  	s29 =	simm.s32 $0xB;
	_ =	strace $0x80000048  }
0xb4: {  	_ =	swait.ge [sflag:s29], $0x1  }
0xb5: {  	[sflag:s29] =	ssyncadd.s32 $0xFFFFFFFF  }
0xb6: {  	_ =	strace $0x90000048  }
0xb7: {  	_ =	sfence  }
0xb8: {  	s30 =	sld [smem:$0x0];
	_ =	sdelay $0x2  }
0xb9: {  	s31 =	sshll.u32 s1, $0xD;
	s1 =	sshrl.u32 s1, $0x2  }
0xba: {  	s3 =	sand.u32 $0x4000, s31;
	s1 =	sadd.s32 s1, s30  }
0xbb: {  	s0 =	sor.u32 s3, s0;
	s1 =	sshll.u32 s1, $0x11  }
0xbc: {  	s0 =	sor.u32 s1, s0  }
0xbd: {  	s0 =	sadd.s32 $0x8F2B, s0  }
0xbe: {  	[sflag:s0] =	ssyncadd.remote.s32 $0x1  }
0xbf: {  	_ =	sfence.sel $0xFFFF  }
0xc0: {  	[dreg:$0x0] =	wrdreg $0xFFFFFFFF;
	(pc) =	sbr.abs _section_cstart, $3  }
0xc1: {  	[dreg:$0x1] =	wrdreg $0xFFFFFFFF  }
0xc2: {  	_ =	task.clear_ibuf [dreg:s7], $0x2FFFF;
	_ =	strace $0x9FFFFFFF  }
0xc3: {  	(tm) =	ssettm $0x7FFFFFFF  }
tec
execute0_lowered:
.L_overlay_start_1:
0x0: {  	(tag) =	ssettag $0x1  }
0x1: {  	s1 =	rddreg [dreg:$0x0]  }
0x2: {  	s6 =	rddreg [dreg:$0x1]  }
0x3: {  	s2 =	rddreg [dreg:$0x2]  }
0x4: {  	s0 =	rddreg [dreg:$0x3];
	s3 =	simm.s32 $0x0;
	s4 =	srdreg.scid  }
0x5: {  	s22 =	simm.s32 $0x100;
	[smem:$0x7FF] =	sst s3;
	s5 =	sand.u32 $0x1, s4  }
0x6: {  	s23 =	simm.s32 $0x1;
	s4 =	stileid.u32;
	s7 =	smul.u32 $0x4F00, s5  }
0x7: {  	s17 =	sadd.s32 $0x20200, s6;
	_ =	strace $0x80000047;
	s8 =	smul.u32 $0x50000, s4  }
0x8: {  	s24 =	ssub.s32 $0x2, s5;
	s15 =	smul.u32 $0x140000, s5;
	s5 =	sadd.s32 $0x1DA00, s6  }
0x9: {  	s13 =	smul.u32 $0x14000, s4;
	s26 =	sshll.u32 s4, $0x6;
	s9 =	sshrl.u32 s24, $0x1  }
0xa: {  	s21 =	smul.u32 $0x4F0, s4;
	s16 =	sadd.s32 s7, s6;
	s18 =	ssub.s32 s24, s9  }
0xb: {  	s25 =	sshrl.u32 s8, $0x2;
	s28 =	sadd.s32 s13, s15;
	s7 =	sor.u32 $0x1C02, s26  }
0xc: {  	s29 =	sadd.s32 $0x4000, s13;
	s11 =	sadd.s32 $0x8000, s13;
	s14 =	sadd.s32 $0xC000, s13  }
0xd: {  	s20 =	sadd.s32 $0x10000, s13;
	s24 =	simm.s32 $0x0;
	s6 =	sadd.s32 s25, s2  }
0xe: {  	s8 =	sshrl.u32 s28, $0x3;
	s10 =	sadd.s32 s15, s29;
	s9 =	sadd.s32 s29, s2  }
0xf: {  	s12 =	sadd.s32 s15, s11;
	s11 =	sadd.s32 s11, s2;
	s19 =	sadd.s32 s15, s14  }
0x10: {  	s13 =	sadd.s32 s14, s2;
	s30 =	sadd.s32 s15, s20;
	s15 =	sadd.s32 s20, s2  }
0x11: {  	s31 =	sadd.s32 s21, s16;
	s20 =	simm.s32 $0x2;
	s21 =	simm.s32 $0x80  }
0x12: {  	s8 =	sadd.s32 s17, s8;
	s10 =	sshrl.u32 s10, $0x3;
	s19 =	sshrl.u32 s19, $0x3  }
0x13: {  	s12 =	sshrl.u32 s12, $0x3;
	s14 =	sadd.s32 s17, s19;
	s19 =	sshrl.u32 s30, $0x3  }
0x14: {  	s10 =	sadd.s32 s17, s10;
	s12 =	sadd.s32 s17, s12;
	s16 =	sadd.s32 s17, s19  }
0x15: {  	s17 =	smax.u32 s18, $0x1;
	s18 =	sadd.s32 $0x13C00, s31;
	s19 =	sadd.s32 $0x9E00, s31  }
.LBB2_1:
0x16: {  	s25 =	sshrl.u32 s6, $0x3  }
0x17: {  	[spmem:s25], [sflag:s7] =	dma.local [hbm:s5], $0x2800  }
0x18: {  	_ =	swait.ge [sflag:s20], $0x2800  }
0x19: {  	[sflag:s20] =	ssyncset.done $0x0  }
0x1a: {  	[sflag:s20] =	ssyncadd.s32 $0xFFFFD800  }
0x1b: {  	s30 =	sadd.s32 $0x0, s19;
	[bflag:$0x0] =	sbarrier.arrive $0xFFFF  }
0x1c: {  	[tilespmem:s3], [sflag:$0x2] =	stream.linear.gather [hbm4b:s30+s3], $0x80, $0x38;
	[tilespmem:$0x18100] =	vst v63  }
0x1d: {  	_ =	swait.ge [sflag:s20], $0x80  }
0x1e: {  	[sflag:s20] =	ssyncset.done $0x0  }
0x1f: {  	s31 =	sadd.s32 $0x0, s18;
	[sflag:s20] =	ssyncadd.s32 $0xFFFFFF80  }
0x20: {  	[tilespmem:s21], [sflag:$0x2] =	stream.linear.gather [hbm4b:s31+s3], $0x80, $0x38;
	[tilespmem:$0x18100] =	vst v63  }
0x21: {  	_ =	swait.ge [sflag:s20], $0x80  }
0x22: {  	[sflag:s20] =	ssyncset.done $0x0  }
0x23: {  	[sflag:s20] =	ssyncadd.s32 $0xFFFFFF80  }
0x24: {  	[tilespmem:s22], [sflag:$0x1] =	stream.indirect.gather [hbm4b:s1+s21], $0x80, s3, s21, $0xb8;
	[tilespmem:$0x18100] =	vst v63  }
0x25: {  	_ =	swait.ge [sflag:s23], $0x4000  }
0x26: {  	[sflag:s23] =	ssyncset.done $0x0  }
0x27: {  	[sflag:s23] =	ssyncadd.s32 $0xFFFFC000  }
0x28: {  	[spmem:s2] =	stream.indirect.scatter.add.f32 [tilespmem:s22], [sflag:$0x2], $0x80, s21, s21, $0xb8;
	[tilespmem:$0x18100] =	vst v63  }
0x29: {  	_ =	swait.ge [sflag:s20], $0x4000  }
0x2a: {  	s26 =	simm.s32 $0x20;
	s25 =	simm.s32 $0x10;
	[sflag:s20] =	ssyncset.done $0x0  }
.LBB2_2:
0x2b: {  	s28 =	sadd.s32 s25, s19  }
0x2c: {  	[sflag:s20] =	ssyncadd.s32 $0xFFFFC000;
	s29 =	smov.u32 s26;
	s30 =	sadd.s32 $0x10, s26  }
0x2d: {  	[tilespmem:s3], [sflag:$0x2] =	stream.linear.gather [hbm4b:s28+s3], $0x80, $0x38;
	[tilespmem:$0x18100] =	vst v63  }
0x2e: {  	p0 =	sne.s32 s26, $0x4E0;
	_ =	swait.ge [sflag:s20], $0x80  }
0x2f: {  	[sflag:s20] =	ssyncset.done $0x0  }
0x30: {  	s26 =	sadd.s32 s25, s18;
	s25 =	smov.u32 s29;
	[sflag:s20] =	ssyncadd.s32 $0xFFFFFF80  }
0x31: {  	[tilespmem:s21], [sflag:$0x2] =	stream.linear.gather [hbm4b:s26+s3], $0x80, $0x38;
	[tilespmem:$0x18100] =	vst v63  }
0x32: {  	_ =	swait.ge [sflag:s20], $0x80  }
0x33: {  	[sflag:s20] =	ssyncset.done $0x0  }
0x34: {  	[sflag:s20] =	ssyncadd.s32 $0xFFFFFF80  }
0x35: {  	[tilespmem:s22], [sflag:$0x1] =	stream.indirect.gather [hbm4b:s1+s21], $0x80, s3, s21, $0xb8;
	[tilespmem:$0x18100] =	vst v63  }
0x36: {  	_ =	swait.ge [sflag:s23], $0x4000  }
.Ltmp0:
0x37: {  	[sflag:s23] =	ssyncset.done $0x0;
	(pc) =	sbr.rel @p0 .LBB2_2-.Ltmp0, $4  }
0x38: {  	[sflag:s23] =	ssyncadd.s32 $0xFFFFC000  }
0x39: {  	[spmem:s2] =	stream.indirect.scatter.add.f32 [tilespmem:s22], [sflag:$0x2], $0x80, s21, s21, $0xb8;
	[tilespmem:$0x18100] =	vst v63  }
0x3a: {  	_ =	swait.ge [sflag:s20], $0x4000  }
0x3b: {  	s26 =	smov.u32 s30;
	[sflag:s20] =	ssyncset.done $0x0  }
0x3c: {  	s26 =	sadd.s32 s25, s19;
	[sflag:s20] =	ssyncadd.s32 $0xFFFFC000  }
0x3d: {  	[tilespmem:s3], [sflag:$0x2] =	stream.linear.gather [hbm4b:s26+s3], $0x80, $0x38;
	[tilespmem:$0x18100] =	vst v63  }
0x3e: {  	_ =	swait.ge [sflag:s20], $0x80  }
0x3f: {  	[sflag:s20] =	ssyncset.done $0x0  }
0x40: {  	s31 =	sadd.s32 s25, s18;
	[sflag:s20] =	ssyncadd.s32 $0xFFFFFF80  }
0x41: {  	[tilespmem:s21], [sflag:$0x2] =	stream.linear.gather [hbm4b:s31+s3], $0x80, $0x38;
	[tilespmem:$0x18100] =	vst v63  }
0x42: {  	_ =	swait.ge [sflag:s20], $0x80  }
0x43: {  	[sflag:s20] =	ssyncset.done $0x0  }
0x44: {  	[sflag:s20] =	ssyncadd.s32 $0xFFFFFF80  }
0x45: {  	[tilespmem:s22], [sflag:$0x1] =	stream.indirect.gather [hbm4b:s1+s21], $0x80, s3, s21, $0xb8;
	[tilespmem:$0x18100] =	vst v63  }
0x46: {  	_ =	swait.ge [sflag:s23], $0x4000  }
0x47: {  	[sflag:s23] =	ssyncset.done $0x0  }
0x48: {  	[sflag:s23] =	ssyncadd.s32 $0xFFFFC000  }
0x49: {  	[spmem:s2] =	stream.indirect.scatter.add.f32 [tilespmem:s22], [sflag:$0x2], $0x80, s21, s21, $0xb8;
	[tilespmem:$0x18100] =	vst v63  }
0x4a: {  	_ =	swait.ge [sflag:s20], $0x4000  }
0x4b: {  	[sflag:s20] =	ssyncset.done $0x0  }
0x4c: {  	[sflag:s20] =	ssyncadd.s32 $0xFFFFC000  }
0x4d: {  	[bflag:$0x0] =	sbarrier.arrive $0xFFFF  }
0x4e: {  	[tilespmem:s22], [sflag:$0x2] =	stream.linear.gather [spmem:s6], $0x4000, $0x38;
	[tilespmem:$0x18100] =	vst v63  }
0x4f: {  	_ =	swait.ge [sflag:s20], $0x4000  }
0x50: {  	[sflag:s20] =	ssyncset.done $0x0  }
0x51: {  	[sflag:s20] =	ssyncadd.s32 $0xFFFFC000  }
0x52: {  	[hbm4b:s8+s3] =	stream.linear.scatter [tilespmem:s22], [sflag:$0x2], $0x4000, $0x38;
	[tilespmem:$0x18100] =	vst v63  }
0x53: {  	_ =	swait.ge [sflag:s20], $0x4000  }
0x54: {  	[sflag:s20] =	ssyncset.done $0x0  }
0x55: {  	[sflag:s20] =	ssyncadd.s32 $0xFFFFC000  }
0x56: {  	[tilespmem:s22], [sflag:$0x2] =	stream.linear.gather [spmem:s9], $0x4000, $0x38;
	[tilespmem:$0x18100] =	vst v63  }
0x57: {  	_ =	swait.ge [sflag:s20], $0x4000  }
0x58: {  	[sflag:s20] =	ssyncset.done $0x0  }
0x59: {  	[sflag:s20] =	ssyncadd.s32 $0xFFFFC000  }
0x5a: {  	[hbm4b:s10+s3] =	stream.linear.scatter [tilespmem:s22], [sflag:$0x2], $0x4000, $0x38;
	[tilespmem:$0x18100] =	vst v63  }
0x5b: {  	_ =	swait.ge [sflag:s20], $0x4000  }
0x5c: {  	[sflag:s20] =	ssyncset.done $0x0  }
0x5d: {  	[sflag:s20] =	ssyncadd.s32 $0xFFFFC000  }
0x5e: {  	[tilespmem:s22], [sflag:$0x2] =	stream.linear.gather [spmem:s11], $0x4000, $0x38;
	[tilespmem:$0x18100] =	vst v63  }
0x5f: {  	_ =	swait.ge [sflag:s20], $0x4000  }
0x60: {  	[sflag:s20] =	ssyncset.done $0x0  }
0x61: {  	[sflag:s20] =	ssyncadd.s32 $0xFFFFC000  }
0x62: {  	[hbm4b:s12+s3] =	stream.linear.scatter [tilespmem:s22], [sflag:$0x2], $0x4000, $0x38;
	[tilespmem:$0x18100] =	vst v63  }
0x63: {  	_ =	swait.ge [sflag:s20], $0x4000  }
0x64: {  	[sflag:s20] =	ssyncset.done $0x0  }
0x65: {  	[sflag:s20] =	ssyncadd.s32 $0xFFFFC000  }
0x66: {  	[tilespmem:s22], [sflag:$0x2] =	stream.linear.gather [spmem:s13], $0x4000, $0x38;
	[tilespmem:$0x18100] =	vst v63  }
0x67: {  	_ =	swait.ge [sflag:s20], $0x4000  }
0x68: {  	[sflag:s20] =	ssyncset.done $0x0  }
0x69: {  	[sflag:s20] =	ssyncadd.s32 $0xFFFFC000  }
0x6a: {  	[hbm4b:s14+s3] =	stream.linear.scatter [tilespmem:s22], [sflag:$0x2], $0x4000, $0x38;
	[tilespmem:$0x18100] =	vst v63  }
0x6b: {  	_ =	swait.ge [sflag:s20], $0x4000  }
0x6c: {  	[sflag:s20] =	ssyncset.done $0x0  }
0x6d: {  	[sflag:s20] =	ssyncadd.s32 $0xFFFFC000  }
0x6e: {  	[tilespmem:s22], [sflag:$0x2] =	stream.linear.gather [spmem:s15], $0x4000, $0x38;
	[tilespmem:$0x18100] =	vst v63  }
0x6f: {  	s24 =	sadd.s32 $0x1, s24;
	_ =	swait.ge [sflag:s20], $0x4000  }
0x70: {  	p0 =	sne.s32 s24, s17;
	[sflag:s20] =	ssyncset.done $0x0  }
.Ltmp1:
0x71: {  	[sflag:s20] =	ssyncadd.s32 $0xFFFFC000;
	(pc) =	sbr.rel @p0 .LBB2_1-.Ltmp1, $4  }
0x72: {  	[hbm4b:s16+s3] =	stream.linear.scatter [tilespmem:s22], [sflag:$0x2], $0x4000, $0x38;
	[tilespmem:$0x18100] =	vst v63  }
0x73: {  	_ =	swait.ge [sflag:s20], $0x4000  }
0x74: {  	[sflag:s20] =	ssyncset.done $0x0  }
0x75: {  	[sflag:s20] =	ssyncadd.s32 $0xFFFFC000  }
0x76: {  	_ =	sfence.sel $0x180000  }
0x77: {  	[bflag:$0x0] =	sbarrier.arrive $0xFFFF  }
0x78: {  	p0 =	sne.s32 s4, $0x0;
	_ =	strace $0x90000047  }
0x79: {  	s0 =	sadd.s32 @!p0 $0x100000, s0;
	[bflag:$0x2] =	sbarrier.arrive $0xFFFF  }
0x7a: {  	[sflag:s0] =	ssyncadd.tile.s32 @!p0 $0x1;
	_ =	shalt  }
.Lfunc_end2:
_tile_overlayer_lowered:
.L_overlay_start_2:
0x7b: {  	(tag) =	ssettag $0x2  }
0x7c: {  	s0 =	rddreg [dreg:$0x0];
	s2 =	stileid.u32  }
0x7d: {  	s1 =	rddreg [dreg:$0x1];
	p0 =	sne.s32 s2, $0x0  }
0x7e: {  	s3 =	rddreg [dreg:$0x2];
	[bflag:$0x3] =	sbarrier.arrive $0xFFFF;
	s2 =	simm.s32 @!p0 $0x1C02  }
0x7f: {  	[timem:s3], [sflag:s2] =	dma.local @!p0 [hbm:s0], s1  }
0x80: {  	s0 =	simm.s32 @!p0 $0x2  }
0x81: {  	_ =	swait.ge @!p0 [sflag:s0], s1  }
0x82: {  	s1 =	ssub.s32 @!p0 $0x0, s1;
	[sflag:s0] =	ssyncset.done @!p0 $0x0  }
0x83: {  	[sflag:s0] =	ssyncadd.s32 @!p0 s1  }
0x84: {  	[bflag:$0x3] =	sbarrier.arrive $0xFFFF  }
0x85: {  	_ =	shalt  }

// kernel: kernel.42.cloned.1.call-start
scs
__scs_entry_jumppad:
0x0: {  	(pc) =	sbr.rel $0x88, $3  }
0x1: {  	(tag) =	ssettag $0x0;
	lr =	simm.s32 $0x1  }
0x2: {  	[smem:$0x3F8E] =	sst lr;
	_ =	strace $0xD0000000  }
0x3: {  	_ = 	snop  }
0x4: {  	_ = 	snop  }
0x5: {  	_ = 	snop  }
0x6: {  	_ = 	snop  }
0x7: {  	_ = 	snop  }
__scs_overlays_trampoline_lowered:
0x8: {  	[smem:$0x3F9D] =	sst s0  }
0x9: {  	[smem:$0x3F9E] =	sst s1  }
0xa: {  	[smem:$0x3F9F] =	sst s2  }
0xb: {  	[smem:$0x3FA0] =	sst s3  }
0xc: {  	[smem:$0x3FA1] =	sst s4  }
0xd: {  	[smem:$0x3FA2] =	sst s5  }
0xe: {  	[smem:$0x3FA3] =	sst s6  }
0xf: {  	[smem:$0x3FA4] =	sst s7  }
0x10: {  	[smem:$0x3FA5] =	sst s8  }
0x11: {  	[smem:$0x3FA6] =	sst s9;
	s0 =	simm.s32 @!p0 $0x0  }
0x12: {  	s1 =	sld [smem:$0x3F8C];
	s0 =	simm.s32 @p0 $0x1  }
0x13: {  	[smem:$0x3FA7] =	sst s0;
	s0 =	simm.s32 @!p1 $0x0  }
0x14: {  	s2 =	sld [smem:$0x3F8B];
	s0 =	simm.s32 @p1 $0x1  }
0x15: {  	[smem:$0x3FA8] =	sst s0;
	s0 =	simm.s32 @!p2 $0x0  }
0x16: {  	s3 =	sld [smem:$0x3FDB];
	s0 =	simm.s32 @p2 $0x1  }
0x17: {  	s4 =	simm.s32 $0x1BF5;
	[smem:$0x3FAA] =	sst s0  }
0x18: {  	s0 =	sld [smem:$0x3F8D];
	_ =	swait.ge [sflag:s4], $0x0  }
0x19: {  	s7 =	sld [smem:$0x3F8E]  }
0x1a: {  	s8 =	sadd.s32 $0xFFFFE003, lr  }
0x1b: {  	s9 =	sadd.s32 $0xFFFFFEF7, lr;
	s5 =	simm.s32 $0xFFFFFFFF;
	p2 =	slt.u32 s8, $0xFFFFF086  }
0x1c: {  	p1 =	slt.u32 s9, $0xF7A;
	s5 =	simm.s32 @!p2 $0x0  }
0x1d: {  	s5 =	simm.s32 @p1 $0x1;
	p0 =	seq.s32 s7, s2  }
0x1e: {  	s7 =	smul.u32 @!p0 $0xF7A, s2;
	p2 =	seq.s32 @!p0 s5, $0x0  }
0x1f: {  	s9 =	smul.u32 $0xF7A, s1;
	s8 =	simm.s32 @!p0 $0x1BF5;
	p2 =	por !p2, p0  }
0x20: {  	[sflag:s8] =	ssyncset.s32 @!p0 $0xFFFFF086;
	s6 =	sadd.s32 @!p0 s3, s7;
	s7 =	simm.s32 @!p0 $0x108  }
0x21: {  	s3 =	sadd.s32 s3, s9;
	s6 =	sadd.s32 @!p0 $0x88, s6;
	s7 =	simm.s32 @p2 $0x1082  }
0x22: {  	[simem:s7], [sflag:s8] =	dma.local @!p0 [hbm:s6], $0xF7A  }
0x23: {  	s9 =	sor.u32 $0xD0000000, s2;
	s6 =	simm.s32 $0x108;
	_ =	swait.ge @!p0 [sflag:s8], $0x0  }
0x24: {  	s3 =	sadd.s32 $0x88, s3;
	s6 =	simm.s32 @!p1 $0x1082;
	[sflag:s4] =	ssyncset.s32 $0xFFFFF086  }
0x25: {  	[simem:s6], [sflag:s4] =	dma.local [hbm:s3], $0xF7A  }
0x26: {  	[smem:$0x3F8E] =	sst s1;
	(tag) =	ssettag s2;
	_ =	strace s9  }
0x27: {  	s1 =	sld [smem:$0x3F9E]  }
0x28: {  	s2 =	sld [smem:$0x3F9F]  }
0x29: {  	s4 =	sld [smem:$0x3FA1]  }
0x2a: {  	p0 =	seq.s32 s5, $0x0;
	s5 =	sld [smem:$0x3FA2]  }
0x2b: {  	s6 =	sld [smem:$0x3FA3]  }
0x2c: {  	s7 =	sld [smem:$0x3FA4]  }
0x2d: {  	s3 =	simm.s32 $0x108;
	s8 =	sld [smem:$0x3FA5]  }
0x2e: {  	s3 =	simm.s32 @!p0 $0x1082;
	s9 =	sld [smem:$0x3FA6]  }
0x2f: {  	lr =	sadd.s32 s0, s3;
	s0 =	sld [smem:$0x3F9D]  }
0x30: {  	s3 =	sld [smem:$0x3FA0]  }
0x31: {  	[smem:$0x3FA9] =	sst s10  }
0x32: {  	s10 =	sld [smem:$0x3FA7];
	_ =	sdelay $0x3  }
0x33: {  	p0 =	seq.s32 s10, $0x1;
	s10 =	sld [smem:$0x3FA9];
	_ =	sdelay $0x3  }
0x34: {  	[smem:$0x3FA9] =	sst s10  }
0x35: {  	s10 =	sld [smem:$0x3FA8];
	_ =	sdelay $0x3  }
0x36: {  	p1 =	seq.s32 s10, $0x1;
	s10 =	sld [smem:$0x3FA9];
	_ =	sdelay $0x3  }
0x37: {  	[smem:$0x3FA9] =	sst s10  }
0x38: {  	s10 =	sld [smem:$0x3FAA]  }
0x39: {  	_ = 	snop;
	(pc) =	sbr.ind lr, $3  }
0x3a: {  	_ = 	snop  }
0x3b: {  	_ = 	snop  }
0x3c: {  	p2 =	seq.s32 s10, $0x1;
	s10 =	sld [smem:$0x3FA9]  }
0x3d: {  	_ =	shalt  }
0x3e: {  	_ =	shalt  }
0x3f: {  	_ =	shalt  }
0x40: {  	_ =	shalt  }
0x41: {  	_ =	shalt  }
0x42: {  	_ =	shalt  }
0x43: {  	_ =	shalt  }
0x44: {  	_ =	shalt  }
0x45: {  	_ =	shalt  }
0x46: {  	_ =	shalt  }
0x47: {  	_ =	shalt  }
0x48: {  	_ =	shalt  }
0x49: {  	_ =	shalt  }
0x4a: {  	_ =	shalt  }
0x4b: {  	_ =	shalt  }
0x4c: {  	_ =	shalt  }
0x4d: {  	_ =	shalt  }
0x4e: {  	_ =	shalt  }
0x4f: {  	_ =	shalt  }
0x50: {  	_ =	shalt  }
0x51: {  	_ =	shalt  }
0x52: {  	_ =	shalt  }
0x53: {  	_ =	shalt  }
0x54: {  	_ =	shalt  }
0x55: {  	_ =	shalt  }
0x56: {  	_ =	shalt  }
0x57: {  	_ =	shalt  }
0x58: {  	_ =	shalt  }
0x59: {  	_ =	shalt  }
0x5a: {  	_ =	shalt  }
0x5b: {  	_ =	shalt  }
0x5c: {  	_ =	shalt  }
0x5d: {  	_ =	shalt  }
0x5e: {  	_ =	shalt  }
0x5f: {  	_ =	shalt  }
0x60: {  	_ =	shalt  }
0x61: {  	_ =	shalt  }
0x62: {  	_ =	shalt  }
0x63: {  	_ =	shalt  }
0x64: {  	_ =	shalt  }
0x65: {  	_ =	shalt  }
0x66: {  	_ =	shalt  }
0x67: {  	_ =	shalt  }
0x68: {  	_ =	shalt  }
0x69: {  	_ =	shalt  }
0x6a: {  	_ =	shalt  }
0x6b: {  	_ =	shalt  }
0x6c: {  	_ =	shalt  }
0x6d: {  	_ =	shalt  }
0x6e: {  	_ =	shalt  }
0x6f: {  	_ =	shalt  }
0x70: {  	_ =	shalt  }
0x71: {  	_ =	shalt  }
0x72: {  	_ =	shalt  }
0x73: {  	_ =	shalt  }
0x74: {  	_ =	shalt  }
0x75: {  	_ =	shalt  }
0x76: {  	_ =	shalt  }
0x77: {  	_ =	shalt  }
0x78: {  	_ =	shalt  }
0x79: {  	_ =	shalt  }
0x7a: {  	_ =	shalt  }
0x7b: {  	_ =	shalt  }
0x7c: {  	_ =	shalt  }
0x7d: {  	_ =	shalt  }
0x7e: {  	_ =	shalt  }
0x7f: {  	_ =	shalt  }
0x80: {  	_ =	shalt  }
0x81: {  	_ =	shalt  }
0x82: {  	_ =	shalt  }
0x83: {  	_ =	shalt  }
0x84: {  	_ =	shalt  }
0x85: {  	_ =	shalt  }
0x86: {  	_ =	shalt  }
0x87: {  	_ =	shalt  }
.Lfunc_end0:
.L_simem_size_0:
called_computation.7_lowered:
.L_overlay_start_0:
0x88: {  	s2 =	sld [smem:$0x3FD9]  }
0x89: {  	s3 =	sld [smem:$0x3FFE];
	_ =	sdelay $0x1  }
0x8a: {  	s1 =	srdreg.scid  }
0x8b: {  	s0 =	sand.u32 $0x1, s1  }
0x8c: {  	s17 =	sshll.u32 s0, $0xA;
	s2 =	sadd.s32 s3, s2  }
0x8d: {  	s2 =	sadd.s32 s2, s17  }
0x8e: {  	[smem:$0x3FB5] =	sst s2  }
0x8f: {  	_ = 	snop  }
0x90: {  	(tm) =	ssettm $0x1  }
0x91: {  	s18 =	sld [smem:$0x3FFB];
	_ =	sdelay $0x3  }
0x92: {  	_ =	strace s18  }
0x93: {  	s2 =	sld [smem:$0x3FFC];
	_ =	sdelay $0x3  }
0x94: {  	_ =	strace s2  }
0x95: {  	s2 =	sld [smem:$0x3FFD];
	_ =	sdelay $0x3  }
0x96: {  	_ =	strace s2  }
0x97: {  	_ =	strace $0x8FFFFFFF  }
0x98: {  	s19 =	sld [smem:$0x3FDB];
	_ =	sdelay $0x1  }
0x99: {  	s20 =	simm.s32 $_scs_section_size  }
0x9a: {  	s4 =	simm.s32 $_size__tile_overlayer_lowered;
	s5 =	simm.s32 $_tile_overlayer_lowered  }
0x9b: {  	s6 =	simm.s32 $0x1BFF;
	s21 =	sshll.u32 s5, $0x1;
	s3 =	sadd.s32 s20, s19  }
0x9c: {  	s22 =	simm.s32 $0x0;
	s4 =	sshll.u32 s4, $0x1;
	s5 =	sadd.s32 s21, s3  }
0x9d: {  	[timem:s22], [sflag:s6] =	dma.local [hbm:s5], s4  }
0x9e: {  	_ =	swait.ge [sflag:s6], s4  }
0x9f: {  	s4 =	ssub.s32 $0x0, s4;
	[sflag:s6] =	ssyncset.done $0x0  }
0xa0: {  	[sflag:s6] =	ssyncadd.s32 s4;
	_ =	sdelay $0x1  }
0xa1: {  	s23 =	simm.s32 $0x1B8B  }
0xa2: {  	_ =	swait.ge [sflag:s23], $0x1  }
0xa3: {  	[sflag:s23] =	ssyncset.done $0x0  }
0xa4: {  	[sflag:s23] =	ssyncadd.s32 $0xFFFFFFFF  }
0xa5: {  	s4 =	sld [smem:$0x0]  }
0xa6: {  	s5 =	sand.u32 $0xFFFFFFFE, s1  }
0xa7: {  	p0 =	sne.s32 s1, s5  }
0xa8: {  	s5 =	sshll.u32 @p0 s5, $0xE  }
0xa9: {  	s5 =	sadd.s32 @p0 $0x11B8D, s5;
	s6 =	sshll.u32 @p0 s4, $0x11  }
0xaa: {  	s5 =	sor.u32 @p0 s6, s5  }
0xab: {  	[sflag:s5] =	ssyncadd.remote.s32 @p0 $0x1;
	_ =	sdelay $0x1  }
0xac: {  	s5 =	simm.s32 @p0 $0x1B8D  }
0xad: {  	_ =	swait.eq @p0 [sflag:s5], $0x1  }
0xae: {  	[sflag:s5] =	ssyncadd.s32 @p0 $0xFFFFFFFF  }
0xaf: {  	s6 =	sshll.u32 @!p0 s1, $0xE  }
0xb0: {  	s6 =	sor.u32 @!p0 $0x4000, s6;
	s5 =	simm.s32 @!p0 $0x1B8D  }
0xb1: {  	s4 =	sshll.u32 @!p0 s4, $0x11;
	s6 =	sadd.s32 @!p0 $0x11B8D, s6;
	_ =	swait.eq @!p0 [sflag:s5], $0x1  }
0xb2: {  	s4 =	sor.u32 @!p0 s4, s6;
	[sflag:s5] =	ssyncadd.s32 @!p0 $0xFFFFFFFF  }
0xb3: {  	s25 =	simm.s32 $0x1B8E;
	s24 =	sld [smem:$0x3FFE];
	[sflag:s4] =	ssyncadd.remote.s32 @!p0 $0x1  }
0xb4: {  	s26 =	simm.s32 $execute0_lowered;
	[smem:$0x3FD2] =	sst s25  }
0xb5: {  	s5 =	sshll.u32 s26, $0x1;
	_ =	strace $0x8000004F;
	[dreg:$0x1] =	wrdreg $0xFFFFFFFF  }
0xb6: {  	s28 =	simm.s32 $_size_execute0_lowered;
	s3 =	sadd.s32 s3, s5;
	[dreg:$0x0] =	wrdreg $0x0  }
0xb7: {  	s5 =	sshll.u32 s28, $0x1;
	[dreg:$0x2] =	wrdreg s3  }
0xb8: {  	[dreg:$0x3] =	wrdreg s5  }
0xb9: {  	[dreg:$0x4] =	wrdreg $0xC0  }
0xba: {  	_ =	task [dreg:s22], $0x5FFFF  }
0xbb: {  	[dreg:$0x1] =	wrdreg $0xFFFFFFFF  }
0xbc: {  	[dreg:$0x0] =	wrdreg $0x60  }
0xbd: {  	[dreg:$0x2] =	wrdreg s24  }
0xbe: {  	[dreg:$0x3] =	wrdreg $0x41000  }
0xbf: {  	[dreg:$0x4] =	wrdreg $0xB  }
0xc0: {  	_ =	task.clear_ibuf [dreg:s22], $0x5FFFF;
	_ =	strace $0x9000004F  }
0xc1: {  	s29 =	simm.s32 $0xB;
	_ =	strace $0x80000051  }
0xc2: {  	_ =	swait.ge [sflag:s29], $0x1  }
0xc3: {  	[sflag:s29] =	ssyncadd.s32 $0xFFFFFFFF  }
0xc4: {  	_ =	strace $0x90000051  }
0xc5: {  	_ =	sfence  }
0xc6: {  	s30 =	sld [smem:$0x0];
	_ =	sdelay $0x2  }
0xc7: {  	s31 =	sshll.u32 s1, $0xD;
	s1 =	sshrl.u32 s1, $0x2  }
0xc8: {  	s4 =	sand.u32 $0x4000, s31;
	s1 =	sadd.s32 s1, s30  }
0xc9: {  	s0 =	sor.u32 s4, s0;
	s1 =	sshll.u32 s1, $0x11  }
0xca: {  	s0 =	sor.u32 s1, s0  }
0xcb: {  	s0 =	sadd.s32 $0x8F2B, s0  }
0xcc: {  	[sflag:s0] =	ssyncadd.remote.s32 $0x1  }
0xcd: {  	_ =	sfence.sel $0xFFFF  }
0xce: {  	[dreg:$0x0] =	wrdreg $0xFFFFFFFF;
	(pc) =	sbr.abs _section_cstart, $3  }
0xcf: {  	[dreg:$0x1] =	wrdreg $0xFFFFFFFF  }
0xd0: {  	_ =	task.clear_ibuf [dreg:s22], $0x2FFFF;
	_ =	strace $0x9FFFFFFF  }
0xd1: {  	(tm) =	ssettm $0x7FFFFFFF  }
tec
execute0_lowered:
.L_overlay_start_1:
0x0: {  	(tag) =	ssettag $0x1  }
0x1: {  	s6 =	rddreg [dreg:$0x0]  }
0x2: {  	s1 =	rddreg [dreg:$0x1]  }
0x3: {  	s0 =	rddreg [dreg:$0x2]  }
0x4: {  	s2 =	simm.s32 $0x0;
	s3 =	srdreg.scid;
	s22 =	simm.s32 $0x100  }
0x5: {  	s23 =	simm.s32 $0x1;
	[smem:$0x7FF] =	sst s2;
	s5 =	sand.u32 $0x1, s3  }
0x6: {  	s3 =	stileid.u32;
	s17 =	sadd.s32 $0x138A00, s6;
	s7 =	smul.u32 $0x4F00, s5  }
0x7: {  	s4 =	sadd.s32 $0x20200, s6;
	_ =	strace $0x80000050;
	s8 =	smul.u32 $0x50000, s3  }
0x8: {  	s24 =	ssub.s32 $0x2, s5;
	s15 =	smul.u32 $0x140000, s5;
	s5 =	sadd.s32 $0x1DA00, s6  }
0x9: {  	s13 =	smul.u32 $0x14000, s3;
	s26 =	sshll.u32 s3, $0x6;
	s9 =	sshrl.u32 s24, $0x1  }
0xa: {  	s21 =	smul.u32 $0x4F0, s3;
	s16 =	sadd.s32 s7, s6;
	s18 =	ssub.s32 s24, s9  }
0xb: {  	s25 =	sshrl.u32 s8, $0x2;
	s28 =	sadd.s32 s13, s15;
	s7 =	sor.u32 $0x1C02, s26  }
0xc: {  	s29 =	sadd.s32 $0x4000, s13;
	s11 =	sadd.s32 $0x8000, s13;
	s14 =	sadd.s32 $0xC000, s13  }
0xd: {  	s20 =	sadd.s32 $0x10000, s13;
	s24 =	simm.s32 $0x0;
	s6 =	sadd.s32 s25, s1  }
0xe: {  	s8 =	sshrl.u32 s28, $0x3;
	s10 =	sadd.s32 s15, s29;
	s9 =	sadd.s32 s29, s1  }
0xf: {  	s12 =	sadd.s32 s15, s11;
	s11 =	sadd.s32 s11, s1;
	s19 =	sadd.s32 s15, s14  }
0x10: {  	s13 =	sadd.s32 s14, s1;
	s30 =	sadd.s32 s15, s20;
	s15 =	sadd.s32 s20, s1  }
0x11: {  	s31 =	sadd.s32 s21, s16;
	s20 =	simm.s32 $0x2;
	s21 =	simm.s32 $0x80  }
0x12: {  	s8 =	sadd.s32 s17, s8;
	s10 =	sshrl.u32 s10, $0x3;
	s19 =	sshrl.u32 s19, $0x3  }
0x13: {  	s12 =	sshrl.u32 s12, $0x3;
	s14 =	sadd.s32 s17, s19;
	s19 =	sshrl.u32 s30, $0x3  }
0x14: {  	s10 =	sadd.s32 s17, s10;
	s12 =	sadd.s32 s17, s12;
	s16 =	sadd.s32 s17, s19  }
0x15: {  	s17 =	smax.u32 s18, $0x1;
	s18 =	sadd.s32 $0x13C00, s31;
	s19 =	sadd.s32 $0x9E00, s31  }
.LBB2_1:
0x16: {  	s25 =	sshrl.u32 s6, $0x3  }
0x17: {  	[spmem:s25], [sflag:s7] =	dma.local [hbm:s5], $0x2800  }
0x18: {  	_ =	swait.ge [sflag:s20], $0x2800  }
0x19: {  	[sflag:s20] =	ssyncset.done $0x0  }
0x1a: {  	[sflag:s20] =	ssyncadd.s32 $0xFFFFD800  }
0x1b: {  	s30 =	sadd.s32 $0x0, s19;
	[bflag:$0x0] =	sbarrier.arrive $0xFFFF  }
0x1c: {  	[tilespmem:s2], [sflag:$0x2] =	stream.linear.gather [hbm4b:s30+s2], $0x80, $0x38;
	[tilespmem:$0x18100] =	vst v63  }
0x1d: {  	_ =	swait.ge [sflag:s20], $0x80  }
0x1e: {  	[sflag:s20] =	ssyncset.done $0x0  }
0x1f: {  	s31 =	sadd.s32 $0x0, s18;
	[sflag:s20] =	ssyncadd.s32 $0xFFFFFF80  }
0x20: {  	[tilespmem:s21], [sflag:$0x2] =	stream.linear.gather [hbm4b:s31+s2], $0x80, $0x38;
	[tilespmem:$0x18100] =	vst v63  }
0x21: {  	_ =	swait.ge [sflag:s20], $0x80  }
0x22: {  	[sflag:s20] =	ssyncset.done $0x0  }
0x23: {  	[sflag:s20] =	ssyncadd.s32 $0xFFFFFF80  }
0x24: {  	[tilespmem:s22], [sflag:$0x1] =	stream.indirect.gather [hbm4b:s4+s21], $0x80, s2, s21, $0xb8;
	[tilespmem:$0x18100] =	vst v63  }
0x25: {  	_ =	swait.ge [sflag:s23], $0x4000  }
0x26: {  	[sflag:s23] =	ssyncset.done $0x0  }
0x27: {  	[sflag:s23] =	ssyncadd.s32 $0xFFFFC000  }
0x28: {  	[spmem:s1] =	stream.indirect.scatter.add.f32 [tilespmem:s22], [sflag:$0x2], $0x80, s21, s21, $0xb8;
	[tilespmem:$0x18100] =	vst v63  }
0x29: {  	_ =	swait.ge [sflag:s20], $0x4000  }
0x2a: {  	s26 =	simm.s32 $0x20;
	s25 =	simm.s32 $0x10;
	[sflag:s20] =	ssyncset.done $0x0  }
.LBB2_2:
0x2b: {  	s28 =	sadd.s32 s25, s19  }
0x2c: {  	[sflag:s20] =	ssyncadd.s32 $0xFFFFC000;
	s29 =	smov.u32 s26;
	s30 =	sadd.s32 $0x10, s26  }
0x2d: {  	[tilespmem:s2], [sflag:$0x2] =	stream.linear.gather [hbm4b:s28+s2], $0x80, $0x38;
	[tilespmem:$0x18100] =	vst v63  }
0x2e: {  	p0 =	sne.s32 s26, $0x4E0;
	_ =	swait.ge [sflag:s20], $0x80  }
0x2f: {  	[sflag:s20] =	ssyncset.done $0x0  }
0x30: {  	s26 =	sadd.s32 s25, s18;
	s25 =	smov.u32 s29;
	[sflag:s20] =	ssyncadd.s32 $0xFFFFFF80  }
0x31: {  	[tilespmem:s21], [sflag:$0x2] =	stream.linear.gather [hbm4b:s26+s2], $0x80, $0x38;
	[tilespmem:$0x18100] =	vst v63  }
0x32: {  	_ =	swait.ge [sflag:s20], $0x80  }
0x33: {  	[sflag:s20] =	ssyncset.done $0x0  }
0x34: {  	[sflag:s20] =	ssyncadd.s32 $0xFFFFFF80  }
0x35: {  	[tilespmem:s22], [sflag:$0x1] =	stream.indirect.gather [hbm4b:s4+s21], $0x80, s2, s21, $0xb8;
	[tilespmem:$0x18100] =	vst v63  }
0x36: {  	_ =	swait.ge [sflag:s23], $0x4000  }
.Ltmp0:
0x37: {  	[sflag:s23] =	ssyncset.done $0x0;
	(pc) =	sbr.rel @p0 .LBB2_2-.Ltmp0, $4  }
0x38: {  	[sflag:s23] =	ssyncadd.s32 $0xFFFFC000  }
0x39: {  	[spmem:s1] =	stream.indirect.scatter.add.f32 [tilespmem:s22], [sflag:$0x2], $0x80, s21, s21, $0xb8;
	[tilespmem:$0x18100] =	vst v63  }
0x3a: {  	_ =	swait.ge [sflag:s20], $0x4000  }
0x3b: {  	s26 =	smov.u32 s30;
	[sflag:s20] =	ssyncset.done $0x0  }
0x3c: {  	s26 =	sadd.s32 s25, s19;
	[sflag:s20] =	ssyncadd.s32 $0xFFFFC000  }
0x3d: {  	[tilespmem:s2], [sflag:$0x2] =	stream.linear.gather [hbm4b:s26+s2], $0x80, $0x38;
	[tilespmem:$0x18100] =	vst v63  }
0x3e: {  	_ =	swait.ge [sflag:s20], $0x80  }
0x3f: {  	[sflag:s20] =	ssyncset.done $0x0  }
0x40: {  	s31 =	sadd.s32 s25, s18;
	[sflag:s20] =	ssyncadd.s32 $0xFFFFFF80  }
0x41: {  	[tilespmem:s21], [sflag:$0x2] =	stream.linear.gather [hbm4b:s31+s2], $0x80, $0x38;
	[tilespmem:$0x18100] =	vst v63  }
0x42: {  	_ =	swait.ge [sflag:s20], $0x80  }
0x43: {  	[sflag:s20] =	ssyncset.done $0x0  }
0x44: {  	[sflag:s20] =	ssyncadd.s32 $0xFFFFFF80  }
0x45: {  	[tilespmem:s22], [sflag:$0x1] =	stream.indirect.gather [hbm4b:s4+s21], $0x80, s2, s21, $0xb8;
	[tilespmem:$0x18100] =	vst v63  }
0x46: {  	_ =	swait.ge [sflag:s23], $0x4000  }
0x47: {  	[sflag:s23] =	ssyncset.done $0x0  }
0x48: {  	[sflag:s23] =	ssyncadd.s32 $0xFFFFC000  }
0x49: {  	[spmem:s1] =	stream.indirect.scatter.add.f32 [tilespmem:s22], [sflag:$0x2], $0x80, s21, s21, $0xb8;
	[tilespmem:$0x18100] =	vst v63  }
0x4a: {  	_ =	swait.ge [sflag:s20], $0x4000  }
0x4b: {  	[sflag:s20] =	ssyncset.done $0x0  }
0x4c: {  	[sflag:s20] =	ssyncadd.s32 $0xFFFFC000  }
0x4d: {  	[bflag:$0x0] =	sbarrier.arrive $0xFFFF  }
0x4e: {  	[tilespmem:s22], [sflag:$0x2] =	stream.linear.gather [spmem:s6], $0x4000, $0x38;
	[tilespmem:$0x18100] =	vst v63  }
0x4f: {  	_ =	swait.ge [sflag:s20], $0x4000  }
0x50: {  	[sflag:s20] =	ssyncset.done $0x0  }
0x51: {  	[sflag:s20] =	ssyncadd.s32 $0xFFFFC000  }
0x52: {  	[hbm4b:s8+s2] =	stream.linear.scatter [tilespmem:s22], [sflag:$0x2], $0x4000, $0x38;
	[tilespmem:$0x18100] =	vst v63  }
0x53: {  	_ =	swait.ge [sflag:s20], $0x4000  }
0x54: {  	[sflag:s20] =	ssyncset.done $0x0  }
0x55: {  	[sflag:s20] =	ssyncadd.s32 $0xFFFFC000  }
0x56: {  	[tilespmem:s22], [sflag:$0x2] =	stream.linear.gather [spmem:s9], $0x4000, $0x38;
	[tilespmem:$0x18100] =	vst v63  }
0x57: {  	_ =	swait.ge [sflag:s20], $0x4000  }
0x58: {  	[sflag:s20] =	ssyncset.done $0x0  }
0x59: {  	[sflag:s20] =	ssyncadd.s32 $0xFFFFC000  }
0x5a: {  	[hbm4b:s10+s2] =	stream.linear.scatter [tilespmem:s22], [sflag:$0x2], $0x4000, $0x38;
	[tilespmem:$0x18100] =	vst v63  }
0x5b: {  	_ =	swait.ge [sflag:s20], $0x4000  }
0x5c: {  	[sflag:s20] =	ssyncset.done $0x0  }
0x5d: {  	[sflag:s20] =	ssyncadd.s32 $0xFFFFC000  }
0x5e: {  	[tilespmem:s22], [sflag:$0x2] =	stream.linear.gather [spmem:s11], $0x4000, $0x38;
	[tilespmem:$0x18100] =	vst v63  }
0x5f: {  	_ =	swait.ge [sflag:s20], $0x4000  }
0x60: {  	[sflag:s20] =	ssyncset.done $0x0  }
0x61: {  	[sflag:s20] =	ssyncadd.s32 $0xFFFFC000  }
0x62: {  	[hbm4b:s12+s2] =	stream.linear.scatter [tilespmem:s22], [sflag:$0x2], $0x4000, $0x38;
	[tilespmem:$0x18100] =	vst v63  }
0x63: {  	_ =	swait.ge [sflag:s20], $0x4000  }
0x64: {  	[sflag:s20] =	ssyncset.done $0x0  }
0x65: {  	[sflag:s20] =	ssyncadd.s32 $0xFFFFC000  }
0x66: {  	[tilespmem:s22], [sflag:$0x2] =	stream.linear.gather [spmem:s13], $0x4000, $0x38;
	[tilespmem:$0x18100] =	vst v63  }
0x67: {  	_ =	swait.ge [sflag:s20], $0x4000  }
0x68: {  	[sflag:s20] =	ssyncset.done $0x0  }
0x69: {  	[sflag:s20] =	ssyncadd.s32 $0xFFFFC000  }
0x6a: {  	[hbm4b:s14+s2] =	stream.linear.scatter [tilespmem:s22], [sflag:$0x2], $0x4000, $0x38;
	[tilespmem:$0x18100] =	vst v63  }
0x6b: {  	_ =	swait.ge [sflag:s20], $0x4000  }
0x6c: {  	[sflag:s20] =	ssyncset.done $0x0  }
0x6d: {  	[sflag:s20] =	ssyncadd.s32 $0xFFFFC000  }
0x6e: {  	[tilespmem:s22], [sflag:$0x2] =	stream.linear.gather [spmem:s15], $0x4000, $0x38;
	[tilespmem:$0x18100] =	vst v63  }
0x6f: {  	s24 =	sadd.s32 $0x1, s24;
	_ =	swait.ge [sflag:s20], $0x4000  }
0x70: {  	p0 =	sne.s32 s24, s17;
	[sflag:s20] =	ssyncset.done $0x0  }
.Ltmp1:
0x71: {  	[sflag:s20] =	ssyncadd.s32 $0xFFFFC000;
	(pc) =	sbr.rel @p0 .LBB2_1-.Ltmp1, $4  }
0x72: {  	[hbm4b:s16+s2] =	stream.linear.scatter [tilespmem:s22], [sflag:$0x2], $0x4000, $0x38;
	[tilespmem:$0x18100] =	vst v63  }
0x73: {  	_ =	swait.ge [sflag:s20], $0x4000  }
0x74: {  	[sflag:s20] =	ssyncset.done $0x0  }
0x75: {  	[sflag:s20] =	ssyncadd.s32 $0xFFFFC000  }
0x76: {  	_ =	sfence.sel $0x180000  }
0x77: {  	[bflag:$0x0] =	sbarrier.arrive $0xFFFF  }
0x78: {  	p0 =	sne.s32 s3, $0x0;
	_ =	strace $0x90000050  }
0x79: {  	s0 =	sadd.s32 @!p0 $0x100000, s0;
	[bflag:$0x2] =	sbarrier.arrive $0xFFFF  }
0x7a: {  	[sflag:s0] =	ssyncadd.tile.s32 @!p0 $0x1;
	_ =	shalt  }
.Lfunc_end2:
_tile_overlayer_lowered:
.L_overlay_start_2:
0x7b: {  	(tag) =	ssettag $0x2  }
0x7c: {  	s0 =	rddreg [dreg:$0x0];
	s2 =	stileid.u32  }
0x7d: {  	s1 =	rddreg [dreg:$0x1];
	p0 =	sne.s32 s2, $0x0  }
0x7e: {  	s3 =	rddreg [dreg:$0x2];
	[bflag:$0x3] =	sbarrier.arrive $0xFFFF;
	s2 =	simm.s32 @!p0 $0x1C02  }
0x7f: {  	[timem:s3], [sflag:s2] =	dma.local @!p0 [hbm:s0], s1  }
0x80: {  	s0 =	simm.s32 @!p0 $0x2  }
0x81: {  	_ =	swait.ge @!p0 [sflag:s0], s1  }
0x82: {  	s1 =	ssub.s32 @!p0 $0x0, s1;
	[sflag:s0] =	ssyncset.done @!p0 $0x0  }
0x83: {  	[sflag:s0] =	ssyncadd.s32 @!p0 s1  }
0x84: {  	[bflag:$0x3] =	sbarrier.arrive $0xFFFF  }
0x85: {  	_ =	shalt  }

// kernel: kernel.45.cloned.1.call-start
scs
__scs_entry_jumppad:
0x0: {  	(pc) =	sbr.rel $0x88, $3  }
0x1: {  	(tag) =	ssettag $0x0;
	lr =	simm.s32 $0x1  }
0x2: {  	[smem:$0x3F8E] =	sst lr;
	_ =	strace $0xD0000000  }
0x3: {  	_ = 	snop  }
0x4: {  	_ = 	snop  }
0x5: {  	_ = 	snop  }
0x6: {  	_ = 	snop  }
0x7: {  	_ = 	snop  }
__scs_overlays_trampoline_lowered:
0x8: {  	[smem:$0x3F9D] =	sst s0  }
0x9: {  	[smem:$0x3F9E] =	sst s1  }
0xa: {  	[smem:$0x3F9F] =	sst s2  }
0xb: {  	[smem:$0x3FA0] =	sst s3  }
0xc: {  	[smem:$0x3FA1] =	sst s4  }
0xd: {  	[smem:$0x3FA2] =	sst s5  }
0xe: {  	[smem:$0x3FA3] =	sst s6  }
0xf: {  	[smem:$0x3FA4] =	sst s7  }
0x10: {  	[smem:$0x3FA5] =	sst s8  }
0x11: {  	[smem:$0x3FA6] =	sst s9;
	s0 =	simm.s32 @!p0 $0x0  }
0x12: {  	s1 =	sld [smem:$0x3F8C];
	s0 =	simm.s32 @p0 $0x1  }
0x13: {  	[smem:$0x3FA7] =	sst s0;
	s0 =	simm.s32 @!p1 $0x0  }
0x14: {  	s2 =	sld [smem:$0x3F8B];
	s0 =	simm.s32 @p1 $0x1  }
0x15: {  	[smem:$0x3FA8] =	sst s0;
	s0 =	simm.s32 @!p2 $0x0  }
0x16: {  	s3 =	sld [smem:$0x3FDB];
	s0 =	simm.s32 @p2 $0x1  }
0x17: {  	s4 =	simm.s32 $0x1BF5;
	[smem:$0x3FAA] =	sst s0  }
0x18: {  	s0 =	sld [smem:$0x3F8D];
	_ =	swait.ge [sflag:s4], $0x0  }
0x19: {  	s7 =	sld [smem:$0x3F8E]  }
0x1a: {  	s8 =	sadd.s32 $0xFFFFE003, lr  }
0x1b: {  	s9 =	sadd.s32 $0xFFFFFEF7, lr;
	s5 =	simm.s32 $0xFFFFFFFF;
	p2 =	slt.u32 s8, $0xFFFFF086  }
0x1c: {  	p1 =	slt.u32 s9, $0xF7A;
	s5 =	simm.s32 @!p2 $0x0  }
0x1d: {  	s5 =	simm.s32 @p1 $0x1;
	p0 =	seq.s32 s7, s2  }
0x1e: {  	s7 =	smul.u32 @!p0 $0xF7A, s2;
	p2 =	seq.s32 @!p0 s5, $0x0  }
0x1f: {  	s9 =	smul.u32 $0xF7A, s1;
	s8 =	simm.s32 @!p0 $0x1BF5;
	p2 =	por !p2, p0  }
0x20: {  	[sflag:s8] =	ssyncset.s32 @!p0 $0xFFFFF086;
	s6 =	sadd.s32 @!p0 s3, s7;
	s7 =	simm.s32 @!p0 $0x108  }
0x21: {  	s3 =	sadd.s32 s3, s9;
	s6 =	sadd.s32 @!p0 $0x88, s6;
	s7 =	simm.s32 @p2 $0x1082  }
0x22: {  	[simem:s7], [sflag:s8] =	dma.local @!p0 [hbm:s6], $0xF7A  }
0x23: {  	s9 =	sor.u32 $0xD0000000, s2;
	s6 =	simm.s32 $0x108;
	_ =	swait.ge @!p0 [sflag:s8], $0x0  }
0x24: {  	s3 =	sadd.s32 $0x88, s3;
	s6 =	simm.s32 @!p1 $0x1082;
	[sflag:s4] =	ssyncset.s32 $0xFFFFF086  }
0x25: {  	[simem:s6], [sflag:s4] =	dma.local [hbm:s3], $0xF7A  }
0x26: {  	[smem:$0x3F8E] =	sst s1;
	(tag) =	ssettag s2;
	_ =	strace s9  }
0x27: {  	s1 =	sld [smem:$0x3F9E]  }
0x28: {  	s2 =	sld [smem:$0x3F9F]  }
0x29: {  	s4 =	sld [smem:$0x3FA1]  }
0x2a: {  	p0 =	seq.s32 s5, $0x0;
	s5 =	sld [smem:$0x3FA2]  }
0x2b: {  	s6 =	sld [smem:$0x3FA3]  }
0x2c: {  	s7 =	sld [smem:$0x3FA4]  }
0x2d: {  	s3 =	simm.s32 $0x108;
	s8 =	sld [smem:$0x3FA5]  }
0x2e: {  	s3 =	simm.s32 @!p0 $0x1082;
	s9 =	sld [smem:$0x3FA6]  }
0x2f: {  	lr =	sadd.s32 s0, s3;
	s0 =	sld [smem:$0x3F9D]  }
0x30: {  	s3 =	sld [smem:$0x3FA0]  }
0x31: {  	[smem:$0x3FA9] =	sst s10  }
0x32: {  	s10 =	sld [smem:$0x3FA7];
	_ =	sdelay $0x3  }
0x33: {  	p0 =	seq.s32 s10, $0x1;
	s10 =	sld [smem:$0x3FA9];
	_ =	sdelay $0x3  }
0x34: {  	[smem:$0x3FA9] =	sst s10  }
0x35: {  	s10 =	sld [smem:$0x3FA8];
	_ =	sdelay $0x3  }
0x36: {  	p1 =	seq.s32 s10, $0x1;
	s10 =	sld [smem:$0x3FA9];
	_ =	sdelay $0x3  }
0x37: {  	[smem:$0x3FA9] =	sst s10  }
0x38: {  	s10 =	sld [smem:$0x3FAA]  }
0x39: {  	_ = 	snop;
	(pc) =	sbr.ind lr, $3  }
0x3a: {  	_ = 	snop  }
0x3b: {  	_ = 	snop  }
0x3c: {  	p2 =	seq.s32 s10, $0x1;
	s10 =	sld [smem:$0x3FA9]  }
0x3d: {  	_ =	shalt  }
0x3e: {  	_ =	shalt  }
0x3f: {  	_ =	shalt  }
0x40: {  	_ =	shalt  }
0x41: {  	_ =	shalt  }
0x42: {  	_ =	shalt  }
0x43: {  	_ =	shalt  }
0x44: {  	_ =	shalt  }
0x45: {  	_ =	shalt  }
0x46: {  	_ =	shalt  }
0x47: {  	_ =	shalt  }
0x48: {  	_ =	shalt  }
0x49: {  	_ =	shalt  }
0x4a: {  	_ =	shalt  }
0x4b: {  	_ =	shalt  }
0x4c: {  	_ =	shalt  }
0x4d: {  	_ =	shalt  }
0x4e: {  	_ =	shalt  }
0x4f: {  	_ =	shalt  }
0x50: {  	_ =	shalt  }
0x51: {  	_ =	shalt  }
0x52: {  	_ =	shalt  }
0x53: {  	_ =	shalt  }
0x54: {  	_ =	shalt  }
0x55: {  	_ =	shalt  }
0x56: {  	_ =	shalt  }
0x57: {  	_ =	shalt  }
0x58: {  	_ =	shalt  }
0x59: {  	_ =	shalt  }
0x5a: {  	_ =	shalt  }
0x5b: {  	_ =	shalt  }
0x5c: {  	_ =	shalt  }
0x5d: {  	_ =	shalt  }
0x5e: {  	_ =	shalt  }
0x5f: {  	_ =	shalt  }
0x60: {  	_ =	shalt  }
0x61: {  	_ =	shalt  }
0x62: {  	_ =	shalt  }
0x63: {  	_ =	shalt  }
0x64: {  	_ =	shalt  }
0x65: {  	_ =	shalt  }
0x66: {  	_ =	shalt  }
0x67: {  	_ =	shalt  }
0x68: {  	_ =	shalt  }
0x69: {  	_ =	shalt  }
0x6a: {  	_ =	shalt  }
0x6b: {  	_ =	shalt  }
0x6c: {  	_ =	shalt  }
0x6d: {  	_ =	shalt  }
0x6e: {  	_ =	shalt  }
0x6f: {  	_ =	shalt  }
0x70: {  	_ =	shalt  }
0x71: {  	_ =	shalt  }
0x72: {  	_ =	shalt  }
0x73: {  	_ =	shalt  }
0x74: {  	_ =	shalt  }
0x75: {  	_ =	shalt  }
0x76: {  	_ =	shalt  }
0x77: {  	_ =	shalt  }
0x78: {  	_ =	shalt  }
0x79: {  	_ =	shalt  }
0x7a: {  	_ =	shalt  }
0x7b: {  	_ =	shalt  }
0x7c: {  	_ =	shalt  }
0x7d: {  	_ =	shalt  }
0x7e: {  	_ =	shalt  }
0x7f: {  	_ =	shalt  }
0x80: {  	_ =	shalt  }
0x81: {  	_ =	shalt  }
0x82: {  	_ =	shalt  }
0x83: {  	_ =	shalt  }
0x84: {  	_ =	shalt  }
0x85: {  	_ =	shalt  }
0x86: {  	_ =	shalt  }
0x87: {  	_ =	shalt  }
.Lfunc_end0:
.L_simem_size_0:
called_computation.8_lowered:
.L_overlay_start_0:
0x88: {  	s2 =	sld [smem:$0x3FD9]  }
0x89: {  	s3 =	sld [smem:$0x3FFE];
	_ =	sdelay $0x1  }
0x8a: {  	s1 =	srdreg.scid  }
0x8b: {  	s0 =	sand.u32 $0x1, s1  }
0x8c: {  	s17 =	sshll.u32 s0, $0xA;
	s2 =	sadd.s32 s3, s2  }
0x8d: {  	s2 =	sadd.s32 s2, s17  }
0x8e: {  	[smem:$0x3FB5] =	sst s2  }
0x8f: {  	_ = 	snop  }
0x90: {  	(tm) =	ssettm $0x1  }
0x91: {  	s18 =	sld [smem:$0x3FFB];
	_ =	sdelay $0x3  }
0x92: {  	_ =	strace s18  }
0x93: {  	s2 =	sld [smem:$0x3FFC];
	_ =	sdelay $0x3  }
0x94: {  	_ =	strace s2  }
0x95: {  	s2 =	sld [smem:$0x3FFD];
	_ =	sdelay $0x3  }
0x96: {  	_ =	strace s2  }
0x97: {  	_ =	strace $0x8FFFFFFF  }
0x98: {  	s19 =	sld [smem:$0x3FDB];
	_ =	sdelay $0x1  }
0x99: {  	s20 =	simm.s32 $_scs_section_size  }
0x9a: {  	s4 =	simm.s32 $_size__tile_overlayer_lowered;
	s5 =	simm.s32 $_tile_overlayer_lowered  }
0x9b: {  	s6 =	simm.s32 $0x1BFF;
	s21 =	sshll.u32 s5, $0x1;
	s3 =	sadd.s32 s20, s19  }
0x9c: {  	s22 =	simm.s32 $0x0;
	s4 =	sshll.u32 s4, $0x1;
	s5 =	sadd.s32 s21, s3  }
0x9d: {  	[timem:s22], [sflag:s6] =	dma.local [hbm:s5], s4  }
0x9e: {  	_ =	swait.ge [sflag:s6], s4  }
0x9f: {  	s4 =	ssub.s32 $0x0, s4;
	[sflag:s6] =	ssyncset.done $0x0  }
0xa0: {  	[sflag:s6] =	ssyncadd.s32 s4;
	_ =	sdelay $0x1  }
0xa1: {  	s23 =	simm.s32 $0x1B8B  }
0xa2: {  	_ =	swait.ge [sflag:s23], $0x1  }
0xa3: {  	[sflag:s23] =	ssyncset.done $0x0  }
0xa4: {  	[sflag:s23] =	ssyncadd.s32 $0xFFFFFFFF  }
0xa5: {  	s4 =	sld [smem:$0x0]  }
0xa6: {  	s5 =	sand.u32 $0xFFFFFFFE, s1  }
0xa7: {  	p0 =	sne.s32 s1, s5  }
0xa8: {  	s5 =	sshll.u32 @p0 s5, $0xE  }
0xa9: {  	s5 =	sadd.s32 @p0 $0x11B8D, s5;
	s6 =	sshll.u32 @p0 s4, $0x11  }
0xaa: {  	s5 =	sor.u32 @p0 s6, s5  }
0xab: {  	[sflag:s5] =	ssyncadd.remote.s32 @p0 $0x1;
	_ =	sdelay $0x1  }
0xac: {  	s5 =	simm.s32 @p0 $0x1B8D  }
0xad: {  	_ =	swait.eq @p0 [sflag:s5], $0x1  }
0xae: {  	[sflag:s5] =	ssyncadd.s32 @p0 $0xFFFFFFFF  }
0xaf: {  	s6 =	sshll.u32 @!p0 s1, $0xE  }
0xb0: {  	s6 =	sor.u32 @!p0 $0x4000, s6;
	s5 =	simm.s32 @!p0 $0x1B8D  }
0xb1: {  	s4 =	sshll.u32 @!p0 s4, $0x11;
	s6 =	sadd.s32 @!p0 $0x11B8D, s6;
	_ =	swait.eq @!p0 [sflag:s5], $0x1  }
0xb2: {  	s4 =	sor.u32 @!p0 s4, s6;
	[sflag:s5] =	ssyncadd.s32 @!p0 $0xFFFFFFFF  }
0xb3: {  	s25 =	simm.s32 $0x1B8E;
	s24 =	sld [smem:$0x3FFE];
	[sflag:s4] =	ssyncadd.remote.s32 @!p0 $0x1  }
0xb4: {  	s26 =	simm.s32 $execute0_lowered;
	[smem:$0x3FD2] =	sst s25  }
0xb5: {  	s5 =	sshll.u32 s26, $0x1;
	_ =	strace $0x80000058;
	[dreg:$0x1] =	wrdreg $0xFFFFFFFF  }
0xb6: {  	s28 =	simm.s32 $_size_execute0_lowered;
	s3 =	sadd.s32 s3, s5;
	[dreg:$0x0] =	wrdreg $0x0  }
0xb7: {  	s5 =	sshll.u32 s28, $0x1;
	[dreg:$0x2] =	wrdreg s3  }
0xb8: {  	[dreg:$0x3] =	wrdreg s5  }
0xb9: {  	[dreg:$0x4] =	wrdreg $0xC0  }
0xba: {  	_ =	task [dreg:s22], $0x5FFFF  }
0xbb: {  	[dreg:$0x1] =	wrdreg $0xFFFFFFFF  }
0xbc: {  	[dreg:$0x0] =	wrdreg $0x60  }
0xbd: {  	[dreg:$0x2] =	wrdreg s24  }
0xbe: {  	[dreg:$0x3] =	wrdreg $0x41000  }
0xbf: {  	[dreg:$0x4] =	wrdreg $0xB  }
0xc0: {  	_ =	task.clear_ibuf [dreg:s22], $0x5FFFF;
	_ =	strace $0x90000058  }
0xc1: {  	s29 =	simm.s32 $0xB;
	_ =	strace $0x8000005A  }
0xc2: {  	_ =	swait.ge [sflag:s29], $0x1  }
0xc3: {  	[sflag:s29] =	ssyncadd.s32 $0xFFFFFFFF  }
0xc4: {  	_ =	strace $0x9000005A  }
0xc5: {  	_ =	sfence  }
0xc6: {  	s30 =	sld [smem:$0x0];
	_ =	sdelay $0x2  }
0xc7: {  	s31 =	sshll.u32 s1, $0xD;
	s1 =	sshrl.u32 s1, $0x2  }
0xc8: {  	s4 =	sand.u32 $0x4000, s31;
	s1 =	sadd.s32 s1, s30  }
0xc9: {  	s0 =	sor.u32 s4, s0;
	s1 =	sshll.u32 s1, $0x11  }
0xca: {  	s0 =	sor.u32 s1, s0  }
0xcb: {  	s0 =	sadd.s32 $0x8F2B, s0  }
0xcc: {  	[sflag:s0] =	ssyncadd.remote.s32 $0x1  }
0xcd: {  	_ =	sfence.sel $0xFFFF  }
0xce: {  	[dreg:$0x0] =	wrdreg $0xFFFFFFFF;
	(pc) =	sbr.abs _section_cstart, $3  }
0xcf: {  	[dreg:$0x1] =	wrdreg $0xFFFFFFFF  }
0xd0: {  	_ =	task.clear_ibuf [dreg:s22], $0x2FFFF;
	_ =	strace $0x9FFFFFFF  }
0xd1: {  	(tm) =	ssettm $0x7FFFFFFF  }
tec
execute0_lowered:
.L_overlay_start_1:
0x0: {  	(tag) =	ssettag $0x1  }
0x1: {  	s6 =	rddreg [dreg:$0x0]  }
0x2: {  	s1 =	rddreg [dreg:$0x1]  }
0x3: {  	s0 =	rddreg [dreg:$0x2]  }
0x4: {  	s2 =	simm.s32 $0x0;
	s3 =	srdreg.scid;
	s22 =	simm.s32 $0x100  }
0x5: {  	s23 =	simm.s32 $0x1;
	[smem:$0x7FF] =	sst s2;
	s5 =	sand.u32 $0x1, s3  }
0x6: {  	s3 =	stileid.u32;
	s17 =	sadd.s32 $0x138A00, s6;
	s7 =	smul.u32 $0x4F00, s5  }
0x7: {  	s4 =	sadd.s32 $0x20200, s6;
	_ =	strace $0x80000059;
	s8 =	smul.u32 $0x50000, s3  }
0x8: {  	s24 =	ssub.s32 $0x2, s5;
	s15 =	smul.u32 $0x140000, s5;
	s5 =	sadd.s32 $0x1DA00, s6  }
0x9: {  	s13 =	smul.u32 $0x14000, s3;
	s26 =	sshll.u32 s3, $0x6;
	s9 =	sshrl.u32 s24, $0x1  }
0xa: {  	s21 =	smul.u32 $0x4F0, s3;
	s16 =	sadd.s32 s7, s6;
	s18 =	ssub.s32 s24, s9  }
0xb: {  	s25 =	sshrl.u32 s8, $0x2;
	s28 =	sadd.s32 s13, s15;
	s7 =	sor.u32 $0x1C02, s26  }
0xc: {  	s29 =	sadd.s32 $0x4000, s13;
	s11 =	sadd.s32 $0x8000, s13;
	s14 =	sadd.s32 $0xC000, s13  }
0xd: {  	s20 =	sadd.s32 $0x10000, s13;
	s24 =	simm.s32 $0x0;
	s6 =	sadd.s32 s25, s1  }
0xe: {  	s8 =	sshrl.u32 s28, $0x3;
	s10 =	sadd.s32 s15, s29;
	s9 =	sadd.s32 s29, s1  }
0xf: {  	s12 =	sadd.s32 s15, s11;
	s11 =	sadd.s32 s11, s1;
	s19 =	sadd.s32 s15, s14  }
0x10: {  	s13 =	sadd.s32 s14, s1;
	s30 =	sadd.s32 s15, s20;
	s15 =	sadd.s32 s20, s1  }
0x11: {  	s31 =	sadd.s32 s21, s16;
	s20 =	simm.s32 $0x2;
	s21 =	simm.s32 $0x80  }
0x12: {  	s8 =	sadd.s32 s17, s8;
	s10 =	sshrl.u32 s10, $0x3;
	s19 =	sshrl.u32 s19, $0x3  }
0x13: {  	s12 =	sshrl.u32 s12, $0x3;
	s14 =	sadd.s32 s17, s19;
	s19 =	sshrl.u32 s30, $0x3  }
0x14: {  	s10 =	sadd.s32 s17, s10;
	s12 =	sadd.s32 s17, s12;
	s16 =	sadd.s32 s17, s19  }
0x15: {  	s17 =	smax.u32 s18, $0x1;
	s18 =	sadd.s32 $0x13C00, s31;
	s19 =	sadd.s32 $0x9E00, s31  }
.LBB2_1:
0x16: {  	s25 =	sshrl.u32 s6, $0x3  }
0x17: {  	[spmem:s25], [sflag:s7] =	dma.local [hbm:s5], $0x2800  }
0x18: {  	_ =	swait.ge [sflag:s20], $0x2800  }
0x19: {  	[sflag:s20] =	ssyncset.done $0x0  }
0x1a: {  	[sflag:s20] =	ssyncadd.s32 $0xFFFFD800  }
0x1b: {  	s30 =	sadd.s32 $0x0, s19;
	[bflag:$0x0] =	sbarrier.arrive $0xFFFF  }
0x1c: {  	[tilespmem:s2], [sflag:$0x2] =	stream.linear.gather [hbm4b:s30+s2], $0x80, $0x38;
	[tilespmem:$0x18100] =	vst v63  }
0x1d: {  	_ =	swait.ge [sflag:s20], $0x80  }
0x1e: {  	[sflag:s20] =	ssyncset.done $0x0  }
0x1f: {  	s31 =	sadd.s32 $0x0, s18;
	[sflag:s20] =	ssyncadd.s32 $0xFFFFFF80  }
0x20: {  	[tilespmem:s21], [sflag:$0x2] =	stream.linear.gather [hbm4b:s31+s2], $0x80, $0x38;
	[tilespmem:$0x18100] =	vst v63  }
0x21: {  	_ =	swait.ge [sflag:s20], $0x80  }
0x22: {  	[sflag:s20] =	ssyncset.done $0x0  }
0x23: {  	[sflag:s20] =	ssyncadd.s32 $0xFFFFFF80  }
0x24: {  	[tilespmem:s22], [sflag:$0x1] =	stream.indirect.gather [hbm4b:s4+s21], $0x80, s2, s21, $0xb8;
	[tilespmem:$0x18100] =	vst v63  }
0x25: {  	_ =	swait.ge [sflag:s23], $0x4000  }
0x26: {  	[sflag:s23] =	ssyncset.done $0x0  }
0x27: {  	[sflag:s23] =	ssyncadd.s32 $0xFFFFC000  }
0x28: {  	[spmem:s1] =	stream.indirect.scatter.add.f32 [tilespmem:s22], [sflag:$0x2], $0x80, s21, s21, $0xb8;
	[tilespmem:$0x18100] =	vst v63  }
0x29: {  	_ =	swait.ge [sflag:s20], $0x4000  }
0x2a: {  	s26 =	simm.s32 $0x20;
	s25 =	simm.s32 $0x10;
	[sflag:s20] =	ssyncset.done $0x0  }
.LBB2_2:
0x2b: {  	s28 =	sadd.s32 s25, s19  }
0x2c: {  	[sflag:s20] =	ssyncadd.s32 $0xFFFFC000;
	s29 =	smov.u32 s26;
	s30 =	sadd.s32 $0x10, s26  }
0x2d: {  	[tilespmem:s2], [sflag:$0x2] =	stream.linear.gather [hbm4b:s28+s2], $0x80, $0x38;
	[tilespmem:$0x18100] =	vst v63  }
0x2e: {  	p0 =	sne.s32 s26, $0x4E0;
	_ =	swait.ge [sflag:s20], $0x80  }
0x2f: {  	[sflag:s20] =	ssyncset.done $0x0  }
0x30: {  	s26 =	sadd.s32 s25, s18;
	s25 =	smov.u32 s29;
	[sflag:s20] =	ssyncadd.s32 $0xFFFFFF80  }
0x31: {  	[tilespmem:s21], [sflag:$0x2] =	stream.linear.gather [hbm4b:s26+s2], $0x80, $0x38;
	[tilespmem:$0x18100] =	vst v63  }
0x32: {  	_ =	swait.ge [sflag:s20], $0x80  }
0x33: {  	[sflag:s20] =	ssyncset.done $0x0  }
0x34: {  	[sflag:s20] =	ssyncadd.s32 $0xFFFFFF80  }
0x35: {  	[tilespmem:s22], [sflag:$0x1] =	stream.indirect.gather [hbm4b:s4+s21], $0x80, s2, s21, $0xb8;
	[tilespmem:$0x18100] =	vst v63  }
0x36: {  	_ =	swait.ge [sflag:s23], $0x4000  }
.Ltmp0:
0x37: {  	[sflag:s23] =	ssyncset.done $0x0;
	(pc) =	sbr.rel @p0 .LBB2_2-.Ltmp0, $4  }
0x38: {  	[sflag:s23] =	ssyncadd.s32 $0xFFFFC000  }
0x39: {  	[spmem:s1] =	stream.indirect.scatter.add.f32 [tilespmem:s22], [sflag:$0x2], $0x80, s21, s21, $0xb8;
	[tilespmem:$0x18100] =	vst v63  }
0x3a: {  	_ =	swait.ge [sflag:s20], $0x4000  }
0x3b: {  	s26 =	smov.u32 s30;
	[sflag:s20] =	ssyncset.done $0x0  }
0x3c: {  	s26 =	sadd.s32 s25, s19;
	[sflag:s20] =	ssyncadd.s32 $0xFFFFC000  }
0x3d: {  	[tilespmem:s2], [sflag:$0x2] =	stream.linear.gather [hbm4b:s26+s2], $0x80, $0x38;
	[tilespmem:$0x18100] =	vst v63  }
0x3e: {  	_ =	swait.ge [sflag:s20], $0x80  }
0x3f: {  	[sflag:s20] =	ssyncset.done $0x0  }
0x40: {  	s31 =	sadd.s32 s25, s18;
	[sflag:s20] =	ssyncadd.s32 $0xFFFFFF80  }
0x41: {  	[tilespmem:s21], [sflag:$0x2] =	stream.linear.gather [hbm4b:s31+s2], $0x80, $0x38;
	[tilespmem:$0x18100] =	vst v63  }
0x42: {  	_ =	swait.ge [sflag:s20], $0x80  }
0x43: {  	[sflag:s20] =	ssyncset.done $0x0  }
0x44: {  	[sflag:s20] =	ssyncadd.s32 $0xFFFFFF80  }
0x45: {  	[tilespmem:s22], [sflag:$0x1] =	stream.indirect.gather [hbm4b:s4+s21], $0x80, s2, s21, $0xb8;
	[tilespmem:$0x18100] =	vst v63  }
0x46: {  	_ =	swait.ge [sflag:s23], $0x4000  }
0x47: {  	[sflag:s23] =	ssyncset.done $0x0  }
0x48: {  	[sflag:s23] =	ssyncadd.s32 $0xFFFFC000  }
0x49: {  	[spmem:s1] =	stream.indirect.scatter.add.f32 [tilespmem:s22], [sflag:$0x2], $0x80, s21, s21, $0xb8;
	[tilespmem:$0x18100] =	vst v63  }
0x4a: {  	_ =	swait.ge [sflag:s20], $0x4000  }
0x4b: {  	[sflag:s20] =	ssyncset.done $0x0  }
0x4c: {  	[sflag:s20] =	ssyncadd.s32 $0xFFFFC000  }
0x4d: {  	[bflag:$0x0] =	sbarrier.arrive $0xFFFF  }
0x4e: {  	[tilespmem:s22], [sflag:$0x2] =	stream.linear.gather [spmem:s6], $0x4000, $0x38;
	[tilespmem:$0x18100] =	vst v63  }
0x4f: {  	_ =	swait.ge [sflag:s20], $0x4000  }
0x50: {  	[sflag:s20] =	ssyncset.done $0x0  }
0x51: {  	[sflag:s20] =	ssyncadd.s32 $0xFFFFC000  }
0x52: {  	[hbm4b:s8+s2] =	stream.linear.scatter [tilespmem:s22], [sflag:$0x2], $0x4000, $0x38;
	[tilespmem:$0x18100] =	vst v63  }
0x53: {  	_ =	swait.ge [sflag:s20], $0x4000  }
0x54: {  	[sflag:s20] =	ssyncset.done $0x0  }
0x55: {  	[sflag:s20] =	ssyncadd.s32 $0xFFFFC000  }
0x56: {  	[tilespmem:s22], [sflag:$0x2] =	stream.linear.gather [spmem:s9], $0x4000, $0x38;
	[tilespmem:$0x18100] =	vst v63  }
0x57: {  	_ =	swait.ge [sflag:s20], $0x4000  }
0x58: {  	[sflag:s20] =	ssyncset.done $0x0  }
0x59: {  	[sflag:s20] =	ssyncadd.s32 $0xFFFFC000  }
0x5a: {  	[hbm4b:s10+s2] =	stream.linear.scatter [tilespmem:s22], [sflag:$0x2], $0x4000, $0x38;
	[tilespmem:$0x18100] =	vst v63  }
0x5b: {  	_ =	swait.ge [sflag:s20], $0x4000  }
0x5c: {  	[sflag:s20] =	ssyncset.done $0x0  }
0x5d: {  	[sflag:s20] =	ssyncadd.s32 $0xFFFFC000  }
0x5e: {  	[tilespmem:s22], [sflag:$0x2] =	stream.linear.gather [spmem:s11], $0x4000, $0x38;
	[tilespmem:$0x18100] =	vst v63  }
0x5f: {  	_ =	swait.ge [sflag:s20], $0x4000  }
0x60: {  	[sflag:s20] =	ssyncset.done $0x0  }
0x61: {  	[sflag:s20] =	ssyncadd.s32 $0xFFFFC000  }
0x62: {  	[hbm4b:s12+s2] =	stream.linear.scatter [tilespmem:s22], [sflag:$0x2], $0x4000, $0x38;
	[tilespmem:$0x18100] =	vst v63  }
0x63: {  	_ =	swait.ge [sflag:s20], $0x4000  }
0x64: {  	[sflag:s20] =	ssyncset.done $0x0  }
0x65: {  	[sflag:s20] =	ssyncadd.s32 $0xFFFFC000  }
0x66: {  	[tilespmem:s22], [sflag:$0x2] =	stream.linear.gather [spmem:s13], $0x4000, $0x38;
	[tilespmem:$0x18100] =	vst v63  }
0x67: {  	_ =	swait.ge [sflag:s20], $0x4000  }
0x68: {  	[sflag:s20] =	ssyncset.done $0x0  }
0x69: {  	[sflag:s20] =	ssyncadd.s32 $0xFFFFC000  }
0x6a: {  	[hbm4b:s14+s2] =	stream.linear.scatter [tilespmem:s22], [sflag:$0x2], $0x4000, $0x38;
	[tilespmem:$0x18100] =	vst v63  }
0x6b: {  	_ =	swait.ge [sflag:s20], $0x4000  }
0x6c: {  	[sflag:s20] =	ssyncset.done $0x0  }
0x6d: {  	[sflag:s20] =	ssyncadd.s32 $0xFFFFC000  }
0x6e: {  	[tilespmem:s22], [sflag:$0x2] =	stream.linear.gather [spmem:s15], $0x4000, $0x38;
	[tilespmem:$0x18100] =	vst v63  }
0x6f: {  	s24 =	sadd.s32 $0x1, s24;
	_ =	swait.ge [sflag:s20], $0x4000  }
0x70: {  	p0 =	sne.s32 s24, s17;
	[sflag:s20] =	ssyncset.done $0x0  }
.Ltmp1:
0x71: {  	[sflag:s20] =	ssyncadd.s32 $0xFFFFC000;
	(pc) =	sbr.rel @p0 .LBB2_1-.Ltmp1, $4  }
0x72: {  	[hbm4b:s16+s2] =	stream.linear.scatter [tilespmem:s22], [sflag:$0x2], $0x4000, $0x38;
	[tilespmem:$0x18100] =	vst v63  }
0x73: {  	_ =	swait.ge [sflag:s20], $0x4000  }
0x74: {  	[sflag:s20] =	ssyncset.done $0x0  }
0x75: {  	[sflag:s20] =	ssyncadd.s32 $0xFFFFC000  }
0x76: {  	_ =	sfence.sel $0x180000  }
0x77: {  	[bflag:$0x0] =	sbarrier.arrive $0xFFFF  }
0x78: {  	p0 =	sne.s32 s3, $0x0;
	_ =	strace $0x90000059  }
0x79: {  	s0 =	sadd.s32 @!p0 $0x100000, s0;
	[bflag:$0x2] =	sbarrier.arrive $0xFFFF  }
0x7a: {  	[sflag:s0] =	ssyncadd.tile.s32 @!p0 $0x1;
	_ =	shalt  }
.Lfunc_end2:
_tile_overlayer_lowered:
.L_overlay_start_2:
0x7b: {  	(tag) =	ssettag $0x2  }
0x7c: {  	s0 =	rddreg [dreg:$0x0];
	s2 =	stileid.u32  }
0x7d: {  	s1 =	rddreg [dreg:$0x1];
	p0 =	sne.s32 s2, $0x0  }
0x7e: {  	s3 =	rddreg [dreg:$0x2];
	[bflag:$0x3] =	sbarrier.arrive $0xFFFF;
	s2 =	simm.s32 @!p0 $0x1C02  }
0x7f: {  	[timem:s3], [sflag:s2] =	dma.local @!p0 [hbm:s0], s1  }
0x80: {  	s0 =	simm.s32 @!p0 $0x2  }
0x81: {  	_ =	swait.ge @!p0 [sflag:s0], s1  }
0x82: {  	s1 =	ssub.s32 @!p0 $0x0, s1;
	[sflag:s0] =	ssyncset.done @!p0 $0x0  }
0x83: {  	[sflag:s0] =	ssyncadd.s32 @!p0 s1  }
0x84: {  	[bflag:$0x3] =	sbarrier.arrive $0xFFFF  }
0x85: {  	_ =	shalt  }

</sc_bundles>
